<compile_context>
chip_gen: v7x
topology: tpu7x:2x2x1
jax: 0.10.2.dev20260603
libtpu: 0.0.44.dev20260713+nightly
codegen_flags: <defaults>
</compile_context>

<pallas_src>
import functools

import jax
import jax.numpy as jnp
from jax import lax
from jax.experimental import pallas as pl
from jax.experimental.pallas import tpu as pltpu
from jax.experimental.pallas import tpu_sc as plsc

_B = 64
_N = 1024
_K = 4
_PER = _N // _K
_ROUTE = _PER + 2
_NC = 2
_NS = 16
_NW = _NC * _NS
_BPW = _B // _NW
_VECS = _N // 16


def _sort_body(keys_hbm, coords_hbm, out_hbm,
               key_a, val_a, key_b, val_b, coords_v, route_v, hist, off):
  wid = lax.axis_index("s") * _NC + lax.axis_index("c")
  iota = lax.iota(jnp.int32, 16)
  zeros16 = jnp.zeros((16,), jnp.int32)
  ones16 = zeros16 + 1

  for i in range(_BPW):
    b = wid * _BPW + i
    pltpu.sync_copy(keys_hbm.at[b], key_a)
    pltpu.sync_copy(coords_hbm.at[b], coords_v)

    def init_body(j, _):
      val_a[pl.ds(j * 16, 16)] = j * 16 + iota
      return 0
    lax.fori_loop(0, _VECS, init_body, 0)

    for p in range(4):
      src_k, src_v = (key_a, val_a) if p % 2 == 0 else (key_b, val_b)
      dst_k, dst_v = (key_b, val_b) if p % 2 == 0 else (key_a, val_a)
      shift = 8 * p

      for t in range(16):
        hist[pl.ds(t * 16, 16)] = zeros16

      def hist_body(j, _, src_k=src_k, shift=shift):
        kv = src_k[pl.ds(j * 16, 16)]
        dig = (kv >> shift) & 255
        rc, lastm = plsc.scan_count(dig)
        plsc.addupdate_scatter(hist, [dig], rc, mask=lastm)
        return 0
      lax.fori_loop(0, _VECS, hist_body, 0)

      total = jnp.int32(0)
      for t in range(16):
        h = hist[pl.ds(t * 16, 16)]
        off[pl.ds(t * 16, 16)] = plsc.cumsum(h) - h + total
        total = total + jnp.sum(h)

      def perm_body(j, _, src_k=src_k, src_v=src_v,
                    dst_k=dst_k, dst_v=dst_v, shift=shift):
        kv = src_k[pl.ds(j * 16, 16)]
        vv = src_v[pl.ds(j * 16, 16)]
        dig = (kv >> shift) & 255
        rc, lastm = plsc.scan_count(dig)
        pos = plsc.load_gather(off, [dig]) + rc - 1
        plsc.store_scatter(dst_k, [pos], kv)
        plsc.store_scatter(dst_v, [pos], vv)
        plsc.store_scatter(off, [dig], pos + 1, mask=lastm)
        return 0
      lax.fori_loop(0, _VECS, perm_body, 0)

    def gather_body(j, _):
      idx = val_a[pl.ds(j * 16, 16)]
      xoff = idx * 2
      x = plsc.load_gather(coords_v, [xoff])
      y = plsc.load_gather(coords_v, [xoff + 1])
      base = (j // (_PER // 16)) * (_ROUTE * 2) + ((j % (_PER // 16)) * 16 + 1) * 2
      foff = base + iota * 2
      plsc.store_scatter(route_v, [foff], x)
      plsc.store_scatter(route_v, [foff + 1], y)
      return 0
    lax.fori_loop(0, _VECS, gather_body, 0)

    s4 = iota >> 2
    r = iota & 3
    doff = s4 * (_ROUTE * 2) + jnp.where(r < 2, r, (_ROUTE - 1) * 2 - 2 + r)
    plsc.store_scatter(route_v, [doff], jnp.zeros((16,), jnp.float32))

    pltpu.sync_copy(route_v, out_hbm.at[pl.ds(b * _K * _ROUTE * 2, _K * _ROUTE * 2)])


@jax.jit
def kernel(memory, city_coords):
  del memory
  depot = jnp.zeros((2,), dtype=jnp.float32)
  dist = jnp.linalg.norm(city_coords - depot[None, None, :], axis=-1)
  keys = lax.bitcast_convert_type(dist, jnp.int32)

  mesh = plsc.VectorSubcoreMesh(
      core_axis_name="c", subcore_axis_name="s",
      num_cores=_NC, num_subcores=_NS)
  sort_gather = pl.kernel(
      _sort_body,
      out_type=jax.ShapeDtypeStruct((_B * _K * _ROUTE * 2,), jnp.float32),
      mesh=mesh,
      compiler_params=pltpu.CompilerParams(needs_layout_passes=False),
      scratch_types=[
          pltpu.VMEM((_N,), jnp.int32),
          pltpu.VMEM((_N,), jnp.int32),
          pltpu.VMEM((_N,), jnp.int32),
          pltpu.VMEM((_N,), jnp.int32),
          pltpu.VMEM((_N * 2,), jnp.float32),
          pltpu.VMEM((_K * _ROUTE * 2,), jnp.float32),
          pltpu.VMEM((256,), jnp.int32),
          pltpu.VMEM((256,), jnp.int32),
      ],
  )
  routes_flat = sort_gather(keys, city_coords.reshape(_B, _N * 2))
  return routes_flat.reshape(_B * _K, _ROUTE, 2)

# --- scband reference (transcript-rebuilt; emitter-appended) ---
"""Pipeline reference for scband-decoder-32263794328139 (READ-ONLY COPY).

The authoritative reference and input builder live on the scoring server;
editing this copy changes nothing except your own understanding.
"""

import jax, jax.numpy as jnp
import numpy as np

K_SALESMEN = 4

def setup_inputs(seed: int = 0) -> dict:
    key = jax.random.key(seed)
    k1, k2 = jax.random.split(key)
    memory = jax.random.normal(k1, (64, 1024, 128), dtype=jnp.float32)
    city_coords = jax.random.uniform(k2, (64, 1024, 2), dtype=jnp.float32)
    return {"memory": memory, "city_coords": city_coords}

def reference(memory, city_coords):
    # Faithful translation of the heuristic mTSP decoder:
    # for each batch: distance of every city to depot (0,0), sort,
    # split contiguously among k salesmen, prepend/append depot.
    # Original returns nested Python lists; here routes are stacked into one
    # array [B*k, cities_per_salesman + 2, 2] (N divisible by k -> rectangular).
    B, N, _ = city_coords.shape
    k = K_SALESMEN
    depot = jnp.zeros((2,), dtype=jnp.float32)
    # distances = torch.norm(city_coords[b] - depot, dim=1), vectorized over batch
    distances = jnp.linalg.norm(city_coords - depot[None, None, :], axis=-1)  # [B, N]
    sorted_indices = jnp.argsort(distances, axis=-1)  # [B, N]
    # gather cities in sorted order
    sorted_coords = jnp.take_along_axis(city_coords, sorted_indices[..., None], axis=1)  # [B, N, 2]
    per = N // k
    segs = sorted_coords.reshape(B * k, per, 2)
    depot_pad = jnp.broadcast_to(depot[None, None, :], (B * k, 1, 2))
    routes = jnp.concatenate([depot_pad, segs, depot_pad], axis=1)  # [B*k, per+2, 2]
    return routes

if __name__ == "__main__":
    import jax
    _d = setup_inputs()
    print(jax.jit(kernel)(*tuple(_d.values())))

</pallas_src>

<mosaic_0001>
#map = affine_map<(d0, d1) -> (0, 0)>
#map1 = affine_map<(d0, d1) -> (0)>
module attributes {stable_mosaic.version = 14 : i64} {
  func.func @_sort_body(%arg0: i32, %arg1: i32, %arg2: memref<64x1024xi32, #tpu.memory_space<hbm>>, %arg3: memref<64x2048xf32, #tpu.memory_space<hbm>>, %arg4: memref<132096xf32, #tpu.memory_space<hbm>>, %arg5: memref<1024xi32, #tpu.memory_space<vmem>>, %arg6: memref<1024xi32, #tpu.memory_space<vmem>>, %arg7: memref<1024xi32, #tpu.memory_space<vmem>>, %arg8: memref<1024xi32, #tpu.memory_space<vmem>>, %arg9: memref<2048xf32, #tpu.memory_space<vmem>>, %arg10: memref<2064xf32, #tpu.memory_space<vmem>>, %arg11: memref<256xi32, #tpu.memory_space<vmem>>, %arg12: memref<256xi32, #tpu.memory_space<vmem>>) attributes {dimension_semantics = [#tpu.dimension_semantics<core_parallel>, #tpu.dimension_semantics<subcore_parallel>], iteration_bounds = array<i64: 2, 16>, scalar_prefetch = 0 : i64, scratch_operands = 8 : i64, tpu.core_type = #tpu.core_type<sc_vector_subcore>, window_params = [{transform_indices = #map}, {transform_indices = #map}, {transform_indices = #map1}]} {
    %mul3A = arith.constant 2 : i32
    %mul3A_0 = arith.muli %arg1, %mul3A : i32
    %add3A = arith.addi %mul3A_0, %arg0 : i32
    %iota3A = tpu.iota {dimensions = array<i32: 0>} : vector<16xi32>
    %broadcast_in_dim3A = arith.constant 0 : i32
    %broadcast_in_dim3A_1 = vector.broadcast %broadcast_in_dim3A : i32 to vector<16xi32>
    %add3A_2 = arith.constant 1 : i32
    %add3A_3 = vector.broadcast %add3A_2 : i32 to vector<16xi32>
    %add3A_4 = arith.addi %broadcast_in_dim3A_1, %add3A_3 : vector<16xi32>
    %mul3A_5 = arith.constant 2 : i32
    %mul3A_6 = arith.muli %add3A, %mul3A_5 : i32
    %add3A_7 = arith.constant 0 : i32
    %add3A_8 = arith.addi %mul3A_6, %add3A_7 : i32
    "tpu.region"() ({
      %run_scoped3A = tpu.sem_alloc : memref<!tpu.dma_semaphore, #tpu.memory_space<semaphore_mem>>
      %dma_start3A = arith.constant 0 : i32
      %dma_start3A_2385 = tpu.memref_slice %arg2[%add3A_8, %dma_start3A] : memref<64x1024xi32, #tpu.memory_space<hbm>> -> memref<1x1024xi32, #tpu.memory_space<hbm>>
      %dma_start3A_2386 = tpu.memref_squeeze %dma_start3A_2385 : memref<1x1024xi32, #tpu.memory_space<hbm>> -> memref<1024xi32, #tpu.memory_space<hbm>>
      %dma_start3A_2387 = arith.constant 0 : i32
      %dma_start3A_2388 = tpu.memref_slice %arg2[%add3A_8, %dma_start3A_2387] : memref<64x1024xi32, #tpu.memory_space<hbm>> -> memref<1x1024xi32, #tpu.memory_space<hbm>>
      %dma_start3A_2389 = tpu.memref_squeeze %dma_start3A_2388 : memref<1x1024xi32, #tpu.memory_space<hbm>> -> memref<1024xi32, #tpu.memory_space<hbm>>
      tpu.enqueue_dma source(%dma_start3A_2389 : memref<1024xi32, #tpu.memory_space<hbm>>) target(%arg5 : memref<1024xi32, #tpu.memory_space<vmem>>) target_semaphore(%run_scoped3A : memref<!tpu.dma_semaphore, #tpu.memory_space<semaphore_mem>>)
      %dma_wait3A = arith.constant 0 : i32
      %dma_wait3A_2390 = tpu.memref_slice %arg2[%add3A_8, %dma_wait3A] : memref<64x1024xi32, #tpu.memory_space<hbm>> -> memref<1x1024xi32, #tpu.memory_space<hbm>>
      %dma_wait3A_2391 = tpu.memref_squeeze %dma_wait3A_2390 : memref<1x1024xi32, #tpu.memory_space<hbm>> -> memref<1024xi32, #tpu.memory_space<hbm>>
      %dma_wait3A_2392 = arith.constant 0 : i32
      %dma_wait3A_2393 = tpu.memref_slice %arg2[%add3A_8, %dma_wait3A_2392] : memref<64x1024xi32, #tpu.memory_space<hbm>> -> memref<1x1024xi32, #tpu.memory_space<hbm>>
      %dma_wait3A_2394 = tpu.memref_squeeze %dma_wait3A_2393 : memref<1x1024xi32, #tpu.memory_space<hbm>> -> memref<1024xi32, #tpu.memory_space<hbm>>
      tpu.wait_dma2 semaphore(%run_scoped3A : memref<!tpu.dma_semaphore, #tpu.memory_space<semaphore_mem>>) src(%dma_wait3A_2394 : memref<1024xi32, #tpu.memory_space<hbm>>) dst(%arg5 : memref<1024xi32, #tpu.memory_space<vmem>>)
      tpu.yield
    }) : () -> ()
    "tpu.region"() ({
      %run_scoped3A = tpu.sem_alloc : memref<!tpu.dma_semaphore, #tpu.memory_space<semaphore_mem>>
      %dma_start3A = arith.constant 0 : i32
      %dma_start3A_2385 = tpu.memref_slice %arg3[%add3A_8, %dma_start3A] : memref<64x2048xf32, #tpu.memory_space<hbm>> -> memref<1x2048xf32, #tpu.memory_space<hbm>>
      %dma_start3A_2386 = tpu.memref_squeeze %dma_start3A_2385 : memref<1x2048xf32, #tpu.memory_space<hbm>> -> memref<2048xf32, #tpu.memory_space<hbm>>
      %dma_start3A_2387 = arith.constant 0 : i32
      %dma_start3A_2388 = tpu.memref_slice %arg3[%add3A_8, %dma_start3A_2387] : memref<64x2048xf32, #tpu.memory_space<hbm>> -> memref<1x2048xf32, #tpu.memory_space<hbm>>
      %dma_start3A_2389 = tpu.memref_squeeze %dma_start3A_2388 : memref<1x2048xf32, #tpu.memory_space<hbm>> -> memref<2048xf32, #tpu.memory_space<hbm>>
      tpu.enqueue_dma source(%dma_start3A_2389 : memref<2048xf32, #tpu.memory_space<hbm>>) target(%arg9 : memref<2048xf32, #tpu.memory_space<vmem>>) target_semaphore(%run_scoped3A : memref<!tpu.dma_semaphore, #tpu.memory_space<semaphore_mem>>)
      %dma_wait3A = arith.constant 0 : i32
      %dma_wait3A_2390 = tpu.memref_slice %arg3[%add3A_8, %dma_wait3A] : memref<64x2048xf32, #tpu.memory_space<hbm>> -> memref<1x2048xf32, #tpu.memory_space<hbm>>
      %dma_wait3A_2391 = tpu.memref_squeeze %dma_wait3A_2390 : memref<1x2048xf32, #tpu.memory_space<hbm>> -> memref<2048xf32, #tpu.memory_space<hbm>>
      %dma_wait3A_2392 = arith.constant 0 : i32
      %dma_wait3A_2393 = tpu.memref_slice %arg3[%add3A_8, %dma_wait3A_2392] : memref<64x2048xf32, #tpu.memory_space<hbm>> -> memref<1x2048xf32, #tpu.memory_space<hbm>>
      %dma_wait3A_2394 = tpu.memref_squeeze %dma_wait3A_2393 : memref<1x2048xf32, #tpu.memory_space<hbm>> -> memref<2048xf32, #tpu.memory_space<hbm>>
      tpu.wait_dma2 semaphore(%run_scoped3A : memref<!tpu.dma_semaphore, #tpu.memory_space<semaphore_mem>>) src(%dma_wait3A_2394 : memref<2048xf32, #tpu.memory_space<hbm>>) dst(%arg9 : memref<2048xf32, #tpu.memory_space<vmem>>)
      tpu.yield
    }) : () -> ()
    %scan3A = arith.constant 0 : i32
    %scan3A_9 = arith.constant 0 : i32
    %scan3A_10 = arith.constant 64 : i32
    %scan3A_11 = arith.addi %scan3A_9, %scan3A_10 : i32
    %scan3A_12 = arith.constant 1 : i32
    %scan3A_13 = scf.for %scan3A_2385 = %scan3A_9 to %scan3A_11 step %scan3A_12 iter_args(%scan3A_2386 = %scan3A) -> (i32)  : i32 {
      %mul3A_2387 = arith.constant 16 : i32
      %mul3A_2388 = arith.muli %scan3A_2385, %mul3A_2387 : i32
      %add3A_2389 = vector.broadcast %mul3A_2388 : i32 to vector<16xi32>
      %add3A_2390 = arith.addi %add3A_2389, %iota3A : vector<16xi32>
      %mul3A_2391 = arith.constant 16 : i32
      %mul3A_2392 = arith.muli %scan3A_2385, %mul3A_2391 : i32
      %swap3A_2393 = arith.index_cast %mul3A_2392 : i32 to index
      %swap3A_2394 = tpu.vector_load %arg6[%swap3A_2393] {strides = array<i32>} : memref<1024xi32, #tpu.memory_space<vmem>>, vector<16xi32>,
      tpu.vector_store %arg6[%swap3A_2393], %add3A_2390 {strides = array<i32>} : memref<1024xi32, #tpu.memory_space<vmem>>, vector<16xi32>,
      %scan3A_2395 = arith.constant 0 : i32
      scf.yield %scan3A_2395 : i32
    }
    %scan3A_14 = arith.constant 64 : i32
    %swap3A = arith.constant 0 : index
    %swap3A_15 = tpu.vector_load %arg11[%swap3A] {strides = array<i32>} : memref<256xi32, #tpu.memory_space<vmem>>, vector<16xi32>,
    tpu.vector_store %arg11[%swap3A], %broadcast_in_dim3A_1 {strides = array<i32>} : memref<256xi32, #tpu.memory_space<vmem>>, vector<16xi32>,
    %swap3A_16 = arith.constant 16 : index
    %swap3A_17 = tpu.vector_load %arg11[%swap3A_16] {strides = array<i32>} : memref<256xi32, #tpu.memory_space<vmem>>, vector<16xi32>,
    tpu.vector_store %arg11[%swap3A_16], %broadcast_in_dim3A_1 {strides = array<i32>} : memref<256xi32, #tpu.memory_space<vmem>>, vector<16xi32>,
    %swap3A_18 = arith.constant 32 : index
    %swap3A_19 = tpu.vector_load %arg11[%swap3A_18] {strides = array<i32>} : memref<256xi32, #tpu.memory_space<vmem>>, vector<16xi32>,
    tpu.vector_store %arg11[%swap3A_18], %broadcast_in_dim3A_1 {strides = array<i32>} : memref<256xi32, #tpu.memory_space<vmem>>, vector<16xi32>,
    %swap3A_20 = arith.constant 48 : index
    %swap3A_21 = tpu.vector_load %arg11[%swap3A_20] {strides = array<i32>} : memref<256xi32, #tpu.memory_space<vmem>>, vector<16xi32>,
    tpu.vector_store %arg11[%swap3A_20], %broadcast_in_dim3A_1 {strides = array<i32>} : memref<256xi32, #tpu.memory_space<vmem>>, vector<16xi32>,
    %swap3A_22 = arith.constant 64 : index
    %swap3A_23 = tpu.vector_load %arg11[%swap3A_22] {strides = array<i32>} : memref<256xi32, #tpu.memory_space<vmem>>, vector<16xi32>,
    tpu.vector_store %arg11[%swap3A_22], %broadcast_in_dim3A_1 {strides = array<i32>} : memref<256xi32, #tpu.memory_space<vmem>>, vector<16xi32>,
    %swap3A_24 = arith.constant 80 : index
    %swap3A_25 = tpu.vector_load %arg11[%swap3A_24] {strides = array<i32>} : memref<256xi32, #tpu.memory_space<vmem>>, vector<16xi32>,
    tpu.vector_store %arg11[%swap3A_24], %broadcast_in_dim3A_1 {strides = array<i32>} : memref<256xi32, #tpu.memory_space<vmem>>, vector<16xi32>,
    %swap3A_26 = arith.constant 96 : index
    %swap3A_27 = tpu.vector_load %arg11[%swap3A_26] {strides = array<i32>} : memref<256xi32, #tpu.memory_space<vmem>>, vector<16xi32>,
    tpu.vector_store %arg11[%swap3A_26], %broadcast_in_dim3A_1 {strides = array<i32>} : memref<256xi32, #tpu.memory_space<vmem>>, vector<16xi32>,
    %swap3A_28 = arith.constant 112 : index
    %swap3A_29 = tpu.vector_load %arg11[%swap3A_28] {strides = array<i32>} : memref<256xi32, #tpu.memory_space<vmem>>, vector<16xi32>,
    tpu.vector_store %arg11[%swap3A_28], %broadcast_in_dim3A_1 {strides = array<i32>} : memref<256xi32, #tpu.memory_space<vmem>>, vector<16xi32>,
    %swap3A_30 = arith.constant 128 : index
    %swap3A_31 = tpu.vector_load %arg11[%swap3A_30] {strides = array<i32>} : memref<256xi32, #tpu.memory_space<vmem>>, vector<16xi32>,
    tpu.vector_store %arg11[%swap3A_30], %broadcast_in_dim3A_1 {strides = array<i32>} : memref<256xi32, #tpu.memory_space<vmem>>, vector<16xi32>,
    %swap3A_32 = arith.constant 144 : index
    %swap3A_33 = tpu.vector_load %arg11[%swap3A_32] {strides = array<i32>} : memref<256xi32, #tpu.memory_space<vmem>>, vector<16xi32>,
    tpu.vector_store %arg11[%swap3A_32], %broadcast_in_dim3A_1 {strides = array<i32>} : memref<256xi32, #tpu.memory_space<vmem>>, vector<16xi32>,
    %swap3A_34 = arith.constant 160 : index
    %swap3A_35 = tpu.vector_load %arg11[%swap3A_34] {strides = array<i32>} : memref<256xi32, #tpu.memory_space<vmem>>, vector<16xi32>,
    tpu.vector_store %arg11[%swap3A_34], %broadcast_in_dim3A_1 {strides = array<i32>} : memref<256xi32, #tpu.memory_space<vmem>>, vector<16xi32>,
    %swap3A_36 = arith.constant 176 : index
    %swap3A_37 = tpu.vector_load %arg11[%swap3A_36] {strides = array<i32>} : memref<256xi32, #tpu.memory_space<vmem>>, vector<16xi32>,
    tpu.vector_store %arg11[%swap3A_36], %broadcast_in_dim3A_1 {strides = array<i32>} : memref<256xi32, #tpu.memory_space<vmem>>, vector<16xi32>,
    %swap3A_38 = arith.constant 192 : index
    %swap3A_39 = tpu.vector_load %arg11[%swap3A_38] {strides = array<i32>} : memref<256xi32, #tpu.memory_space<vmem>>, vector<16xi32>,
    tpu.vector_store %arg11[%swap3A_38], %broadcast_in_dim3A_1 {strides = array<i32>} : memref<256xi32, #tpu.memory_space<vmem>>, vector<16xi32>,
    %swap3A_40 = arith.constant 208 : index
    %swap3A_41 = tpu.vector_load %arg11[%swap3A_40] {strides = array<i32>} : memref<256xi32, #tpu.memory_space<vmem>>, vector<16xi32>,
    tpu.vector_store %arg11[%swap3A_40], %broadcast_in_dim3A_1 {strides = array<i32>} : memref<256xi32, #tpu.memory_space<vmem>>, vector<16xi32>,
    %swap3A_42 = arith.constant 224 : index
    %swap3A_43 = tpu.vector_load %arg11[%swap3A_42] {strides = array<i32>} : memref<256xi32, #tpu.memory_space<vmem>>, vector<16xi32>,
    tpu.vector_store %arg11[%swap3A_42], %broadcast_in_dim3A_1 {strides = array<i32>} : memref<256xi32, #tpu.memory_space<vmem>>, vector<16xi32>,
    %swap3A_44 = arith.constant 240 : index
    %swap3A_45 = tpu.vector_load %arg11[%swap3A_44] {strides = array<i32>} : memref<256xi32, #tpu.memory_space<vmem>>, vector<16xi32>,
    tpu.vector_store %arg11[%swap3A_44], %broadcast_in_dim3A_1 {strides = array<i32>} : memref<256xi32, #tpu.memory_space<vmem>>, vector<16xi32>,
    %scan3A_46 = arith.constant 0 : i32
    %scan3A_47 = arith.constant 0 : i32
    %scan3A_48 = arith.constant 64 : i32
    %scan3A_49 = arith.addi %scan3A_47, %scan3A_48 : i32
    %scan3A_50 = arith.constant 1 : i32
    %scan3A_51 = scf.for %scan3A_2385 = %scan3A_47 to %scan3A_49 step %scan3A_50 iter_args(%scan3A_2386 = %scan3A_46) -> (i32)  : i32 {
      %mul3A_2387 = arith.constant 16 : i32
      %mul3A_2388 = arith.muli %scan3A_2385, %mul3A_2387 : i32
      %get3A_2389 = arith.index_cast %mul3A_2388 : i32 to index
      %get3A_2390 = tpu.vector_load %arg5[%get3A_2389] {strides = array<i32>} : memref<1024xi32, #tpu.memory_space<vmem>>, vector<16xi32>,
      %shift_right_arithmetic3A_2391 = arith.constant 0 : i32
      %shift_right_arithmetic3A_2392 = vector.broadcast %shift_right_arithmetic3A_2391 : i32 to vector<16xi32>
      %shift_right_arithmetic3A_2393 = arith.shrsi %get3A_2390, %shift_right_arithmetic3A_2392 : vector<16xi32>
      %and3A_2394 = arith.constant 255 : i32
      %and3A_2395 = vector.broadcast %and3A_2394 : i32 to vector<16xi32>
      %and3A_2396 = arith.andi %shift_right_arithmetic3A_2393, %and3A_2395 : vector<16xi32>
      %broadcast_in_dim3A_2397 = arith.constant true
      %broadcast_in_dim3A_2398 = vector.broadcast %broadcast_in_dim3A_2397 : i1 to vector<16xi1>
      %unique3A, %unique3A_2399 = tpu.scan_count mask(%broadcast_in_dim3A_2398 : vector<16xi1>) value(%and3A_2396 : vector<16xi32>) : vector<16xi1>, vector<16xi32>
      tpu.vector_store_idx %arg11[%and3A_2396], %unique3A_2399 masked %unique3A {add = true} : memref<256xi32, #tpu.memory_space<vmem>>[vector<16xi32>], vector<16xi32>, vector<16xi1>
      %scan3A_2400 = arith.constant 0 : i32
      scf.yield %scan3A_2400 : i32
    }
    %scan3A_52 = arith.constant 64 : i32
    %get3A = arith.constant 0 : index
    %get3A_53 = tpu.vector_load %arg11[%get3A] {strides = array<i32>} : memref<256xi32, #tpu.memory_space<vmem>>, vector<16xi32>,
    %broadcast_in_dim3A_54 = arith.constant true
    %broadcast_in_dim3A_55 = vector.broadcast %broadcast_in_dim3A_54 : i1 to vector<16xi1>
    %masked_cumsum3A = tpu.scan <sum>, %get3A_53 masked %broadcast_in_dim3A_55 : vector<16xi32>, vector<16xi1> -> vector<16xi32>
    %sub3A = arith.subi %masked_cumsum3A, %get3A_53 : vector<16xi32>
    %add3A_56 = arith.constant 0 : i32
    %add3A_57 = vector.broadcast %add3A_56 : i32 to vector<16xi32>
    %add3A_58 = arith.addi %sub3A, %add3A_57 : vector<16xi32>
    %swap3A_59 = arith.constant 0 : index
    %swap3A_60 = tpu.vector_load %arg12[%swap3A_59] {strides = array<i32>} : memref<256xi32, #tpu.memory_space<vmem>>, vector<16xi32>,
    tpu.vector_store %arg12[%swap3A_59], %add3A_58 {strides = array<i32>} : memref<256xi32, #tpu.memory_space<vmem>>, vector<16xi32>,
    %reduce_sum3A = arith.constant true
    %reduce_sum3A_61 = vector.broadcast %reduce_sum3A : i1 to vector<16xi1>
    %reduce_sum3A_62 = tpu.scan <sum>, %get3A_53 masked %reduce_sum3A_61 : vector<16xi32>, vector<16xi1> -> vector<16xi32>
    %reduce_sum3A_63 = vector.extract %reduce_sum3A_62[15] : i32 from vector<16xi32>
    %add3A_64 = arith.constant 0 : i32
    %add3A_65 = arith.addi %add3A_64, %reduce_sum3A_63 : i32
    %get3A_66 = arith.constant 16 : index
    %get3A_67 = tpu.vector_load %arg11[%get3A_66] {strides = array<i32>} : memref<256xi32, #tpu.memory_space<vmem>>, vector<16xi32>,
    %broadcast_in_dim3A_68 = arith.constant true
    %broadcast_in_dim3A_69 = vector.broadcast %broadcast_in_dim3A_68 : i1 to vector<16xi1>
    %masked_cumsum3A_70 = tpu.scan <sum>, %get3A_67 masked %broadcast_in_dim3A_69 : vector<16xi32>, vector<16xi1> -> vector<16xi32>
    %sub3A_71 = arith.subi %masked_cumsum3A_70, %get3A_67 : vector<16xi32>
    %add3A_72 = vector.broadcast %add3A_65 : i32 to vector<16xi32>
    %add3A_73 = arith.addi %sub3A_71, %add3A_72 : vector<16xi32>
    %swap3A_74 = arith.constant 16 : index
    %swap3A_75 = tpu.vector_load %arg12[%swap3A_74] {strides = array<i32>} : memref<256xi32, #tpu.memory_space<vmem>>, vector<16xi32>,
    tpu.vector_store %arg12[%swap3A_74], %add3A_73 {strides = array<i32>} : memref<256xi32, #tpu.memory_space<vmem>>, vector<16xi32>,
    %reduce_sum3A_76 = arith.constant true
    %reduce_sum3A_77 = vector.broadcast %reduce_sum3A_76 : i1 to vector<16xi1>
    %reduce_sum3A_78 = tpu.scan <sum>, %get3A_67 masked %reduce_sum3A_77 : vector<16xi32>, vector<16xi1> -> vector<16xi32>
    %reduce_sum3A_79 = vector.extract %reduce_sum3A_78[15] : i32 from vector<16xi32>
    %add3A_80 = arith.addi %add3A_65, %reduce_sum3A_79 : i32
    %get3A_81 = arith.constant 32 : index
    %get3A_82 = tpu.vector_load %arg11[%get3A_81] {strides = array<i32>} : memref<256xi32, #tpu.memory_space<vmem>>, vector<16xi32>,
    %broadcast_in_dim3A_83 = arith.constant true
    %broadcast_in_dim3A_84 = vector.broadcast %broadcast_in_dim3A_83 : i1 to vector<16xi1>
    %masked_cumsum3A_85 = tpu.scan <sum>, %get3A_82 masked %broadcast_in_dim3A_84 : vector<16xi32>, vector<16xi1> -> vector<16xi32>
    %sub3A_86 = arith.subi %masked_cumsum3A_85, %get3A_82 : vector<16xi32>
    %add3A_87 = vector.broadcast %add3A_80 : i32 to vector<16xi32>
    %add3A_88 = arith.addi %sub3A_86, %add3A_87 : vector<16xi32>
    %swap3A_89 = arith.constant 32 : index
    %swap3A_90 = tpu.vector_load %arg12[%swap3A_89] {strides = array<i32>} : memref<256xi32, #tpu.memory_space<vmem>>, vector<16xi32>,
    tpu.vector_store %arg12[%swap3A_89], %add3A_88 {strides = array<i32>} : memref<256xi32, #tpu.memory_space<vmem>>, vector<16xi32>,
    %reduce_sum3A_91 = arith.constant true
    %reduce_sum3A_92 = vector.broadcast %reduce_sum3A_91 : i1 to vector<16xi1>
    %reduce_sum3A_93 = tpu.scan <sum>, %get3A_82 masked %reduce_sum3A_92 : vector<16xi32>, vector<16xi1> -> vector<16xi32>
    %reduce_sum3A_94 = vector.extract %reduce_sum3A_93[15] : i32 from vector<16xi32>
    %add3A_95 = arith.addi %add3A_80, %reduce_sum3A_94 : i32
    %get3A_96 = arith.constant 48 : index
    %get3A_97 = tpu.vector_load %arg11[%get3A_96] {strides = array<i32>} : memref<256xi32, #tpu.memory_space<vmem>>, vector<16xi32>,
    %broadcast_in_dim3A_98 = arith.constant true
    %broadcast_in_dim3A_99 = vector.broadcast %broadcast_in_dim3A_98 : i1 to vector<16xi1>
    %masked_cumsum3A_100 = tpu.scan <sum>, %get3A_97 masked %broadcast_in_dim3A_99 : vector<16xi32>, vector<16xi1> -> vector<16xi32>
    %sub3A_101 = arith.subi %masked_cumsum3A_100, %get3A_97 : vector<16xi32>
    %add3A_102 = vector.broadcast %add3A_95 : i32 to vector<16xi32>
    %add3A_103 = arith.addi %sub3A_101, %add3A_102 : vector<16xi32>
    %swap3A_104 = arith.constant 48 : index
    %swap3A_105 = tpu.vector_load %arg12[%swap3A_104] {strides = array<i32>} : memref<256xi32, #tpu.memory_space<vmem>>, vector<16xi32>,
    tpu.vector_store %arg12[%swap3A_104], %add3A_103 {strides = array<i32>} : memref<256xi32, #tpu.memory_space<vmem>>, vector<16xi32>,
    %reduce_sum3A_106 = arith.constant true
    %reduce_sum3A_107 = vector.broadcast %reduce_sum3A_106 : i1 to vector<16xi1>
    %reduce_sum3A_108 = tpu.scan <sum>, %get3A_97 masked %reduce_sum3A_107 : vector<16xi32>, vector<16xi1> -> vector<16xi32>
    %reduce_sum3A_109 = vector.extract %reduce_sum3A_108[15] : i32 from vector<16xi32>
    %add3A_110 = arith.addi %add3A_95, %reduce_sum3A_109 : i32
    %get3A_111 = arith.constant 64 : index
    %get3A_112 = tpu.vector_load %arg11[%get3A_111] {strides = array<i32>} : memref<256xi32, #tpu.memory_space<vmem>>, vector<16xi32>,
    %broadcast_in_dim3A_113 = arith.constant true
    %broadcast_in_dim3A_114 = vector.broadcast %broadcast_in_dim3A_113 : i1 to vector<16xi1>
    %masked_cumsum3A_115 = tpu.scan <sum>, %get3A_112 masked %broadcast_in_dim3A_114 : vector<16xi32>, vector<16xi1> -> vector<16xi32>
    %sub3A_116 = arith.subi %masked_cumsum3A_115, %get3A_112 : vector<16xi32>
    %add3A_117 = vector.broadcast %add3A_110 : i32 to vector<16xi32>
    %add3A_118 = arith.addi %sub3A_116, %add3A_117 : vector<16xi32>
    %swap3A_119 = arith.constant 64 : index
    %swap3A_120 = tpu.vector_load %arg12[%swap3A_119] {strides = array<i32>} : memref<256xi32, #tpu.memory_space<vmem>>, vector<16xi32>,
    tpu.vector_store %arg12[%swap3A_119], %add3A_118 {strides = array<i32>} : memref<256xi32, #tpu.memory_space<vmem>>, vector<16xi32>,
    %reduce_sum3A_121 = arith.constant true
    %reduce_sum3A_122 = vector.broadcast %reduce_sum3A_121 : i1 to vector<16xi1>
    %reduce_sum3A_123 = tpu.scan <sum>, %get3A_112 masked %reduce_sum3A_122 : vector<16xi32>, vector<16xi1> -> vector<16xi32>
    %reduce_sum3A_124 = vector.extract %reduce_sum3A_123[15] : i32 from vector<16xi32>
    %add3A_125 = arith.addi %add3A_110, %reduce_sum3A_124 : i32
    %get3A_126 = arith.constant 80 : index
    %get3A_127 = tpu.vector_load %arg11[%get3A_126] {strides = array<i32>} : memref<256xi32, #tpu.memory_space<vmem>>, vector<16xi32>,
    %broadcast_in_dim3A_128 = arith.constant true
    %broadcast_in_dim3A_129 = vector.broadcast %broadcast_in_dim3A_128 : i1 to vector<16xi1>
    %masked_cumsum3A_130 = tpu.scan <sum>, %get3A_127 masked %broadcast_in_dim3A_129 : vector<16xi32>, vector<16xi1> -> vector<16xi32>
    %sub3A_131 = arith.subi %masked_cumsum3A_130, %get3A_127 : vector<16xi32>
    %add3A_132 = vector.broadcast %add3A_125 : i32 to vector<16xi32>
    %add3A_133 = arith.addi %sub3A_131, %add3A_132 : vector<16xi32>
    %swap3A_134 = arith.constant 80 : index
    %swap3A_135 = tpu.vector_load %arg12[%swap3A_134] {strides = array<i32>} : memref<256xi32, #tpu.memory_space<vmem>>, vector<16xi32>,
    tpu.vector_store %arg12[%swap3A_134], %add3A_133 {strides = array<i32>} : memref<256xi32, #tpu.memory_space<vmem>>, vector<16xi32>,
    %reduce_sum3A_136 = arith.constant true
    %reduce_sum3A_137 = vector.broadcast %reduce_sum3A_136 : i1 to vector<16xi1>
    %reduce_sum3A_138 = tpu.scan <sum>, %get3A_127 masked %reduce_sum3A_137 : vector<16xi32>, vector<16xi1> -> vector<16xi32>
    %reduce_sum3A_139 = vector.extract %reduce_sum3A_138[15] : i32 from vector<16xi32>
    %add3A_140 = arith.addi %add3A_125, %reduce_sum3A_139 : i32
    %get3A_141 = arith.constant 96 : index
    %get3A_142 = tpu.vector_load %arg11[%get3A_141] {strides = array<i32>} : memref<256xi32, #tpu.memory_space<vmem>>, vector<16xi32>,
    %broadcast_in_dim3A_143 = arith.constant true
    %broadcast_in_dim3A_144 = vector.broadcast %broadcast_in_dim3A_143 : i1 to vector<16xi1>
    %masked_cumsum3A_145 = tpu.scan <sum>, %get3A_142 masked %broadcast_in_dim3A_144 : vector<16xi32>, vector<16xi1> -> vector<16xi32>
    %sub3A_146 = arith.subi %masked_cumsum3A_145, %get3A_142 : vector<16xi32>
    %add3A_147 = vector.broadcast %add3A_140 : i32 to vector<16xi32>
    %add3A_148 = arith.addi %sub3A_146, %add3A_147 : vector<16xi32>
    %swap3A_149 = arith.constant 96 : index
    %swap3A_150 = tpu.vector_load %arg12[%swap3A_149] {strides = array<i32>} : memref<256xi32, #tpu.memory_space<vmem>>, vector<16xi32>,
    tpu.vector_store %arg12[%swap3A_149], %add3A_148 {strides = array<i32>} : memref<256xi32, #tpu.memory_space<vmem>>, vector<16xi32>,
    %reduce_sum3A_151 = arith.constant true
    %reduce_sum3A_152 = vector.broadcast %reduce_sum3A_151 : i1 to vector<16xi1>
    %reduce_sum3A_153 = tpu.scan <sum>, %get3A_142 masked %reduce_sum3A_152 : vector<16xi32>, vector<16xi1> -> vector<16xi32>
    %reduce_sum3A_154 = vector.extract %reduce_sum3A_153[15] : i32 from vector<16xi32>
    %add3A_155 = arith.addi %add3A_140, %reduce_sum3A_154 : i32
    %get3A_156 = arith.constant 112 : index
    %get3A_157 = tpu.vector_load %arg11[%get3A_156] {strides = array<i32>} : memref<256xi32, #tpu.memory_space<vmem>>, vector<16xi32>,
    %broadcast_in_dim3A_158 = arith.constant true
    %broadcast_in_dim3A_159 = vector.broadcast %broadcast_in_dim3A_158 : i1 to vector<16xi1>
    %masked_cumsum3A_160 = tpu.scan <sum>, %get3A_157 masked %broadcast_in_dim3A_159 : vector<16xi32>, vector<16xi1> -> vector<16xi32>
    %sub3A_161 = arith.subi %masked_cumsum3A_160, %get3A_157 : vector<16xi32>
    %add3A_162 = vector.broadcast %add3A_155 : i32 to vector<16xi32>
    %add3A_163 = arith.addi %sub3A_161, %add3A_162 : vector<16xi32>
    %swap3A_164 = arith.constant 112 : index
    %swap3A_165 = tpu.vector_load %arg12[%swap3A_164] {strides = array<i32>} : memref<256xi32, #tpu.memory_space<vmem>>, vector<16xi32>,
    tpu.vector_store %arg12[%swap3A_164], %add3A_163 {strides = array<i32>} : memref<256xi32, #tpu.memory_space<vmem>>, vector<16xi32>,
    %reduce_sum3A_166 = arith.constant true
    %reduce_sum3A_167 = vector.broadcast %reduce_sum3A_166 : i1 to vector<16xi1>
    %reduce_sum3A_168 = tpu.scan <sum>, %get3A_157 masked %reduce_sum3A_167 : vector<16xi32>, vector<16xi1> -> vector<16xi32>
    %reduce_sum3A_169 = vector.extract %reduce_sum3A_168[15] : i32 from vector<16xi32>
    %add3A_170 = arith.addi %add3A_155, %reduce_sum3A_169 : i32
    %get3A_171 = arith.constant 128 : index
    %get3A_172 = tpu.vector_load %arg11[%get3A_171] {strides = array<i32>} : memref<256xi32, #tpu.memory_space<vmem>>, vector<16xi32>,
    %broadcast_in_dim3A_173 = arith.constant true
    %broadcast_in_dim3A_174 = vector.broadcast %broadcast_in_dim3A_173 : i1 to vector<16xi1>
    %masked_cumsum3A_175 = tpu.scan <sum>, %get3A_172 masked %broadcast_in_dim3A_174 : vector<16xi32>, vector<16xi1> -> vector<16xi32>
    %sub3A_176 = arith.subi %masked_cumsum3A_175, %get3A_172 : vector<16xi32>
    %add3A_177 = vector.broadcast %add3A_170 : i32 to vector<16xi32>
    %add3A_178 = arith.addi %sub3A_176, %add3A_177 : vector<16xi32>
    %swap3A_179 = arith.constant 128 : index
    %swap3A_180 = tpu.vector_load %arg12[%swap3A_179] {strides = array<i32>} : memref<256xi32, #tpu.memory_space<vmem>>, vector<16xi32>,
    tpu.vector_store %arg12[%swap3A_179], %add3A_178 {strides = array<i32>} : memref<256xi32, #tpu.memory_space<vmem>>, vector<16xi32>,
    %reduce_sum3A_181 = arith.constant true
    %reduce_sum3A_182 = vector.broadcast %reduce_sum3A_181 : i1 to vector<16xi1>
    %reduce_sum3A_183 = tpu.scan <sum>, %get3A_172 masked %reduce_sum3A_182 : vector<16xi32>, vector<16xi1> -> vector<16xi32>
    %reduce_sum3A_184 = vector.extract %reduce_sum3A_183[15] : i32 from vector<16xi32>
    %add3A_185 = arith.addi %add3A_170, %reduce_sum3A_184 : i32
    %get3A_186 = arith.constant 144 : index
    %get3A_187 = tpu.vector_load %arg11[%get3A_186] {strides = array<i32>} : memref<256xi32, #tpu.memory_space<vmem>>, vector<16xi32>,
    %broadcast_in_dim3A_188 = arith.constant true
    %broadcast_in_dim3A_189 = vector.broadcast %broadcast_in_dim3A_188 : i1 to vector<16xi1>
    %masked_cumsum3A_190 = tpu.scan <sum>, %get3A_187 masked %broadcast_in_dim3A_189 : vector<16xi32>, vector<16xi1> -> vector<16xi32>
    %sub3A_191 = arith.subi %masked_cumsum3A_190, %get3A_187 : vector<16xi32>
    %add3A_192 = vector.broadcast %add3A_185 : i32 to vector<16xi32>
    %add3A_193 = arith.addi %sub3A_191, %add3A_192 : vector<16xi32>
    %swap3A_194 = arith.constant 144 : index
    %swap3A_195 = tpu.vector_load %arg12[%swap3A_194] {strides = array<i32>} : memref<256xi32, #tpu.memory_space<vmem>>, vector<16xi32>,
    tpu.vector_store %arg12[%swap3A_194], %add3A_193 {strides = array<i32>} : memref<256xi32, #tpu.memory_space<vmem>>, vector<16xi32>,
    %reduce_sum3A_196 = arith.constant true
    %reduce_sum3A_197 = vector.broadcast %reduce_sum3A_196 : i1 to vector<16xi1>
    %reduce_sum3A_198 = tpu.scan <sum>, %get3A_187 masked %reduce_sum3A_197 : vector<16xi32>, vector<16xi1> -> vector<16xi32>
    %reduce_sum3A_199 = vector.extract %reduce_sum3A_198[15] : i32 from vector<16xi32>
    %add3A_200 = arith.addi %add3A_185, %reduce_sum3A_199 : i32
    %get3A_201 = arith.constant 160 : index
    %get3A_202 = tpu.vector_load %arg11[%get3A_201] {strides = array<i32>} : memref<256xi32, #tpu.memory_space<vmem>>, vector<16xi32>,
    %broadcast_in_dim3A_203 = arith.constant true
    %broadcast_in_dim3A_204 = vector.broadcast %broadcast_in_dim3A_203 : i1 to vector<16xi1>
    %masked_cumsum3A_205 = tpu.scan <sum>, %get3A_202 masked %broadcast_in_dim3A_204 : vector<16xi32>, vector<16xi1> -> vector<16xi32>
    %sub3A_206 = arith.subi %masked_cumsum3A_205, %get3A_202 : vector<16xi32>
    %add3A_207 = vector.broadcast %add3A_200 : i32 to vector<16xi32>
    %add3A_208 = arith.addi %sub3A_206, %add3A_207 : vector<16xi32>
    %swap3A_209 = arith.constant 160 : index
    %swap3A_210 = tpu.vector_load %arg12[%swap3A_209] {strides = array<i32>} : memref<256xi32, #tpu.memory_space<vmem>>, vector<16xi32>,
    tpu.vector_store %arg12[%swap3A_209], %add3A_208 {strides = array<i32>} : memref<256xi32, #tpu.memory_space<vmem>>, vector<16xi32>,
    %reduce_sum3A_211 = arith.constant true
    %reduce_sum3A_212 = vector.broadcast %reduce_sum3A_211 : i1 to vector<16xi1>
    %reduce_sum3A_213 = tpu.scan <sum>, %get3A_202 masked %reduce_sum3A_212 : vector<16xi32>, vector<16xi1> -> vector<16xi32>
    %reduce_sum3A_214 = vector.extract %reduce_sum3A_213[15] : i32 from vector<16xi32>
    %add3A_215 = arith.addi %add3A_200, %reduce_sum3A_214 : i32
    %get3A_216 = arith.constant 176 : index
    %get3A_217 = tpu.vector_load %arg11[%get3A_216] {strides = array<i32>} : memref<256xi32, #tpu.memory_space<vmem>>, vector<16xi32>,
    %broadcast_in_dim3A_218 = arith.constant true
    %broadcast_in_dim3A_219 = vector.broadcast %broadcast_in_dim3A_218 : i1 to vector<16xi1>
    %masked_cumsum3A_220 = tpu.scan <sum>, %get3A_217 masked %broadcast_in_dim3A_219 : vector<16xi32>, vector<16xi1> -> vector<16xi32>
    %sub3A_221 = arith.subi %masked_cumsum3A_220, %get3A_217 : vector<16xi32>
    %add3A_222 = vector.broadcast %add3A_215 : i32 to vector<16xi32>
    %add3A_223 = arith.addi %sub3A_221, %add3A_222 : vector<16xi32>
    %swap3A_224 = arith.constant 176 : index
    %swap3A_225 = tpu.vector_load %arg12[%swap3A_224] {strides = array<i32>} : memref<256xi32, #tpu.memory_space<vmem>>, vector<16xi32>,
    tpu.vector_store %arg12[%swap3A_224], %add3A_223 {strides = array<i32>} : memref<256xi32, #tpu.memory_space<vmem>>, vector<16xi32>,
    %reduce_sum3A_226 = arith.constant true
    %reduce_sum3A_227 = vector.broadcast %reduce_sum3A_226 : i1 to vector<16xi1>
    %reduce_sum3A_228 = tpu.scan <sum>, %get3A_217 masked %reduce_sum3A_227 : vector<16xi32>, vector<16xi1> -> vector<16xi32>
    %reduce_sum3A_229 = vector.extract %reduce_sum3A_228[15] : i32 from vector<16xi32>
    %add3A_230 = arith.addi %add3A_215, %reduce_sum3A_229 : i32
    %get3A_231 = arith.constant 192 : index
    %get3A_232 = tpu.vector_load %arg11[%get3A_231] {strides = array<i32>} : memref<256xi32, #tpu.memory_space<vmem>>, vector<16xi32>,
    %broadcast_in_dim3A_233 = arith.constant true
    %broadcast_in_dim3A_234 = vector.broadcast %broadcast_in_dim3A_233 : i1 to vector<16xi1>
    %masked_cumsum3A_235 = tpu.scan <sum>, %get3A_232 masked %broadcast_in_dim3A_234 : vector<16xi32>, vector<16xi1> -> vector<16xi32>
    %sub3A_236 = arith.subi %masked_cumsum3A_235, %get3A_232 : vector<16xi32>
    %add3A_237 = vector.broadcast %add3A_230 : i32 to vector<16xi32>
    %add3A_238 = arith.addi %sub3A_236, %add3A_237 : vector<16xi32>
    %swap3A_239 = arith.constant 192 : index
    %swap3A_240 = tpu.vector_load %arg12[%swap3A_239] {strides = array<i32>} : memref<256xi32, #tpu.memory_space<vmem>>, vector<16xi32>,
    tpu.vector_store %arg12[%swap3A_239], %add3A_238 {strides = array<i32>} : memref<256xi32, #tpu.memory_space<vmem>>, vector<16xi32>,
    %reduce_sum3A_241 = arith.constant true
    %reduce_sum3A_242 = vector.broadcast %reduce_sum3A_241 : i1 to vector<16xi1>
    %reduce_sum3A_243 = tpu.scan <sum>, %get3A_232 masked %reduce_sum3A_242 : vector<16xi32>, vector<16xi1> -> vector<16xi32>
    %reduce_sum3A_244 = vector.extract %reduce_sum3A_243[15] : i32 from vector<16xi32>
    %add3A_245 = arith.addi %add3A_230, %reduce_sum3A_244 : i32
    %get3A_246 = arith.constant 208 : index
    %get3A_247 = tpu.vector_load %arg11[%get3A_246] {strides = array<i32>} : memref<256xi32, #tpu.memory_space<vmem>>, vector<16xi32>,
    %broadcast_in_dim3A_248 = arith.constant true
    %broadcast_in_dim3A_249 = vector.broadcast %broadcast_in_dim3A_248 : i1 to vector<16xi1>
    %masked_cumsum3A_250 = tpu.scan <sum>, %get3A_247 masked %broadcast_in_dim3A_249 : vector<16xi32>, vector<16xi1> -> vector<16xi32>
    %sub3A_251 = arith.subi %masked_cumsum3A_250, %get3A_247 : vector<16xi32>
    %add3A_252 = vector.broadcast %add3A_245 : i32 to vector<16xi32>
    %add3A_253 = arith.addi %sub3A_251, %add3A_252 : vector<16xi32>
    %swap3A_254 = arith.constant 208 : index
    %swap3A_255 = tpu.vector_load %arg12[%swap3A_254] {strides = array<i32>} : memref<256xi32, #tpu.memory_space<vmem>>, vector<16xi32>,
    tpu.vector_store %arg12[%swap3A_254], %add3A_253 {strides = array<i32>} : memref<256xi32, #tpu.memory_space<vmem>>, vector<16xi32>,
    %reduce_sum3A_256 = arith.constant true
    %reduce_sum3A_257 = vector.broadcast %reduce_sum3A_256 : i1 to vector<16xi1>
    %reduce_sum3A_258 = tpu.scan <sum>, %get3A_247 masked %reduce_sum3A_257 : vector<16xi32>, vector<16xi1> -> vector<16xi32>
    %reduce_sum3A_259 = vector.extract %reduce_sum3A_258[15] : i32 from vector<16xi32>
    %add3A_260 = arith.addi %add3A_245, %reduce_sum3A_259 : i32
    %get3A_261 = arith.constant 224 : index
    %get3A_262 = tpu.vector_load %arg11[%get3A_261] {strides = array<i32>} : memref<256xi32, #tpu.memory_space<vmem>>, vector<16xi32>,
    %broadcast_in_dim3A_263 = arith.constant true
    %broadcast_in_dim3A_264 = vector.broadcast %broadcast_in_dim3A_263 : i1 to vector<16xi1>
    %masked_cumsum3A_265 = tpu.scan <sum>, %get3A_262 masked %broadcast_in_dim3A_264 : vector<16xi32>, vector<16xi1> -> vector<16xi32>
    %sub3A_266 = arith.subi %masked_cumsum3A_265, %get3A_262 : vector<16xi32>
    %add3A_267 = vector.broadcast %add3A_260 : i32 to vector<16xi32>
    %add3A_268 = arith.addi %sub3A_266, %add3A_267 : vector<16xi32>
    %swap3A_269 = arith.constant 224 : index
    %swap3A_270 = tpu.vector_load %arg12[%swap3A_269] {strides = array<i32>} : memref<256xi32, #tpu.memory_space<vmem>>, vector<16xi32>,
    tpu.vector_store %arg12[%swap3A_269], %add3A_268 {strides = array<i32>} : memref<256xi32, #tpu.memory_space<vmem>>, vector<16xi32>,
    %reduce_sum3A_271 = arith.constant true
    %reduce_sum3A_272 = vector.broadcast %reduce_sum3A_271 : i1 to vector<16xi1>
    %reduce_sum3A_273 = tpu.scan <sum>, %get3A_262 masked %reduce_sum3A_272 : vector<16xi32>, vector<16xi1> -> vector<16xi32>
    %reduce_sum3A_274 = vector.extract %reduce_sum3A_273[15] : i32 from vector<16xi32>
    %add3A_275 = arith.addi %add3A_260, %reduce_sum3A_274 : i32
    %get3A_276 = arith.constant 240 : index
    %get3A_277 = tpu.vector_load %arg11[%get3A_276] {strides = array<i32>} : memref<256xi32, #tpu.memory_space<vmem>>, vector<16xi32>,
    %broadcast_in_dim3A_278 = arith.constant true
    %broadcast_in_dim3A_279 = vector.broadcast %broadcast_in_dim3A_278 : i1 to vector<16xi1>
    %masked_cumsum3A_280 = tpu.scan <sum>, %get3A_277 masked %broadcast_in_dim3A_279 : vector<16xi32>, vector<16xi1> -> vector<16xi32>
    %sub3A_281 = arith.subi %masked_cumsum3A_280, %get3A_277 : vector<16xi32>
    %add3A_282 = vector.broadcast %add3A_275 : i32 to vector<16xi32>
    %add3A_283 = arith.addi %sub3A_281, %add3A_282 : vector<16xi32>
    %swap3A_284 = arith.constant 240 : index
    %swap3A_285 = tpu.vector_load %arg12[%swap3A_284] {strides = array<i32>} : memref<256xi32, #tpu.memory_space<vmem>>, vector<16xi32>,
    tpu.vector_store %arg12[%swap3A_284], %add3A_283 {strides = array<i32>} : memref<256xi32, #tpu.memory_space<vmem>>, vector<16xi32>,
    %reduce_sum3A_286 = arith.constant true
    %reduce_sum3A_287 = vector.broadcast %reduce_sum3A_286 : i1 to vector<16xi1>
    %reduce_sum3A_288 = tpu.scan <sum>, %get3A_277 masked %reduce_sum3A_287 : vector<16xi32>, vector<16xi1> -> vector<16xi32>
    %reduce_sum3A_289 = vector.extract %reduce_sum3A_288[15] : i32 from vector<16xi32>
    %add3A_290 = arith.addi %add3A_275, %reduce_sum3A_289 : i32
    %scan3A_291 = arith.constant 0 : i32
    %scan3A_292 = arith.constant 0 : i32
    %scan3A_293 = arith.constant 64 : i32
    %scan3A_294 = arith.addi %scan3A_292, %scan3A_293 : i32
    %scan3A_295 = arith.constant 1 : i32
    %scan3A_296 = scf.for %scan3A_2385 = %scan3A_292 to %scan3A_294 step %scan3A_295 iter_args(%scan3A_2386 = %scan3A_291) -> (i32)  : i32 {
      %mul3A_2387 = arith.constant 16 : i32
      %mul3A_2388 = arith.muli %scan3A_2385, %mul3A_2387 : i32
      %get3A_2389 = arith.index_cast %mul3A_2388 : i32 to index
      %get3A_2390 = tpu.vector_load %arg5[%get3A_2389] {strides = array<i32>} : memref<1024xi32, #tpu.memory_space<vmem>>, vector<16xi32>,
      %mul3A_2391 = arith.constant 16 : i32
      %mul3A_2392 = arith.muli %scan3A_2385, %mul3A_2391 : i32
      %get3A_2393 = arith.index_cast %mul3A_2392 : i32 to index
      %get3A_2394 = tpu.vector_load %arg6[%get3A_2393] {strides = array<i32>} : memref<1024xi32, #tpu.memory_space<vmem>>, vector<16xi32>,
      %shift_right_arithmetic3A_2395 = arith.constant 0 : i32
      %shift_right_arithmetic3A_2396 = vector.broadcast %shift_right_arithmetic3A_2395 : i32 to vector<16xi32>
      %shift_right_arithmetic3A_2397 = arith.shrsi %get3A_2390, %shift_right_arithmetic3A_2396 : vector<16xi32>
      %and3A_2398 = arith.constant 255 : i32
      %and3A_2399 = vector.broadcast %and3A_2398 : i32 to vector<16xi32>
      %and3A_2400 = arith.andi %shift_right_arithmetic3A_2397, %and3A_2399 : vector<16xi32>
      %broadcast_in_dim3A_2401 = arith.constant true
      %broadcast_in_dim3A_2402 = vector.broadcast %broadcast_in_dim3A_2401 : i1 to vector<16xi1>
      %unique3A, %unique3A_2403 = tpu.scan_count mask(%broadcast_in_dim3A_2402 : vector<16xi1>) value(%and3A_2400 : vector<16xi32>) : vector<16xi1>, vector<16xi32>
      %gather3A = tpu.vector_load_idx %arg12[%and3A_2400] : memref<256xi32, #tpu.memory_space<vmem>>[vector<16xi32>], vector<16xi32>,
      %add3A_2404 = arith.addi %gather3A, %unique3A_2403 : vector<16xi32>
      %sub3A_2405 = arith.constant 1 : i32
      %sub3A_2406 = vector.broadcast %sub3A_2405 : i32 to vector<16xi32>
      %sub3A_2407 = arith.subi %add3A_2404, %sub3A_2406 : vector<16xi32>
      tpu.vector_store_idx %arg7[%sub3A_2407], %get3A_2390 : memref<1024xi32, #tpu.memory_space<vmem>>[vector<16xi32>], vector<16xi32>,
      tpu.vector_store_idx %arg8[%sub3A_2407], %get3A_2394 : memref<1024xi32, #tpu.memory_space<vmem>>[vector<16xi32>], vector<16xi32>,
      %add3A_2408 = arith.constant 1 : i32
      %add3A_2409 = vector.broadcast %add3A_2408 : i32 to vector<16xi32>
      %add3A_2410 = arith.addi %sub3A_2407, %add3A_2409 : vector<16xi32>
      tpu.vector_store_idx %arg12[%and3A_2400], %add3A_2410 masked %unique3A : memref<256xi32, #tpu.memory_space<vmem>>[vector<16xi32>], vector<16xi32>, vector<16xi1>
      %scan3A_2411 = arith.constant 0 : i32
      scf.yield %scan3A_2411 : i32
    }
    %scan3A_297 = arith.constant 64 : i32
    %swap3A_298 = arith.constant 0 : index
    %swap3A_299 = tpu.vector_load %arg11[%swap3A_298] {strides = array<i32>} : memref<256xi32, #tpu.memory_space<vmem>>, vector<16xi32>,
    tpu.vector_store %arg11[%swap3A_298], %broadcast_in_dim3A_1 {strides = array<i32>} : memref<256xi32, #tpu.memory_space<vmem>>, vector<16xi32>,
    %swap3A_300 = arith.constant 16 : index
    %swap3A_301 = tpu.vector_load %arg11[%swap3A_300] {strides = array<i32>} : memref<256xi32, #tpu.memory_space<vmem>>, vector<16xi32>,
    tpu.vector_store %arg11[%swap3A_300], %broadcast_in_dim3A_1 {strides = array<i32>} : memref<256xi32, #tpu.memory_space<vmem>>, vector<16xi32>,
    %swap3A_302 = arith.constant 32 : index
    %swap3A_303 = tpu.vector_load %arg11[%swap3A_302] {strides = array<i32>} : memref<256xi32, #tpu.memory_space<vmem>>, vector<16xi32>,
    tpu.vector_store %arg11[%swap3A_302], %broadcast_in_dim3A_1 {strides = array<i32>} : memref<256xi32, #tpu.memory_space<vmem>>, vector<16xi32>,
    %swap3A_304 = arith.constant 48 : index
    %swap3A_305 = tpu.vector_load %arg11[%swap3A_304] {strides = array<i32>} : memref<256xi32, #tpu.memory_space<vmem>>, vector<16xi32>,
    tpu.vector_store %arg11[%swap3A_304], %broadcast_in_dim3A_1 {strides = array<i32>} : memref<256xi32, #tpu.memory_space<vmem>>, vector<16xi32>,
    %swap3A_306 = arith.constant 64 : index
    %swap3A_307 = tpu.vector_load %arg11[%swap3A_306] {strides = array<i32>} : memref<256xi32, #tpu.memory_space<vmem>>, vector<16xi32>,
    tpu.vector_store %arg11[%swap3A_306], %broadcast_in_dim3A_1 {strides = array<i32>} : memref<256xi32, #tpu.memory_space<vmem>>, vector<16xi32>,
    %swap3A_308 = arith.constant 80 : index
    %swap3A_309 = tpu.vector_load %arg11[%swap3A_308] {strides = array<i32>} : memref<256xi32, #tpu.memory_space<vmem>>, vector<16xi32>,
    tpu.vector_store %arg11[%swap3A_308], %broadcast_in_dim3A_1 {strides = array<i32>} : memref<256xi32, #tpu.memory_space<vmem>>, vector<16xi32>,
    %swap3A_310 = arith.constant 96 : index
    %swap3A_311 = tpu.vector_load %arg11[%swap3A_310] {strides = array<i32>} : memref<256xi32, #tpu.memory_space<vmem>>, vector<16xi32>,
    tpu.vector_store %arg11[%swap3A_310], %broadcast_in_dim3A_1 {strides = array<i32>} : memref<256xi32, #tpu.memory_space<vmem>>, vector<16xi32>,
    %swap3A_312 = arith.constant 112 : index
    %swap3A_313 = tpu.vector_load %arg11[%swap3A_312] {strides = array<i32>} : memref<256xi32, #tpu.memory_space<vmem>>, vector<16xi32>,
    tpu.vector_store %arg11[%swap3A_312], %broadcast_in_dim3A_1 {strides = array<i32>} : memref<256xi32, #tpu.memory_space<vmem>>, vector<16xi32>,
    %swap3A_314 = arith.constant 128 : index
    %swap3A_315 = tpu.vector_load %arg11[%swap3A_314] {strides = array<i32>} : memref<256xi32, #tpu.memory_space<vmem>>, vector<16xi32>,
    tpu.vector_store %arg11[%swap3A_314], %broadcast_in_dim3A_1 {strides = array<i32>} : memref<256xi32, #tpu.memory_space<vmem>>, vector<16xi32>,
    %swap3A_316 = arith.constant 144 : index
    %swap3A_317 = tpu.vector_load %arg11[%swap3A_316] {strides = array<i32>} : memref<256xi32, #tpu.memory_space<vmem>>, vector<16xi32>,
    tpu.vector_store %arg11[%swap3A_316], %broadcast_in_dim3A_1 {strides = array<i32>} : memref<256xi32, #tpu.memory_space<vmem>>, vector<16xi32>,
    %swap3A_318 = arith.constant 160 : index
    %swap3A_319 = tpu.vector_load %arg11[%swap3A_318] {strides = array<i32>} : memref<256xi32, #tpu.memory_space<vmem>>, vector<16xi32>,
    tpu.vector_store %arg11[%swap3A_318], %broadcast_in_dim3A_1 {strides = array<i32>} : memref<256xi32, #tpu.memory_space<vmem>>, vector<16xi32>,
    %swap3A_320 = arith.constant 176 : index
    %swap3A_321 = tpu.vector_load %arg11[%swap3A_320] {strides = array<i32>} : memref<256xi32, #tpu.memory_space<vmem>>, vector<16xi32>,
    tpu.vector_store %arg11[%swap3A_320], %broadcast_in_dim3A_1 {strides = array<i32>} : memref<256xi32, #tpu.memory_space<vmem>>, vector<16xi32>,
    %swap3A_322 = arith.constant 192 : index
    %swap3A_323 = tpu.vector_load %arg11[%swap3A_322] {strides = array<i32>} : memref<256xi32, #tpu.memory_space<vmem>>, vector<16xi32>,
    tpu.vector_store %arg11[%swap3A_322], %broadcast_in_dim3A_1 {strides = array<i32>} : memref<256xi32, #tpu.memory_space<vmem>>, vector<16xi32>,
    %swap3A_324 = arith.constant 208 : index
    %swap3A_325 = tpu.vector_load %arg11[%swap3A_324] {strides = array<i32>} : memref<256xi32, #tpu.memory_space<vmem>>, vector<16xi32>,
    tpu.vector_store %arg11[%swap3A_324], %broadcast_in_dim3A_1 {strides = array<i32>} : memref<256xi32, #tpu.memory_space<vmem>>, vector<16xi32>,
    %swap3A_326 = arith.constant 224 : index
    %swap3A_327 = tpu.vector_load %arg11[%swap3A_326] {strides = array<i32>} : memref<256xi32, #tpu.memory_space<vmem>>, vector<16xi32>,
    tpu.vector_store %arg11[%swap3A_326], %broadcast_in_dim3A_1 {strides = array<i32>} : memref<256xi32, #tpu.memory_space<vmem>>, vector<16xi32>,
    %swap3A_328 = arith.constant 240 : index
    %swap3A_329 = tpu.vector_load %arg11[%swap3A_328] {strides = array<i32>} : memref<256xi32, #tpu.memory_space<vmem>>, vector<16xi32>,
    tpu.vector_store %arg11[%swap3A_328], %broadcast_in_dim3A_1 {strides = array<i32>} : memref<256xi32, #tpu.memory_space<vmem>>, vector<16xi32>,
    %scan3A_330 = arith.constant 0 : i32
    %scan3A_331 = arith.constant 0 : i32
    %scan3A_332 = arith.constant 64 : i32
    %scan3A_333 = arith.addi %scan3A_331, %scan3A_332 : i32
    %scan3A_334 = arith.constant 1 : i32
    %scan3A_335 = scf.for %scan3A_2385 = %scan3A_331 to %scan3A_333 step %scan3A_334 iter_args(%scan3A_2386 = %scan3A_330) -> (i32)  : i32 {
      %mul3A_2387 = arith.constant 16 : i32
      %mul3A_2388 = arith.muli %scan3A_2385, %mul3A_2387 : i32
      %get3A_2389 = arith.index_cast %mul3A_2388 : i32 to index
      %get3A_2390 = tpu.vector_load %arg7[%get3A_2389] {strides = array<i32>} : memref<1024xi32, #tpu.memory_space<vmem>>, vector<16xi32>,
      %shift_right_arithmetic3A_2391 = arith.constant 8 : i32
      %shift_right_arithmetic3A_2392 = vector.broadcast %shift_right_arithmetic3A_2391 : i32 to vector<16xi32>
      %shift_right_arithmetic3A_2393 = arith.shrsi %get3A_2390, %shift_right_arithmetic3A_2392 : vector<16xi32>
      %and3A_2394 = arith.constant 255 : i32
      %and3A_2395 = vector.broadcast %and3A_2394 : i32 to vector<16xi32>
      %and3A_2396 = arith.andi %shift_right_arithmetic3A_2393, %and3A_2395 : vector<16xi32>
      %broadcast_in_dim3A_2397 = arith.constant true
      %broadcast_in_dim3A_2398 = vector.broadcast %broadcast_in_dim3A_2397 : i1 to vector<16xi1>
      %unique3A, %unique3A_2399 = tpu.scan_count mask(%broadcast_in_dim3A_2398 : vector<16xi1>) value(%and3A_2396 : vector<16xi32>) : vector<16xi1>, vector<16xi32>
      tpu.vector_store_idx %arg11[%and3A_2396], %unique3A_2399 masked %unique3A {add = true} : memref<256xi32, #tpu.memory_space<vmem>>[vector<16xi32>], vector<16xi32>, vector<16xi1>
      %scan3A_2400 = arith.constant 0 : i32
      scf.yield %scan3A_2400 : i32
    }
    %scan3A_336 = arith.constant 64 : i32
    %get3A_337 = arith.constant 0 : index
    %get3A_338 = tpu.vector_load %arg11[%get3A_337] {strides = array<i32>} : memref<256xi32, #tpu.memory_space<vmem>>, vector<16xi32>,
    %broadcast_in_dim3A_339 = arith.constant true
    %broadcast_in_dim3A_340 = vector.broadcast %broadcast_in_dim3A_339 : i1 to vector<16xi1>
    %masked_cumsum3A_341 = tpu.scan <sum>, %get3A_338 masked %broadcast_in_dim3A_340 : vector<16xi32>, vector<16xi1> -> vector<16xi32>
    %sub3A_342 = arith.subi %masked_cumsum3A_341, %get3A_338 : vector<16xi32>
    %add3A_343 = arith.constant 0 : i32
    %add3A_344 = vector.broadcast %add3A_343 : i32 to vector<16xi32>
    %add3A_345 = arith.addi %sub3A_342, %add3A_344 : vector<16xi32>
    %swap3A_346 = arith.constant 0 : index
    %swap3A_347 = tpu.vector_load %arg12[%swap3A_346] {strides = array<i32>} : memref<256xi32, #tpu.memory_space<vmem>>, vector<16xi32>,
    tpu.vector_store %arg12[%swap3A_346], %add3A_345 {strides = array<i32>} : memref<256xi32, #tpu.memory_space<vmem>>, vector<16xi32>,
    %reduce_sum3A_348 = arith.constant true
    %reduce_sum3A_349 = vector.broadcast %reduce_sum3A_348 : i1 to vector<16xi1>
    %reduce_sum3A_350 = tpu.scan <sum>, %get3A_338 masked %reduce_sum3A_349 : vector<16xi32>, vector<16xi1> -> vector<16xi32>
    %reduce_sum3A_351 = vector.extract %reduce_sum3A_350[15] : i32 from vector<16xi32>
    %add3A_352 = arith.constant 0 : i32
    %add3A_353 = arith.addi %add3A_352, %reduce_sum3A_351 : i32
    %get3A_354 = arith.constant 16 : index
    %get3A_355 = tpu.vector_load %arg11[%get3A_354] {strides = array<i32>} : memref<256xi32, #tpu.memory_space<vmem>>, vector<16xi32>,
    %broadcast_in_dim3A_356 = arith.constant true
    %broadcast_in_dim3A_357 = vector.broadcast %broadcast_in_dim3A_356 : i1 to vector<16xi1>
    %masked_cumsum3A_358 = tpu.scan <sum>, %get3A_355 masked %broadcast_in_dim3A_357 : vector<16xi32>, vector<16xi1> -> vector<16xi32>
    %sub3A_359 = arith.subi %masked_cumsum3A_358, %get3A_355 : vector<16xi32>
    %add3A_360 = vector.broadcast %add3A_353 : i32 to vector<16xi32>
    %add3A_361 = arith.addi %sub3A_359, %add3A_360 : vector<16xi32>
    %swap3A_362 = arith.constant 16 : index
    %swap3A_363 = tpu.vector_load %arg12[%swap3A_362] {strides = array<i32>} : memref<256xi32, #tpu.memory_space<vmem>>, vector<16xi32>,
    tpu.vector_store %arg12[%swap3A_362], %add3A_361 {strides = array<i32>} : memref<256xi32, #tpu.memory_space<vmem>>, vector<16xi32>,
    %reduce_sum3A_364 = arith.constant true
    %reduce_sum3A_365 = vector.broadcast %reduce_sum3A_364 : i1 to vector<16xi1>
    %reduce_sum3A_366 = tpu.scan <sum>, %get3A_355 masked %reduce_sum3A_365 : vector<16xi32>, vector<16xi1> -> vector<16xi32>
    %reduce_sum3A_367 = vector.extract %reduce_sum3A_366[15] : i32 from vector<16xi32>
    %add3A_368 = arith.addi %add3A_353, %reduce_sum3A_367 : i32
    %get3A_369 = arith.constant 32 : index
    %get3A_370 = tpu.vector_load %arg11[%get3A_369] {strides = array<i32>} : memref<256xi32, #tpu.memory_space<vmem>>, vector<16xi32>,
    %broadcast_in_dim3A_371 = arith.constant true
    %broadcast_in_dim3A_372 = vector.broadcast %broadcast_in_dim3A_371 : i1 to vector<16xi1>
    %masked_cumsum3A_373 = tpu.scan <sum>, %get3A_370 masked %broadcast_in_dim3A_372 : vector<16xi32>, vector<16xi1> -> vector<16xi32>
    %sub3A_374 = arith.subi %masked_cumsum3A_373, %get3A_370 : vector<16xi32>
    %add3A_375 = vector.broadcast %add3A_368 : i32 to vector<16xi32>
    %add3A_376 = arith.addi %sub3A_374, %add3A_375 : vector<16xi32>
    %swap3A_377 = arith.constant 32 : index
    %swap3A_378 = tpu.vector_load %arg12[%swap3A_377] {strides = array<i32>} : memref<256xi32, #tpu.memory_space<vmem>>, vector<16xi32>,
    tpu.vector_store %arg12[%swap3A_377], %add3A_376 {strides = array<i32>} : memref<256xi32, #tpu.memory_space<vmem>>, vector<16xi32>,
    %reduce_sum3A_379 = arith.constant true
    %reduce_sum3A_380 = vector.broadcast %reduce_sum3A_379 : i1 to vector<16xi1>
    %reduce_sum3A_381 = tpu.scan <sum>, %get3A_370 masked %reduce_sum3A_380 : vector<16xi32>, vector<16xi1> -> vector<16xi32>
    %reduce_sum3A_382 = vector.extract %reduce_sum3A_381[15] : i32 from vector<16xi32>
    %add3A_383 = arith.addi %add3A_368, %reduce_sum3A_382 : i32
    %get3A_384 = arith.constant 48 : index
    %get3A_385 = tpu.vector_load %arg11[%get3A_384] {strides = array<i32>} : memref<256xi32, #tpu.memory_space<vmem>>, vector<16xi32>,
    %broadcast_in_dim3A_386 = arith.constant true
    %broadcast_in_dim3A_387 = vector.broadcast %broadcast_in_dim3A_386 : i1 to vector<16xi1>
    %masked_cumsum3A_388 = tpu.scan <sum>, %get3A_385 masked %broadcast_in_dim3A_387 : vector<16xi32>, vector<16xi1> -> vector<16xi32>
    %sub3A_389 = arith.subi %masked_cumsum3A_388, %get3A_385 : vector<16xi32>
    %add3A_390 = vector.broadcast %add3A_383 : i32 to vector<16xi32>
    %add3A_391 = arith.addi %sub3A_389, %add3A_390 : vector<16xi32>
    %swap3A_392 = arith.constant 48 : index
    %swap3A_393 = tpu.vector_load %arg12[%swap3A_392] {strides = array<i32>} : memref<256xi32, #tpu.memory_space<vmem>>, vector<16xi32>,
    tpu.vector_store %arg12[%swap3A_392], %add3A_391 {strides = array<i32>} : memref<256xi32, #tpu.memory_space<vmem>>, vector<16xi32>,
    %reduce_sum3A_394 = arith.constant true
    %reduce_sum3A_395 = vector.broadcast %reduce_sum3A_394 : i1 to vector<16xi1>
    %reduce_sum3A_396 = tpu.scan <sum>, %get3A_385 masked %reduce_sum3A_395 : vector<16xi32>, vector<16xi1> -> vector<16xi32>
    %reduce_sum3A_397 = vector.extract %reduce_sum3A_396[15] : i32 from vector<16xi32>
    %add3A_398 = arith.addi %add3A_383, %reduce_sum3A_397 : i32
    %get3A_399 = arith.constant 64 : index
    %get3A_400 = tpu.vector_load %arg11[%get3A_399] {strides = array<i32>} : memref<256xi32, #tpu.memory_space<vmem>>, vector<16xi32>,
    %broadcast_in_dim3A_401 = arith.constant true
    %broadcast_in_dim3A_402 = vector.broadcast %broadcast_in_dim3A_401 : i1 to vector<16xi1>
    %masked_cumsum3A_403 = tpu.scan <sum>, %get3A_400 masked %broadcast_in_dim3A_402 : vector<16xi32>, vector<16xi1> -> vector<16xi32>
    %sub3A_404 = arith.subi %masked_cumsum3A_403, %get3A_400 : vector<16xi32>
    %add3A_405 = vector.broadcast %add3A_398 : i32 to vector<16xi32>
    %add3A_406 = arith.addi %sub3A_404, %add3A_405 : vector<16xi32>
    %swap3A_407 = arith.constant 64 : index
    %swap3A_408 = tpu.vector_load %arg12[%swap3A_407] {strides = array<i32>} : memref<256xi32, #tpu.memory_space<vmem>>, vector<16xi32>,
    tpu.vector_store %arg12[%swap3A_407], %add3A_406 {strides = array<i32>} : memref<256xi32, #tpu.memory_space<vmem>>, vector<16xi32>,
    %reduce_sum3A_409 = arith.constant true
    %reduce_sum3A_410 = vector.broadcast %reduce_sum3A_409 : i1 to vector<16xi1>
    %reduce_sum3A_411 = tpu.scan <sum>, %get3A_400 masked %reduce_sum3A_410 : vector<16xi32>, vector<16xi1> -> vector<16xi32>
    %reduce_sum3A_412 = vector.extract %reduce_sum3A_411[15] : i32 from vector<16xi32>
    %add3A_413 = arith.addi %add3A_398, %reduce_sum3A_412 : i32
    %get3A_414 = arith.constant 80 : index
    %get3A_415 = tpu.vector_load %arg11[%get3A_414] {strides = array<i32>} : memref<256xi32, #tpu.memory_space<vmem>>, vector<16xi32>,
    %broadcast_in_dim3A_416 = arith.constant true
    %broadcast_in_dim3A_417 = vector.broadcast %broadcast_in_dim3A_416 : i1 to vector<16xi1>
    %masked_cumsum3A_418 = tpu.scan <sum>, %get3A_415 masked %broadcast_in_dim3A_417 : vector<16xi32>, vector<16xi1> -> vector<16xi32>
    %sub3A_419 = arith.subi %masked_cumsum3A_418, %get3A_415 : vector<16xi32>
    %add3A_420 = vector.broadcast %add3A_413 : i32 to vector<16xi32>
    %add3A_421 = arith.addi %sub3A_419, %add3A_420 : vector<16xi32>
    %swap3A_422 = arith.constant 80 : index
    %swap3A_423 = tpu.vector_load %arg12[%swap3A_422] {strides = array<i32>} : memref<256xi32, #tpu.memory_space<vmem>>, vector<16xi32>,
    tpu.vector_store %arg12[%swap3A_422], %add3A_421 {strides = array<i32>} : memref<256xi32, #tpu.memory_space<vmem>>, vector<16xi32>,
    %reduce_sum3A_424 = arith.constant true
    %reduce_sum3A_425 = vector.broadcast %reduce_sum3A_424 : i1 to vector<16xi1>
    %reduce_sum3A_426 = tpu.scan <sum>, %get3A_415 masked %reduce_sum3A_425 : vector<16xi32>, vector<16xi1> -> vector<16xi32>
    %reduce_sum3A_427 = vector.extract %reduce_sum3A_426[15] : i32 from vector<16xi32>
    %add3A_428 = arith.addi %add3A_413, %reduce_sum3A_427 : i32
    %get3A_429 = arith.constant 96 : index
    %get3A_430 = tpu.vector_load %arg11[%get3A_429] {strides = array<i32>} : memref<256xi32, #tpu.memory_space<vmem>>, vector<16xi32>,
    %broadcast_in_dim3A_431 = arith.constant true
    %broadcast_in_dim3A_432 = vector.broadcast %broadcast_in_dim3A_431 : i1 to vector<16xi1>
    %masked_cumsum3A_433 = tpu.scan <sum>, %get3A_430 masked %broadcast_in_dim3A_432 : vector<16xi32>, vector<16xi1> -> vector<16xi32>
    %sub3A_434 = arith.subi %masked_cumsum3A_433, %get3A_430 : vector<16xi32>
    %add3A_435 = vector.broadcast %add3A_428 : i32 to vector<16xi32>
    %add3A_436 = arith.addi %sub3A_434, %add3A_435 : vector<16xi32>
    %swap3A_437 = arith.constant 96 : index
    %swap3A_438 = tpu.vector_load %arg12[%swap3A_437] {strides = array<i32>} : memref<256xi32, #tpu.memory_space<vmem>>, vector<16xi32>,
    tpu.vector_store %arg12[%swap3A_437], %add3A_436 {strides = array<i32>} : memref<256xi32, #tpu.memory_space<vmem>>, vector<16xi32>,
    %reduce_sum3A_439 = arith.constant true
    %reduce_sum3A_440 = vector.broadcast %reduce_sum3A_439 : i1 to vector<16xi1>
    %reduce_sum3A_441 = tpu.scan <sum>, %get3A_430 masked %reduce_sum3A_440 : vector<16xi32>, vector<16xi1> -> vector<16xi32>
    %reduce_sum3A_442 = vector.extract %reduce_sum3A_441[15] : i32 from vector<16xi32>
    %add3A_443 = arith.addi %add3A_428, %reduce_sum3A_442 : i32
    %get3A_444 = arith.constant 112 : index
    %get3A_445 = tpu.vector_load %arg11[%get3A_444] {strides = array<i32>} : memref<256xi32, #tpu.memory_space<vmem>>, vector<16xi32>,
    %broadcast_in_dim3A_446 = arith.constant true
    %broadcast_in_dim3A_447 = vector.broadcast %broadcast_in_dim3A_446 : i1 to vector<16xi1>
    %masked_cumsum3A_448 = tpu.scan <sum>, %get3A_445 masked %broadcast_in_dim3A_447 : vector<16xi32>, vector<16xi1> -> vector<16xi32>
    %sub3A_449 = arith.subi %masked_cumsum3A_448, %get3A_445 : vector<16xi32>
    %add3A_450 = vector.broadcast %add3A_443 : i32 to vector<16xi32>
    %add3A_451 = arith.addi %sub3A_449, %add3A_450 : vector<16xi32>
    %swap3A_452 = arith.constant 112 : index
    %swap3A_453 = tpu.vector_load %arg12[%swap3A_452] {strides = array<i32>} : memref<256xi32, #tpu.memory_space<vmem>>, vector<16xi32>,
    tpu.vector_store %arg12[%swap3A_452], %add3A_451 {strides = array<i32>} : memref<256xi32, #tpu.memory_space<vmem>>, vector<16xi32>,
    %reduce_sum3A_454 = arith.constant true
    %reduce_sum3A_455 = vector.broadcast %reduce_sum3A_454 : i1 to vector<16xi1>
    %reduce_sum3A_456 = tpu.scan <sum>, %get3A_445 masked %reduce_sum3A_455 : vector<16xi32>, vector<16xi1> -> vector<16xi32>
    %reduce_sum3A_457 = vector.extract %reduce_sum3A_456[15] : i32 from vector<16xi32>
    %add3A_458 = arith.addi %add3A_443, %reduce_sum3A_457 : i32
    %get3A_459 = arith.constant 128 : index
    %get3A_460 = tpu.vector_load %arg11[%get3A_459] {strides = array<i32>} : memref<256xi32, #tpu.memory_space<vmem>>, vector<16xi32>,
    %broadcast_in_dim3A_461 = arith.constant true
    %broadcast_in_dim3A_462 = vector.broadcast %broadcast_in_dim3A_461 : i1 to vector<16xi1>
    %masked_cumsum3A_463 = tpu.scan <sum>, %get3A_460 masked %broadcast_in_dim3A_462 : vector<16xi32>, vector<16xi1> -> vector<16xi32>
    %sub3A_464 = arith.subi %masked_cumsum3A_463, %get3A_460 : vector<16xi32>
    %add3A_465 = vector.broadcast %add3A_458 : i32 to vector<16xi32>
    %add3A_466 = arith.addi %sub3A_464, %add3A_465 : vector<16xi32>
    %swap3A_467 = arith.constant 128 : index
    %swap3A_468 = tpu.vector_load %arg12[%swap3A_467] {strides = array<i32>} : memref<256xi32, #tpu.memory_space<vmem>>, vector<16xi32>,
    tpu.vector_store %arg12[%swap3A_467], %add3A_466 {strides = array<i32>} : memref<256xi32, #tpu.memory_space<vmem>>, vector<16xi32>,
    %reduce_sum3A_469 = arith.constant true
    %reduce_sum3A_470 = vector.broadcast %reduce_sum3A_469 : i1 to vector<16xi1>
    %reduce_sum3A_471 = tpu.scan <sum>, %get3A_460 masked %reduce_sum3A_470 : vector<16xi32>, vector<16xi1> -> vector<16xi32>
    %reduce_sum3A_472 = vector.extract %reduce_sum3A_471[15] : i32 from vector<16xi32>
    %add3A_473 = arith.addi %add3A_458, %reduce_sum3A_472 : i32
    %get3A_474 = arith.constant 144 : index
    %get3A_475 = tpu.vector_load %arg11[%get3A_474] {strides = array<i32>} : memref<256xi32, #tpu.memory_space<vmem>>, vector<16xi32>,
    %broadcast_in_dim3A_476 = arith.constant true
    %broadcast_in_dim3A_477 = vector.broadcast %broadcast_in_dim3A_476 : i1 to vector<16xi1>
    %masked_cumsum3A_478 = tpu.scan <sum>, %get3A_475 masked %broadcast_in_dim3A_477 : vector<16xi32>, vector<16xi1> -> vector<16xi32>
    %sub3A_479 = arith.subi %masked_cumsum3A_478, %get3A_475 : vector<16xi32>
    %add3A_480 = vector.broadcast %add3A_473 : i32 to vector<16xi32>
    %add3A_481 = arith.addi %sub3A_479, %add3A_480 : vector<16xi32>
    %swap3A_482 = arith.constant 144 : index
    %swap3A_483 = tpu.vector_load %arg12[%swap3A_482] {strides = array<i32>} : memref<256xi32, #tpu.memory_space<vmem>>, vector<16xi32>,
    tpu.vector_store %arg12[%swap3A_482], %add3A_481 {strides = array<i32>} : memref<256xi32, #tpu.memory_space<vmem>>, vector<16xi32>,
    %reduce_sum3A_484 = arith.constant true
    %reduce_sum3A_485 = vector.broadcast %reduce_sum3A_484 : i1 to vector<16xi1>
    %reduce_sum3A_486 = tpu.scan <sum>, %get3A_475 masked %reduce_sum3A_485 : vector<16xi32>, vector<16xi1> -> vector<16xi32>
    %reduce_sum3A_487 = vector.extract %reduce_sum3A_486[15] : i32 from vector<16xi32>
    %add3A_488 = arith.addi %add3A_473, %reduce_sum3A_487 : i32
    %get3A_489 = arith.constant 160 : index
    %get3A_490 = tpu.vector_load %arg11[%get3A_489] {strides = array<i32>} : memref<256xi32, #tpu.memory_space<vmem>>, vector<16xi32>,
    %broadcast_in_dim3A_491 = arith.constant true
    %broadcast_in_dim3A_492 = vector.broadcast %broadcast_in_dim3A_491 : i1 to vector<16xi1>
    %masked_cumsum3A_493 = tpu.scan <sum>, %get3A_490 masked %broadcast_in_dim3A_492 : vector<16xi32>, vector<16xi1> -> vector<16xi32>
    %sub3A_494 = arith.subi %masked_cumsum3A_493, %get3A_490 : vector<16xi32>
    %add3A_495 = vector.broadcast %add3A_488 : i32 to vector<16xi32>
    %add3A_496 = arith.addi %sub3A_494, %add3A_495 : vector<16xi32>
    %swap3A_497 = arith.constant 160 : index
    %swap3A_498 = tpu.vector_load %arg12[%swap3A_497] {strides = array<i32>} : memref<256xi32, #tpu.memory_space<vmem>>, vector<16xi32>,
    tpu.vector_store %arg12[%swap3A_497], %add3A_496 {strides = array<i32>} : memref<256xi32, #tpu.memory_space<vmem>>, vector<16xi32>,
    %reduce_sum3A_499 = arith.constant true
    %reduce_sum3A_500 = vector.broadcast %reduce_sum3A_499 : i1 to vector<16xi1>
    %reduce_sum3A_501 = tpu.scan <sum>, %get3A_490 masked %reduce_sum3A_500 : vector<16xi32>, vector<16xi1> -> vector<16xi32>
    %reduce_sum3A_502 = vector.extract %reduce_sum3A_501[15] : i32 from vector<16xi32>
    %add3A_503 = arith.addi %add3A_488, %reduce_sum3A_502 : i32
    %get3A_504 = arith.constant 176 : index
    %get3A_505 = tpu.vector_load %arg11[%get3A_504] {strides = array<i32>} : memref<256xi32, #tpu.memory_space<vmem>>, vector<16xi32>,
    %broadcast_in_dim3A_506 = arith.constant true
    %broadcast_in_dim3A_507 = vector.broadcast %broadcast_in_dim3A_506 : i1 to vector<16xi1>
    %masked_cumsum3A_508 = tpu.scan <sum>, %get3A_505 masked %broadcast_in_dim3A_507 : vector<16xi32>, vector<16xi1> -> vector<16xi32>
    %sub3A_509 = arith.subi %masked_cumsum3A_508, %get3A_505 : vector<16xi32>
    %add3A_510 = vector.broadcast %add3A_503 : i32 to vector<16xi32>
    %add3A_511 = arith.addi %sub3A_509, %add3A_510 : vector<16xi32>
    %swap3A_512 = arith.constant 176 : index
    %swap3A_513 = tpu.vector_load %arg12[%swap3A_512] {strides = array<i32>} : memref<256xi32, #tpu.memory_space<vmem>>, vector<16xi32>,
    tpu.vector_store %arg12[%swap3A_512], %add3A_511 {strides = array<i32>} : memref<256xi32, #tpu.memory_space<vmem>>, vector<16xi32>,
    %reduce_sum3A_514 = arith.constant true
    %reduce_sum3A_515 = vector.broadcast %reduce_sum3A_514 : i1 to vector<16xi1>
    %reduce_sum3A_516 = tpu.scan <sum>, %get3A_505 masked %reduce_sum3A_515 : vector<16xi32>, vector<16xi1> -> vector<16xi32>
    %reduce_sum3A_517 = vector.extract %reduce_sum3A_516[15] : i32 from vector<16xi32>
    %add3A_518 = arith.addi %add3A_503, %reduce_sum3A_517 : i32
    %get3A_519 = arith.constant 192 : index
    %get3A_520 = tpu.vector_load %arg11[%get3A_519] {strides = array<i32>} : memref<256xi32, #tpu.memory_space<vmem>>, vector<16xi32>,
    %broadcast_in_dim3A_521 = arith.constant true
    %broadcast_in_dim3A_522 = vector.broadcast %broadcast_in_dim3A_521 : i1 to vector<16xi1>
    %masked_cumsum3A_523 = tpu.scan <sum>, %get3A_520 masked %broadcast_in_dim3A_522 : vector<16xi32>, vector<16xi1> -> vector<16xi32>
    %sub3A_524 = arith.subi %masked_cumsum3A_523, %get3A_520 : vector<16xi32>
    %add3A_525 = vector.broadcast %add3A_518 : i32 to vector<16xi32>
    %add3A_526 = arith.addi %sub3A_524, %add3A_525 : vector<16xi32>
    %swap3A_527 = arith.constant 192 : index
    %swap3A_528 = tpu.vector_load %arg12[%swap3A_527] {strides = array<i32>} : memref<256xi32, #tpu.memory_space<vmem>>, vector<16xi32>,
    tpu.vector_store %arg12[%swap3A_527], %add3A_526 {strides = array<i32>} : memref<256xi32, #tpu.memory_space<vmem>>, vector<16xi32>,
    %reduce_sum3A_529 = arith.constant true
    %reduce_sum3A_530 = vector.broadcast %reduce_sum3A_529 : i1 to vector<16xi1>
    %reduce_sum3A_531 = tpu.scan <sum>, %get3A_520 masked %reduce_sum3A_530 : vector<16xi32>, vector<16xi1> -> vector<16xi32>
    %reduce_sum3A_532 = vector.extract %reduce_sum3A_531[15] : i32 from vector<16xi32>
    %add3A_533 = arith.addi %add3A_518, %reduce_sum3A_532 : i32
    %get3A_534 = arith.constant 208 : index
    %get3A_535 = tpu.vector_load %arg11[%get3A_534] {strides = array<i32>} : memref<256xi32, #tpu.memory_space<vmem>>, vector<16xi32>,
    %broadcast_in_dim3A_536 = arith.constant true
    %broadcast_in_dim3A_537 = vector.broadcast %broadcast_in_dim3A_536 : i1 to vector<16xi1>
    %masked_cumsum3A_538 = tpu.scan <sum>, %get3A_535 masked %broadcast_in_dim3A_537 : vector<16xi32>, vector<16xi1> -> vector<16xi32>
    %sub3A_539 = arith.subi %masked_cumsum3A_538, %get3A_535 : vector<16xi32>
    %add3A_540 = vector.broadcast %add3A_533 : i32 to vector<16xi32>
    %add3A_541 = arith.addi %sub3A_539, %add3A_540 : vector<16xi32>
    %swap3A_542 = arith.constant 208 : index
    %swap3A_543 = tpu.vector_load %arg12[%swap3A_542] {strides = array<i32>} : memref<256xi32, #tpu.memory_space<vmem>>, vector<16xi32>,
    tpu.vector_store %arg12[%swap3A_542], %add3A_541 {strides = array<i32>} : memref<256xi32, #tpu.memory_space<vmem>>, vector<16xi32>,
    %reduce_sum3A_544 = arith.constant true
    %reduce_sum3A_545 = vector.broadcast %reduce_sum3A_544 : i1 to vector<16xi1>
    %reduce_sum3A_546 = tpu.scan <sum>, %get3A_535 masked %reduce_sum3A_545 : vector<16xi32>, vector<16xi1> -> vector<16xi32>
    %reduce_sum3A_547 = vector.extract %reduce_sum3A_546[15] : i32 from vector<16xi32>
    %add3A_548 = arith.addi %add3A_533, %reduce_sum3A_547 : i32
    %get3A_549 = arith.constant 224 : index
    %get3A_550 = tpu.vector_load %arg11[%get3A_549] {strides = array<i32>} : memref<256xi32, #tpu.memory_space<vmem>>, vector<16xi32>,
    %broadcast_in_dim3A_551 = arith.constant true
    %broadcast_in_dim3A_552 = vector.broadcast %broadcast_in_dim3A_551 : i1 to vector<16xi1>
    %masked_cumsum3A_553 = tpu.scan <sum>, %get3A_550 masked %broadcast_in_dim3A_552 : vector<16xi32>, vector<16xi1> -> vector<16xi32>
    %sub3A_554 = arith.subi %masked_cumsum3A_553, %get3A_550 : vector<16xi32>
    %add3A_555 = vector.broadcast %add3A_548 : i32 to vector<16xi32>
    %add3A_556 = arith.addi %sub3A_554, %add3A_555 : vector<16xi32>
    %swap3A_557 = arith.constant 224 : index
    %swap3A_558 = tpu.vector_load %arg12[%swap3A_557] {strides = array<i32>} : memref<256xi32, #tpu.memory_space<vmem>>, vector<16xi32>,
    tpu.vector_store %arg12[%swap3A_557], %add3A_556 {strides = array<i32>} : memref<256xi32, #tpu.memory_space<vmem>>, vector<16xi32>,
    %reduce_sum3A_559 = arith.constant true
    %reduce_sum3A_560 = vector.broadcast %reduce_sum3A_559 : i1 to vector<16xi1>
    %reduce_sum3A_561 = tpu.scan <sum>, %get3A_550 masked %reduce_sum3A_560 : vector<16xi32>, vector<16xi1> -> vector<16xi32>
    %reduce_sum3A_562 = vector.extract %reduce_sum3A_561[15] : i32 from vector<16xi32>
    %add3A_563 = arith.addi %add3A_548, %reduce_sum3A_562 : i32
    %get3A_564 = arith.constant 240 : index
    %get3A_565 = tpu.vector_load %arg11[%get3A_564] {strides = array<i32>} : memref<256xi32, #tpu.memory_space<vmem>>, vector<16xi32>,
    %broadcast_in_dim3A_566 = arith.constant true
    %broadcast_in_dim3A_567 = vector.broadcast %broadcast_in_dim3A_566 : i1 to vector<16xi1>
    %masked_cumsum3A_568 = tpu.scan <sum>, %get3A_565 masked %broadcast_in_dim3A_567 : vector<16xi32>, vector<16xi1> -> vector<16xi32>
    %sub3A_569 = arith.subi %masked_cumsum3A_568, %get3A_565 : vector<16xi32>
    %add3A_570 = vector.broadcast %add3A_563 : i32 to vector<16xi32>
    %add3A_571 = arith.addi %sub3A_569, %add3A_570 : vector<16xi32>
    %swap3A_572 = arith.constant 240 : index
    %swap3A_573 = tpu.vector_load %arg12[%swap3A_572] {strides = array<i32>} : memref<256xi32, #tpu.memory_space<vmem>>, vector<16xi32>,
    tpu.vector_store %arg12[%swap3A_572], %add3A_571 {strides = array<i32>} : memref<256xi32, #tpu.memory_space<vmem>>, vector<16xi32>,
    %reduce_sum3A_574 = arith.constant true
    %reduce_sum3A_575 = vector.broadcast %reduce_sum3A_574 : i1 to vector<16xi1>
    %reduce_sum3A_576 = tpu.scan <sum>, %get3A_565 masked %reduce_sum3A_575 : vector<16xi32>, vector<16xi1> -> vector<16xi32>
    %reduce_sum3A_577 = vector.extract %reduce_sum3A_576[15] : i32 from vector<16xi32>
    %add3A_578 = arith.addi %add3A_563, %reduce_sum3A_577 : i32
    %scan3A_579 = arith.constant 0 : i32
    %scan3A_580 = arith.constant 0 : i32
    %scan3A_581 = arith.constant 64 : i32
    %scan3A_582 = arith.addi %scan3A_580, %scan3A_581 : i32
    %scan3A_583 = arith.constant 1 : i32
    %scan3A_584 = scf.for %scan3A_2385 = %scan3A_580 to %scan3A_582 step %scan3A_583 iter_args(%scan3A_2386 = %scan3A_579) -> (i32)  : i32 {
      %mul3A_2387 = arith.constant 16 : i32
      %mul3A_2388 = arith.muli %scan3A_2385, %mul3A_2387 : i32
      %get3A_2389 = arith.index_cast %mul3A_2388 : i32 to index
      %get3A_2390 = tpu.vector_load %arg7[%get3A_2389] {strides = array<i32>} : memref<1024xi32, #tpu.memory_space<vmem>>, vector<16xi32>,
      %mul3A_2391 = arith.constant 16 : i32
      %mul3A_2392 = arith.muli %scan3A_2385, %mul3A_2391 : i32
      %get3A_2393 = arith.index_cast %mul3A_2392 : i32 to index
      %get3A_2394 = tpu.vector_load %arg8[%get3A_2393] {strides = array<i32>} : memref<1024xi32, #tpu.memory_space<vmem>>, vector<16xi32>,
      %shift_right_arithmetic3A_2395 = arith.constant 8 : i32
      %shift_right_arithmetic3A_2396 = vector.broadcast %shift_right_arithmetic3A_2395 : i32 to vector<16xi32>
      %shift_right_arithmetic3A_2397 = arith.shrsi %get3A_2390, %shift_right_arithmetic3A_2396 : vector<16xi32>
      %and3A_2398 = arith.constant 255 : i32
      %and3A_2399 = vector.broadcast %and3A_2398 : i32 to vector<16xi32>
      %and3A_2400 = arith.andi %shift_right_arithmetic3A_2397, %and3A_2399 : vector<16xi32>
      %broadcast_in_dim3A_2401 = arith.constant true
      %broadcast_in_dim3A_2402 = vector.broadcast %broadcast_in_dim3A_2401 : i1 to vector<16xi1>
      %unique3A, %unique3A_2403 = tpu.scan_count mask(%broadcast_in_dim3A_2402 : vector<16xi1>) value(%and3A_2400 : vector<16xi32>) : vector<16xi1>, vector<16xi32>
      %gather3A = tpu.vector_load_idx %arg12[%and3A_2400] : memref<256xi32, #tpu.memory_space<vmem>>[vector<16xi32>], vector<16xi32>,
      %add3A_2404 = arith.addi %gather3A, %unique3A_2403 : vector<16xi32>
      %sub3A_2405 = arith.constant 1 : i32
      %sub3A_2406 = vector.broadcast %sub3A_2405 : i32 to vector<16xi32>
      %sub3A_2407 = arith.subi %add3A_2404, %sub3A_2406 : vector<16xi32>
      tpu.vector_store_idx %arg5[%sub3A_2407], %get3A_2390 : memref<1024xi32, #tpu.memory_space<vmem>>[vector<16xi32>], vector<16xi32>,
      tpu.vector_store_idx %arg6[%sub3A_2407], %get3A_2394 : memref<1024xi32, #tpu.memory_space<vmem>>[vector<16xi32>], vector<16xi32>,
      %add3A_2408 = arith.constant 1 : i32
      %add3A_2409 = vector.broadcast %add3A_2408 : i32 to vector<16xi32>
      %add3A_2410 = arith.addi %sub3A_2407, %add3A_2409 : vector<16xi32>
      tpu.vector_store_idx %arg12[%and3A_2400], %add3A_2410 masked %unique3A : memref<256xi32, #tpu.memory_space<vmem>>[vector<16xi32>], vector<16xi32>, vector<16xi1>
      %scan3A_2411 = arith.constant 0 : i32
      scf.yield %scan3A_2411 : i32
    }
    %scan3A_585 = arith.constant 64 : i32
    %swap3A_586 = arith.constant 0 : index
    %swap3A_587 = tpu.vector_load %arg11[%swap3A_586] {strides = array<i32>} : memref<256xi32, #tpu.memory_space<vmem>>, vector<16xi32>,
    tpu.vector_store %arg11[%swap3A_586], %broadcast_in_dim3A_1 {strides = array<i32>} : memref<256xi32, #tpu.memory_space<vmem>>, vector<16xi32>,
    %swap3A_588 = arith.constant 16 : index
    %swap3A_589 = tpu.vector_load %arg11[%swap3A_588] {strides = array<i32>} : memref<256xi32, #tpu.memory_space<vmem>>, vector<16xi32>,
    tpu.vector_store %arg11[%swap3A_588], %broadcast_in_dim3A_1 {strides = array<i32>} : memref<256xi32, #tpu.memory_space<vmem>>, vector<16xi32>,
    %swap3A_590 = arith.constant 32 : index
    %swap3A_591 = tpu.vector_load %arg11[%swap3A_590] {strides = array<i32>} : memref<256xi32, #tpu.memory_space<vmem>>, vector<16xi32>,
    tpu.vector_store %arg11[%swap3A_590], %broadcast_in_dim3A_1 {strides = array<i32>} : memref<256xi32, #tpu.memory_space<vmem>>, vector<16xi32>,
    %swap3A_592 = arith.constant 48 : index
    %swap3A_593 = tpu.vector_load %arg11[%swap3A_592] {strides = array<i32>} : memref<256xi32, #tpu.memory_space<vmem>>, vector<16xi32>,
    tpu.vector_store %arg11[%swap3A_592], %broadcast_in_dim3A_1 {strides = array<i32>} : memref<256xi32, #tpu.memory_space<vmem>>, vector<16xi32>,
    %swap3A_594 = arith.constant 64 : index
    %swap3A_595 = tpu.vector_load %arg11[%swap3A_594] {strides = array<i32>} : memref<256xi32, #tpu.memory_space<vmem>>, vector<16xi32>,
    tpu.vector_store %arg11[%swap3A_594], %broadcast_in_dim3A_1 {strides = array<i32>} : memref<256xi32, #tpu.memory_space<vmem>>, vector<16xi32>,
    %swap3A_596 = arith.constant 80 : index
    %swap3A_597 = tpu.vector_load %arg11[%swap3A_596] {strides = array<i32>} : memref<256xi32, #tpu.memory_space<vmem>>, vector<16xi32>,
    tpu.vector_store %arg11[%swap3A_596], %broadcast_in_dim3A_1 {strides = array<i32>} : memref<256xi32, #tpu.memory_space<vmem>>, vector<16xi32>,
    %swap3A_598 = arith.constant 96 : index
    %swap3A_599 = tpu.vector_load %arg11[%swap3A_598] {strides = array<i32>} : memref<256xi32, #tpu.memory_space<vmem>>, vector<16xi32>,
    tpu.vector_store %arg11[%swap3A_598], %broadcast_in_dim3A_1 {strides = array<i32>} : memref<256xi32, #tpu.memory_space<vmem>>, vector<16xi32>,
    %swap3A_600 = arith.constant 112 : index
    %swap3A_601 = tpu.vector_load %arg11[%swap3A_600] {strides = array<i32>} : memref<256xi32, #tpu.memory_space<vmem>>, vector<16xi32>,
    tpu.vector_store %arg11[%swap3A_600], %broadcast_in_dim3A_1 {strides = array<i32>} : memref<256xi32, #tpu.memory_space<vmem>>, vector<16xi32>,
    %swap3A_602 = arith.constant 128 : index
    %swap3A_603 = tpu.vector_load %arg11[%swap3A_602] {strides = array<i32>} : memref<256xi32, #tpu.memory_space<vmem>>, vector<16xi32>,
    tpu.vector_store %arg11[%swap3A_602], %broadcast_in_dim3A_1 {strides = array<i32>} : memref<256xi32, #tpu.memory_space<vmem>>, vector<16xi32>,
    %swap3A_604 = arith.constant 144 : index
    %swap3A_605 = tpu.vector_load %arg11[%swap3A_604] {strides = array<i32>} : memref<256xi32, #tpu.memory_space<vmem>>, vector<16xi32>,
    tpu.vector_store %arg11[%swap3A_604], %broadcast_in_dim3A_1 {strides = array<i32>} : memref<256xi32, #tpu.memory_space<vmem>>, vector<16xi32>,
    %swap3A_606 = arith.constant 160 : index
    %swap3A_607 = tpu.vector_load %arg11[%swap3A_606] {strides = array<i32>} : memref<256xi32, #tpu.memory_space<vmem>>, vector<16xi32>,
    tpu.vector_store %arg11[%swap3A_606], %broadcast_in_dim3A_1 {strides = array<i32>} : memref<256xi32, #tpu.memory_space<vmem>>, vector<16xi32>,
    %swap3A_608 = arith.constant 176 : index
    %swap3A_609 = tpu.vector_load %arg11[%swap3A_608] {strides = array<i32>} : memref<256xi32, #tpu.memory_space<vmem>>, vector<16xi32>,
    tpu.vector_store %arg11[%swap3A_608], %broadcast_in_dim3A_1 {strides = array<i32>} : memref<256xi32, #tpu.memory_space<vmem>>, vector<16xi32>,
    %swap3A_610 = arith.constant 192 : index
    %swap3A_611 = tpu.vector_load %arg11[%swap3A_610] {strides = array<i32>} : memref<256xi32, #tpu.memory_space<vmem>>, vector<16xi32>,
    tpu.vector_store %arg11[%swap3A_610], %broadcast_in_dim3A_1 {strides = array<i32>} : memref<256xi32, #tpu.memory_space<vmem>>, vector<16xi32>,
    %swap3A_612 = arith.constant 208 : index
    %swap3A_613 = tpu.vector_load %arg11[%swap3A_612] {strides = array<i32>} : memref<256xi32, #tpu.memory_space<vmem>>, vector<16xi32>,
    tpu.vector_store %arg11[%swap3A_612], %broadcast_in_dim3A_1 {strides = array<i32>} : memref<256xi32, #tpu.memory_space<vmem>>, vector<16xi32>,
    %swap3A_614 = arith.constant 224 : index
    %swap3A_615 = tpu.vector_load %arg11[%swap3A_614] {strides = array<i32>} : memref<256xi32, #tpu.memory_space<vmem>>, vector<16xi32>,
    tpu.vector_store %arg11[%swap3A_614], %broadcast_in_dim3A_1 {strides = array<i32>} : memref<256xi32, #tpu.memory_space<vmem>>, vector<16xi32>,
    %swap3A_616 = arith.constant 240 : index
    %swap3A_617 = tpu.vector_load %arg11[%swap3A_616] {strides = array<i32>} : memref<256xi32, #tpu.memory_space<vmem>>, vector<16xi32>,
    tpu.vector_store %arg11[%swap3A_616], %broadcast_in_dim3A_1 {strides = array<i32>} : memref<256xi32, #tpu.memory_space<vmem>>, vector<16xi32>,
    %scan3A_618 = arith.constant 0 : i32
    %scan3A_619 = arith.constant 0 : i32
    %scan3A_620 = arith.constant 64 : i32
    %scan3A_621 = arith.addi %scan3A_619, %scan3A_620 : i32
    %scan3A_622 = arith.constant 1 : i32
    %scan3A_623 = scf.for %scan3A_2385 = %scan3A_619 to %scan3A_621 step %scan3A_622 iter_args(%scan3A_2386 = %scan3A_618) -> (i32)  : i32 {
      %mul3A_2387 = arith.constant 16 : i32
      %mul3A_2388 = arith.muli %scan3A_2385, %mul3A_2387 : i32
      %get3A_2389 = arith.index_cast %mul3A_2388 : i32 to index
      %get3A_2390 = tpu.vector_load %arg5[%get3A_2389] {strides = array<i32>} : memref<1024xi32, #tpu.memory_space<vmem>>, vector<16xi32>,
      %shift_right_arithmetic3A_2391 = arith.constant 16 : i32
      %shift_right_arithmetic3A_2392 = vector.broadcast %shift_right_arithmetic3A_2391 : i32 to vector<16xi32>
      %shift_right_arithmetic3A_2393 = arith.shrsi %get3A_2390, %shift_right_arithmetic3A_2392 : vector<16xi32>
      %and3A_2394 = arith.constant 255 : i32
      %and3A_2395 = vector.broadcast %and3A_2394 : i32 to vector<16xi32>
      %and3A_2396 = arith.andi %shift_right_arithmetic3A_2393, %and3A_2395 : vector<16xi32>
      %broadcast_in_dim3A_2397 = arith.constant true
      %broadcast_in_dim3A_2398 = vector.broadcast %broadcast_in_dim3A_2397 : i1 to vector<16xi1>
      %unique3A, %unique3A_2399 = tpu.scan_count mask(%broadcast_in_dim3A_2398 : vector<16xi1>) value(%and3A_2396 : vector<16xi32>) : vector<16xi1>, vector<16xi32>
      tpu.vector_store_idx %arg11[%and3A_2396], %unique3A_2399 masked %unique3A {add = true} : memref<256xi32, #tpu.memory_space<vmem>>[vector<16xi32>], vector<16xi32>, vector<16xi1>
      %scan3A_2400 = arith.constant 0 : i32
      scf.yield %scan3A_2400 : i32
    }
    %scan3A_624 = arith.constant 64 : i32
    %get3A_625 = arith.constant 0 : index
    %get3A_626 = tpu.vector_load %arg11[%get3A_625] {strides = array<i32>} : memref<256xi32, #tpu.memory_space<vmem>>, vector<16xi32>,
    %broadcast_in_dim3A_627 = arith.constant true
    %broadcast_in_dim3A_628 = vector.broadcast %broadcast_in_dim3A_627 : i1 to vector<16xi1>
    %masked_cumsum3A_629 = tpu.scan <sum>, %get3A_626 masked %broadcast_in_dim3A_628 : vector<16xi32>, vector<16xi1> -> vector<16xi32>
    %sub3A_630 = arith.subi %masked_cumsum3A_629, %get3A_626 : vector<16xi32>
    %add3A_631 = arith.constant 0 : i32
    %add3A_632 = vector.broadcast %add3A_631 : i32 to vector<16xi32>
    %add3A_633 = arith.addi %sub3A_630, %add3A_632 : vector<16xi32>
    %swap3A_634 = arith.constant 0 : index
    %swap3A_635 = tpu.vector_load %arg12[%swap3A_634] {strides = array<i32>} : memref<256xi32, #tpu.memory_space<vmem>>, vector<16xi32>,
    tpu.vector_store %arg12[%swap3A_634], %add3A_633 {strides = array<i32>} : memref<256xi32, #tpu.memory_space<vmem>>, vector<16xi32>,
    %reduce_sum3A_636 = arith.constant true
    %reduce_sum3A_637 = vector.broadcast %reduce_sum3A_636 : i1 to vector<16xi1>
    %reduce_sum3A_638 = tpu.scan <sum>, %get3A_626 masked %reduce_sum3A_637 : vector<16xi32>, vector<16xi1> -> vector<16xi32>
    %reduce_sum3A_639 = vector.extract %reduce_sum3A_638[15] : i32 from vector<16xi32>
    %add3A_640 = arith.constant 0 : i32
    %add3A_641 = arith.addi %add3A_640, %reduce_sum3A_639 : i32
    %get3A_642 = arith.constant 16 : index
    %get3A_643 = tpu.vector_load %arg11[%get3A_642] {strides = array<i32>} : memref<256xi32, #tpu.memory_space<vmem>>, vector<16xi32>,
    %broadcast_in_dim3A_644 = arith.constant true
    %broadcast_in_dim3A_645 = vector.broadcast %broadcast_in_dim3A_644 : i1 to vector<16xi1>
    %masked_cumsum3A_646 = tpu.scan <sum>, %get3A_643 masked %broadcast_in_dim3A_645 : vector<16xi32>, vector<16xi1> -> vector<16xi32>
    %sub3A_647 = arith.subi %masked_cumsum3A_646, %get3A_643 : vector<16xi32>
    %add3A_648 = vector.broadcast %add3A_641 : i32 to vector<16xi32>
    %add3A_649 = arith.addi %sub3A_647, %add3A_648 : vector<16xi32>
    %swap3A_650 = arith.constant 16 : index
    %swap3A_651 = tpu.vector_load %arg12[%swap3A_650] {strides = array<i32>} : memref<256xi32, #tpu.memory_space<vmem>>, vector<16xi32>,
    tpu.vector_store %arg12[%swap3A_650], %add3A_649 {strides = array<i32>} : memref<256xi32, #tpu.memory_space<vmem>>, vector<16xi32>,
    %reduce_sum3A_652 = arith.constant true
    %reduce_sum3A_653 = vector.broadcast %reduce_sum3A_652 : i1 to vector<16xi1>
    %reduce_sum3A_654 = tpu.scan <sum>, %get3A_643 masked %reduce_sum3A_653 : vector<16xi32>, vector<16xi1> -> vector<16xi32>
    %reduce_sum3A_655 = vector.extract %reduce_sum3A_654[15] : i32 from vector<16xi32>
    %add3A_656 = arith.addi %add3A_641, %reduce_sum3A_655 : i32
    %get3A_657 = arith.constant 32 : index
    %get3A_658 = tpu.vector_load %arg11[%get3A_657] {strides = array<i32>} : memref<256xi32, #tpu.memory_space<vmem>>, vector<16xi32>,
    %broadcast_in_dim3A_659 = arith.constant true
    %broadcast_in_dim3A_660 = vector.broadcast %broadcast_in_dim3A_659 : i1 to vector<16xi1>
    %masked_cumsum3A_661 = tpu.scan <sum>, %get3A_658 masked %broadcast_in_dim3A_660 : vector<16xi32>, vector<16xi1> -> vector<16xi32>
    %sub3A_662 = arith.subi %masked_cumsum3A_661, %get3A_658 : vector<16xi32>
    %add3A_663 = vector.broadcast %add3A_656 : i32 to vector<16xi32>
    %add3A_664 = arith.addi %sub3A_662, %add3A_663 : vector<16xi32>
    %swap3A_665 = arith.constant 32 : index
    %swap3A_666 = tpu.vector_load %arg12[%swap3A_665] {strides = array<i32>} : memref<256xi32, #tpu.memory_space<vmem>>, vector<16xi32>,
    tpu.vector_store %arg12[%swap3A_665], %add3A_664 {strides = array<i32>} : memref<256xi32, #tpu.memory_space<vmem>>, vector<16xi32>,
    %reduce_sum3A_667 = arith.constant true
    %reduce_sum3A_668 = vector.broadcast %reduce_sum3A_667 : i1 to vector<16xi1>
    %reduce_sum3A_669 = tpu.scan <sum>, %get3A_658 masked %reduce_sum3A_668 : vector<16xi32>, vector<16xi1> -> vector<16xi32>
    %reduce_sum3A_670 = vector.extract %reduce_sum3A_669[15] : i32 from vector<16xi32>
    %add3A_671 = arith.addi %add3A_656, %reduce_sum3A_670 : i32
    %get3A_672 = arith.constant 48 : index
    %get3A_673 = tpu.vector_load %arg11[%get3A_672] {strides = array<i32>} : memref<256xi32, #tpu.memory_space<vmem>>, vector<16xi32>,
    %broadcast_in_dim3A_674 = arith.constant true
    %broadcast_in_dim3A_675 = vector.broadcast %broadcast_in_dim3A_674 : i1 to vector<16xi1>
    %masked_cumsum3A_676 = tpu.scan <sum>, %get3A_673 masked %broadcast_in_dim3A_675 : vector<16xi32>, vector<16xi1> -> vector<16xi32>
    %sub3A_677 = arith.subi %masked_cumsum3A_676, %get3A_673 : vector<16xi32>
    %add3A_678 = vector.broadcast %add3A_671 : i32 to vector<16xi32>
    %add3A_679 = arith.addi %sub3A_677, %add3A_678 : vector<16xi32>
    %swap3A_680 = arith.constant 48 : index
    %swap3A_681 = tpu.vector_load %arg12[%swap3A_680] {strides = array<i32>} : memref<256xi32, #tpu.memory_space<vmem>>, vector<16xi32>,
    tpu.vector_store %arg12[%swap3A_680], %add3A_679 {strides = array<i32>} : memref<256xi32, #tpu.memory_space<vmem>>, vector<16xi32>,
    %reduce_sum3A_682 = arith.constant true
    %reduce_sum3A_683 = vector.broadcast %reduce_sum3A_682 : i1 to vector<16xi1>
    %reduce_sum3A_684 = tpu.scan <sum>, %get3A_673 masked %reduce_sum3A_683 : vector<16xi32>, vector<16xi1> -> vector<16xi32>
    %reduce_sum3A_685 = vector.extract %reduce_sum3A_684[15] : i32 from vector<16xi32>
    %add3A_686 = arith.addi %add3A_671, %reduce_sum3A_685 : i32
    %get3A_687 = arith.constant 64 : index
    %get3A_688 = tpu.vector_load %arg11[%get3A_687] {strides = array<i32>} : memref<256xi32, #tpu.memory_space<vmem>>, vector<16xi32>,
    %broadcast_in_dim3A_689 = arith.constant true
    %broadcast_in_dim3A_690 = vector.broadcast %broadcast_in_dim3A_689 : i1 to vector<16xi1>
    %masked_cumsum3A_691 = tpu.scan <sum>, %get3A_688 masked %broadcast_in_dim3A_690 : vector<16xi32>, vector<16xi1> -> vector<16xi32>
    %sub3A_692 = arith.subi %masked_cumsum3A_691, %get3A_688 : vector<16xi32>
    %add3A_693 = vector.broadcast %add3A_686 : i32 to vector<16xi32>
    %add3A_694 = arith.addi %sub3A_692, %add3A_693 : vector<16xi32>
    %swap3A_695 = arith.constant 64 : index
    %swap3A_696 = tpu.vector_load %arg12[%swap3A_695] {strides = array<i32>} : memref<256xi32, #tpu.memory_space<vmem>>, vector<16xi32>,
    tpu.vector_store %arg12[%swap3A_695], %add3A_694 {strides = array<i32>} : memref<256xi32, #tpu.memory_space<vmem>>, vector<16xi32>,
    %reduce_sum3A_697 = arith.constant true
    %reduce_sum3A_698 = vector.broadcast %reduce_sum3A_697 : i1 to vector<16xi1>
    %reduce_sum3A_699 = tpu.scan <sum>, %get3A_688 masked %reduce_sum3A_698 : vector<16xi32>, vector<16xi1> -> vector<16xi32>
    %reduce_sum3A_700 = vector.extract %reduce_sum3A_699[15] : i32 from vector<16xi32>
    %add3A_701 = arith.addi %add3A_686, %reduce_sum3A_700 : i32
    %get3A_702 = arith.constant 80 : index
    %get3A_703 = tpu.vector_load %arg11[%get3A_702] {strides = array<i32>} : memref<256xi32, #tpu.memory_space<vmem>>, vector<16xi32>,
    %broadcast_in_dim3A_704 = arith.constant true
    %broadcast_in_dim3A_705 = vector.broadcast %broadcast_in_dim3A_704 : i1 to vector<16xi1>
    %masked_cumsum3A_706 = tpu.scan <sum>, %get3A_703 masked %broadcast_in_dim3A_705 : vector<16xi32>, vector<16xi1> -> vector<16xi32>
    %sub3A_707 = arith.subi %masked_cumsum3A_706, %get3A_703 : vector<16xi32>
    %add3A_708 = vector.broadcast %add3A_701 : i32 to vector<16xi32>
    %add3A_709 = arith.addi %sub3A_707, %add3A_708 : vector<16xi32>
    %swap3A_710 = arith.constant 80 : index
    %swap3A_711 = tpu.vector_load %arg12[%swap3A_710] {strides = array<i32>} : memref<256xi32, #tpu.memory_space<vmem>>, vector<16xi32>,
    tpu.vector_store %arg12[%swap3A_710], %add3A_709 {strides = array<i32>} : memref<256xi32, #tpu.memory_space<vmem>>, vector<16xi32>,
    %reduce_sum3A_712 = arith.constant true
    %reduce_sum3A_713 = vector.broadcast %reduce_sum3A_712 : i1 to vector<16xi1>
    %reduce_sum3A_714 = tpu.scan <sum>, %get3A_703 masked %reduce_sum3A_713 : vector<16xi32>, vector<16xi1> -> vector<16xi32>
    %reduce_sum3A_715 = vector.extract %reduce_sum3A_714[15] : i32 from vector<16xi32>
    %add3A_716 = arith.addi %add3A_701, %reduce_sum3A_715 : i32
    %get3A_717 = arith.constant 96 : index
    %get3A_718 = tpu.vector_load %arg11[%get3A_717] {strides = array<i32>} : memref<256xi32, #tpu.memory_space<vmem>>, vector<16xi32>,
    %broadcast_in_dim3A_719 = arith.constant true
    %broadcast_in_dim3A_720 = vector.broadcast %broadcast_in_dim3A_719 : i1 to vector<16xi1>
    %masked_cumsum3A_721 = tpu.scan <sum>, %get3A_718 masked %broadcast_in_dim3A_720 : vector<16xi32>, vector<16xi1> -> vector<16xi32>
    %sub3A_722 = arith.subi %masked_cumsum3A_721, %get3A_718 : vector<16xi32>
    %add3A_723 = vector.broadcast %add3A_716 : i32 to vector<16xi32>
    %add3A_724 = arith.addi %sub3A_722, %add3A_723 : vector<16xi32>
    %swap3A_725 = arith.constant 96 : index
    %swap3A_726 = tpu.vector_load %arg12[%swap3A_725] {strides = array<i32>} : memref<256xi32, #tpu.memory_space<vmem>>, vector<16xi32>,
    tpu.vector_store %arg12[%swap3A_725], %add3A_724 {strides = array<i32>} : memref<256xi32, #tpu.memory_space<vmem>>, vector<16xi32>,
    %reduce_sum3A_727 = arith.constant true
    %reduce_sum3A_728 = vector.broadcast %reduce_sum3A_727 : i1 to vector<16xi1>
    %reduce_sum3A_729 = tpu.scan <sum>, %get3A_718 masked %reduce_sum3A_728 : vector<16xi32>, vector<16xi1> -> vector<16xi32>
    %reduce_sum3A_730 = vector.extract %reduce_sum3A_729[15] : i32 from vector<16xi32>
    %add3A_731 = arith.addi %add3A_716, %reduce_sum3A_730 : i32
    %get3A_732 = arith.constant 112 : index
    %get3A_733 = tpu.vector_load %arg11[%get3A_732] {strides = array<i32>} : memref<256xi32, #tpu.memory_space<vmem>>, vector<16xi32>,
    %broadcast_in_dim3A_734 = arith.constant true
    %broadcast_in_dim3A_735 = vector.broadcast %broadcast_in_dim3A_734 : i1 to vector<16xi1>
    %masked_cumsum3A_736 = tpu.scan <sum>, %get3A_733 masked %broadcast_in_dim3A_735 : vector<16xi32>, vector<16xi1> -> vector<16xi32>
    %sub3A_737 = arith.subi %masked_cumsum3A_736, %get3A_733 : vector<16xi32>
    %add3A_738 = vector.broadcast %add3A_731 : i32 to vector<16xi32>
    %add3A_739 = arith.addi %sub3A_737, %add3A_738 : vector<16xi32>
    %swap3A_740 = arith.constant 112 : index
    %swap3A_741 = tpu.vector_load %arg12[%swap3A_740] {strides = array<i32>} : memref<256xi32, #tpu.memory_space<vmem>>, vector<16xi32>,
    tpu.vector_store %arg12[%swap3A_740], %add3A_739 {strides = array<i32>} : memref<256xi32, #tpu.memory_space<vmem>>, vector<16xi32>,
    %reduce_sum3A_742 = arith.constant true
    %reduce_sum3A_743 = vector.broadcast %reduce_sum3A_742 : i1 to vector<16xi1>
    %reduce_sum3A_744 = tpu.scan <sum>, %get3A_733 masked %reduce_sum3A_743 : vector<16xi32>, vector<16xi1> -> vector<16xi32>
    %reduce_sum3A_745 = vector.extract %reduce_sum3A_744[15] : i32 from vector<16xi32>
    %add3A_746 = arith.addi %add3A_731, %reduce_sum3A_745 : i32
    %get3A_747 = arith.constant 128 : index
    %get3A_748 = tpu.vector_load %arg11[%get3A_747] {strides = array<i32>} : memref<256xi32, #tpu.memory_space<vmem>>, vector<16xi32>,
    %broadcast_in_dim3A_749 = arith.constant true
    %broadcast_in_dim3A_750 = vector.broadcast %broadcast_in_dim3A_749 : i1 to vector<16xi1>
    %masked_cumsum3A_751 = tpu.scan <sum>, %get3A_748 masked %broadcast_in_dim3A_750 : vector<16xi32>, vector<16xi1> -> vector<16xi32>
    %sub3A_752 = arith.subi %masked_cumsum3A_751, %get3A_748 : vector<16xi32>
    %add3A_753 = vector.broadcast %add3A_746 : i32 to vector<16xi32>
    %add3A_754 = arith.addi %sub3A_752, %add3A_753 : vector<16xi32>
    %swap3A_755 = arith.constant 128 : index
    %swap3A_756 = tpu.vector_load %arg12[%swap3A_755] {strides = array<i32>} : memref<256xi32, #tpu.memory_space<vmem>>, vector<16xi32>,
    tpu.vector_store %arg12[%swap3A_755], %add3A_754 {strides = array<i32>} : memref<256xi32, #tpu.memory_space<vmem>>, vector<16xi32>,
    %reduce_sum3A_757 = arith.constant true
    %reduce_sum3A_758 = vector.broadcast %reduce_sum3A_757 : i1 to vector<16xi1>
    %reduce_sum3A_759 = tpu.scan <sum>, %get3A_748 masked %reduce_sum3A_758 : vector<16xi32>, vector<16xi1> -> vector<16xi32>
    %reduce_sum3A_760 = vector.extract %reduce_sum3A_759[15] : i32 from vector<16xi32>
    %add3A_761 = arith.addi %add3A_746, %reduce_sum3A_760 : i32
    %get3A_762 = arith.constant 144 : index
    %get3A_763 = tpu.vector_load %arg11[%get3A_762] {strides = array<i32>} : memref<256xi32, #tpu.memory_space<vmem>>, vector<16xi32>,
    %broadcast_in_dim3A_764 = arith.constant true
    %broadcast_in_dim3A_765 = vector.broadcast %broadcast_in_dim3A_764 : i1 to vector<16xi1>
    %masked_cumsum3A_766 = tpu.scan <sum>, %get3A_763 masked %broadcast_in_dim3A_765 : vector<16xi32>, vector<16xi1> -> vector<16xi32>
    %sub3A_767 = arith.subi %masked_cumsum3A_766, %get3A_763 : vector<16xi32>
    %add3A_768 = vector.broadcast %add3A_761 : i32 to vector<16xi32>
    %add3A_769 = arith.addi %sub3A_767, %add3A_768 : vector<16xi32>
    %swap3A_770 = arith.constant 144 : index
    %swap3A_771 = tpu.vector_load %arg12[%swap3A_770] {strides = array<i32>} : memref<256xi32, #tpu.memory_space<vmem>>, vector<16xi32>,
    tpu.vector_store %arg12[%swap3A_770], %add3A_769 {strides = array<i32>} : memref<256xi32, #tpu.memory_space<vmem>>, vector<16xi32>,
    %reduce_sum3A_772 = arith.constant true
    %reduce_sum3A_773 = vector.broadcast %reduce_sum3A_772 : i1 to vector<16xi1>
    %reduce_sum3A_774 = tpu.scan <sum>, %get3A_763 masked %reduce_sum3A_773 : vector<16xi32>, vector<16xi1> -> vector<16xi32>
    %reduce_sum3A_775 = vector.extract %reduce_sum3A_774[15] : i32 from vector<16xi32>
    %add3A_776 = arith.addi %add3A_761, %reduce_sum3A_775 : i32
    %get3A_777 = arith.constant 160 : index
    %get3A_778 = tpu.vector_load %arg11[%get3A_777] {strides = array<i32>} : memref<256xi32, #tpu.memory_space<vmem>>, vector<16xi32>,
    %broadcast_in_dim3A_779 = arith.constant true
    %broadcast_in_dim3A_780 = vector.broadcast %broadcast_in_dim3A_779 : i1 to vector<16xi1>
    %masked_cumsum3A_781 = tpu.scan <sum>, %get3A_778 masked %broadcast_in_dim3A_780 : vector<16xi32>, vector<16xi1> -> vector<16xi32>
    %sub3A_782 = arith.subi %masked_cumsum3A_781, %get3A_778 : vector<16xi32>
    %add3A_783 = vector.broadcast %add3A_776 : i32 to vector<16xi32>
    %add3A_784 = arith.addi %sub3A_782, %add3A_783 : vector<16xi32>
    %swap3A_785 = arith.constant 160 : index
    %swap3A_786 = tpu.vector_load %arg12[%swap3A_785] {strides = array<i32>} : memref<256xi32, #tpu.memory_space<vmem>>, vector<16xi32>,
    tpu.vector_store %arg12[%swap3A_785], %add3A_784 {strides = array<i32>} : memref<256xi32, #tpu.memory_space<vmem>>, vector<16xi32>,
    %reduce_sum3A_787 = arith.constant true
    %reduce_sum3A_788 = vector.broadcast %reduce_sum3A_787 : i1 to vector<16xi1>
    %reduce_sum3A_789 = tpu.scan <sum>, %get3A_778 masked %reduce_sum3A_788 : vector<16xi32>, vector<16xi1> -> vector<16xi32>
    %reduce_sum3A_790 = vector.extract %reduce_sum3A_789[15] : i32 from vector<16xi32>
    %add3A_791 = arith.addi %add3A_776, %reduce_sum3A_790 : i32
    %get3A_792 = arith.constant 176 : index
    %get3A_793 = tpu.vector_load %arg11[%get3A_792] {strides = array<i32>} : memref<256xi32, #tpu.memory_space<vmem>>, vector<16xi32>,
    %broadcast_in_dim3A_794 = arith.constant true
    %broadcast_in_dim3A_795 = vector.broadcast %broadcast_in_dim3A_794 : i1 to vector<16xi1>
    %masked_cumsum3A_796 = tpu.scan <sum>, %get3A_793 masked %broadcast_in_dim3A_795 : vector<16xi32>, vector<16xi1> -> vector<16xi32>
    %sub3A_797 = arith.subi %masked_cumsum3A_796, %get3A_793 : vector<16xi32>
    %add3A_798 = vector.broadcast %add3A_791 : i32 to vector<16xi32>
    %add3A_799 = arith.addi %sub3A_797, %add3A_798 : vector<16xi32>
    %swap3A_800 = arith.constant 176 : index
    %swap3A_801 = tpu.vector_load %arg12[%swap3A_800] {strides = array<i32>} : memref<256xi32, #tpu.memory_space<vmem>>, vector<16xi32>,
    tpu.vector_store %arg12[%swap3A_800], %add3A_799 {strides = array<i32>} : memref<256xi32, #tpu.memory_space<vmem>>, vector<16xi32>,
    %reduce_sum3A_802 = arith.constant true
    %reduce_sum3A_803 = vector.broadcast %reduce_sum3A_802 : i1 to vector<16xi1>
    %reduce_sum3A_804 = tpu.scan <sum>, %get3A_793 masked %reduce_sum3A_803 : vector<16xi32>, vector<16xi1> -> vector<16xi32>
    %reduce_sum3A_805 = vector.extract %reduce_sum3A_804[15] : i32 from vector<16xi32>
    %add3A_806 = arith.addi %add3A_791, %reduce_sum3A_805 : i32
    %get3A_807 = arith.constant 192 : index
    %get3A_808 = tpu.vector_load %arg11[%get3A_807] {strides = array<i32>} : memref<256xi32, #tpu.memory_space<vmem>>, vector<16xi32>,
    %broadcast_in_dim3A_809 = arith.constant true
    %broadcast_in_dim3A_810 = vector.broadcast %broadcast_in_dim3A_809 : i1 to vector<16xi1>
    %masked_cumsum3A_811 = tpu.scan <sum>, %get3A_808 masked %broadcast_in_dim3A_810 : vector<16xi32>, vector<16xi1> -> vector<16xi32>
    %sub3A_812 = arith.subi %masked_cumsum3A_811, %get3A_808 : vector<16xi32>
    %add3A_813 = vector.broadcast %add3A_806 : i32 to vector<16xi32>
    %add3A_814 = arith.addi %sub3A_812, %add3A_813 : vector<16xi32>
    %swap3A_815 = arith.constant 192 : index
    %swap3A_816 = tpu.vector_load %arg12[%swap3A_815] {strides = array<i32>} : memref<256xi32, #tpu.memory_space<vmem>>, vector<16xi32>,
    tpu.vector_store %arg12[%swap3A_815], %add3A_814 {strides = array<i32>} : memref<256xi32, #tpu.memory_space<vmem>>, vector<16xi32>,
    %reduce_sum3A_817 = arith.constant true
    %reduce_sum3A_818 = vector.broadcast %reduce_sum3A_817 : i1 to vector<16xi1>
    %reduce_sum3A_819 = tpu.scan <sum>, %get3A_808 masked %reduce_sum3A_818 : vector<16xi32>, vector<16xi1> -> vector<16xi32>
    %reduce_sum3A_820 = vector.extract %reduce_sum3A_819[15] : i32 from vector<16xi32>
    %add3A_821 = arith.addi %add3A_806, %reduce_sum3A_820 : i32
    %get3A_822 = arith.constant 208 : index
    %get3A_823 = tpu.vector_load %arg11[%get3A_822] {strides = array<i32>} : memref<256xi32, #tpu.memory_space<vmem>>, vector<16xi32>,
    %broadcast_in_dim3A_824 = arith.constant true
    %broadcast_in_dim3A_825 = vector.broadcast %broadcast_in_dim3A_824 : i1 to vector<16xi1>
    %masked_cumsum3A_826 = tpu.scan <sum>, %get3A_823 masked %broadcast_in_dim3A_825 : vector<16xi32>, vector<16xi1> -> vector<16xi32>
    %sub3A_827 = arith.subi %masked_cumsum3A_826, %get3A_823 : vector<16xi32>
    %add3A_828 = vector.broadcast %add3A_821 : i32 to vector<16xi32>
    %add3A_829 = arith.addi %sub3A_827, %add3A_828 : vector<16xi32>
    %swap3A_830 = arith.constant 208 : index
    %swap3A_831 = tpu.vector_load %arg12[%swap3A_830] {strides = array<i32>} : memref<256xi32, #tpu.memory_space<vmem>>, vector<16xi32>,
    tpu.vector_store %arg12[%swap3A_830], %add3A_829 {strides = array<i32>} : memref<256xi32, #tpu.memory_space<vmem>>, vector<16xi32>,
    %reduce_sum3A_832 = arith.constant true
    %reduce_sum3A_833 = vector.broadcast %reduce_sum3A_832 : i1 to vector<16xi1>
    %reduce_sum3A_834 = tpu.scan <sum>, %get3A_823 masked %reduce_sum3A_833 : vector<16xi32>, vector<16xi1> -> vector<16xi32>
    %reduce_sum3A_835 = vector.extract %reduce_sum3A_834[15] : i32 from vector<16xi32>
    %add3A_836 = arith.addi %add3A_821, %reduce_sum3A_835 : i32
    %get3A_837 = arith.constant 224 : index
    %get3A_838 = tpu.vector_load %arg11[%get3A_837] {strides = array<i32>} : memref<256xi32, #tpu.memory_space<vmem>>, vector<16xi32>,
    %broadcast_in_dim3A_839 = arith.constant true
    %broadcast_in_dim3A_840 = vector.broadcast %broadcast_in_dim3A_839 : i1 to vector<16xi1>
    %masked_cumsum3A_841 = tpu.scan <sum>, %get3A_838 masked %broadcast_in_dim3A_840 : vector<16xi32>, vector<16xi1> -> vector<16xi32>
    %sub3A_842 = arith.subi %masked_cumsum3A_841, %get3A_838 : vector<16xi32>
    %add3A_843 = vector.broadcast %add3A_836 : i32 to vector<16xi32>
    %add3A_844 = arith.addi %sub3A_842, %add3A_843 : vector<16xi32>
    %swap3A_845 = arith.constant 224 : index
    %swap3A_846 = tpu.vector_load %arg12[%swap3A_845] {strides = array<i32>} : memref<256xi32, #tpu.memory_space<vmem>>, vector<16xi32>,
    tpu.vector_store %arg12[%swap3A_845], %add3A_844 {strides = array<i32>} : memref<256xi32, #tpu.memory_space<vmem>>, vector<16xi32>,
    %reduce_sum3A_847 = arith.constant true
    %reduce_sum3A_848 = vector.broadcast %reduce_sum3A_847 : i1 to vector<16xi1>
    %reduce_sum3A_849 = tpu.scan <sum>, %get3A_838 masked %reduce_sum3A_848 : vector<16xi32>, vector<16xi1> -> vector<16xi32>
    %reduce_sum3A_850 = vector.extract %reduce_sum3A_849[15] : i32 from vector<16xi32>
    %add3A_851 = arith.addi %add3A_836, %reduce_sum3A_850 : i32
    %get3A_852 = arith.constant 240 : index
    %get3A_853 = tpu.vector_load %arg11[%get3A_852] {strides = array<i32>} : memref<256xi32, #tpu.memory_space<vmem>>, vector<16xi32>,
    %broadcast_in_dim3A_854 = arith.constant true
    %broadcast_in_dim3A_855 = vector.broadcast %broadcast_in_dim3A_854 : i1 to vector<16xi1>
    %masked_cumsum3A_856 = tpu.scan <sum>, %get3A_853 masked %broadcast_in_dim3A_855 : vector<16xi32>, vector<16xi1> -> vector<16xi32>
    %sub3A_857 = arith.subi %masked_cumsum3A_856, %get3A_853 : vector<16xi32>
    %add3A_858 = vector.broadcast %add3A_851 : i32 to vector<16xi32>
    %add3A_859 = arith.addi %sub3A_857, %add3A_858 : vector<16xi32>
    %swap3A_860 = arith.constant 240 : index
    %swap3A_861 = tpu.vector_load %arg12[%swap3A_860] {strides = array<i32>} : memref<256xi32, #tpu.memory_space<vmem>>, vector<16xi32>,
    tpu.vector_store %arg12[%swap3A_860], %add3A_859 {strides = array<i32>} : memref<256xi32, #tpu.memory_space<vmem>>, vector<16xi32>,
    %reduce_sum3A_862 = arith.constant true
    %reduce_sum3A_863 = vector.broadcast %reduce_sum3A_862 : i1 to vector<16xi1>
    %reduce_sum3A_864 = tpu.scan <sum>, %get3A_853 masked %reduce_sum3A_863 : vector<16xi32>, vector<16xi1> -> vector<16xi32>
    %reduce_sum3A_865 = vector.extract %reduce_sum3A_864[15] : i32 from vector<16xi32>
    %add3A_866 = arith.addi %add3A_851, %reduce_sum3A_865 : i32
    %scan3A_867 = arith.constant 0 : i32
    %scan3A_868 = arith.constant 0 : i32
    %scan3A_869 = arith.constant 64 : i32
    %scan3A_870 = arith.addi %scan3A_868, %scan3A_869 : i32
    %scan3A_871 = arith.constant 1 : i32
    %scan3A_872 = scf.for %scan3A_2385 = %scan3A_868 to %scan3A_870 step %scan3A_871 iter_args(%scan3A_2386 = %scan3A_867) -> (i32)  : i32 {
      %mul3A_2387 = arith.constant 16 : i32
      %mul3A_2388 = arith.muli %scan3A_2385, %mul3A_2387 : i32
      %get3A_2389 = arith.index_cast %mul3A_2388 : i32 to index
      %get3A_2390 = tpu.vector_load %arg5[%get3A_2389] {strides = array<i32>} : memref<1024xi32, #tpu.memory_space<vmem>>, vector<16xi32>,
      %mul3A_2391 = arith.constant 16 : i32
      %mul3A_2392 = arith.muli %scan3A_2385, %mul3A_2391 : i32
      %get3A_2393 = arith.index_cast %mul3A_2392 : i32 to index
      %get3A_2394 = tpu.vector_load %arg6[%get3A_2393] {strides = array<i32>} : memref<1024xi32, #tpu.memory_space<vmem>>, vector<16xi32>,
      %shift_right_arithmetic3A_2395 = arith.constant 16 : i32
      %shift_right_arithmetic3A_2396 = vector.broadcast %shift_right_arithmetic3A_2395 : i32 to vector<16xi32>
      %shift_right_arithmetic3A_2397 = arith.shrsi %get3A_2390, %shift_right_arithmetic3A_2396 : vector<16xi32>
      %and3A_2398 = arith.constant 255 : i32
      %and3A_2399 = vector.broadcast %and3A_2398 : i32 to vector<16xi32>
      %and3A_2400 = arith.andi %shift_right_arithmetic3A_2397, %and3A_2399 : vector<16xi32>
      %broadcast_in_dim3A_2401 = arith.constant true
      %broadcast_in_dim3A_2402 = vector.broadcast %broadcast_in_dim3A_2401 : i1 to vector<16xi1>
      %unique3A, %unique3A_2403 = tpu.scan_count mask(%broadcast_in_dim3A_2402 : vector<16xi1>) value(%and3A_2400 : vector<16xi32>) : vector<16xi1>, vector<16xi32>
      %gather3A = tpu.vector_load_idx %arg12[%and3A_2400] : memref<256xi32, #tpu.memory_space<vmem>>[vector<16xi32>], vector<16xi32>,
      %add3A_2404 = arith.addi %gather3A, %unique3A_2403 : vector<16xi32>
      %sub3A_2405 = arith.constant 1 : i32
      %sub3A_2406 = vector.broadcast %sub3A_2405 : i32 to vector<16xi32>
      %sub3A_2407 = arith.subi %add3A_2404, %sub3A_2406 : vector<16xi32>
      tpu.vector_store_idx %arg7[%sub3A_2407], %get3A_2390 : memref<1024xi32, #tpu.memory_space<vmem>>[vector<16xi32>], vector<16xi32>,
      tpu.vector_store_idx %arg8[%sub3A_2407], %get3A_2394 : memref<1024xi32, #tpu.memory_space<vmem>>[vector<16xi32>], vector<16xi32>,
      %add3A_2408 = arith.constant 1 : i32
      %add3A_2409 = vector.broadcast %add3A_2408 : i32 to vector<16xi32>
      %add3A_2410 = arith.addi %sub3A_2407, %add3A_2409 : vector<16xi32>
      tpu.vector_store_idx %arg12[%and3A_2400], %add3A_2410 masked %unique3A : memref<256xi32, #tpu.memory_space<vmem>>[vector<16xi32>], vector<16xi32>, vector<16xi1>
      %scan3A_2411 = arith.constant 0 : i32
      scf.yield %scan3A_2411 : i32
    }
    %scan3A_873 = arith.constant 64 : i32
    %swap3A_874 = arith.constant 0 : index
    %swap3A_875 = tpu.vector_load %arg11[%swap3A_874] {strides = array<i32>} : memref<256xi32, #tpu.memory_space<vmem>>, vector<16xi32>,
    tpu.vector_store %arg11[%swap3A_874], %broadcast_in_dim3A_1 {strides = array<i32>} : memref<256xi32, #tpu.memory_space<vmem>>, vector<16xi32>,
    %swap3A_876 = arith.constant 16 : index
    %swap3A_877 = tpu.vector_load %arg11[%swap3A_876] {strides = array<i32>} : memref<256xi32, #tpu.memory_space<vmem>>, vector<16xi32>,
    tpu.vector_store %arg11[%swap3A_876], %broadcast_in_dim3A_1 {strides = array<i32>} : memref<256xi32, #tpu.memory_space<vmem>>, vector<16xi32>,
    %swap3A_878 = arith.constant 32 : index
    %swap3A_879 = tpu.vector_load %arg11[%swap3A_878] {strides = array<i32>} : memref<256xi32, #tpu.memory_space<vmem>>, vector<16xi32>,
    tpu.vector_store %arg11[%swap3A_878], %broadcast_in_dim3A_1 {strides = array<i32>} : memref<256xi32, #tpu.memory_space<vmem>>, vector<16xi32>,
    %swap3A_880 = arith.constant 48 : index
    %swap3A_881 = tpu.vector_load %arg11[%swap3A_880] {strides = array<i32>} : memref<256xi32, #tpu.memory_space<vmem>>, vector<16xi32>,
    tpu.vector_store %arg11[%swap3A_880], %broadcast_in_dim3A_1 {strides = array<i32>} : memref<256xi32, #tpu.memory_space<vmem>>, vector<16xi32>,
    %swap3A_882 = arith.constant 64 : index
    %swap3A_883 = tpu.vector_load %arg11[%swap3A_882] {strides = array<i32>} : memref<256xi32, #tpu.memory_space<vmem>>, vector<16xi32>,
    tpu.vector_store %arg11[%swap3A_882], %broadcast_in_dim3A_1 {strides = array<i32>} : memref<256xi32, #tpu.memory_space<vmem>>, vector<16xi32>,
    %swap3A_884 = arith.constant 80 : index
    %swap3A_885 = tpu.vector_load %arg11[%swap3A_884] {strides = array<i32>} : memref<256xi32, #tpu.memory_space<vmem>>, vector<16xi32>,
    tpu.vector_store %arg11[%swap3A_884], %broadcast_in_dim3A_1 {strides = array<i32>} : memref<256xi32, #tpu.memory_space<vmem>>, vector<16xi32>,
    %swap3A_886 = arith.constant 96 : index
    %swap3A_887 = tpu.vector_load %arg11[%swap3A_886] {strides = array<i32>} : memref<256xi32, #tpu.memory_space<vmem>>, vector<16xi32>,
    tpu.vector_store %arg11[%swap3A_886], %broadcast_in_dim3A_1 {strides = array<i32>} : memref<256xi32, #tpu.memory_space<vmem>>, vector<16xi32>,
    %swap3A_888 = arith.constant 112 : index
    %swap3A_889 = tpu.vector_load %arg11[%swap3A_888] {strides = array<i32>} : memref<256xi32, #tpu.memory_space<vmem>>, vector<16xi32>,
    tpu.vector_store %arg11[%swap3A_888], %broadcast_in_dim3A_1 {strides = array<i32>} : memref<256xi32, #tpu.memory_space<vmem>>, vector<16xi32>,
    %swap3A_890 = arith.constant 128 : index
    %swap3A_891 = tpu.vector_load %arg11[%swap3A_890] {strides = array<i32>} : memref<256xi32, #tpu.memory_space<vmem>>, vector<16xi32>,
    tpu.vector_store %arg11[%swap3A_890], %broadcast_in_dim3A_1 {strides = array<i32>} : memref<256xi32, #tpu.memory_space<vmem>>, vector<16xi32>,
    %swap3A_892 = arith.constant 144 : index
    %swap3A_893 = tpu.vector_load %arg11[%swap3A_892] {strides = array<i32>} : memref<256xi32, #tpu.memory_space<vmem>>, vector<16xi32>,
    tpu.vector_store %arg11[%swap3A_892], %broadcast_in_dim3A_1 {strides = array<i32>} : memref<256xi32, #tpu.memory_space<vmem>>, vector<16xi32>,
    %swap3A_894 = arith.constant 160 : index
    %swap3A_895 = tpu.vector_load %arg11[%swap3A_894] {strides = array<i32>} : memref<256xi32, #tpu.memory_space<vmem>>, vector<16xi32>,
    tpu.vector_store %arg11[%swap3A_894], %broadcast_in_dim3A_1 {strides = array<i32>} : memref<256xi32, #tpu.memory_space<vmem>>, vector<16xi32>,
    %swap3A_896 = arith.constant 176 : index
    %swap3A_897 = tpu.vector_load %arg11[%swap3A_896] {strides = array<i32>} : memref<256xi32, #tpu.memory_space<vmem>>, vector<16xi32>,
    tpu.vector_store %arg11[%swap3A_896], %broadcast_in_dim3A_1 {strides = array<i32>} : memref<256xi32, #tpu.memory_space<vmem>>, vector<16xi32>,
    %swap3A_898 = arith.constant 192 : index
    %swap3A_899 = tpu.vector_load %arg11[%swap3A_898] {strides = array<i32>} : memref<256xi32, #tpu.memory_space<vmem>>, vector<16xi32>,
    tpu.vector_store %arg11[%swap3A_898], %broadcast_in_dim3A_1 {strides = array<i32>} : memref<256xi32, #tpu.memory_space<vmem>>, vector<16xi32>,
    %swap3A_900 = arith.constant 208 : index
    %swap3A_901 = tpu.vector_load %arg11[%swap3A_900] {strides = array<i32>} : memref<256xi32, #tpu.memory_space<vmem>>, vector<16xi32>,
    tpu.vector_store %arg11[%swap3A_900], %broadcast_in_dim3A_1 {strides = array<i32>} : memref<256xi32, #tpu.memory_space<vmem>>, vector<16xi32>,
    %swap3A_902 = arith.constant 224 : index
    %swap3A_903 = tpu.vector_load %arg11[%swap3A_902] {strides = array<i32>} : memref<256xi32, #tpu.memory_space<vmem>>, vector<16xi32>,
    tpu.vector_store %arg11[%swap3A_902], %broadcast_in_dim3A_1 {strides = array<i32>} : memref<256xi32, #tpu.memory_space<vmem>>, vector<16xi32>,
    %swap3A_904 = arith.constant 240 : index
    %swap3A_905 = tpu.vector_load %arg11[%swap3A_904] {strides = array<i32>} : memref<256xi32, #tpu.memory_space<vmem>>, vector<16xi32>,
    tpu.vector_store %arg11[%swap3A_904], %broadcast_in_dim3A_1 {strides = array<i32>} : memref<256xi32, #tpu.memory_space<vmem>>, vector<16xi32>,
    %scan3A_906 = arith.constant 0 : i32
    %scan3A_907 = arith.constant 0 : i32
    %scan3A_908 = arith.constant 64 : i32
    %scan3A_909 = arith.addi %scan3A_907, %scan3A_908 : i32
    %scan3A_910 = arith.constant 1 : i32
    %scan3A_911 = scf.for %scan3A_2385 = %scan3A_907 to %scan3A_909 step %scan3A_910 iter_args(%scan3A_2386 = %scan3A_906) -> (i32)  : i32 {
      %mul3A_2387 = arith.constant 16 : i32
      %mul3A_2388 = arith.muli %scan3A_2385, %mul3A_2387 : i32
      %get3A_2389 = arith.index_cast %mul3A_2388 : i32 to index
      %get3A_2390 = tpu.vector_load %arg7[%get3A_2389] {strides = array<i32>} : memref<1024xi32, #tpu.memory_space<vmem>>, vector<16xi32>,
      %shift_right_arithmetic3A_2391 = arith.constant 24 : i32
      %shift_right_arithmetic3A_2392 = vector.broadcast %shift_right_arithmetic3A_2391 : i32 to vector<16xi32>
      %shift_right_arithmetic3A_2393 = arith.shrsi %get3A_2390, %shift_right_arithmetic3A_2392 : vector<16xi32>
      %and3A_2394 = arith.constant 255 : i32
      %and3A_2395 = vector.broadcast %and3A_2394 : i32 to vector<16xi32>
      %and3A_2396 = arith.andi %shift_right_arithmetic3A_2393, %and3A_2395 : vector<16xi32>
      %broadcast_in_dim3A_2397 = arith.constant true
      %broadcast_in_dim3A_2398 = vector.broadcast %broadcast_in_dim3A_2397 : i1 to vector<16xi1>
      %unique3A, %unique3A_2399 = tpu.scan_count mask(%broadcast_in_dim3A_2398 : vector<16xi1>) value(%and3A_2396 : vector<16xi32>) : vector<16xi1>, vector<16xi32>
      tpu.vector_store_idx %arg11[%and3A_2396], %unique3A_2399 masked %unique3A {add = true} : memref<256xi32, #tpu.memory_space<vmem>>[vector<16xi32>], vector<16xi32>, vector<16xi1>
      %scan3A_2400 = arith.constant 0 : i32
      scf.yield %scan3A_2400 : i32
    }
    %scan3A_912 = arith.constant 64 : i32
    %get3A_913 = arith.constant 0 : index
    %get3A_914 = tpu.vector_load %arg11[%get3A_913] {strides = array<i32>} : memref<256xi32, #tpu.memory_space<vmem>>, vector<16xi32>,
    %broadcast_in_dim3A_915 = arith.constant true
    %broadcast_in_dim3A_916 = vector.broadcast %broadcast_in_dim3A_915 : i1 to vector<16xi1>
    %masked_cumsum3A_917 = tpu.scan <sum>, %get3A_914 masked %broadcast_in_dim3A_916 : vector<16xi32>, vector<16xi1> -> vector<16xi32>
    %sub3A_918 = arith.subi %masked_cumsum3A_917, %get3A_914 : vector<16xi32>
    %add3A_919 = arith.constant 0 : i32
    %add3A_920 = vector.broadcast %add3A_919 : i32 to vector<16xi32>
    %add3A_921 = arith.addi %sub3A_918, %add3A_920 : vector<16xi32>
    %swap3A_922 = arith.constant 0 : index
    %swap3A_923 = tpu.vector_load %arg12[%swap3A_922] {strides = array<i32>} : memref<256xi32, #tpu.memory_space<vmem>>, vector<16xi32>,
    tpu.vector_store %arg12[%swap3A_922], %add3A_921 {strides = array<i32>} : memref<256xi32, #tpu.memory_space<vmem>>, vector<16xi32>,
    %reduce_sum3A_924 = arith.constant true
    %reduce_sum3A_925 = vector.broadcast %reduce_sum3A_924 : i1 to vector<16xi1>
    %reduce_sum3A_926 = tpu.scan <sum>, %get3A_914 masked %reduce_sum3A_925 : vector<16xi32>, vector<16xi1> -> vector<16xi32>
    %reduce_sum3A_927 = vector.extract %reduce_sum3A_926[15] : i32 from vector<16xi32>
    %add3A_928 = arith.constant 0 : i32
    %add3A_929 = arith.addi %add3A_928, %reduce_sum3A_927 : i32
    %get3A_930 = arith.constant 16 : index
    %get3A_931 = tpu.vector_load %arg11[%get3A_930] {strides = array<i32>} : memref<256xi32, #tpu.memory_space<vmem>>, vector<16xi32>,
    %broadcast_in_dim3A_932 = arith.constant true
    %broadcast_in_dim3A_933 = vector.broadcast %broadcast_in_dim3A_932 : i1 to vector<16xi1>
    %masked_cumsum3A_934 = tpu.scan <sum>, %get3A_931 masked %broadcast_in_dim3A_933 : vector<16xi32>, vector<16xi1> -> vector<16xi32>
    %sub3A_935 = arith.subi %masked_cumsum3A_934, %get3A_931 : vector<16xi32>
    %add3A_936 = vector.broadcast %add3A_929 : i32 to vector<16xi32>
    %add3A_937 = arith.addi %sub3A_935, %add3A_936 : vector<16xi32>
    %swap3A_938 = arith.constant 16 : index
    %swap3A_939 = tpu.vector_load %arg12[%swap3A_938] {strides = array<i32>} : memref<256xi32, #tpu.memory_space<vmem>>, vector<16xi32>,
    tpu.vector_store %arg12[%swap3A_938], %add3A_937 {strides = array<i32>} : memref<256xi32, #tpu.memory_space<vmem>>, vector<16xi32>,
    %reduce_sum3A_940 = arith.constant true
    %reduce_sum3A_941 = vector.broadcast %reduce_sum3A_940 : i1 to vector<16xi1>
    %reduce_sum3A_942 = tpu.scan <sum>, %get3A_931 masked %reduce_sum3A_941 : vector<16xi32>, vector<16xi1> -> vector<16xi32>
    %reduce_sum3A_943 = vector.extract %reduce_sum3A_942[15] : i32 from vector<16xi32>
    %add3A_944 = arith.addi %add3A_929, %reduce_sum3A_943 : i32
    %get3A_945 = arith.constant 32 : index
    %get3A_946 = tpu.vector_load %arg11[%get3A_945] {strides = array<i32>} : memref<256xi32, #tpu.memory_space<vmem>>, vector<16xi32>,
    %broadcast_in_dim3A_947 = arith.constant true
    %broadcast_in_dim3A_948 = vector.broadcast %broadcast_in_dim3A_947 : i1 to vector<16xi1>
    %masked_cumsum3A_949 = tpu.scan <sum>, %get3A_946 masked %broadcast_in_dim3A_948 : vector<16xi32>, vector<16xi1> -> vector<16xi32>
    %sub3A_950 = arith.subi %masked_cumsum3A_949, %get3A_946 : vector<16xi32>
    %add3A_951 = vector.broadcast %add3A_944 : i32 to vector<16xi32>
    %add3A_952 = arith.addi %sub3A_950, %add3A_951 : vector<16xi32>
    %swap3A_953 = arith.constant 32 : index
    %swap3A_954 = tpu.vector_load %arg12[%swap3A_953] {strides = array<i32>} : memref<256xi32, #tpu.memory_space<vmem>>, vector<16xi32>,
    tpu.vector_store %arg12[%swap3A_953], %add3A_952 {strides = array<i32>} : memref<256xi32, #tpu.memory_space<vmem>>, vector<16xi32>,
    %reduce_sum3A_955 = arith.constant true
    %reduce_sum3A_956 = vector.broadcast %reduce_sum3A_955 : i1 to vector<16xi1>
    %reduce_sum3A_957 = tpu.scan <sum>, %get3A_946 masked %reduce_sum3A_956 : vector<16xi32>, vector<16xi1> -> vector<16xi32>
    %reduce_sum3A_958 = vector.extract %reduce_sum3A_957[15] : i32 from vector<16xi32>
    %add3A_959 = arith.addi %add3A_944, %reduce_sum3A_958 : i32
    %get3A_960 = arith.constant 48 : index
    %get3A_961 = tpu.vector_load %arg11[%get3A_960] {strides = array<i32>} : memref<256xi32, #tpu.memory_space<vmem>>, vector<16xi32>,
    %broadcast_in_dim3A_962 = arith.constant true
    %broadcast_in_dim3A_963 = vector.broadcast %broadcast_in_dim3A_962 : i1 to vector<16xi1>
    %masked_cumsum3A_964 = tpu.scan <sum>, %get3A_961 masked %broadcast_in_dim3A_963 : vector<16xi32>, vector<16xi1> -> vector<16xi32>
    %sub3A_965 = arith.subi %masked_cumsum3A_964, %get3A_961 : vector<16xi32>
    %add3A_966 = vector.broadcast %add3A_959 : i32 to vector<16xi32>
    %add3A_967 = arith.addi %sub3A_965, %add3A_966 : vector<16xi32>
    %swap3A_968 = arith.constant 48 : index
    %swap3A_969 = tpu.vector_load %arg12[%swap3A_968] {strides = array<i32>} : memref<256xi32, #tpu.memory_space<vmem>>, vector<16xi32>,
    tpu.vector_store %arg12[%swap3A_968], %add3A_967 {strides = array<i32>} : memref<256xi32, #tpu.memory_space<vmem>>, vector<16xi32>,
    %reduce_sum3A_970 = arith.constant true
    %reduce_sum3A_971 = vector.broadcast %reduce_sum3A_970 : i1 to vector<16xi1>
    %reduce_sum3A_972 = tpu.scan <sum>, %get3A_961 masked %reduce_sum3A_971 : vector<16xi32>, vector<16xi1> -> vector<16xi32>
    %reduce_sum3A_973 = vector.extract %reduce_sum3A_972[15] : i32 from vector<16xi32>
    %add3A_974 = arith.addi %add3A_959, %reduce_sum3A_973 : i32
    %get3A_975 = arith.constant 64 : index
    %get3A_976 = tpu.vector_load %arg11[%get3A_975] {strides = array<i32>} : memref<256xi32, #tpu.memory_space<vmem>>, vector<16xi32>,
    %broadcast_in_dim3A_977 = arith.constant true
    %broadcast_in_dim3A_978 = vector.broadcast %broadcast_in_dim3A_977 : i1 to vector<16xi1>
    %masked_cumsum3A_979 = tpu.scan <sum>, %get3A_976 masked %broadcast_in_dim3A_978 : vector<16xi32>, vector<16xi1> -> vector<16xi32>
    %sub3A_980 = arith.subi %masked_cumsum3A_979, %get3A_976 : vector<16xi32>
    %add3A_981 = vector.broadcast %add3A_974 : i32 to vector<16xi32>
    %add3A_982 = arith.addi %sub3A_980, %add3A_981 : vector<16xi32>
    %swap3A_983 = arith.constant 64 : index
    %swap3A_984 = tpu.vector_load %arg12[%swap3A_983] {strides = array<i32>} : memref<256xi32, #tpu.memory_space<vmem>>, vector<16xi32>,
    tpu.vector_store %arg12[%swap3A_983], %add3A_982 {strides = array<i32>} : memref<256xi32, #tpu.memory_space<vmem>>, vector<16xi32>,
    %reduce_sum3A_985 = arith.constant true
    %reduce_sum3A_986 = vector.broadcast %reduce_sum3A_985 : i1 to vector<16xi1>
    %reduce_sum3A_987 = tpu.scan <sum>, %get3A_976 masked %reduce_sum3A_986 : vector<16xi32>, vector<16xi1> -> vector<16xi32>
    %reduce_sum3A_988 = vector.extract %reduce_sum3A_987[15] : i32 from vector<16xi32>
    %add3A_989 = arith.addi %add3A_974, %reduce_sum3A_988 : i32
    %get3A_990 = arith.constant 80 : index
    %get3A_991 = tpu.vector_load %arg11[%get3A_990] {strides = array<i32>} : memref<256xi32, #tpu.memory_space<vmem>>, vector<16xi32>,
    %broadcast_in_dim3A_992 = arith.constant true
    %broadcast_in_dim3A_993 = vector.broadcast %broadcast_in_dim3A_992 : i1 to vector<16xi1>
    %masked_cumsum3A_994 = tpu.scan <sum>, %get3A_991 masked %broadcast_in_dim3A_993 : vector<16xi32>, vector<16xi1> -> vector<16xi32>
    %sub3A_995 = arith.subi %masked_cumsum3A_994, %get3A_991 : vector<16xi32>
    %add3A_996 = vector.broadcast %add3A_989 : i32 to vector<16xi32>
    %add3A_997 = arith.addi %sub3A_995, %add3A_996 : vector<16xi32>
    %swap3A_998 = arith.constant 80 : index
    %swap3A_999 = tpu.vector_load %arg12[%swap3A_998] {strides = array<i32>} : memref<256xi32, #tpu.memory_space<vmem>>, vector<16xi32>,
    tpu.vector_store %arg12[%swap3A_998], %add3A_997 {strides = array<i32>} : memref<256xi32, #tpu.memory_space<vmem>>, vector<16xi32>,
    %reduce_sum3A_1000 = arith.constant true
    %reduce_sum3A_1001 = vector.broadcast %reduce_sum3A_1000 : i1 to vector<16xi1>
    %reduce_sum3A_1002 = tpu.scan <sum>, %get3A_991 masked %reduce_sum3A_1001 : vector<16xi32>, vector<16xi1> -> vector<16xi32>
    %reduce_sum3A_1003 = vector.extract %reduce_sum3A_1002[15] : i32 from vector<16xi32>
    %add3A_1004 = arith.addi %add3A_989, %reduce_sum3A_1003 : i32
    %get3A_1005 = arith.constant 96 : index
    %get3A_1006 = tpu.vector_load %arg11[%get3A_1005] {strides = array<i32>} : memref<256xi32, #tpu.memory_space<vmem>>, vector<16xi32>,
    %broadcast_in_dim3A_1007 = arith.constant true
    %broadcast_in_dim3A_1008 = vector.broadcast %broadcast_in_dim3A_1007 : i1 to vector<16xi1>
    %masked_cumsum3A_1009 = tpu.scan <sum>, %get3A_1006 masked %broadcast_in_dim3A_1008 : vector<16xi32>, vector<16xi1> -> vector<16xi32>
    %sub3A_1010 = arith.subi %masked_cumsum3A_1009, %get3A_1006 : vector<16xi32>
    %add3A_1011 = vector.broadcast %add3A_1004 : i32 to vector<16xi32>
    %add3A_1012 = arith.addi %sub3A_1010, %add3A_1011 : vector<16xi32>
    %swap3A_1013 = arith.constant 96 : index
    %swap3A_1014 = tpu.vector_load %arg12[%swap3A_1013] {strides = array<i32>} : memref<256xi32, #tpu.memory_space<vmem>>, vector<16xi32>,
    tpu.vector_store %arg12[%swap3A_1013], %add3A_1012 {strides = array<i32>} : memref<256xi32, #tpu.memory_space<vmem>>, vector<16xi32>,
    %reduce_sum3A_1015 = arith.constant true
    %reduce_sum3A_1016 = vector.broadcast %reduce_sum3A_1015 : i1 to vector<16xi1>
    %reduce_sum3A_1017 = tpu.scan <sum>, %get3A_1006 masked %reduce_sum3A_1016 : vector<16xi32>, vector<16xi1> -> vector<16xi32>
    %reduce_sum3A_1018 = vector.extract %reduce_sum3A_1017[15] : i32 from vector<16xi32>
    %add3A_1019 = arith.addi %add3A_1004, %reduce_sum3A_1018 : i32
    %get3A_1020 = arith.constant 112 : index
    %get3A_1021 = tpu.vector_load %arg11[%get3A_1020] {strides = array<i32>} : memref<256xi32, #tpu.memory_space<vmem>>, vector<16xi32>,
    %broadcast_in_dim3A_1022 = arith.constant true
    %broadcast_in_dim3A_1023 = vector.broadcast %broadcast_in_dim3A_1022 : i1 to vector<16xi1>
    %masked_cumsum3A_1024 = tpu.scan <sum>, %get3A_1021 masked %broadcast_in_dim3A_1023 : vector<16xi32>, vector<16xi1> -> vector<16xi32>
    %sub3A_1025 = arith.subi %masked_cumsum3A_1024, %get3A_1021 : vector<16xi32>
    %add3A_1026 = vector.broadcast %add3A_1019 : i32 to vector<16xi32>
    %add3A_1027 = arith.addi %sub3A_1025, %add3A_1026 : vector<16xi32>
    %swap3A_1028 = arith.constant 112 : index
    %swap3A_1029 = tpu.vector_load %arg12[%swap3A_1028] {strides = array<i32>} : memref<256xi32, #tpu.memory_space<vmem>>, vector<16xi32>,
    tpu.vector_store %arg12[%swap3A_1028], %add3A_1027 {strides = array<i32>} : memref<256xi32, #tpu.memory_space<vmem>>, vector<16xi32>,
    %reduce_sum3A_1030 = arith.constant true
    %reduce_sum3A_1031 = vector.broadcast %reduce_sum3A_1030 : i1 to vector<16xi1>
    %reduce_sum3A_1032 = tpu.scan <sum>, %get3A_1021 masked %reduce_sum3A_1031 : vector<16xi32>, vector<16xi1> -> vector<16xi32>
    %reduce_sum3A_1033 = vector.extract %reduce_sum3A_1032[15] : i32 from vector<16xi32>
    %add3A_1034 = arith.addi %add3A_1019, %reduce_sum3A_1033 : i32
    %get3A_1035 = arith.constant 128 : index
    %get3A_1036 = tpu.vector_load %arg11[%get3A_1035] {strides = array<i32>} : memref<256xi32, #tpu.memory_space<vmem>>, vector<16xi32>,
    %broadcast_in_dim3A_1037 = arith.constant true
    %broadcast_in_dim3A_1038 = vector.broadcast %broadcast_in_dim3A_1037 : i1 to vector<16xi1>
    %masked_cumsum3A_1039 = tpu.scan <sum>, %get3A_1036 masked %broadcast_in_dim3A_1038 : vector<16xi32>, vector<16xi1> -> vector<16xi32>
    %sub3A_1040 = arith.subi %masked_cumsum3A_1039, %get3A_1036 : vector<16xi32>
    %add3A_1041 = vector.broadcast %add3A_1034 : i32 to vector<16xi32>
    %add3A_1042 = arith.addi %sub3A_1040, %add3A_1041 : vector<16xi32>
    %swap3A_1043 = arith.constant 128 : index
    %swap3A_1044 = tpu.vector_load %arg12[%swap3A_1043] {strides = array<i32>} : memref<256xi32, #tpu.memory_space<vmem>>, vector<16xi32>,
    tpu.vector_store %arg12[%swap3A_1043], %add3A_1042 {strides = array<i32>} : memref<256xi32, #tpu.memory_space<vmem>>, vector<16xi32>,
    %reduce_sum3A_1045 = arith.constant true
    %reduce_sum3A_1046 = vector.broadcast %reduce_sum3A_1045 : i1 to vector<16xi1>
    %reduce_sum3A_1047 = tpu.scan <sum>, %get3A_1036 masked %reduce_sum3A_1046 : vector<16xi32>, vector<16xi1> -> vector<16xi32>
    %reduce_sum3A_1048 = vector.extract %reduce_sum3A_1047[15] : i32 from vector<16xi32>
    %add3A_1049 = arith.addi %add3A_1034, %reduce_sum3A_1048 : i32
    %get3A_1050 = arith.constant 144 : index
    %get3A_1051 = tpu.vector_load %arg11[%get3A_1050] {strides = array<i32>} : memref<256xi32, #tpu.memory_space<vmem>>, vector<16xi32>,
    %broadcast_in_dim3A_1052 = arith.constant true
    %broadcast_in_dim3A_1053 = vector.broadcast %broadcast_in_dim3A_1052 : i1 to vector<16xi1>
    %masked_cumsum3A_1054 = tpu.scan <sum>, %get3A_1051 masked %broadcast_in_dim3A_1053 : vector<16xi32>, vector<16xi1> -> vector<16xi32>
    %sub3A_1055 = arith.subi %masked_cumsum3A_1054, %get3A_1051 : vector<16xi32>
    %add3A_1056 = vector.broadcast %add3A_1049 : i32 to vector<16xi32>
    %add3A_1057 = arith.addi %sub3A_1055, %add3A_1056 : vector<16xi32>
    %swap3A_1058 = arith.constant 144 : index
    %swap3A_1059 = tpu.vector_load %arg12[%swap3A_1058] {strides = array<i32>} : memref<256xi32, #tpu.memory_space<vmem>>, vector<16xi32>,
    tpu.vector_store %arg12[%swap3A_1058], %add3A_1057 {strides = array<i32>} : memref<256xi32, #tpu.memory_space<vmem>>, vector<16xi32>,
    %reduce_sum3A_1060 = arith.constant true
    %reduce_sum3A_1061 = vector.broadcast %reduce_sum3A_1060 : i1 to vector<16xi1>
    %reduce_sum3A_1062 = tpu.scan <sum>, %get3A_1051 masked %reduce_sum3A_1061 : vector<16xi32>, vector<16xi1> -> vector<16xi32>
    %reduce_sum3A_1063 = vector.extract %reduce_sum3A_1062[15] : i32 from vector<16xi32>
    %add3A_1064 = arith.addi %add3A_1049, %reduce_sum3A_1063 : i32
    %get3A_1065 = arith.constant 160 : index
    %get3A_1066 = tpu.vector_load %arg11[%get3A_1065] {strides = array<i32>} : memref<256xi32, #tpu.memory_space<vmem>>, vector<16xi32>,
    %broadcast_in_dim3A_1067 = arith.constant true
    %broadcast_in_dim3A_1068 = vector.broadcast %broadcast_in_dim3A_1067 : i1 to vector<16xi1>
    %masked_cumsum3A_1069 = tpu.scan <sum>, %get3A_1066 masked %broadcast_in_dim3A_1068 : vector<16xi32>, vector<16xi1> -> vector<16xi32>
    %sub3A_1070 = arith.subi %masked_cumsum3A_1069, %get3A_1066 : vector<16xi32>
    %add3A_1071 = vector.broadcast %add3A_1064 : i32 to vector<16xi32>
    %add3A_1072 = arith.addi %sub3A_1070, %add3A_1071 : vector<16xi32>
    %swap3A_1073 = arith.constant 160 : index
    %swap3A_1074 = tpu.vector_load %arg12[%swap3A_1073] {strides = array<i32>} : memref<256xi32, #tpu.memory_space<vmem>>, vector<16xi32>,
    tpu.vector_store %arg12[%swap3A_1073], %add3A_1072 {strides = array<i32>} : memref<256xi32, #tpu.memory_space<vmem>>, vector<16xi32>,
    %reduce_sum3A_1075 = arith.constant true
    %reduce_sum3A_1076 = vector.broadcast %reduce_sum3A_1075 : i1 to vector<16xi1>
    %reduce_sum3A_1077 = tpu.scan <sum>, %get3A_1066 masked %reduce_sum3A_1076 : vector<16xi32>, vector<16xi1> -> vector<16xi32>
    %reduce_sum3A_1078 = vector.extract %reduce_sum3A_1077[15] : i32 from vector<16xi32>
    %add3A_1079 = arith.addi %add3A_1064, %reduce_sum3A_1078 : i32
    %get3A_1080 = arith.constant 176 : index
    %get3A_1081 = tpu.vector_load %arg11[%get3A_1080] {strides = array<i32>} : memref<256xi32, #tpu.memory_space<vmem>>, vector<16xi32>,
    %broadcast_in_dim3A_1082 = arith.constant true
    %broadcast_in_dim3A_1083 = vector.broadcast %broadcast_in_dim3A_1082 : i1 to vector<16xi1>
    %masked_cumsum3A_1084 = tpu.scan <sum>, %get3A_1081 masked %broadcast_in_dim3A_1083 : vector<16xi32>, vector<16xi1> -> vector<16xi32>
    %sub3A_1085 = arith.subi %masked_cumsum3A_1084, %get3A_1081 : vector<16xi32>
    %add3A_1086 = vector.broadcast %add3A_1079 : i32 to vector<16xi32>
    %add3A_1087 = arith.addi %sub3A_1085, %add3A_1086 : vector<16xi32>
    %swap3A_1088 = arith.constant 176 : index
    %swap3A_1089 = tpu.vector_load %arg12[%swap3A_1088] {strides = array<i32>} : memref<256xi32, #tpu.memory_space<vmem>>, vector<16xi32>,
    tpu.vector_store %arg12[%swap3A_1088], %add3A_1087 {strides = array<i32>} : memref<256xi32, #tpu.memory_space<vmem>>, vector<16xi32>,
    %reduce_sum3A_1090 = arith.constant true
    %reduce_sum3A_1091 = vector.broadcast %reduce_sum3A_1090 : i1 to vector<16xi1>
    %reduce_sum3A_1092 = tpu.scan <sum>, %get3A_1081 masked %reduce_sum3A_1091 : vector<16xi32>, vector<16xi1> -> vector<16xi32>
    %reduce_sum3A_1093 = vector.extract %reduce_sum3A_1092[15] : i32 from vector<16xi32>
    %add3A_1094 = arith.addi %add3A_1079, %reduce_sum3A_1093 : i32
    %get3A_1095 = arith.constant 192 : index
    %get3A_1096 = tpu.vector_load %arg11[%get3A_1095] {strides = array<i32>} : memref<256xi32, #tpu.memory_space<vmem>>, vector<16xi32>,
    %broadcast_in_dim3A_1097 = arith.constant true
    %broadcast_in_dim3A_1098 = vector.broadcast %broadcast_in_dim3A_1097 : i1 to vector<16xi1>
    %masked_cumsum3A_1099 = tpu.scan <sum>, %get3A_1096 masked %broadcast_in_dim3A_1098 : vector<16xi32>, vector<16xi1> -> vector<16xi32>
    %sub3A_1100 = arith.subi %masked_cumsum3A_1099, %get3A_1096 : vector<16xi32>
    %add3A_1101 = vector.broadcast %add3A_1094 : i32 to vector<16xi32>
    %add3A_1102 = arith.addi %sub3A_1100, %add3A_1101 : vector<16xi32>
    %swap3A_1103 = arith.constant 192 : index
    %swap3A_1104 = tpu.vector_load %arg12[%swap3A_1103] {strides = array<i32>} : memref<256xi32, #tpu.memory_space<vmem>>, vector<16xi32>,
    tpu.vector_store %arg12[%swap3A_1103], %add3A_1102 {strides = array<i32>} : memref<256xi32, #tpu.memory_space<vmem>>, vector<16xi32>,
    %reduce_sum3A_1105 = arith.constant true
    %reduce_sum3A_1106 = vector.broadcast %reduce_sum3A_1105 : i1 to vector<16xi1>
    %reduce_sum3A_1107 = tpu.scan <sum>, %get3A_1096 masked %reduce_sum3A_1106 : vector<16xi32>, vector<16xi1> -> vector<16xi32>
    %reduce_sum3A_1108 = vector.extract %reduce_sum3A_1107[15] : i32 from vector<16xi32>
    %add3A_1109 = arith.addi %add3A_1094, %reduce_sum3A_1108 : i32
    %get3A_1110 = arith.constant 208 : index
    %get3A_1111 = tpu.vector_load %arg11[%get3A_1110] {strides = array<i32>} : memref<256xi32, #tpu.memory_space<vmem>>, vector<16xi32>,
    %broadcast_in_dim3A_1112 = arith.constant true
    %broadcast_in_dim3A_1113 = vector.broadcast %broadcast_in_dim3A_1112 : i1 to vector<16xi1>
    %masked_cumsum3A_1114 = tpu.scan <sum>, %get3A_1111 masked %broadcast_in_dim3A_1113 : vector<16xi32>, vector<16xi1> -> vector<16xi32>
    %sub3A_1115 = arith.subi %masked_cumsum3A_1114, %get3A_1111 : vector<16xi32>
    %add3A_1116 = vector.broadcast %add3A_1109 : i32 to vector<16xi32>
    %add3A_1117 = arith.addi %sub3A_1115, %add3A_1116 : vector<16xi32>
    %swap3A_1118 = arith.constant 208 : index
    %swap3A_1119 = tpu.vector_load %arg12[%swap3A_1118] {strides = array<i32>} : memref<256xi32, #tpu.memory_space<vmem>>, vector<16xi32>,
    tpu.vector_store %arg12[%swap3A_1118], %add3A_1117 {strides = array<i32>} : memref<256xi32, #tpu.memory_space<vmem>>, vector<16xi32>,
    %reduce_sum3A_1120 = arith.constant true
    %reduce_sum3A_1121 = vector.broadcast %reduce_sum3A_1120 : i1 to vector<16xi1>
    %reduce_sum3A_1122 = tpu.scan <sum>, %get3A_1111 masked %reduce_sum3A_1121 : vector<16xi32>, vector<16xi1> -> vector<16xi32>
    %reduce_sum3A_1123 = vector.extract %reduce_sum3A_1122[15] : i32 from vector<16xi32>
    %add3A_1124 = arith.addi %add3A_1109, %reduce_sum3A_1123 : i32
    %get3A_1125 = arith.constant 224 : index
    %get3A_1126 = tpu.vector_load %arg11[%get3A_1125] {strides = array<i32>} : memref<256xi32, #tpu.memory_space<vmem>>, vector<16xi32>,
    %broadcast_in_dim3A_1127 = arith.constant true
    %broadcast_in_dim3A_1128 = vector.broadcast %broadcast_in_dim3A_1127 : i1 to vector<16xi1>
    %masked_cumsum3A_1129 = tpu.scan <sum>, %get3A_1126 masked %broadcast_in_dim3A_1128 : vector<16xi32>, vector<16xi1> -> vector<16xi32>
    %sub3A_1130 = arith.subi %masked_cumsum3A_1129, %get3A_1126 : vector<16xi32>
    %add3A_1131 = vector.broadcast %add3A_1124 : i32 to vector<16xi32>
    %add3A_1132 = arith.addi %sub3A_1130, %add3A_1131 : vector<16xi32>
    %swap3A_1133 = arith.constant 224 : index
    %swap3A_1134 = tpu.vector_load %arg12[%swap3A_1133] {strides = array<i32>} : memref<256xi32, #tpu.memory_space<vmem>>, vector<16xi32>,
    tpu.vector_store %arg12[%swap3A_1133], %add3A_1132 {strides = array<i32>} : memref<256xi32, #tpu.memory_space<vmem>>, vector<16xi32>,
    %reduce_sum3A_1135 = arith.constant true
    %reduce_sum3A_1136 = vector.broadcast %reduce_sum3A_1135 : i1 to vector<16xi1>
    %reduce_sum3A_1137 = tpu.scan <sum>, %get3A_1126 masked %reduce_sum3A_1136 : vector<16xi32>, vector<16xi1> -> vector<16xi32>
    %reduce_sum3A_1138 = vector.extract %reduce_sum3A_1137[15] : i32 from vector<16xi32>
    %add3A_1139 = arith.addi %add3A_1124, %reduce_sum3A_1138 : i32
    %get3A_1140 = arith.constant 240 : index
    %get3A_1141 = tpu.vector_load %arg11[%get3A_1140] {strides = array<i32>} : memref<256xi32, #tpu.memory_space<vmem>>, vector<16xi32>,
    %broadcast_in_dim3A_1142 = arith.constant true
    %broadcast_in_dim3A_1143 = vector.broadcast %broadcast_in_dim3A_1142 : i1 to vector<16xi1>
    %masked_cumsum3A_1144 = tpu.scan <sum>, %get3A_1141 masked %broadcast_in_dim3A_1143 : vector<16xi32>, vector<16xi1> -> vector<16xi32>
    %sub3A_1145 = arith.subi %masked_cumsum3A_1144, %get3A_1141 : vector<16xi32>
    %add3A_1146 = vector.broadcast %add3A_1139 : i32 to vector<16xi32>
    %add3A_1147 = arith.addi %sub3A_1145, %add3A_1146 : vector<16xi32>
    %swap3A_1148 = arith.constant 240 : index
    %swap3A_1149 = tpu.vector_load %arg12[%swap3A_1148] {strides = array<i32>} : memref<256xi32, #tpu.memory_space<vmem>>, vector<16xi32>,
    tpu.vector_store %arg12[%swap3A_1148], %add3A_1147 {strides = array<i32>} : memref<256xi32, #tpu.memory_space<vmem>>, vector<16xi32>,
    %reduce_sum3A_1150 = arith.constant true
    %reduce_sum3A_1151 = vector.broadcast %reduce_sum3A_1150 : i1 to vector<16xi1>
    %reduce_sum3A_1152 = tpu.scan <sum>, %get3A_1141 masked %reduce_sum3A_1151 : vector<16xi32>, vector<16xi1> -> vector<16xi32>
    %reduce_sum3A_1153 = vector.extract %reduce_sum3A_1152[15] : i32 from vector<16xi32>
    %add3A_1154 = arith.addi %add3A_1139, %reduce_sum3A_1153 : i32
    %scan3A_1155 = arith.constant 0 : i32
    %scan3A_1156 = arith.constant 0 : i32
    %scan3A_1157 = arith.constant 64 : i32
    %scan3A_1158 = arith.addi %scan3A_1156, %scan3A_1157 : i32
    %scan3A_1159 = arith.constant 1 : i32
    %scan3A_1160 = scf.for %scan3A_2385 = %scan3A_1156 to %scan3A_1158 step %scan3A_1159 iter_args(%scan3A_2386 = %scan3A_1155) -> (i32)  : i32 {
      %mul3A_2387 = arith.constant 16 : i32
      %mul3A_2388 = arith.muli %scan3A_2385, %mul3A_2387 : i32
      %get3A_2389 = arith.index_cast %mul3A_2388 : i32 to index
      %get3A_2390 = tpu.vector_load %arg7[%get3A_2389] {strides = array<i32>} : memref<1024xi32, #tpu.memory_space<vmem>>, vector<16xi32>,
      %mul3A_2391 = arith.constant 16 : i32
      %mul3A_2392 = arith.muli %scan3A_2385, %mul3A_2391 : i32
      %get3A_2393 = arith.index_cast %mul3A_2392 : i32 to index
      %get3A_2394 = tpu.vector_load %arg8[%get3A_2393] {strides = array<i32>} : memref<1024xi32, #tpu.memory_space<vmem>>, vector<16xi32>,
      %shift_right_arithmetic3A_2395 = arith.constant 24 : i32
      %shift_right_arithmetic3A_2396 = vector.broadcast %shift_right_arithmetic3A_2395 : i32 to vector<16xi32>
      %shift_right_arithmetic3A_2397 = arith.shrsi %get3A_2390, %shift_right_arithmetic3A_2396 : vector<16xi32>
      %and3A_2398 = arith.constant 255 : i32
      %and3A_2399 = vector.broadcast %and3A_2398 : i32 to vector<16xi32>
      %and3A_2400 = arith.andi %shift_right_arithmetic3A_2397, %and3A_2399 : vector<16xi32>
      %broadcast_in_dim3A_2401 = arith.constant true
      %broadcast_in_dim3A_2402 = vector.broadcast %broadcast_in_dim3A_2401 : i1 to vector<16xi1>
      %unique3A, %unique3A_2403 = tpu.scan_count mask(%broadcast_in_dim3A_2402 : vector<16xi1>) value(%and3A_2400 : vector<16xi32>) : vector<16xi1>, vector<16xi32>
      %gather3A = tpu.vector_load_idx %arg12[%and3A_2400] : memref<256xi32, #tpu.memory_space<vmem>>[vector<16xi32>], vector<16xi32>,
      %add3A_2404 = arith.addi %gather3A, %unique3A_2403 : vector<16xi32>
      %sub3A_2405 = arith.constant 1 : i32
      %sub3A_2406 = vector.broadcast %sub3A_2405 : i32 to vector<16xi32>
      %sub3A_2407 = arith.subi %add3A_2404, %sub3A_2406 : vector<16xi32>
      tpu.vector_store_idx %arg5[%sub3A_2407], %get3A_2390 : memref<1024xi32, #tpu.memory_space<vmem>>[vector<16xi32>], vector<16xi32>,
      tpu.vector_store_idx %arg6[%sub3A_2407], %get3A_2394 : memref<1024xi32, #tpu.memory_space<vmem>>[vector<16xi32>], vector<16xi32>,
      %add3A_2408 = arith.constant 1 : i32
      %add3A_2409 = vector.broadcast %add3A_2408 : i32 to vector<16xi32>
      %add3A_2410 = arith.addi %sub3A_2407, %add3A_2409 : vector<16xi32>
      tpu.vector_store_idx %arg12[%and3A_2400], %add3A_2410 masked %unique3A : memref<256xi32, #tpu.memory_space<vmem>>[vector<16xi32>], vector<16xi32>, vector<16xi1>
      %scan3A_2411 = arith.constant 0 : i32
      scf.yield %scan3A_2411 : i32
    }
    %scan3A_1161 = arith.constant 64 : i32
    %scan3A_1162 = arith.constant 0 : i32
    %scan3A_1163 = arith.constant 0 : i32
    %scan3A_1164 = arith.constant 64 : i32
    %scan3A_1165 = arith.addi %scan3A_1163, %scan3A_1164 : i32
    %scan3A_1166 = arith.constant 1 : i32
    %scan3A_1167 = scf.for %scan3A_2385 = %scan3A_1163 to %scan3A_1165 step %scan3A_1166 iter_args(%scan3A_2386 = %scan3A_1162) -> (i32)  : i32 {
      %mul3A_2387 = arith.constant 16 : i32
      %mul3A_2388 = arith.muli %scan3A_2385, %mul3A_2387 : i32
      %get3A_2389 = arith.index_cast %mul3A_2388 : i32 to index
      %get3A_2390 = tpu.vector_load %arg6[%get3A_2389] {strides = array<i32>} : memref<1024xi32, #tpu.memory_space<vmem>>, vector<16xi32>,
      %mul3A_2391 = arith.constant 2 : i32
      %mul3A_2392 = vector.broadcast %mul3A_2391 : i32 to vector<16xi32>
      %mul3A_2393 = arith.muli %get3A_2390, %mul3A_2392 : vector<16xi32>
      %gather3A = tpu.vector_load_idx %arg9[%mul3A_2393] : memref<2048xf32, #tpu.memory_space<vmem>>[vector<16xi32>], vector<16xf32>,
      %add3A_2394 = arith.constant 1 : i32
      %add3A_2395 = vector.broadcast %add3A_2394 : i32 to vector<16xi32>
      %add3A_2396 = arith.addi %mul3A_2393, %add3A_2395 : vector<16xi32>
      %gather3A_2397 = tpu.vector_load_idx %arg9[%add3A_2396] : memref<2048xf32, #tpu.memory_space<vmem>>[vector<16xi32>], vector<16xf32>,
      %jit3A = arith.constant 16 : i32
      %div3A = arith.divsi %scan3A_2385, %jit3A : i32
      %sign3A = arith.constant 0 : i32
      %sign3A_2398 = arith.cmpi sgt, %scan3A_2385, %sign3A : i32
      %sign3A_2399 = arith.extui %sign3A_2398 : i1 to i32
      %sign3A_2400 = arith.constant 0 : i32
      %sign3A_2401 = arith.cmpi slt, %scan3A_2385, %sign3A_2400 : i32
      %sign3A_2402 = arith.extui %sign3A_2401 : i1 to i32
      %sign3A_2403 = arith.subi %sign3A_2399, %sign3A_2402 : i32
      %sign3A_2404 = arith.constant 0 : i32
      %sign3A_2405 = arith.cmpi sgt, %jit3A, %sign3A_2404 : i32
      %sign3A_2406 = arith.extui %sign3A_2405 : i1 to i32
      %sign3A_2407 = arith.constant 0 : i32
      %sign3A_2408 = arith.cmpi slt, %jit3A, %sign3A_2407 : i32
      %sign3A_2409 = arith.extui %sign3A_2408 : i1 to i32
      %sign3A_2410 = arith.subi %sign3A_2406, %sign3A_2409 : i32
      %ne3A = arith.cmpi ne, %sign3A_2403, %sign3A_2410 : i32
      %rem3A = arith.remsi %scan3A_2385, %jit3A : i32
      %ne3A_2411 = arith.constant 0 : i32
      %ne3A_2412 = arith.cmpi ne, %rem3A, %ne3A_2411 : i32
      %and3A_2413 = arith.andi %ne3A, %ne3A_2412 : i1
      %sub3A_2414 = arith.constant 1 : i32
      %sub3A_2415 = arith.subi %div3A, %sub3A_2414 : i32
      %select_n3A_2416 = arith.select %and3A_2413, %sub3A_2415, %div3A : i32
      %mul3A_2417 = arith.constant 516 : i32
      %mul3A_2418 = arith.muli %select_n3A_2416, %mul3A_2417 : i32
      %jit3A_2419 = arith.constant 16 : i32
      %eq3A = arith.constant 0 : i32
      %eq3A_2420 = arith.cmpi eq, %jit3A_2419, %eq3A : i32
      %jit3A_2421 = arith.constant 1 : i32
      %select_n3A_2422 = arith.select %eq3A_2420, %jit3A_2421, %jit3A_2419 : i32
      %rem3A_2423 = arith.remsi %scan3A_2385, %select_n3A_2422 : i32
      %ne3A_2424 = arith.constant 0 : i32
      %ne3A_2425 = arith.cmpi ne, %rem3A_2423, %ne3A_2424 : i32
      %lt3A_2426 = arith.constant 0 : i32
      %lt3A_2427 = arith.cmpi slt, %rem3A_2423, %lt3A_2426 : i32
      %lt3A_2428 = arith.constant 0 : i32
      %lt3A_2429 = arith.cmpi slt, %select_n3A_2422, %lt3A_2428 : i32
      %ne3A_2430 = arith.xori %lt3A_2427, %lt3A_2429 : i1
      %and3A_2431 = arith.andi %ne3A_2430, %ne3A_2425 : i1
      %add3A_2432 = arith.addi %rem3A_2423, %select_n3A_2422 : i32
      %select_n3A_2433 = arith.select %and3A_2431, %add3A_2432, %rem3A_2423 : i32
      %mul3A_2434 = arith.constant 16 : i32
      %mul3A_2435 = arith.muli %select_n3A_2433, %mul3A_2434 : i32
      %add3A_2436 = arith.constant 1 : i32
      %add3A_2437 = arith.addi %mul3A_2435, %add3A_2436 : i32
      %mul3A_2438 = arith.constant 2 : i32
      %mul3A_2439 = arith.muli %add3A_2437, %mul3A_2438 : i32
      %add3A_2440 = arith.addi %mul3A_2418, %mul3A_2439 : i32
      %mul3A_2441 = arith.constant 2 : i32
      %mul3A_2442 = vector.broadcast %mul3A_2441 : i32 to vector<16xi32>
      %mul3A_2443 = arith.muli %iota3A, %mul3A_2442 : vector<16xi32>
      %add3A_2444 = vector.broadcast %add3A_2440 : i32 to vector<16xi32>
      %add3A_2445 = arith.addi %add3A_2444, %mul3A_2443 : vector<16xi32>
      tpu.vector_store_idx %arg10[%add3A_2445], %gather3A : memref<2064xf32, #tpu.memory_space<vmem>>[vector<16xi32>], vector<16xf32>,
      %add3A_2446 = arith.constant 1 : i32
      %add3A_2447 = vector.broadcast %add3A_2446 : i32 to vector<16xi32>
      %add3A_2448 = arith.addi %add3A_2445, %add3A_2447 : vector<16xi32>
      tpu.vector_store_idx %arg10[%add3A_2448], %gather3A_2397 : memref<2064xf32, #tpu.memory_space<vmem>>[vector<16xi32>], vector<16xf32>,
      %scan3A_2449 = arith.constant 0 : i32
      scf.yield %scan3A_2449 : i32
    }
    %scan3A_1168 = arith.constant 64 : i32
    %shift_right_arithmetic3A = arith.constant 2 : i32
    %shift_right_arithmetic3A_1169 = vector.broadcast %shift_right_arithmetic3A : i32 to vector<16xi32>
    %shift_right_arithmetic3A_1170 = arith.shrsi %iota3A, %shift_right_arithmetic3A_1169 : vector<16xi32>
    %and3A = arith.constant 3 : i32
    %and3A_1171 = vector.broadcast %and3A : i32 to vector<16xi32>
    %and3A_1172 = arith.andi %iota3A, %and3A_1171 : vector<16xi32>
    %mul3A_1173 = arith.constant 516 : i32
    %mul3A_1174 = vector.broadcast %mul3A_1173 : i32 to vector<16xi32>
    %mul3A_1175 = arith.muli %shift_right_arithmetic3A_1170, %mul3A_1174 : vector<16xi32>
    %lt3A = arith.constant 2 : i32
    %lt3A_1176 = vector.broadcast %lt3A : i32 to vector<16xi32>
    %lt3A_1177 = arith.cmpi slt, %and3A_1172, %lt3A_1176 : vector<16xi32>
    %add3A_1178 = arith.constant 512 : i32
    %add3A_1179 = vector.broadcast %add3A_1178 : i32 to vector<16xi32>
    %add3A_1180 = arith.addi %add3A_1179, %and3A_1172 : vector<16xi32>
    %select_n3A = arith.select %lt3A_1177, %and3A_1172, %add3A_1180 : vector<16xi1>, vector<16xi32>
    %add3A_1181 = arith.addi %mul3A_1175, %select_n3A : vector<16xi32>
    %broadcast_in_dim3A_1182 = arith.constant 0.000000e+00 : f32
    %broadcast_in_dim3A_1183 = vector.broadcast %broadcast_in_dim3A_1182 : f32 to vector<16xf32>
    tpu.vector_store_idx %arg10[%add3A_1181], %broadcast_in_dim3A_1183 : memref<2064xf32, #tpu.memory_space<vmem>>[vector<16xi32>], vector<16xf32>,
    %mul3A_1184 = arith.constant 4 : i32
    %mul3A_1185 = arith.muli %add3A_8, %mul3A_1184 : i32
    %mul3A_1186 = arith.constant 258 : i32
    %mul3A_1187 = arith.muli %mul3A_1185, %mul3A_1186 : i32
    %mul3A_1188 = arith.constant 2 : i32
    %mul3A_1189 = arith.muli %mul3A_1187, %mul3A_1188 : i32
    "tpu.region"() ({
      %run_scoped3A = tpu.sem_alloc : memref<!tpu.dma_semaphore, #tpu.memory_space<semaphore_mem>>
      %dma_start3A = tpu.memref_slice %arg4[%mul3A_1189] : memref<132096xf32, #tpu.memory_space<hbm>> -> memref<2064xf32, #tpu.memory_space<hbm>>
      %dma_start3A_2385 = tpu.memref_slice %arg4[%mul3A_1189] : memref<132096xf32, #tpu.memory_space<hbm>> -> memref<2064xf32, #tpu.memory_space<hbm>>
      tpu.enqueue_dma source(%arg10 : memref<2064xf32, #tpu.memory_space<vmem>>) target(%dma_start3A_2385 : memref<2064xf32, #tpu.memory_space<hbm>>) target_semaphore(%run_scoped3A : memref<!tpu.dma_semaphore, #tpu.memory_space<semaphore_mem>>)
      %dma_wait3A = tpu.memref_slice %arg4[%mul3A_1189] : memref<132096xf32, #tpu.memory_space<hbm>> -> memref<2064xf32, #tpu.memory_space<hbm>>
      %dma_wait3A_2386 = tpu.memref_slice %arg4[%mul3A_1189] : memref<132096xf32, #tpu.memory_space<hbm>> -> memref<2064xf32, #tpu.memory_space<hbm>>
      tpu.wait_dma2 semaphore(%run_scoped3A : memref<!tpu.dma_semaphore, #tpu.memory_space<semaphore_mem>>) src(%arg10 : memref<2064xf32, #tpu.memory_space<vmem>>) dst(%dma_wait3A_2386 : memref<2064xf32, #tpu.memory_space<hbm>>)
      tpu.yield
    }) : () -> ()
    %mul3A_1190 = arith.constant 2 : i32
    %mul3A_1191 = arith.muli %add3A, %mul3A_1190 : i32
    %add3A_1192 = arith.constant 1 : i32
    %add3A_1193 = arith.addi %mul3A_1191, %add3A_1192 : i32
    "tpu.region"() ({
      %run_scoped3A = tpu.sem_alloc : memref<!tpu.dma_semaphore, #tpu.memory_space<semaphore_mem>>
      %dma_start3A = arith.constant 0 : i32
      %dma_start3A_2385 = tpu.memref_slice %arg2[%add3A_1193, %dma_start3A] : memref<64x1024xi32, #tpu.memory_space<hbm>> -> memref<1x1024xi32, #tpu.memory_space<hbm>>
      %dma_start3A_2386 = tpu.memref_squeeze %dma_start3A_2385 : memref<1x1024xi32, #tpu.memory_space<hbm>> -> memref<1024xi32, #tpu.memory_space<hbm>>
      %dma_start3A_2387 = arith.constant 0 : i32
      %dma_start3A_2388 = tpu.memref_slice %arg2[%add3A_1193, %dma_start3A_2387] : memref<64x1024xi32, #tpu.memory_space<hbm>> -> memref<1x1024xi32, #tpu.memory_space<hbm>>
      %dma_start3A_2389 = tpu.memref_squeeze %dma_start3A_2388 : memref<1x1024xi32, #tpu.memory_space<hbm>> -> memref<1024xi32, #tpu.memory_space<hbm>>
      tpu.enqueue_dma source(%dma_start3A_2389 : memref<1024xi32, #tpu.memory_space<hbm>>) target(%arg5 : memref<1024xi32, #tpu.memory_space<vmem>>) target_semaphore(%run_scoped3A : memref<!tpu.dma_semaphore, #tpu.memory_space<semaphore_mem>>)
      %dma_wait3A = arith.constant 0 : i32
      %dma_wait3A_2390 = tpu.memref_slice %arg2[%add3A_1193, %dma_wait3A] : memref<64x1024xi32, #tpu.memory_space<hbm>> -> memref<1x1024xi32, #tpu.memory_space<hbm>>
      %dma_wait3A_2391 = tpu.memref_squeeze %dma_wait3A_2390 : memref<1x1024xi32, #tpu.memory_space<hbm>> -> memref<1024xi32, #tpu.memory_space<hbm>>
      %dma_wait3A_2392 = arith.constant 0 : i32
      %dma_wait3A_2393 = tpu.memref_slice %arg2[%add3A_1193, %dma_wait3A_2392] : memref<64x1024xi32, #tpu.memory_space<hbm>> -> memref<1x1024xi32, #tpu.memory_space<hbm>>
      %dma_wait3A_2394 = tpu.memref_squeeze %dma_wait3A_2393 : memref<1x1024xi32, #tpu.memory_space<hbm>> -> memref<1024xi32, #tpu.memory_space<hbm>>
      tpu.wait_dma2 semaphore(%run_scoped3A : memref<!tpu.dma_semaphore, #tpu.memory_space<semaphore_mem>>) src(%dma_wait3A_2394 : memref<1024xi32, #tpu.memory_space<hbm>>) dst(%arg5 : memref<1024xi32, #tpu.memory_space<vmem>>)
      tpu.yield
    }) : () -> ()
    "tpu.region"() ({
      %run_scoped3A = tpu.sem_alloc : memref<!tpu.dma_semaphore, #tpu.memory_space<semaphore_mem>>
      %dma_start3A = arith.constant 0 : i32
      %dma_start3A_2385 = tpu.memref_slice %arg3[%add3A_1193, %dma_start3A] : memref<64x2048xf32, #tpu.memory_space<hbm>> -> memref<1x2048xf32, #tpu.memory_space<hbm>>
      %dma_start3A_2386 = tpu.memref_squeeze %dma_start3A_2385 : memref<1x2048xf32, #tpu.memory_space<hbm>> -> memref<2048xf32, #tpu.memory_space<hbm>>
      %dma_start3A_2387 = arith.constant 0 : i32
      %dma_start3A_2388 = tpu.memref_slice %arg3[%add3A_1193, %dma_start3A_2387] : memref<64x2048xf32, #tpu.memory_space<hbm>> -> memref<1x2048xf32, #tpu.memory_space<hbm>>
      %dma_start3A_2389 = tpu.memref_squeeze %dma_start3A_2388 : memref<1x2048xf32, #tpu.memory_space<hbm>> -> memref<2048xf32, #tpu.memory_space<hbm>>
      tpu.enqueue_dma source(%dma_start3A_2389 : memref<2048xf32, #tpu.memory_space<hbm>>) target(%arg9 : memref<2048xf32, #tpu.memory_space<vmem>>) target_semaphore(%run_scoped3A : memref<!tpu.dma_semaphore, #tpu.memory_space<semaphore_mem>>)
      %dma_wait3A = arith.constant 0 : i32
      %dma_wait3A_2390 = tpu.memref_slice %arg3[%add3A_1193, %dma_wait3A] : memref<64x2048xf32, #tpu.memory_space<hbm>> -> memref<1x2048xf32, #tpu.memory_space<hbm>>
      %dma_wait3A_2391 = tpu.memref_squeeze %dma_wait3A_2390 : memref<1x2048xf32, #tpu.memory_space<hbm>> -> memref<2048xf32, #tpu.memory_space<hbm>>
      %dma_wait3A_2392 = arith.constant 0 : i32
      %dma_wait3A_2393 = tpu.memref_slice %arg3[%add3A_1193, %dma_wait3A_2392] : memref<64x2048xf32, #tpu.memory_space<hbm>> -> memref<1x2048xf32, #tpu.memory_space<hbm>>
      %dma_wait3A_2394 = tpu.memref_squeeze %dma_wait3A_2393 : memref<1x2048xf32, #tpu.memory_space<hbm>> -> memref<2048xf32, #tpu.memory_space<hbm>>
      tpu.wait_dma2 semaphore(%run_scoped3A : memref<!tpu.dma_semaphore, #tpu.memory_space<semaphore_mem>>) src(%dma_wait3A_2394 : memref<2048xf32, #tpu.memory_space<hbm>>) dst(%arg9 : memref<2048xf32, #tpu.memory_space<vmem>>)
      tpu.yield
    }) : () -> ()
    %scan3A_1194 = arith.constant 0 : i32
    %scan3A_1195 = arith.constant 0 : i32
    %scan3A_1196 = arith.constant 64 : i32
    %scan3A_1197 = arith.addi %scan3A_1195, %scan3A_1196 : i32
    %scan3A_1198 = arith.constant 1 : i32
    %scan3A_1199 = scf.for %scan3A_2385 = %scan3A_1195 to %scan3A_1197 step %scan3A_1198 iter_args(%scan3A_2386 = %scan3A_1194) -> (i32)  : i32 {
      %mul3A_2387 = arith.constant 16 : i32
      %mul3A_2388 = arith.muli %scan3A_2385, %mul3A_2387 : i32
      %add3A_2389 = vector.broadcast %mul3A_2388 : i32 to vector<16xi32>
      %add3A_2390 = arith.addi %add3A_2389, %iota3A : vector<16xi32>
      %mul3A_2391 = arith.constant 16 : i32
      %mul3A_2392 = arith.muli %scan3A_2385, %mul3A_2391 : i32
      %swap3A_2393 = arith.index_cast %mul3A_2392 : i32 to index
      %swap3A_2394 = tpu.vector_load %arg6[%swap3A_2393] {strides = array<i32>} : memref<1024xi32, #tpu.memory_space<vmem>>, vector<16xi32>,
      tpu.vector_store %arg6[%swap3A_2393], %add3A_2390 {strides = array<i32>} : memref<1024xi32, #tpu.memory_space<vmem>>, vector<16xi32>,
      %scan3A_2395 = arith.constant 0 : i32
      scf.yield %scan3A_2395 : i32
    }
    %scan3A_1200 = arith.constant 64 : i32
    %swap3A_1201 = arith.constant 0 : index
    %swap3A_1202 = tpu.vector_load %arg11[%swap3A_1201] {strides = array<i32>} : memref<256xi32, #tpu.memory_space<vmem>>, vector<16xi32>,
    tpu.vector_store %arg11[%swap3A_1201], %broadcast_in_dim3A_1 {strides = array<i32>} : memref<256xi32, #tpu.memory_space<vmem>>, vector<16xi32>,
    %swap3A_1203 = arith.constant 16 : index
    %swap3A_1204 = tpu.vector_load %arg11[%swap3A_1203] {strides = array<i32>} : memref<256xi32, #tpu.memory_space<vmem>>, vector<16xi32>,
    tpu.vector_store %arg11[%swap3A_1203], %broadcast_in_dim3A_1 {strides = array<i32>} : memref<256xi32, #tpu.memory_space<vmem>>, vector<16xi32>,
    %swap3A_1205 = arith.constant 32 : index
    %swap3A_1206 = tpu.vector_load %arg11[%swap3A_1205] {strides = array<i32>} : memref<256xi32, #tpu.memory_space<vmem>>, vector<16xi32>,
    tpu.vector_store %arg11[%swap3A_1205], %broadcast_in_dim3A_1 {strides = array<i32>} : memref<256xi32, #tpu.memory_space<vmem>>, vector<16xi32>,
    %swap3A_1207 = arith.constant 48 : index
    %swap3A_1208 = tpu.vector_load %arg11[%swap3A_1207] {strides = array<i32>} : memref<256xi32, #tpu.memory_space<vmem>>, vector<16xi32>,
    tpu.vector_store %arg11[%swap3A_1207], %broadcast_in_dim3A_1 {strides = array<i32>} : memref<256xi32, #tpu.memory_space<vmem>>, vector<16xi32>,
    %swap3A_1209 = arith.constant 64 : index
    %swap3A_1210 = tpu.vector_load %arg11[%swap3A_1209] {strides = array<i32>} : memref<256xi32, #tpu.memory_space<vmem>>, vector<16xi32>,
    tpu.vector_store %arg11[%swap3A_1209], %broadcast_in_dim3A_1 {strides = array<i32>} : memref<256xi32, #tpu.memory_space<vmem>>, vector<16xi32>,
    %swap3A_1211 = arith.constant 80 : index
    %swap3A_1212 = tpu.vector_load %arg11[%swap3A_1211] {strides = array<i32>} : memref<256xi32, #tpu.memory_space<vmem>>, vector<16xi32>,
    tpu.vector_store %arg11[%swap3A_1211], %broadcast_in_dim3A_1 {strides = array<i32>} : memref<256xi32, #tpu.memory_space<vmem>>, vector<16xi32>,
    %swap3A_1213 = arith.constant 96 : index
    %swap3A_1214 = tpu.vector_load %arg11[%swap3A_1213] {strides = array<i32>} : memref<256xi32, #tpu.memory_space<vmem>>, vector<16xi32>,
    tpu.vector_store %arg11[%swap3A_1213], %broadcast_in_dim3A_1 {strides = array<i32>} : memref<256xi32, #tpu.memory_space<vmem>>, vector<16xi32>,
    %swap3A_1215 = arith.constant 112 : index
    %swap3A_1216 = tpu.vector_load %arg11[%swap3A_1215] {strides = array<i32>} : memref<256xi32, #tpu.memory_space<vmem>>, vector<16xi32>,
    tpu.vector_store %arg11[%swap3A_1215], %broadcast_in_dim3A_1 {strides = array<i32>} : memref<256xi32, #tpu.memory_space<vmem>>, vector<16xi32>,
    %swap3A_1217 = arith.constant 128 : index
    %swap3A_1218 = tpu.vector_load %arg11[%swap3A_1217] {strides = array<i32>} : memref<256xi32, #tpu.memory_space<vmem>>, vector<16xi32>,
    tpu.vector_store %arg11[%swap3A_1217], %broadcast_in_dim3A_1 {strides = array<i32>} : memref<256xi32, #tpu.memory_space<vmem>>, vector<16xi32>,
    %swap3A_1219 = arith.constant 144 : index
    %swap3A_1220 = tpu.vector_load %arg11[%swap3A_1219] {strides = array<i32>} : memref<256xi32, #tpu.memory_space<vmem>>, vector<16xi32>,
    tpu.vector_store %arg11[%swap3A_1219], %broadcast_in_dim3A_1 {strides = array<i32>} : memref<256xi32, #tpu.memory_space<vmem>>, vector<16xi32>,
    %swap3A_1221 = arith.constant 160 : index
    %swap3A_1222 = tpu.vector_load %arg11[%swap3A_1221] {strides = array<i32>} : memref<256xi32, #tpu.memory_space<vmem>>, vector<16xi32>,
    tpu.vector_store %arg11[%swap3A_1221], %broadcast_in_dim3A_1 {strides = array<i32>} : memref<256xi32, #tpu.memory_space<vmem>>, vector<16xi32>,
    %swap3A_1223 = arith.constant 176 : index
    %swap3A_1224 = tpu.vector_load %arg11[%swap3A_1223] {strides = array<i32>} : memref<256xi32, #tpu.memory_space<vmem>>, vector<16xi32>,
    tpu.vector_store %arg11[%swap3A_1223], %broadcast_in_dim3A_1 {strides = array<i32>} : memref<256xi32, #tpu.memory_space<vmem>>, vector<16xi32>,
    %swap3A_1225 = arith.constant 192 : index
    %swap3A_1226 = tpu.vector_load %arg11[%swap3A_1225] {strides = array<i32>} : memref<256xi32, #tpu.memory_space<vmem>>, vector<16xi32>,
    tpu.vector_store %arg11[%swap3A_1225], %broadcast_in_dim3A_1 {strides = array<i32>} : memref<256xi32, #tpu.memory_space<vmem>>, vector<16xi32>,
    %swap3A_1227 = arith.constant 208 : index
    %swap3A_1228 = tpu.vector_load %arg11[%swap3A_1227] {strides = array<i32>} : memref<256xi32, #tpu.memory_space<vmem>>, vector<16xi32>,
    tpu.vector_store %arg11[%swap3A_1227], %broadcast_in_dim3A_1 {strides = array<i32>} : memref<256xi32, #tpu.memory_space<vmem>>, vector<16xi32>,
    %swap3A_1229 = arith.constant 224 : index
    %swap3A_1230 = tpu.vector_load %arg11[%swap3A_1229] {strides = array<i32>} : memref<256xi32, #tpu.memory_space<vmem>>, vector<16xi32>,
    tpu.vector_store %arg11[%swap3A_1229], %broadcast_in_dim3A_1 {strides = array<i32>} : memref<256xi32, #tpu.memory_space<vmem>>, vector<16xi32>,
    %swap3A_1231 = arith.constant 240 : index
    %swap3A_1232 = tpu.vector_load %arg11[%swap3A_1231] {strides = array<i32>} : memref<256xi32, #tpu.memory_space<vmem>>, vector<16xi32>,
    tpu.vector_store %arg11[%swap3A_1231], %broadcast_in_dim3A_1 {strides = array<i32>} : memref<256xi32, #tpu.memory_space<vmem>>, vector<16xi32>,
    %scan3A_1233 = arith.constant 0 : i32
    %scan3A_1234 = arith.constant 0 : i32
    %scan3A_1235 = arith.constant 64 : i32
    %scan3A_1236 = arith.addi %scan3A_1234, %scan3A_1235 : i32
    %scan3A_1237 = arith.constant 1 : i32
    %scan3A_1238 = scf.for %scan3A_2385 = %scan3A_1234 to %scan3A_1236 step %scan3A_1237 iter_args(%scan3A_2386 = %scan3A_1233) -> (i32)  : i32 {
      %mul3A_2387 = arith.constant 16 : i32
      %mul3A_2388 = arith.muli %scan3A_2385, %mul3A_2387 : i32
      %get3A_2389 = arith.index_cast %mul3A_2388 : i32 to index
      %get3A_2390 = tpu.vector_load %arg5[%get3A_2389] {strides = array<i32>} : memref<1024xi32, #tpu.memory_space<vmem>>, vector<16xi32>,
      %shift_right_arithmetic3A_2391 = arith.constant 0 : i32
      %shift_right_arithmetic3A_2392 = vector.broadcast %shift_right_arithmetic3A_2391 : i32 to vector<16xi32>
      %shift_right_arithmetic3A_2393 = arith.shrsi %get3A_2390, %shift_right_arithmetic3A_2392 : vector<16xi32>
      %and3A_2394 = arith.constant 255 : i32
      %and3A_2395 = vector.broadcast %and3A_2394 : i32 to vector<16xi32>
      %and3A_2396 = arith.andi %shift_right_arithmetic3A_2393, %and3A_2395 : vector<16xi32>
      %broadcast_in_dim3A_2397 = arith.constant true
      %broadcast_in_dim3A_2398 = vector.broadcast %broadcast_in_dim3A_2397 : i1 to vector<16xi1>
      %unique3A, %unique3A_2399 = tpu.scan_count mask(%broadcast_in_dim3A_2398 : vector<16xi1>) value(%and3A_2396 : vector<16xi32>) : vector<16xi1>, vector<16xi32>
      tpu.vector_store_idx %arg11[%and3A_2396], %unique3A_2399 masked %unique3A {add = true} : memref<256xi32, #tpu.memory_space<vmem>>[vector<16xi32>], vector<16xi32>, vector<16xi1>
      %scan3A_2400 = arith.constant 0 : i32
      scf.yield %scan3A_2400 : i32
    }
    %scan3A_1239 = arith.constant 64 : i32
    %get3A_1240 = arith.constant 0 : index
    %get3A_1241 = tpu.vector_load %arg11[%get3A_1240] {strides = array<i32>} : memref<256xi32, #tpu.memory_space<vmem>>, vector<16xi32>,
    %broadcast_in_dim3A_1242 = arith.constant true
    %broadcast_in_dim3A_1243 = vector.broadcast %broadcast_in_dim3A_1242 : i1 to vector<16xi1>
    %masked_cumsum3A_1244 = tpu.scan <sum>, %get3A_1241 masked %broadcast_in_dim3A_1243 : vector<16xi32>, vector<16xi1> -> vector<16xi32>
    %sub3A_1245 = arith.subi %masked_cumsum3A_1244, %get3A_1241 : vector<16xi32>
    %add3A_1246 = arith.constant 0 : i32
    %add3A_1247 = vector.broadcast %add3A_1246 : i32 to vector<16xi32>
    %add3A_1248 = arith.addi %sub3A_1245, %add3A_1247 : vector<16xi32>
    %swap3A_1249 = arith.constant 0 : index
    %swap3A_1250 = tpu.vector_load %arg12[%swap3A_1249] {strides = array<i32>} : memref<256xi32, #tpu.memory_space<vmem>>, vector<16xi32>,
    tpu.vector_store %arg12[%swap3A_1249], %add3A_1248 {strides = array<i32>} : memref<256xi32, #tpu.memory_space<vmem>>, vector<16xi32>,
    %reduce_sum3A_1251 = arith.constant true
    %reduce_sum3A_1252 = vector.broadcast %reduce_sum3A_1251 : i1 to vector<16xi1>
    %reduce_sum3A_1253 = tpu.scan <sum>, %get3A_1241 masked %reduce_sum3A_1252 : vector<16xi32>, vector<16xi1> -> vector<16xi32>
    %reduce_sum3A_1254 = vector.extract %reduce_sum3A_1253[15] : i32 from vector<16xi32>
    %add3A_1255 = arith.constant 0 : i32
    %add3A_1256 = arith.addi %add3A_1255, %reduce_sum3A_1254 : i32
    %get3A_1257 = arith.constant 16 : index
    %get3A_1258 = tpu.vector_load %arg11[%get3A_1257] {strides = array<i32>} : memref<256xi32, #tpu.memory_space<vmem>>, vector<16xi32>,
    %broadcast_in_dim3A_1259 = arith.constant true
    %broadcast_in_dim3A_1260 = vector.broadcast %broadcast_in_dim3A_1259 : i1 to vector<16xi1>
    %masked_cumsum3A_1261 = tpu.scan <sum>, %get3A_1258 masked %broadcast_in_dim3A_1260 : vector<16xi32>, vector<16xi1> -> vector<16xi32>
    %sub3A_1262 = arith.subi %masked_cumsum3A_1261, %get3A_1258 : vector<16xi32>
    %add3A_1263 = vector.broadcast %add3A_1256 : i32 to vector<16xi32>
    %add3A_1264 = arith.addi %sub3A_1262, %add3A_1263 : vector<16xi32>
    %swap3A_1265 = arith.constant 16 : index
    %swap3A_1266 = tpu.vector_load %arg12[%swap3A_1265] {strides = array<i32>} : memref<256xi32, #tpu.memory_space<vmem>>, vector<16xi32>,
    tpu.vector_store %arg12[%swap3A_1265], %add3A_1264 {strides = array<i32>} : memref<256xi32, #tpu.memory_space<vmem>>, vector<16xi32>,
    %reduce_sum3A_1267 = arith.constant true
    %reduce_sum3A_1268 = vector.broadcast %reduce_sum3A_1267 : i1 to vector<16xi1>
    %reduce_sum3A_1269 = tpu.scan <sum>, %get3A_1258 masked %reduce_sum3A_1268 : vector<16xi32>, vector<16xi1> -> vector<16xi32>
    %reduce_sum3A_1270 = vector.extract %reduce_sum3A_1269[15] : i32 from vector<16xi32>
    %add3A_1271 = arith.addi %add3A_1256, %reduce_sum3A_1270 : i32
    %get3A_1272 = arith.constant 32 : index
    %get3A_1273 = tpu.vector_load %arg11[%get3A_1272] {strides = array<i32>} : memref<256xi32, #tpu.memory_space<vmem>>, vector<16xi32>,
    %broadcast_in_dim3A_1274 = arith.constant true
    %broadcast_in_dim3A_1275 = vector.broadcast %broadcast_in_dim3A_1274 : i1 to vector<16xi1>
    %masked_cumsum3A_1276 = tpu.scan <sum>, %get3A_1273 masked %broadcast_in_dim3A_1275 : vector<16xi32>, vector<16xi1> -> vector<16xi32>
    %sub3A_1277 = arith.subi %masked_cumsum3A_1276, %get3A_1273 : vector<16xi32>
    %add3A_1278 = vector.broadcast %add3A_1271 : i32 to vector<16xi32>
    %add3A_1279 = arith.addi %sub3A_1277, %add3A_1278 : vector<16xi32>
    %swap3A_1280 = arith.constant 32 : index
    %swap3A_1281 = tpu.vector_load %arg12[%swap3A_1280] {strides = array<i32>} : memref<256xi32, #tpu.memory_space<vmem>>, vector<16xi32>,
    tpu.vector_store %arg12[%swap3A_1280], %add3A_1279 {strides = array<i32>} : memref<256xi32, #tpu.memory_space<vmem>>, vector<16xi32>,
    %reduce_sum3A_1282 = arith.constant true
    %reduce_sum3A_1283 = vector.broadcast %reduce_sum3A_1282 : i1 to vector<16xi1>
    %reduce_sum3A_1284 = tpu.scan <sum>, %get3A_1273 masked %reduce_sum3A_1283 : vector<16xi32>, vector<16xi1> -> vector<16xi32>
    %reduce_sum3A_1285 = vector.extract %reduce_sum3A_1284[15] : i32 from vector<16xi32>
    %add3A_1286 = arith.addi %add3A_1271, %reduce_sum3A_1285 : i32
    %get3A_1287 = arith.constant 48 : index
    %get3A_1288 = tpu.vector_load %arg11[%get3A_1287] {strides = array<i32>} : memref<256xi32, #tpu.memory_space<vmem>>, vector<16xi32>,
    %broadcast_in_dim3A_1289 = arith.constant true
    %broadcast_in_dim3A_1290 = vector.broadcast %broadcast_in_dim3A_1289 : i1 to vector<16xi1>
    %masked_cumsum3A_1291 = tpu.scan <sum>, %get3A_1288 masked %broadcast_in_dim3A_1290 : vector<16xi32>, vector<16xi1> -> vector<16xi32>
    %sub3A_1292 = arith.subi %masked_cumsum3A_1291, %get3A_1288 : vector<16xi32>
    %add3A_1293 = vector.broadcast %add3A_1286 : i32 to vector<16xi32>
    %add3A_1294 = arith.addi %sub3A_1292, %add3A_1293 : vector<16xi32>
    %swap3A_1295 = arith.constant 48 : index
    %swap3A_1296 = tpu.vector_load %arg12[%swap3A_1295] {strides = array<i32>} : memref<256xi32, #tpu.memory_space<vmem>>, vector<16xi32>,
    tpu.vector_store %arg12[%swap3A_1295], %add3A_1294 {strides = array<i32>} : memref<256xi32, #tpu.memory_space<vmem>>, vector<16xi32>,
    %reduce_sum3A_1297 = arith.constant true
    %reduce_sum3A_1298 = vector.broadcast %reduce_sum3A_1297 : i1 to vector<16xi1>
    %reduce_sum3A_1299 = tpu.scan <sum>, %get3A_1288 masked %reduce_sum3A_1298 : vector<16xi32>, vector<16xi1> -> vector<16xi32>
    %reduce_sum3A_1300 = vector.extract %reduce_sum3A_1299[15] : i32 from vector<16xi32>
    %add3A_1301 = arith.addi %add3A_1286, %reduce_sum3A_1300 : i32
    %get3A_1302 = arith.constant 64 : index
    %get3A_1303 = tpu.vector_load %arg11[%get3A_1302] {strides = array<i32>} : memref<256xi32, #tpu.memory_space<vmem>>, vector<16xi32>,
    %broadcast_in_dim3A_1304 = arith.constant true
    %broadcast_in_dim3A_1305 = vector.broadcast %broadcast_in_dim3A_1304 : i1 to vector<16xi1>
    %masked_cumsum3A_1306 = tpu.scan <sum>, %get3A_1303 masked %broadcast_in_dim3A_1305 : vector<16xi32>, vector<16xi1> -> vector<16xi32>
    %sub3A_1307 = arith.subi %masked_cumsum3A_1306, %get3A_1303 : vector<16xi32>
    %add3A_1308 = vector.broadcast %add3A_1301 : i32 to vector<16xi32>
    %add3A_1309 = arith.addi %sub3A_1307, %add3A_1308 : vector<16xi32>
    %swap3A_1310 = arith.constant 64 : index
    %swap3A_1311 = tpu.vector_load %arg12[%swap3A_1310] {strides = array<i32>} : memref<256xi32, #tpu.memory_space<vmem>>, vector<16xi32>,
    tpu.vector_store %arg12[%swap3A_1310], %add3A_1309 {strides = array<i32>} : memref<256xi32, #tpu.memory_space<vmem>>, vector<16xi32>,
    %reduce_sum3A_1312 = arith.constant true
    %reduce_sum3A_1313 = vector.broadcast %reduce_sum3A_1312 : i1 to vector<16xi1>
    %reduce_sum3A_1314 = tpu.scan <sum>, %get3A_1303 masked %reduce_sum3A_1313 : vector<16xi32>, vector<16xi1> -> vector<16xi32>
    %reduce_sum3A_1315 = vector.extract %reduce_sum3A_1314[15] : i32 from vector<16xi32>
    %add3A_1316 = arith.addi %add3A_1301, %reduce_sum3A_1315 : i32
    %get3A_1317 = arith.constant 80 : index
    %get3A_1318 = tpu.vector_load %arg11[%get3A_1317] {strides = array<i32>} : memref<256xi32, #tpu.memory_space<vmem>>, vector<16xi32>,
    %broadcast_in_dim3A_1319 = arith.constant true
    %broadcast_in_dim3A_1320 = vector.broadcast %broadcast_in_dim3A_1319 : i1 to vector<16xi1>
    %masked_cumsum3A_1321 = tpu.scan <sum>, %get3A_1318 masked %broadcast_in_dim3A_1320 : vector<16xi32>, vector<16xi1> -> vector<16xi32>
    %sub3A_1322 = arith.subi %masked_cumsum3A_1321, %get3A_1318 : vector<16xi32>
    %add3A_1323 = vector.broadcast %add3A_1316 : i32 to vector<16xi32>
    %add3A_1324 = arith.addi %sub3A_1322, %add3A_1323 : vector<16xi32>
    %swap3A_1325 = arith.constant 80 : index
    %swap3A_1326 = tpu.vector_load %arg12[%swap3A_1325] {strides = array<i32>} : memref<256xi32, #tpu.memory_space<vmem>>, vector<16xi32>,
    tpu.vector_store %arg12[%swap3A_1325], %add3A_1324 {strides = array<i32>} : memref<256xi32, #tpu.memory_space<vmem>>, vector<16xi32>,
    %reduce_sum3A_1327 = arith.constant true
    %reduce_sum3A_1328 = vector.broadcast %reduce_sum3A_1327 : i1 to vector<16xi1>
    %reduce_sum3A_1329 = tpu.scan <sum>, %get3A_1318 masked %reduce_sum3A_1328 : vector<16xi32>, vector<16xi1> -> vector<16xi32>
    %reduce_sum3A_1330 = vector.extract %reduce_sum3A_1329[15] : i32 from vector<16xi32>
    %add3A_1331 = arith.addi %add3A_1316, %reduce_sum3A_1330 : i32
    %get3A_1332 = arith.constant 96 : index
    %get3A_1333 = tpu.vector_load %arg11[%get3A_1332] {strides = array<i32>} : memref<256xi32, #tpu.memory_space<vmem>>, vector<16xi32>,
    %broadcast_in_dim3A_1334 = arith.constant true
    %broadcast_in_dim3A_1335 = vector.broadcast %broadcast_in_dim3A_1334 : i1 to vector<16xi1>
    %masked_cumsum3A_1336 = tpu.scan <sum>, %get3A_1333 masked %broadcast_in_dim3A_1335 : vector<16xi32>, vector<16xi1> -> vector<16xi32>
    %sub3A_1337 = arith.subi %masked_cumsum3A_1336, %get3A_1333 : vector<16xi32>
    %add3A_1338 = vector.broadcast %add3A_1331 : i32 to vector<16xi32>
    %add3A_1339 = arith.addi %sub3A_1337, %add3A_1338 : vector<16xi32>
    %swap3A_1340 = arith.constant 96 : index
    %swap3A_1341 = tpu.vector_load %arg12[%swap3A_1340] {strides = array<i32>} : memref<256xi32, #tpu.memory_space<vmem>>, vector<16xi32>,
    tpu.vector_store %arg12[%swap3A_1340], %add3A_1339 {strides = array<i32>} : memref<256xi32, #tpu.memory_space<vmem>>, vector<16xi32>,
    %reduce_sum3A_1342 = arith.constant true
    %reduce_sum3A_1343 = vector.broadcast %reduce_sum3A_1342 : i1 to vector<16xi1>
    %reduce_sum3A_1344 = tpu.scan <sum>, %get3A_1333 masked %reduce_sum3A_1343 : vector<16xi32>, vector<16xi1> -> vector<16xi32>
    %reduce_sum3A_1345 = vector.extract %reduce_sum3A_1344[15] : i32 from vector<16xi32>
    %add3A_1346 = arith.addi %add3A_1331, %reduce_sum3A_1345 : i32
    %get3A_1347 = arith.constant 112 : index
    %get3A_1348 = tpu.vector_load %arg11[%get3A_1347] {strides = array<i32>} : memref<256xi32, #tpu.memory_space<vmem>>, vector<16xi32>,
    %broadcast_in_dim3A_1349 = arith.constant true
    %broadcast_in_dim3A_1350 = vector.broadcast %broadcast_in_dim3A_1349 : i1 to vector<16xi1>
    %masked_cumsum3A_1351 = tpu.scan <sum>, %get3A_1348 masked %broadcast_in_dim3A_1350 : vector<16xi32>, vector<16xi1> -> vector<16xi32>
    %sub3A_1352 = arith.subi %masked_cumsum3A_1351, %get3A_1348 : vector<16xi32>
    %add3A_1353 = vector.broadcast %add3A_1346 : i32 to vector<16xi32>
    %add3A_1354 = arith.addi %sub3A_1352, %add3A_1353 : vector<16xi32>
    %swap3A_1355 = arith.constant 112 : index
    %swap3A_1356 = tpu.vector_load %arg12[%swap3A_1355] {strides = array<i32>} : memref<256xi32, #tpu.memory_space<vmem>>, vector<16xi32>,
    tpu.vector_store %arg12[%swap3A_1355], %add3A_1354 {strides = array<i32>} : memref<256xi32, #tpu.memory_space<vmem>>, vector<16xi32>,
    %reduce_sum3A_1357 = arith.constant true
    %reduce_sum3A_1358 = vector.broadcast %reduce_sum3A_1357 : i1 to vector<16xi1>
    %reduce_sum3A_1359 = tpu.scan <sum>, %get3A_1348 masked %reduce_sum3A_1358 : vector<16xi32>, vector<16xi1> -> vector<16xi32>
    %reduce_sum3A_1360 = vector.extract %reduce_sum3A_1359[15] : i32 from vector<16xi32>
    %add3A_1361 = arith.addi %add3A_1346, %reduce_sum3A_1360 : i32
    %get3A_1362 = arith.constant 128 : index
    %get3A_1363 = tpu.vector_load %arg11[%get3A_1362] {strides = array<i32>} : memref<256xi32, #tpu.memory_space<vmem>>, vector<16xi32>,
    %broadcast_in_dim3A_1364 = arith.constant true
    %broadcast_in_dim3A_1365 = vector.broadcast %broadcast_in_dim3A_1364 : i1 to vector<16xi1>
    %masked_cumsum3A_1366 = tpu.scan <sum>, %get3A_1363 masked %broadcast_in_dim3A_1365 : vector<16xi32>, vector<16xi1> -> vector<16xi32>
    %sub3A_1367 = arith.subi %masked_cumsum3A_1366, %get3A_1363 : vector<16xi32>
    %add3A_1368 = vector.broadcast %add3A_1361 : i32 to vector<16xi32>
    %add3A_1369 = arith.addi %sub3A_1367, %add3A_1368 : vector<16xi32>
    %swap3A_1370 = arith.constant 128 : index
    %swap3A_1371 = tpu.vector_load %arg12[%swap3A_1370] {strides = array<i32>} : memref<256xi32, #tpu.memory_space<vmem>>, vector<16xi32>,
    tpu.vector_store %arg12[%swap3A_1370], %add3A_1369 {strides = array<i32>} : memref<256xi32, #tpu.memory_space<vmem>>, vector<16xi32>,
    %reduce_sum3A_1372 = arith.constant true
    %reduce_sum3A_1373 = vector.broadcast %reduce_sum3A_1372 : i1 to vector<16xi1>
    %reduce_sum3A_1374 = tpu.scan <sum>, %get3A_1363 masked %reduce_sum3A_1373 : vector<16xi32>, vector<16xi1> -> vector<16xi32>
    %reduce_sum3A_1375 = vector.extract %reduce_sum3A_1374[15] : i32 from vector<16xi32>
    %add3A_1376 = arith.addi %add3A_1361, %reduce_sum3A_1375 : i32
    %get3A_1377 = arith.constant 144 : index
    %get3A_1378 = tpu.vector_load %arg11[%get3A_1377] {strides = array<i32>} : memref<256xi32, #tpu.memory_space<vmem>>, vector<16xi32>,
    %broadcast_in_dim3A_1379 = arith.constant true
    %broadcast_in_dim3A_1380 = vector.broadcast %broadcast_in_dim3A_1379 : i1 to vector<16xi1>
    %masked_cumsum3A_1381 = tpu.scan <sum>, %get3A_1378 masked %broadcast_in_dim3A_1380 : vector<16xi32>, vector<16xi1> -> vector<16xi32>
    %sub3A_1382 = arith.subi %masked_cumsum3A_1381, %get3A_1378 : vector<16xi32>
    %add3A_1383 = vector.broadcast %add3A_1376 : i32 to vector<16xi32>
    %add3A_1384 = arith.addi %sub3A_1382, %add3A_1383 : vector<16xi32>
    %swap3A_1385 = arith.constant 144 : index
    %swap3A_1386 = tpu.vector_load %arg12[%swap3A_1385] {strides = array<i32>} : memref<256xi32, #tpu.memory_space<vmem>>, vector<16xi32>,
    tpu.vector_store %arg12[%swap3A_1385], %add3A_1384 {strides = array<i32>} : memref<256xi32, #tpu.memory_space<vmem>>, vector<16xi32>,
    %reduce_sum3A_1387 = arith.constant true
    %reduce_sum3A_1388 = vector.broadcast %reduce_sum3A_1387 : i1 to vector<16xi1>
    %reduce_sum3A_1389 = tpu.scan <sum>, %get3A_1378 masked %reduce_sum3A_1388 : vector<16xi32>, vector<16xi1> -> vector<16xi32>
    %reduce_sum3A_1390 = vector.extract %reduce_sum3A_1389[15] : i32 from vector<16xi32>
    %add3A_1391 = arith.addi %add3A_1376, %reduce_sum3A_1390 : i32
    %get3A_1392 = arith.constant 160 : index
    %get3A_1393 = tpu.vector_load %arg11[%get3A_1392] {strides = array<i32>} : memref<256xi32, #tpu.memory_space<vmem>>, vector<16xi32>,
    %broadcast_in_dim3A_1394 = arith.constant true
    %broadcast_in_dim3A_1395 = vector.broadcast %broadcast_in_dim3A_1394 : i1 to vector<16xi1>
    %masked_cumsum3A_1396 = tpu.scan <sum>, %get3A_1393 masked %broadcast_in_dim3A_1395 : vector<16xi32>, vector<16xi1> -> vector<16xi32>
    %sub3A_1397 = arith.subi %masked_cumsum3A_1396, %get3A_1393 : vector<16xi32>
    %add3A_1398 = vector.broadcast %add3A_1391 : i32 to vector<16xi32>
    %add3A_1399 = arith.addi %sub3A_1397, %add3A_1398 : vector<16xi32>
    %swap3A_1400 = arith.constant 160 : index
    %swap3A_1401 = tpu.vector_load %arg12[%swap3A_1400] {strides = array<i32>} : memref<256xi32, #tpu.memory_space<vmem>>, vector<16xi32>,
    tpu.vector_store %arg12[%swap3A_1400], %add3A_1399 {strides = array<i32>} : memref<256xi32, #tpu.memory_space<vmem>>, vector<16xi32>,
    %reduce_sum3A_1402 = arith.constant true
    %reduce_sum3A_1403 = vector.broadcast %reduce_sum3A_1402 : i1 to vector<16xi1>
    %reduce_sum3A_1404 = tpu.scan <sum>, %get3A_1393 masked %reduce_sum3A_1403 : vector<16xi32>, vector<16xi1> -> vector<16xi32>
    %reduce_sum3A_1405 = vector.extract %reduce_sum3A_1404[15] : i32 from vector<16xi32>
    %add3A_1406 = arith.addi %add3A_1391, %reduce_sum3A_1405 : i32
    %get3A_1407 = arith.constant 176 : index
    %get3A_1408 = tpu.vector_load %arg11[%get3A_1407] {strides = array<i32>} : memref<256xi32, #tpu.memory_space<vmem>>, vector<16xi32>,
    %broadcast_in_dim3A_1409 = arith.constant true
    %broadcast_in_dim3A_1410 = vector.broadcast %broadcast_in_dim3A_1409 : i1 to vector<16xi1>
    %masked_cumsum3A_1411 = tpu.scan <sum>, %get3A_1408 masked %broadcast_in_dim3A_1410 : vector<16xi32>, vector<16xi1> -> vector<16xi32>
    %sub3A_1412 = arith.subi %masked_cumsum3A_1411, %get3A_1408 : vector<16xi32>
    %add3A_1413 = vector.broadcast %add3A_1406 : i32 to vector<16xi32>
    %add3A_1414 = arith.addi %sub3A_1412, %add3A_1413 : vector<16xi32>
    %swap3A_1415 = arith.constant 176 : index
    %swap3A_1416 = tpu.vector_load %arg12[%swap3A_1415] {strides = array<i32>} : memref<256xi32, #tpu.memory_space<vmem>>, vector<16xi32>,
    tpu.vector_store %arg12[%swap3A_1415], %add3A_1414 {strides = array<i32>} : memref<256xi32, #tpu.memory_space<vmem>>, vector<16xi32>,
    %reduce_sum3A_1417 = arith.constant true
    %reduce_sum3A_1418 = vector.broadcast %reduce_sum3A_1417 : i1 to vector<16xi1>
    %reduce_sum3A_1419 = tpu.scan <sum>, %get3A_1408 masked %reduce_sum3A_1418 : vector<16xi32>, vector<16xi1> -> vector<16xi32>
    %reduce_sum3A_1420 = vector.extract %reduce_sum3A_1419[15] : i32 from vector<16xi32>
    %add3A_1421 = arith.addi %add3A_1406, %reduce_sum3A_1420 : i32
    %get3A_1422 = arith.constant 192 : index
    %get3A_1423 = tpu.vector_load %arg11[%get3A_1422] {strides = array<i32>} : memref<256xi32, #tpu.memory_space<vmem>>, vector<16xi32>,
    %broadcast_in_dim3A_1424 = arith.constant true
    %broadcast_in_dim3A_1425 = vector.broadcast %broadcast_in_dim3A_1424 : i1 to vector<16xi1>
    %masked_cumsum3A_1426 = tpu.scan <sum>, %get3A_1423 masked %broadcast_in_dim3A_1425 : vector<16xi32>, vector<16xi1> -> vector<16xi32>
    %sub3A_1427 = arith.subi %masked_cumsum3A_1426, %get3A_1423 : vector<16xi32>
    %add3A_1428 = vector.broadcast %add3A_1421 : i32 to vector<16xi32>
    %add3A_1429 = arith.addi %sub3A_1427, %add3A_1428 : vector<16xi32>
    %swap3A_1430 = arith.constant 192 : index
    %swap3A_1431 = tpu.vector_load %arg12[%swap3A_1430] {strides = array<i32>} : memref<256xi32, #tpu.memory_space<vmem>>, vector<16xi32>,
    tpu.vector_store %arg12[%swap3A_1430], %add3A_1429 {strides = array<i32>} : memref<256xi32, #tpu.memory_space<vmem>>, vector<16xi32>,
    %reduce_sum3A_1432 = arith.constant true
    %reduce_sum3A_1433 = vector.broadcast %reduce_sum3A_1432 : i1 to vector<16xi1>
    %reduce_sum3A_1434 = tpu.scan <sum>, %get3A_1423 masked %reduce_sum3A_1433 : vector<16xi32>, vector<16xi1> -> vector<16xi32>
    %reduce_sum3A_1435 = vector.extract %reduce_sum3A_1434[15] : i32 from vector<16xi32>
    %add3A_1436 = arith.addi %add3A_1421, %reduce_sum3A_1435 : i32
    %get3A_1437 = arith.constant 208 : index
    %get3A_1438 = tpu.vector_load %arg11[%get3A_1437] {strides = array<i32>} : memref<256xi32, #tpu.memory_space<vmem>>, vector<16xi32>,
    %broadcast_in_dim3A_1439 = arith.constant true
    %broadcast_in_dim3A_1440 = vector.broadcast %broadcast_in_dim3A_1439 : i1 to vector<16xi1>
    %masked_cumsum3A_1441 = tpu.scan <sum>, %get3A_1438 masked %broadcast_in_dim3A_1440 : vector<16xi32>, vector<16xi1> -> vector<16xi32>
    %sub3A_1442 = arith.subi %masked_cumsum3A_1441, %get3A_1438 : vector<16xi32>
    %add3A_1443 = vector.broadcast %add3A_1436 : i32 to vector<16xi32>
    %add3A_1444 = arith.addi %sub3A_1442, %add3A_1443 : vector<16xi32>
    %swap3A_1445 = arith.constant 208 : index
    %swap3A_1446 = tpu.vector_load %arg12[%swap3A_1445] {strides = array<i32>} : memref<256xi32, #tpu.memory_space<vmem>>, vector<16xi32>,
    tpu.vector_store %arg12[%swap3A_1445], %add3A_1444 {strides = array<i32>} : memref<256xi32, #tpu.memory_space<vmem>>, vector<16xi32>,
    %reduce_sum3A_1447 = arith.constant true
    %reduce_sum3A_1448 = vector.broadcast %reduce_sum3A_1447 : i1 to vector<16xi1>
    %reduce_sum3A_1449 = tpu.scan <sum>, %get3A_1438 masked %reduce_sum3A_1448 : vector<16xi32>, vector<16xi1> -> vector<16xi32>
    %reduce_sum3A_1450 = vector.extract %reduce_sum3A_1449[15] : i32 from vector<16xi32>
    %add3A_1451 = arith.addi %add3A_1436, %reduce_sum3A_1450 : i32
    %get3A_1452 = arith.constant 224 : index
    %get3A_1453 = tpu.vector_load %arg11[%get3A_1452] {strides = array<i32>} : memref<256xi32, #tpu.memory_space<vmem>>, vector<16xi32>,
    %broadcast_in_dim3A_1454 = arith.constant true
    %broadcast_in_dim3A_1455 = vector.broadcast %broadcast_in_dim3A_1454 : i1 to vector<16xi1>
    %masked_cumsum3A_1456 = tpu.scan <sum>, %get3A_1453 masked %broadcast_in_dim3A_1455 : vector<16xi32>, vector<16xi1> -> vector<16xi32>
    %sub3A_1457 = arith.subi %masked_cumsum3A_1456, %get3A_1453 : vector<16xi32>
    %add3A_1458 = vector.broadcast %add3A_1451 : i32 to vector<16xi32>
    %add3A_1459 = arith.addi %sub3A_1457, %add3A_1458 : vector<16xi32>
    %swap3A_1460 = arith.constant 224 : index
    %swap3A_1461 = tpu.vector_load %arg12[%swap3A_1460] {strides = array<i32>} : memref<256xi32, #tpu.memory_space<vmem>>, vector<16xi32>,
    tpu.vector_store %arg12[%swap3A_1460], %add3A_1459 {strides = array<i32>} : memref<256xi32, #tpu.memory_space<vmem>>, vector<16xi32>,
    %reduce_sum3A_1462 = arith.constant true
    %reduce_sum3A_1463 = vector.broadcast %reduce_sum3A_1462 : i1 to vector<16xi1>
    %reduce_sum3A_1464 = tpu.scan <sum>, %get3A_1453 masked %reduce_sum3A_1463 : vector<16xi32>, vector<16xi1> -> vector<16xi32>
    %reduce_sum3A_1465 = vector.extract %reduce_sum3A_1464[15] : i32 from vector<16xi32>
    %add3A_1466 = arith.addi %add3A_1451, %reduce_sum3A_1465 : i32
    %get3A_1467 = arith.constant 240 : index
    %get3A_1468 = tpu.vector_load %arg11[%get3A_1467] {strides = array<i32>} : memref<256xi32, #tpu.memory_space<vmem>>, vector<16xi32>,
    %broadcast_in_dim3A_1469 = arith.constant true
    %broadcast_in_dim3A_1470 = vector.broadcast %broadcast_in_dim3A_1469 : i1 to vector<16xi1>
    %masked_cumsum3A_1471 = tpu.scan <sum>, %get3A_1468 masked %broadcast_in_dim3A_1470 : vector<16xi32>, vector<16xi1> -> vector<16xi32>
    %sub3A_1472 = arith.subi %masked_cumsum3A_1471, %get3A_1468 : vector<16xi32>
    %add3A_1473 = vector.broadcast %add3A_1466 : i32 to vector<16xi32>
    %add3A_1474 = arith.addi %sub3A_1472, %add3A_1473 : vector<16xi32>
    %swap3A_1475 = arith.constant 240 : index
    %swap3A_1476 = tpu.vector_load %arg12[%swap3A_1475] {strides = array<i32>} : memref<256xi32, #tpu.memory_space<vmem>>, vector<16xi32>,
    tpu.vector_store %arg12[%swap3A_1475], %add3A_1474 {strides = array<i32>} : memref<256xi32, #tpu.memory_space<vmem>>, vector<16xi32>,
    %reduce_sum3A_1477 = arith.constant true
    %reduce_sum3A_1478 = vector.broadcast %reduce_sum3A_1477 : i1 to vector<16xi1>
    %reduce_sum3A_1479 = tpu.scan <sum>, %get3A_1468 masked %reduce_sum3A_1478 : vector<16xi32>, vector<16xi1> -> vector<16xi32>
    %reduce_sum3A_1480 = vector.extract %reduce_sum3A_1479[15] : i32 from vector<16xi32>
    %add3A_1481 = arith.addi %add3A_1466, %reduce_sum3A_1480 : i32
    %scan3A_1482 = arith.constant 0 : i32
    %scan3A_1483 = arith.constant 0 : i32
    %scan3A_1484 = arith.constant 64 : i32
    %scan3A_1485 = arith.addi %scan3A_1483, %scan3A_1484 : i32
    %scan3A_1486 = arith.constant 1 : i32
    %scan3A_1487 = scf.for %scan3A_2385 = %scan3A_1483 to %scan3A_1485 step %scan3A_1486 iter_args(%scan3A_2386 = %scan3A_1482) -> (i32)  : i32 {
      %mul3A_2387 = arith.constant 16 : i32
      %mul3A_2388 = arith.muli %scan3A_2385, %mul3A_2387 : i32
      %get3A_2389 = arith.index_cast %mul3A_2388 : i32 to index
      %get3A_2390 = tpu.vector_load %arg5[%get3A_2389] {strides = array<i32>} : memref<1024xi32, #tpu.memory_space<vmem>>, vector<16xi32>,
      %mul3A_2391 = arith.constant 16 : i32
      %mul3A_2392 = arith.muli %scan3A_2385, %mul3A_2391 : i32
      %get3A_2393 = arith.index_cast %mul3A_2392 : i32 to index
      %get3A_2394 = tpu.vector_load %arg6[%get3A_2393] {strides = array<i32>} : memref<1024xi32, #tpu.memory_space<vmem>>, vector<16xi32>,
      %shift_right_arithmetic3A_2395 = arith.constant 0 : i32
      %shift_right_arithmetic3A_2396 = vector.broadcast %shift_right_arithmetic3A_2395 : i32 to vector<16xi32>
      %shift_right_arithmetic3A_2397 = arith.shrsi %get3A_2390, %shift_right_arithmetic3A_2396 : vector<16xi32>
      %and3A_2398 = arith.constant 255 : i32
      %and3A_2399 = vector.broadcast %and3A_2398 : i32 to vector<16xi32>
      %and3A_2400 = arith.andi %shift_right_arithmetic3A_2397, %and3A_2399 : vector<16xi32>
      %broadcast_in_dim3A_2401 = arith.constant true
      %broadcast_in_dim3A_2402 = vector.broadcast %broadcast_in_dim3A_2401 : i1 to vector<16xi1>
      %unique3A, %unique3A_2403 = tpu.scan_count mask(%broadcast_in_dim3A_2402 : vector<16xi1>) value(%and3A_2400 : vector<16xi32>) : vector<16xi1>, vector<16xi32>
      %gather3A = tpu.vector_load_idx %arg12[%and3A_2400] : memref<256xi32, #tpu.memory_space<vmem>>[vector<16xi32>], vector<16xi32>,
      %add3A_2404 = arith.addi %gather3A, %unique3A_2403 : vector<16xi32>
      %sub3A_2405 = arith.constant 1 : i32
      %sub3A_2406 = vector.broadcast %sub3A_2405 : i32 to vector<16xi32>
      %sub3A_2407 = arith.subi %add3A_2404, %sub3A_2406 : vector<16xi32>
      tpu.vector_store_idx %arg7[%sub3A_2407], %get3A_2390 : memref<1024xi32, #tpu.memory_space<vmem>>[vector<16xi32>], vector<16xi32>,
      tpu.vector_store_idx %arg8[%sub3A_2407], %get3A_2394 : memref<1024xi32, #tpu.memory_space<vmem>>[vector<16xi32>], vector<16xi32>,
      %add3A_2408 = arith.constant 1 : i32
      %add3A_2409 = vector.broadcast %add3A_2408 : i32 to vector<16xi32>
      %add3A_2410 = arith.addi %sub3A_2407, %add3A_2409 : vector<16xi32>
      tpu.vector_store_idx %arg12[%and3A_2400], %add3A_2410 masked %unique3A : memref<256xi32, #tpu.memory_space<vmem>>[vector<16xi32>], vector<16xi32>, vector<16xi1>
      %scan3A_2411 = arith.constant 0 : i32
      scf.yield %scan3A_2411 : i32
    }
    %scan3A_1488 = arith.constant 64 : i32
    %swap3A_1489 = arith.constant 0 : index
    %swap3A_1490 = tpu.vector_load %arg11[%swap3A_1489] {strides = array<i32>} : memref<256xi32, #tpu.memory_space<vmem>>, vector<16xi32>,
    tpu.vector_store %arg11[%swap3A_1489], %broadcast_in_dim3A_1 {strides = array<i32>} : memref<256xi32, #tpu.memory_space<vmem>>, vector<16xi32>,
    %swap3A_1491 = arith.constant 16 : index
    %swap3A_1492 = tpu.vector_load %arg11[%swap3A_1491] {strides = array<i32>} : memref<256xi32, #tpu.memory_space<vmem>>, vector<16xi32>,
    tpu.vector_store %arg11[%swap3A_1491], %broadcast_in_dim3A_1 {strides = array<i32>} : memref<256xi32, #tpu.memory_space<vmem>>, vector<16xi32>,
    %swap3A_1493 = arith.constant 32 : index
    %swap3A_1494 = tpu.vector_load %arg11[%swap3A_1493] {strides = array<i32>} : memref<256xi32, #tpu.memory_space<vmem>>, vector<16xi32>,
    tpu.vector_store %arg11[%swap3A_1493], %broadcast_in_dim3A_1 {strides = array<i32>} : memref<256xi32, #tpu.memory_space<vmem>>, vector<16xi32>,
    %swap3A_1495 = arith.constant 48 : index
    %swap3A_1496 = tpu.vector_load %arg11[%swap3A_1495] {strides = array<i32>} : memref<256xi32, #tpu.memory_space<vmem>>, vector<16xi32>,
    tpu.vector_store %arg11[%swap3A_1495], %broadcast_in_dim3A_1 {strides = array<i32>} : memref<256xi32, #tpu.memory_space<vmem>>, vector<16xi32>,
    %swap3A_1497 = arith.constant 64 : index
    %swap3A_1498 = tpu.vector_load %arg11[%swap3A_1497] {strides = array<i32>} : memref<256xi32, #tpu.memory_space<vmem>>, vector<16xi32>,
    tpu.vector_store %arg11[%swap3A_1497], %broadcast_in_dim3A_1 {strides = array<i32>} : memref<256xi32, #tpu.memory_space<vmem>>, vector<16xi32>,
    %swap3A_1499 = arith.constant 80 : index
    %swap3A_1500 = tpu.vector_load %arg11[%swap3A_1499] {strides = array<i32>} : memref<256xi32, #tpu.memory_space<vmem>>, vector<16xi32>,
    tpu.vector_store %arg11[%swap3A_1499], %broadcast_in_dim3A_1 {strides = array<i32>} : memref<256xi32, #tpu.memory_space<vmem>>, vector<16xi32>,
    %swap3A_1501 = arith.constant 96 : index
    %swap3A_1502 = tpu.vector_load %arg11[%swap3A_1501] {strides = array<i32>} : memref<256xi32, #tpu.memory_space<vmem>>, vector<16xi32>,
    tpu.vector_store %arg11[%swap3A_1501], %broadcast_in_dim3A_1 {strides = array<i32>} : memref<256xi32, #tpu.memory_space<vmem>>, vector<16xi32>,
    %swap3A_1503 = arith.constant 112 : index
    %swap3A_1504 = tpu.vector_load %arg11[%swap3A_1503] {strides = array<i32>} : memref<256xi32, #tpu.memory_space<vmem>>, vector<16xi32>,
    tpu.vector_store %arg11[%swap3A_1503], %broadcast_in_dim3A_1 {strides = array<i32>} : memref<256xi32, #tpu.memory_space<vmem>>, vector<16xi32>,
    %swap3A_1505 = arith.constant 128 : index
    %swap3A_1506 = tpu.vector_load %arg11[%swap3A_1505] {strides = array<i32>} : memref<256xi32, #tpu.memory_space<vmem>>, vector<16xi32>,
    tpu.vector_store %arg11[%swap3A_1505], %broadcast_in_dim3A_1 {strides = array<i32>} : memref<256xi32, #tpu.memory_space<vmem>>, vector<16xi32>,
    %swap3A_1507 = arith.constant 144 : index
    %swap3A_1508 = tpu.vector_load %arg11[%swap3A_1507] {strides = array<i32>} : memref<256xi32, #tpu.memory_space<vmem>>, vector<16xi32>,
    tpu.vector_store %arg11[%swap3A_1507], %broadcast_in_dim3A_1 {strides = array<i32>} : memref<256xi32, #tpu.memory_space<vmem>>, vector<16xi32>,
    %swap3A_1509 = arith.constant 160 : index
    %swap3A_1510 = tpu.vector_load %arg11[%swap3A_1509] {strides = array<i32>} : memref<256xi32, #tpu.memory_space<vmem>>, vector<16xi32>,
    tpu.vector_store %arg11[%swap3A_1509], %broadcast_in_dim3A_1 {strides = array<i32>} : memref<256xi32, #tpu.memory_space<vmem>>, vector<16xi32>,
    %swap3A_1511 = arith.constant 176 : index
    %swap3A_1512 = tpu.vector_load %arg11[%swap3A_1511] {strides = array<i32>} : memref<256xi32, #tpu.memory_space<vmem>>, vector<16xi32>,
    tpu.vector_store %arg11[%swap3A_1511], %broadcast_in_dim3A_1 {strides = array<i32>} : memref<256xi32, #tpu.memory_space<vmem>>, vector<16xi32>,
    %swap3A_1513 = arith.constant 192 : index
    %swap3A_1514 = tpu.vector_load %arg11[%swap3A_1513] {strides = array<i32>} : memref<256xi32, #tpu.memory_space<vmem>>, vector<16xi32>,
    tpu.vector_store %arg11[%swap3A_1513], %broadcast_in_dim3A_1 {strides = array<i32>} : memref<256xi32, #tpu.memory_space<vmem>>, vector<16xi32>,
    %swap3A_1515 = arith.constant 208 : index
    %swap3A_1516 = tpu.vector_load %arg11[%swap3A_1515] {strides = array<i32>} : memref<256xi32, #tpu.memory_space<vmem>>, vector<16xi32>,
    tpu.vector_store %arg11[%swap3A_1515], %broadcast_in_dim3A_1 {strides = array<i32>} : memref<256xi32, #tpu.memory_space<vmem>>, vector<16xi32>,
    %swap3A_1517 = arith.constant 224 : index
    %swap3A_1518 = tpu.vector_load %arg11[%swap3A_1517] {strides = array<i32>} : memref<256xi32, #tpu.memory_space<vmem>>, vector<16xi32>,
    tpu.vector_store %arg11[%swap3A_1517], %broadcast_in_dim3A_1 {strides = array<i32>} : memref<256xi32, #tpu.memory_space<vmem>>, vector<16xi32>,
    %swap3A_1519 = arith.constant 240 : index
    %swap3A_1520 = tpu.vector_load %arg11[%swap3A_1519] {strides = array<i32>} : memref<256xi32, #tpu.memory_space<vmem>>, vector<16xi32>,
    tpu.vector_store %arg11[%swap3A_1519], %broadcast_in_dim3A_1 {strides = array<i32>} : memref<256xi32, #tpu.memory_space<vmem>>, vector<16xi32>,
    %scan3A_1521 = arith.constant 0 : i32
    %scan3A_1522 = arith.constant 0 : i32
    %scan3A_1523 = arith.constant 64 : i32
    %scan3A_1524 = arith.addi %scan3A_1522, %scan3A_1523 : i32
    %scan3A_1525 = arith.constant 1 : i32
    %scan3A_1526 = scf.for %scan3A_2385 = %scan3A_1522 to %scan3A_1524 step %scan3A_1525 iter_args(%scan3A_2386 = %scan3A_1521) -> (i32)  : i32 {
      %mul3A_2387 = arith.constant 16 : i32
      %mul3A_2388 = arith.muli %scan3A_2385, %mul3A_2387 : i32
      %get3A_2389 = arith.index_cast %mul3A_2388 : i32 to index
      %get3A_2390 = tpu.vector_load %arg7[%get3A_2389] {strides = array<i32>} : memref<1024xi32, #tpu.memory_space<vmem>>, vector<16xi32>,
      %shift_right_arithmetic3A_2391 = arith.constant 8 : i32
      %shift_right_arithmetic3A_2392 = vector.broadcast %shift_right_arithmetic3A_2391 : i32 to vector<16xi32>
      %shift_right_arithmetic3A_2393 = arith.shrsi %get3A_2390, %shift_right_arithmetic3A_2392 : vector<16xi32>
      %and3A_2394 = arith.constant 255 : i32
      %and3A_2395 = vector.broadcast %and3A_2394 : i32 to vector<16xi32>
      %and3A_2396 = arith.andi %shift_right_arithmetic3A_2393, %and3A_2395 : vector<16xi32>
      %broadcast_in_dim3A_2397 = arith.constant true
      %broadcast_in_dim3A_2398 = vector.broadcast %broadcast_in_dim3A_2397 : i1 to vector<16xi1>
      %unique3A, %unique3A_2399 = tpu.scan_count mask(%broadcast_in_dim3A_2398 : vector<16xi1>) value(%and3A_2396 : vector<16xi32>) : vector<16xi1>, vector<16xi32>
      tpu.vector_store_idx %arg11[%and3A_2396], %unique3A_2399 masked %unique3A {add = true} : memref<256xi32, #tpu.memory_space<vmem>>[vector<16xi32>], vector<16xi32>, vector<16xi1>
      %scan3A_2400 = arith.constant 0 : i32
      scf.yield %scan3A_2400 : i32
    }
    %scan3A_1527 = arith.constant 64 : i32
    %get3A_1528 = arith.constant 0 : index
    %get3A_1529 = tpu.vector_load %arg11[%get3A_1528] {strides = array<i32>} : memref<256xi32, #tpu.memory_space<vmem>>, vector<16xi32>,
    %broadcast_in_dim3A_1530 = arith.constant true
    %broadcast_in_dim3A_1531 = vector.broadcast %broadcast_in_dim3A_1530 : i1 to vector<16xi1>
    %masked_cumsum3A_1532 = tpu.scan <sum>, %get3A_1529 masked %broadcast_in_dim3A_1531 : vector<16xi32>, vector<16xi1> -> vector<16xi32>
    %sub3A_1533 = arith.subi %masked_cumsum3A_1532, %get3A_1529 : vector<16xi32>
    %add3A_1534 = arith.constant 0 : i32
    %add3A_1535 = vector.broadcast %add3A_1534 : i32 to vector<16xi32>
    %add3A_1536 = arith.addi %sub3A_1533, %add3A_1535 : vector<16xi32>
    %swap3A_1537 = arith.constant 0 : index
    %swap3A_1538 = tpu.vector_load %arg12[%swap3A_1537] {strides = array<i32>} : memref<256xi32, #tpu.memory_space<vmem>>, vector<16xi32>,
    tpu.vector_store %arg12[%swap3A_1537], %add3A_1536 {strides = array<i32>} : memref<256xi32, #tpu.memory_space<vmem>>, vector<16xi32>,
    %reduce_sum3A_1539 = arith.constant true
    %reduce_sum3A_1540 = vector.broadcast %reduce_sum3A_1539 : i1 to vector<16xi1>
    %reduce_sum3A_1541 = tpu.scan <sum>, %get3A_1529 masked %reduce_sum3A_1540 : vector<16xi32>, vector<16xi1> -> vector<16xi32>
    %reduce_sum3A_1542 = vector.extract %reduce_sum3A_1541[15] : i32 from vector<16xi32>
    %add3A_1543 = arith.constant 0 : i32
    %add3A_1544 = arith.addi %add3A_1543, %reduce_sum3A_1542 : i32
    %get3A_1545 = arith.constant 16 : index
    %get3A_1546 = tpu.vector_load %arg11[%get3A_1545] {strides = array<i32>} : memref<256xi32, #tpu.memory_space<vmem>>, vector<16xi32>,
    %broadcast_in_dim3A_1547 = arith.constant true
    %broadcast_in_dim3A_1548 = vector.broadcast %broadcast_in_dim3A_1547 : i1 to vector<16xi1>
    %masked_cumsum3A_1549 = tpu.scan <sum>, %get3A_1546 masked %broadcast_in_dim3A_1548 : vector<16xi32>, vector<16xi1> -> vector<16xi32>
    %sub3A_1550 = arith.subi %masked_cumsum3A_1549, %get3A_1546 : vector<16xi32>
    %add3A_1551 = vector.broadcast %add3A_1544 : i32 to vector<16xi32>
    %add3A_1552 = arith.addi %sub3A_1550, %add3A_1551 : vector<16xi32>
    %swap3A_1553 = arith.constant 16 : index
    %swap3A_1554 = tpu.vector_load %arg12[%swap3A_1553] {strides = array<i32>} : memref<256xi32, #tpu.memory_space<vmem>>, vector<16xi32>,
    tpu.vector_store %arg12[%swap3A_1553], %add3A_1552 {strides = array<i32>} : memref<256xi32, #tpu.memory_space<vmem>>, vector<16xi32>,
    %reduce_sum3A_1555 = arith.constant true
    %reduce_sum3A_1556 = vector.broadcast %reduce_sum3A_1555 : i1 to vector<16xi1>
    %reduce_sum3A_1557 = tpu.scan <sum>, %get3A_1546 masked %reduce_sum3A_1556 : vector<16xi32>, vector<16xi1> -> vector<16xi32>
    %reduce_sum3A_1558 = vector.extract %reduce_sum3A_1557[15] : i32 from vector<16xi32>
    %add3A_1559 = arith.addi %add3A_1544, %reduce_sum3A_1558 : i32
    %get3A_1560 = arith.constant 32 : index
    %get3A_1561 = tpu.vector_load %arg11[%get3A_1560] {strides = array<i32>} : memref<256xi32, #tpu.memory_space<vmem>>, vector<16xi32>,
    %broadcast_in_dim3A_1562 = arith.constant true
    %broadcast_in_dim3A_1563 = vector.broadcast %broadcast_in_dim3A_1562 : i1 to vector<16xi1>
    %masked_cumsum3A_1564 = tpu.scan <sum>, %get3A_1561 masked %broadcast_in_dim3A_1563 : vector<16xi32>, vector<16xi1> -> vector<16xi32>
    %sub3A_1565 = arith.subi %masked_cumsum3A_1564, %get3A_1561 : vector<16xi32>
    %add3A_1566 = vector.broadcast %add3A_1559 : i32 to vector<16xi32>
    %add3A_1567 = arith.addi %sub3A_1565, %add3A_1566 : vector<16xi32>
    %swap3A_1568 = arith.constant 32 : index
    %swap3A_1569 = tpu.vector_load %arg12[%swap3A_1568] {strides = array<i32>} : memref<256xi32, #tpu.memory_space<vmem>>, vector<16xi32>,
    tpu.vector_store %arg12[%swap3A_1568], %add3A_1567 {strides = array<i32>} : memref<256xi32, #tpu.memory_space<vmem>>, vector<16xi32>,
    %reduce_sum3A_1570 = arith.constant true
    %reduce_sum3A_1571 = vector.broadcast %reduce_sum3A_1570 : i1 to vector<16xi1>
    %reduce_sum3A_1572 = tpu.scan <sum>, %get3A_1561 masked %reduce_sum3A_1571 : vector<16xi32>, vector<16xi1> -> vector<16xi32>
    %reduce_sum3A_1573 = vector.extract %reduce_sum3A_1572[15] : i32 from vector<16xi32>
    %add3A_1574 = arith.addi %add3A_1559, %reduce_sum3A_1573 : i32
    %get3A_1575 = arith.constant 48 : index
    %get3A_1576 = tpu.vector_load %arg11[%get3A_1575] {strides = array<i32>} : memref<256xi32, #tpu.memory_space<vmem>>, vector<16xi32>,
    %broadcast_in_dim3A_1577 = arith.constant true
    %broadcast_in_dim3A_1578 = vector.broadcast %broadcast_in_dim3A_1577 : i1 to vector<16xi1>
    %masked_cumsum3A_1579 = tpu.scan <sum>, %get3A_1576 masked %broadcast_in_dim3A_1578 : vector<16xi32>, vector<16xi1> -> vector<16xi32>
    %sub3A_1580 = arith.subi %masked_cumsum3A_1579, %get3A_1576 : vector<16xi32>
    %add3A_1581 = vector.broadcast %add3A_1574 : i32 to vector<16xi32>
    %add3A_1582 = arith.addi %sub3A_1580, %add3A_1581 : vector<16xi32>
    %swap3A_1583 = arith.constant 48 : index
    %swap3A_1584 = tpu.vector_load %arg12[%swap3A_1583] {strides = array<i32>} : memref<256xi32, #tpu.memory_space<vmem>>, vector<16xi32>,
    tpu.vector_store %arg12[%swap3A_1583], %add3A_1582 {strides = array<i32>} : memref<256xi32, #tpu.memory_space<vmem>>, vector<16xi32>,
    %reduce_sum3A_1585 = arith.constant true
    %reduce_sum3A_1586 = vector.broadcast %reduce_sum3A_1585 : i1 to vector<16xi1>
    %reduce_sum3A_1587 = tpu.scan <sum>, %get3A_1576 masked %reduce_sum3A_1586 : vector<16xi32>, vector<16xi1> -> vector<16xi32>
    %reduce_sum3A_1588 = vector.extract %reduce_sum3A_1587[15] : i32 from vector<16xi32>
    %add3A_1589 = arith.addi %add3A_1574, %reduce_sum3A_1588 : i32
    %get3A_1590 = arith.constant 64 : index
    %get3A_1591 = tpu.vector_load %arg11[%get3A_1590] {strides = array<i32>} : memref<256xi32, #tpu.memory_space<vmem>>, vector<16xi32>,
    %broadcast_in_dim3A_1592 = arith.constant true
    %broadcast_in_dim3A_1593 = vector.broadcast %broadcast_in_dim3A_1592 : i1 to vector<16xi1>
    %masked_cumsum3A_1594 = tpu.scan <sum>, %get3A_1591 masked %broadcast_in_dim3A_1593 : vector<16xi32>, vector<16xi1> -> vector<16xi32>
    %sub3A_1595 = arith.subi %masked_cumsum3A_1594, %get3A_1591 : vector<16xi32>
    %add3A_1596 = vector.broadcast %add3A_1589 : i32 to vector<16xi32>
    %add3A_1597 = arith.addi %sub3A_1595, %add3A_1596 : vector<16xi32>
    %swap3A_1598 = arith.constant 64 : index
    %swap3A_1599 = tpu.vector_load %arg12[%swap3A_1598] {strides = array<i32>} : memref<256xi32, #tpu.memory_space<vmem>>, vector<16xi32>,
    tpu.vector_store %arg12[%swap3A_1598], %add3A_1597 {strides = array<i32>} : memref<256xi32, #tpu.memory_space<vmem>>, vector<16xi32>,
    %reduce_sum3A_1600 = arith.constant true
    %reduce_sum3A_1601 = vector.broadcast %reduce_sum3A_1600 : i1 to vector<16xi1>
    %reduce_sum3A_1602 = tpu.scan <sum>, %get3A_1591 masked %reduce_sum3A_1601 : vector<16xi32>, vector<16xi1> -> vector<16xi32>
    %reduce_sum3A_1603 = vector.extract %reduce_sum3A_1602[15] : i32 from vector<16xi32>
    %add3A_1604 = arith.addi %add3A_1589, %reduce_sum3A_1603 : i32
    %get3A_1605 = arith.constant 80 : index
    %get3A_1606 = tpu.vector_load %arg11[%get3A_1605] {strides = array<i32>} : memref<256xi32, #tpu.memory_space<vmem>>, vector<16xi32>,
    %broadcast_in_dim3A_1607 = arith.constant true
    %broadcast_in_dim3A_1608 = vector.broadcast %broadcast_in_dim3A_1607 : i1 to vector<16xi1>
    %masked_cumsum3A_1609 = tpu.scan <sum>, %get3A_1606 masked %broadcast_in_dim3A_1608 : vector<16xi32>, vector<16xi1> -> vector<16xi32>
    %sub3A_1610 = arith.subi %masked_cumsum3A_1609, %get3A_1606 : vector<16xi32>
    %add3A_1611 = vector.broadcast %add3A_1604 : i32 to vector<16xi32>
    %add3A_1612 = arith.addi %sub3A_1610, %add3A_1611 : vector<16xi32>
    %swap3A_1613 = arith.constant 80 : index
    %swap3A_1614 = tpu.vector_load %arg12[%swap3A_1613] {strides = array<i32>} : memref<256xi32, #tpu.memory_space<vmem>>, vector<16xi32>,
    tpu.vector_store %arg12[%swap3A_1613], %add3A_1612 {strides = array<i32>} : memref<256xi32, #tpu.memory_space<vmem>>, vector<16xi32>,
    %reduce_sum3A_1615 = arith.constant true
    %reduce_sum3A_1616 = vector.broadcast %reduce_sum3A_1615 : i1 to vector<16xi1>
    %reduce_sum3A_1617 = tpu.scan <sum>, %get3A_1606 masked %reduce_sum3A_1616 : vector<16xi32>, vector<16xi1> -> vector<16xi32>
    %reduce_sum3A_1618 = vector.extract %reduce_sum3A_1617[15] : i32 from vector<16xi32>
    %add3A_1619 = arith.addi %add3A_1604, %reduce_sum3A_1618 : i32
    %get3A_1620 = arith.constant 96 : index
    %get3A_1621 = tpu.vector_load %arg11[%get3A_1620] {strides = array<i32>} : memref<256xi32, #tpu.memory_space<vmem>>, vector<16xi32>,
    %broadcast_in_dim3A_1622 = arith.constant true
    %broadcast_in_dim3A_1623 = vector.broadcast %broadcast_in_dim3A_1622 : i1 to vector<16xi1>
    %masked_cumsum3A_1624 = tpu.scan <sum>, %get3A_1621 masked %broadcast_in_dim3A_1623 : vector<16xi32>, vector<16xi1> -> vector<16xi32>
    %sub3A_1625 = arith.subi %masked_cumsum3A_1624, %get3A_1621 : vector<16xi32>
    %add3A_1626 = vector.broadcast %add3A_1619 : i32 to vector<16xi32>
    %add3A_1627 = arith.addi %sub3A_1625, %add3A_1626 : vector<16xi32>
    %swap3A_1628 = arith.constant 96 : index
    %swap3A_1629 = tpu.vector_load %arg12[%swap3A_1628] {strides = array<i32>} : memref<256xi32, #tpu.memory_space<vmem>>, vector<16xi32>,
    tpu.vector_store %arg12[%swap3A_1628], %add3A_1627 {strides = array<i32>} : memref<256xi32, #tpu.memory_space<vmem>>, vector<16xi32>,
    %reduce_sum3A_1630 = arith.constant true
    %reduce_sum3A_1631 = vector.broadcast %reduce_sum3A_1630 : i1 to vector<16xi1>
    %reduce_sum3A_1632 = tpu.scan <sum>, %get3A_1621 masked %reduce_sum3A_1631 : vector<16xi32>, vector<16xi1> -> vector<16xi32>
    %reduce_sum3A_1633 = vector.extract %reduce_sum3A_1632[15] : i32 from vector<16xi32>
    %add3A_1634 = arith.addi %add3A_1619, %reduce_sum3A_1633 : i32
    %get3A_1635 = arith.constant 112 : index
    %get3A_1636 = tpu.vector_load %arg11[%get3A_1635] {strides = array<i32>} : memref<256xi32, #tpu.memory_space<vmem>>, vector<16xi32>,
    %broadcast_in_dim3A_1637 = arith.constant true
    %broadcast_in_dim3A_1638 = vector.broadcast %broadcast_in_dim3A_1637 : i1 to vector<16xi1>
    %masked_cumsum3A_1639 = tpu.scan <sum>, %get3A_1636 masked %broadcast_in_dim3A_1638 : vector<16xi32>, vector<16xi1> -> vector<16xi32>
    %sub3A_1640 = arith.subi %masked_cumsum3A_1639, %get3A_1636 : vector<16xi32>
    %add3A_1641 = vector.broadcast %add3A_1634 : i32 to vector<16xi32>
    %add3A_1642 = arith.addi %sub3A_1640, %add3A_1641 : vector<16xi32>
    %swap3A_1643 = arith.constant 112 : index
    %swap3A_1644 = tpu.vector_load %arg12[%swap3A_1643] {strides = array<i32>} : memref<256xi32, #tpu.memory_space<vmem>>, vector<16xi32>,
    tpu.vector_store %arg12[%swap3A_1643], %add3A_1642 {strides = array<i32>} : memref<256xi32, #tpu.memory_space<vmem>>, vector<16xi32>,
    %reduce_sum3A_1645 = arith.constant true
    %reduce_sum3A_1646 = vector.broadcast %reduce_sum3A_1645 : i1 to vector<16xi1>
    %reduce_sum3A_1647 = tpu.scan <sum>, %get3A_1636 masked %reduce_sum3A_1646 : vector<16xi32>, vector<16xi1> -> vector<16xi32>
    %reduce_sum3A_1648 = vector.extract %reduce_sum3A_1647[15] : i32 from vector<16xi32>
    %add3A_1649 = arith.addi %add3A_1634, %reduce_sum3A_1648 : i32
    %get3A_1650 = arith.constant 128 : index
    %get3A_1651 = tpu.vector_load %arg11[%get3A_1650] {strides = array<i32>} : memref<256xi32, #tpu.memory_space<vmem>>, vector<16xi32>,
    %broadcast_in_dim3A_1652 = arith.constant true
    %broadcast_in_dim3A_1653 = vector.broadcast %broadcast_in_dim3A_1652 : i1 to vector<16xi1>
    %masked_cumsum3A_1654 = tpu.scan <sum>, %get3A_1651 masked %broadcast_in_dim3A_1653 : vector<16xi32>, vector<16xi1> -> vector<16xi32>
    %sub3A_1655 = arith.subi %masked_cumsum3A_1654, %get3A_1651 : vector<16xi32>
    %add3A_1656 = vector.broadcast %add3A_1649 : i32 to vector<16xi32>
    %add3A_1657 = arith.addi %sub3A_1655, %add3A_1656 : vector<16xi32>
    %swap3A_1658 = arith.constant 128 : index
    %swap3A_1659 = tpu.vector_load %arg12[%swap3A_1658] {strides = array<i32>} : memref<256xi32, #tpu.memory_space<vmem>>, vector<16xi32>,
    tpu.vector_store %arg12[%swap3A_1658], %add3A_1657 {strides = array<i32>} : memref<256xi32, #tpu.memory_space<vmem>>, vector<16xi32>,
    %reduce_sum3A_1660 = arith.constant true
    %reduce_sum3A_1661 = vector.broadcast %reduce_sum3A_1660 : i1 to vector<16xi1>
    %reduce_sum3A_1662 = tpu.scan <sum>, %get3A_1651 masked %reduce_sum3A_1661 : vector<16xi32>, vector<16xi1> -> vector<16xi32>
    %reduce_sum3A_1663 = vector.extract %reduce_sum3A_1662[15] : i32 from vector<16xi32>
    %add3A_1664 = arith.addi %add3A_1649, %reduce_sum3A_1663 : i32
    %get3A_1665 = arith.constant 144 : index
    %get3A_1666 = tpu.vector_load %arg11[%get3A_1665] {strides = array<i32>} : memref<256xi32, #tpu.memory_space<vmem>>, vector<16xi32>,
    %broadcast_in_dim3A_1667 = arith.constant true
    %broadcast_in_dim3A_1668 = vector.broadcast %broadcast_in_dim3A_1667 : i1 to vector<16xi1>
    %masked_cumsum3A_1669 = tpu.scan <sum>, %get3A_1666 masked %broadcast_in_dim3A_1668 : vector<16xi32>, vector<16xi1> -> vector<16xi32>
    %sub3A_1670 = arith.subi %masked_cumsum3A_1669, %get3A_1666 : vector<16xi32>
    %add3A_1671 = vector.broadcast %add3A_1664 : i32 to vector<16xi32>
    %add3A_1672 = arith.addi %sub3A_1670, %add3A_1671 : vector<16xi32>
    %swap3A_1673 = arith.constant 144 : index
    %swap3A_1674 = tpu.vector_load %arg12[%swap3A_1673] {strides = array<i32>} : memref<256xi32, #tpu.memory_space<vmem>>, vector<16xi32>,
    tpu.vector_store %arg12[%swap3A_1673], %add3A_1672 {strides = array<i32>} : memref<256xi32, #tpu.memory_space<vmem>>, vector<16xi32>,
    %reduce_sum3A_1675 = arith.constant true
    %reduce_sum3A_1676 = vector.broadcast %reduce_sum3A_1675 : i1 to vector<16xi1>
    %reduce_sum3A_1677 = tpu.scan <sum>, %get3A_1666 masked %reduce_sum3A_1676 : vector<16xi32>, vector<16xi1> -> vector<16xi32>
    %reduce_sum3A_1678 = vector.extract %reduce_sum3A_1677[15] : i32 from vector<16xi32>
    %add3A_1679 = arith.addi %add3A_1664, %reduce_sum3A_1678 : i32
    %get3A_1680 = arith.constant 160 : index
    %get3A_1681 = tpu.vector_load %arg11[%get3A_1680] {strides = array<i32>} : memref<256xi32, #tpu.memory_space<vmem>>, vector<16xi32>,
    %broadcast_in_dim3A_1682 = arith.constant true
    %broadcast_in_dim3A_1683 = vector.broadcast %broadcast_in_dim3A_1682 : i1 to vector<16xi1>
    %masked_cumsum3A_1684 = tpu.scan <sum>, %get3A_1681 masked %broadcast_in_dim3A_1683 : vector<16xi32>, vector<16xi1> -> vector<16xi32>
    %sub3A_1685 = arith.subi %masked_cumsum3A_1684, %get3A_1681 : vector<16xi32>
    %add3A_1686 = vector.broadcast %add3A_1679 : i32 to vector<16xi32>
    %add3A_1687 = arith.addi %sub3A_1685, %add3A_1686 : vector<16xi32>
    %swap3A_1688 = arith.constant 160 : index
    %swap3A_1689 = tpu.vector_load %arg12[%swap3A_1688] {strides = array<i32>} : memref<256xi32, #tpu.memory_space<vmem>>, vector<16xi32>,
    tpu.vector_store %arg12[%swap3A_1688], %add3A_1687 {strides = array<i32>} : memref<256xi32, #tpu.memory_space<vmem>>, vector<16xi32>,
    %reduce_sum3A_1690 = arith.constant true
    %reduce_sum3A_1691 = vector.broadcast %reduce_sum3A_1690 : i1 to vector<16xi1>
    %reduce_sum3A_1692 = tpu.scan <sum>, %get3A_1681 masked %reduce_sum3A_1691 : vector<16xi32>, vector<16xi1> -> vector<16xi32>
    %reduce_sum3A_1693 = vector.extract %reduce_sum3A_1692[15] : i32 from vector<16xi32>
    %add3A_1694 = arith.addi %add3A_1679, %reduce_sum3A_1693 : i32
    %get3A_1695 = arith.constant 176 : index
    %get3A_1696 = tpu.vector_load %arg11[%get3A_1695] {strides = array<i32>} : memref<256xi32, #tpu.memory_space<vmem>>, vector<16xi32>,
    %broadcast_in_dim3A_1697 = arith.constant true
    %broadcast_in_dim3A_1698 = vector.broadcast %broadcast_in_dim3A_1697 : i1 to vector<16xi1>
    %masked_cumsum3A_1699 = tpu.scan <sum>, %get3A_1696 masked %broadcast_in_dim3A_1698 : vector<16xi32>, vector<16xi1> -> vector<16xi32>
    %sub3A_1700 = arith.subi %masked_cumsum3A_1699, %get3A_1696 : vector<16xi32>
    %add3A_1701 = vector.broadcast %add3A_1694 : i32 to vector<16xi32>
    %add3A_1702 = arith.addi %sub3A_1700, %add3A_1701 : vector<16xi32>
    %swap3A_1703 = arith.constant 176 : index
    %swap3A_1704 = tpu.vector_load %arg12[%swap3A_1703] {strides = array<i32>} : memref<256xi32, #tpu.memory_space<vmem>>, vector<16xi32>,
    tpu.vector_store %arg12[%swap3A_1703], %add3A_1702 {strides = array<i32>} : memref<256xi32, #tpu.memory_space<vmem>>, vector<16xi32>,
    %reduce_sum3A_1705 = arith.constant true
    %reduce_sum3A_1706 = vector.broadcast %reduce_sum3A_1705 : i1 to vector<16xi1>
    %reduce_sum3A_1707 = tpu.scan <sum>, %get3A_1696 masked %reduce_sum3A_1706 : vector<16xi32>, vector<16xi1> -> vector<16xi32>
    %reduce_sum3A_1708 = vector.extract %reduce_sum3A_1707[15] : i32 from vector<16xi32>
    %add3A_1709 = arith.addi %add3A_1694, %reduce_sum3A_1708 : i32
    %get3A_1710 = arith.constant 192 : index
    %get3A_1711 = tpu.vector_load %arg11[%get3A_1710] {strides = array<i32>} : memref<256xi32, #tpu.memory_space<vmem>>, vector<16xi32>,
    %broadcast_in_dim3A_1712 = arith.constant true
    %broadcast_in_dim3A_1713 = vector.broadcast %broadcast_in_dim3A_1712 : i1 to vector<16xi1>
    %masked_cumsum3A_1714 = tpu.scan <sum>, %get3A_1711 masked %broadcast_in_dim3A_1713 : vector<16xi32>, vector<16xi1> -> vector<16xi32>
    %sub3A_1715 = arith.subi %masked_cumsum3A_1714, %get3A_1711 : vector<16xi32>
    %add3A_1716 = vector.broadcast %add3A_1709 : i32 to vector<16xi32>
    %add3A_1717 = arith.addi %sub3A_1715, %add3A_1716 : vector<16xi32>
    %swap3A_1718 = arith.constant 192 : index
    %swap3A_1719 = tpu.vector_load %arg12[%swap3A_1718] {strides = array<i32>} : memref<256xi32, #tpu.memory_space<vmem>>, vector<16xi32>,
    tpu.vector_store %arg12[%swap3A_1718], %add3A_1717 {strides = array<i32>} : memref<256xi32, #tpu.memory_space<vmem>>, vector<16xi32>,
    %reduce_sum3A_1720 = arith.constant true
    %reduce_sum3A_1721 = vector.broadcast %reduce_sum3A_1720 : i1 to vector<16xi1>
    %reduce_sum3A_1722 = tpu.scan <sum>, %get3A_1711 masked %reduce_sum3A_1721 : vector<16xi32>, vector<16xi1> -> vector<16xi32>
    %reduce_sum3A_1723 = vector.extract %reduce_sum3A_1722[15] : i32 from vector<16xi32>
    %add3A_1724 = arith.addi %add3A_1709, %reduce_sum3A_1723 : i32
    %get3A_1725 = arith.constant 208 : index
    %get3A_1726 = tpu.vector_load %arg11[%get3A_1725] {strides = array<i32>} : memref<256xi32, #tpu.memory_space<vmem>>, vector<16xi32>,
    %broadcast_in_dim3A_1727 = arith.constant true
    %broadcast_in_dim3A_1728 = vector.broadcast %broadcast_in_dim3A_1727 : i1 to vector<16xi1>
    %masked_cumsum3A_1729 = tpu.scan <sum>, %get3A_1726 masked %broadcast_in_dim3A_1728 : vector<16xi32>, vector<16xi1> -> vector<16xi32>
    %sub3A_1730 = arith.subi %masked_cumsum3A_1729, %get3A_1726 : vector<16xi32>
    %add3A_1731 = vector.broadcast %add3A_1724 : i32 to vector<16xi32>
    %add3A_1732 = arith.addi %sub3A_1730, %add3A_1731 : vector<16xi32>
    %swap3A_1733 = arith.constant 208 : index
    %swap3A_1734 = tpu.vector_load %arg12[%swap3A_1733] {strides = array<i32>} : memref<256xi32, #tpu.memory_space<vmem>>, vector<16xi32>,
    tpu.vector_store %arg12[%swap3A_1733], %add3A_1732 {strides = array<i32>} : memref<256xi32, #tpu.memory_space<vmem>>, vector<16xi32>,
    %reduce_sum3A_1735 = arith.constant true
    %reduce_sum3A_1736 = vector.broadcast %reduce_sum3A_1735 : i1 to vector<16xi1>
    %reduce_sum3A_1737 = tpu.scan <sum>, %get3A_1726 masked %reduce_sum3A_1736 : vector<16xi32>, vector<16xi1> -> vector<16xi32>
    %reduce_sum3A_1738 = vector.extract %reduce_sum3A_1737[15] : i32 from vector<16xi32>
    %add3A_1739 = arith.addi %add3A_1724, %reduce_sum3A_1738 : i32
    %get3A_1740 = arith.constant 224 : index
    %get3A_1741 = tpu.vector_load %arg11[%get3A_1740] {strides = array<i32>} : memref<256xi32, #tpu.memory_space<vmem>>, vector<16xi32>,
    %broadcast_in_dim3A_1742 = arith.constant true
    %broadcast_in_dim3A_1743 = vector.broadcast %broadcast_in_dim3A_1742 : i1 to vector<16xi1>
    %masked_cumsum3A_1744 = tpu.scan <sum>, %get3A_1741 masked %broadcast_in_dim3A_1743 : vector<16xi32>, vector<16xi1> -> vector<16xi32>
    %sub3A_1745 = arith.subi %masked_cumsum3A_1744, %get3A_1741 : vector<16xi32>
    %add3A_1746 = vector.broadcast %add3A_1739 : i32 to vector<16xi32>
    %add3A_1747 = arith.addi %sub3A_1745, %add3A_1746 : vector<16xi32>
    %swap3A_1748 = arith.constant 224 : index
    %swap3A_1749 = tpu.vector_load %arg12[%swap3A_1748] {strides = array<i32>} : memref<256xi32, #tpu.memory_space<vmem>>, vector<16xi32>,
    tpu.vector_store %arg12[%swap3A_1748], %add3A_1747 {strides = array<i32>} : memref<256xi32, #tpu.memory_space<vmem>>, vector<16xi32>,
    %reduce_sum3A_1750 = arith.constant true
    %reduce_sum3A_1751 = vector.broadcast %reduce_sum3A_1750 : i1 to vector<16xi1>
    %reduce_sum3A_1752 = tpu.scan <sum>, %get3A_1741 masked %reduce_sum3A_1751 : vector<16xi32>, vector<16xi1> -> vector<16xi32>
    %reduce_sum3A_1753 = vector.extract %reduce_sum3A_1752[15] : i32 from vector<16xi32>
    %add3A_1754 = arith.addi %add3A_1739, %reduce_sum3A_1753 : i32
    %get3A_1755 = arith.constant 240 : index
    %get3A_1756 = tpu.vector_load %arg11[%get3A_1755] {strides = array<i32>} : memref<256xi32, #tpu.memory_space<vmem>>, vector<16xi32>,
    %broadcast_in_dim3A_1757 = arith.constant true
    %broadcast_in_dim3A_1758 = vector.broadcast %broadcast_in_dim3A_1757 : i1 to vector<16xi1>
    %masked_cumsum3A_1759 = tpu.scan <sum>, %get3A_1756 masked %broadcast_in_dim3A_1758 : vector<16xi32>, vector<16xi1> -> vector<16xi32>
    %sub3A_1760 = arith.subi %masked_cumsum3A_1759, %get3A_1756 : vector<16xi32>
    %add3A_1761 = vector.broadcast %add3A_1754 : i32 to vector<16xi32>
    %add3A_1762 = arith.addi %sub3A_1760, %add3A_1761 : vector<16xi32>
    %swap3A_1763 = arith.constant 240 : index
    %swap3A_1764 = tpu.vector_load %arg12[%swap3A_1763] {strides = array<i32>} : memref<256xi32, #tpu.memory_space<vmem>>, vector<16xi32>,
    tpu.vector_store %arg12[%swap3A_1763], %add3A_1762 {strides = array<i32>} : memref<256xi32, #tpu.memory_space<vmem>>, vector<16xi32>,
    %reduce_sum3A_1765 = arith.constant true
    %reduce_sum3A_1766 = vector.broadcast %reduce_sum3A_1765 : i1 to vector<16xi1>
    %reduce_sum3A_1767 = tpu.scan <sum>, %get3A_1756 masked %reduce_sum3A_1766 : vector<16xi32>, vector<16xi1> -> vector<16xi32>
    %reduce_sum3A_1768 = vector.extract %reduce_sum3A_1767[15] : i32 from vector<16xi32>
    %add3A_1769 = arith.addi %add3A_1754, %reduce_sum3A_1768 : i32
    %scan3A_1770 = arith.constant 0 : i32
    %scan3A_1771 = arith.constant 0 : i32
    %scan3A_1772 = arith.constant 64 : i32
    %scan3A_1773 = arith.addi %scan3A_1771, %scan3A_1772 : i32
    %scan3A_1774 = arith.constant 1 : i32
    %scan3A_1775 = scf.for %scan3A_2385 = %scan3A_1771 to %scan3A_1773 step %scan3A_1774 iter_args(%scan3A_2386 = %scan3A_1770) -> (i32)  : i32 {
      %mul3A_2387 = arith.constant 16 : i32
      %mul3A_2388 = arith.muli %scan3A_2385, %mul3A_2387 : i32
      %get3A_2389 = arith.index_cast %mul3A_2388 : i32 to index
      %get3A_2390 = tpu.vector_load %arg7[%get3A_2389] {strides = array<i32>} : memref<1024xi32, #tpu.memory_space<vmem>>, vector<16xi32>,
      %mul3A_2391 = arith.constant 16 : i32
      %mul3A_2392 = arith.muli %scan3A_2385, %mul3A_2391 : i32
      %get3A_2393 = arith.index_cast %mul3A_2392 : i32 to index
      %get3A_2394 = tpu.vector_load %arg8[%get3A_2393] {strides = array<i32>} : memref<1024xi32, #tpu.memory_space<vmem>>, vector<16xi32>,
      %shift_right_arithmetic3A_2395 = arith.constant 8 : i32
      %shift_right_arithmetic3A_2396 = vector.broadcast %shift_right_arithmetic3A_2395 : i32 to vector<16xi32>
      %shift_right_arithmetic3A_2397 = arith.shrsi %get3A_2390, %shift_right_arithmetic3A_2396 : vector<16xi32>
      %and3A_2398 = arith.constant 255 : i32
      %and3A_2399 = vector.broadcast %and3A_2398 : i32 to vector<16xi32>
      %and3A_2400 = arith.andi %shift_right_arithmetic3A_2397, %and3A_2399 : vector<16xi32>
      %broadcast_in_dim3A_2401 = arith.constant true
      %broadcast_in_dim3A_2402 = vector.broadcast %broadcast_in_dim3A_2401 : i1 to vector<16xi1>
      %unique3A, %unique3A_2403 = tpu.scan_count mask(%broadcast_in_dim3A_2402 : vector<16xi1>) value(%and3A_2400 : vector<16xi32>) : vector<16xi1>, vector<16xi32>
      %gather3A = tpu.vector_load_idx %arg12[%and3A_2400] : memref<256xi32, #tpu.memory_space<vmem>>[vector<16xi32>], vector<16xi32>,
      %add3A_2404 = arith.addi %gather3A, %unique3A_2403 : vector<16xi32>
      %sub3A_2405 = arith.constant 1 : i32
      %sub3A_2406 = vector.broadcast %sub3A_2405 : i32 to vector<16xi32>
      %sub3A_2407 = arith.subi %add3A_2404, %sub3A_2406 : vector<16xi32>
      tpu.vector_store_idx %arg5[%sub3A_2407], %get3A_2390 : memref<1024xi32, #tpu.memory_space<vmem>>[vector<16xi32>], vector<16xi32>,
      tpu.vector_store_idx %arg6[%sub3A_2407], %get3A_2394 : memref<1024xi32, #tpu.memory_space<vmem>>[vector<16xi32>], vector<16xi32>,
      %add3A_2408 = arith.constant 1 : i32
      %add3A_2409 = vector.broadcast %add3A_2408 : i32 to vector<16xi32>
      %add3A_2410 = arith.addi %sub3A_2407, %add3A_2409 : vector<16xi32>
      tpu.vector_store_idx %arg12[%and3A_2400], %add3A_2410 masked %unique3A : memref<256xi32, #tpu.memory_space<vmem>>[vector<16xi32>], vector<16xi32>, vector<16xi1>
      %scan3A_2411 = arith.constant 0 : i32
      scf.yield %scan3A_2411 : i32
    }
    %scan3A_1776 = arith.constant 64 : i32
    %swap3A_1777 = arith.constant 0 : index
    %swap3A_1778 = tpu.vector_load %arg11[%swap3A_1777] {strides = array<i32>} : memref<256xi32, #tpu.memory_space<vmem>>, vector<16xi32>,
    tpu.vector_store %arg11[%swap3A_1777], %broadcast_in_dim3A_1 {strides = array<i32>} : memref<256xi32, #tpu.memory_space<vmem>>, vector<16xi32>,
    %swap3A_1779 = arith.constant 16 : index
    %swap3A_1780 = tpu.vector_load %arg11[%swap3A_1779] {strides = array<i32>} : memref<256xi32, #tpu.memory_space<vmem>>, vector<16xi32>,
    tpu.vector_store %arg11[%swap3A_1779], %broadcast_in_dim3A_1 {strides = array<i32>} : memref<256xi32, #tpu.memory_space<vmem>>, vector<16xi32>,
    %swap3A_1781 = arith.constant 32 : index
    %swap3A_1782 = tpu.vector_load %arg11[%swap3A_1781] {strides = array<i32>} : memref<256xi32, #tpu.memory_space<vmem>>, vector<16xi32>,
    tpu.vector_store %arg11[%swap3A_1781], %broadcast_in_dim3A_1 {strides = array<i32>} : memref<256xi32, #tpu.memory_space<vmem>>, vector<16xi32>,
    %swap3A_1783 = arith.constant 48 : index
    %swap3A_1784 = tpu.vector_load %arg11[%swap3A_1783] {strides = array<i32>} : memref<256xi32, #tpu.memory_space<vmem>>, vector<16xi32>,
    tpu.vector_store %arg11[%swap3A_1783], %broadcast_in_dim3A_1 {strides = array<i32>} : memref<256xi32, #tpu.memory_space<vmem>>, vector<16xi32>,
    %swap3A_1785 = arith.constant 64 : index
    %swap3A_1786 = tpu.vector_load %arg11[%swap3A_1785] {strides = array<i32>} : memref<256xi32, #tpu.memory_space<vmem>>, vector<16xi32>,
    tpu.vector_store %arg11[%swap3A_1785], %broadcast_in_dim3A_1 {strides = array<i32>} : memref<256xi32, #tpu.memory_space<vmem>>, vector<16xi32>,
    %swap3A_1787 = arith.constant 80 : index
    %swap3A_1788 = tpu.vector_load %arg11[%swap3A_1787] {strides = array<i32>} : memref<256xi32, #tpu.memory_space<vmem>>, vector<16xi32>,
    tpu.vector_store %arg11[%swap3A_1787], %broadcast_in_dim3A_1 {strides = array<i32>} : memref<256xi32, #tpu.memory_space<vmem>>, vector<16xi32>,
    %swap3A_1789 = arith.constant 96 : index
    %swap3A_1790 = tpu.vector_load %arg11[%swap3A_1789] {strides = array<i32>} : memref<256xi32, #tpu.memory_space<vmem>>, vector<16xi32>,
    tpu.vector_store %arg11[%swap3A_1789], %broadcast_in_dim3A_1 {strides = array<i32>} : memref<256xi32, #tpu.memory_space<vmem>>, vector<16xi32>,
    %swap3A_1791 = arith.constant 112 : index
    %swap3A_1792 = tpu.vector_load %arg11[%swap3A_1791] {strides = array<i32>} : memref<256xi32, #tpu.memory_space<vmem>>, vector<16xi32>,
    tpu.vector_store %arg11[%swap3A_1791], %broadcast_in_dim3A_1 {strides = array<i32>} : memref<256xi32, #tpu.memory_space<vmem>>, vector<16xi32>,
    %swap3A_1793 = arith.constant 128 : index
    %swap3A_1794 = tpu.vector_load %arg11[%swap3A_1793] {strides = array<i32>} : memref<256xi32, #tpu.memory_space<vmem>>, vector<16xi32>,
    tpu.vector_store %arg11[%swap3A_1793], %broadcast_in_dim3A_1 {strides = array<i32>} : memref<256xi32, #tpu.memory_space<vmem>>, vector<16xi32>,
    %swap3A_1795 = arith.constant 144 : index
    %swap3A_1796 = tpu.vector_load %arg11[%swap3A_1795] {strides = array<i32>} : memref<256xi32, #tpu.memory_space<vmem>>, vector<16xi32>,
    tpu.vector_store %arg11[%swap3A_1795], %broadcast_in_dim3A_1 {strides = array<i32>} : memref<256xi32, #tpu.memory_space<vmem>>, vector<16xi32>,
    %swap3A_1797 = arith.constant 160 : index
    %swap3A_1798 = tpu.vector_load %arg11[%swap3A_1797] {strides = array<i32>} : memref<256xi32, #tpu.memory_space<vmem>>, vector<16xi32>,
    tpu.vector_store %arg11[%swap3A_1797], %broadcast_in_dim3A_1 {strides = array<i32>} : memref<256xi32, #tpu.memory_space<vmem>>, vector<16xi32>,
    %swap3A_1799 = arith.constant 176 : index
    %swap3A_1800 = tpu.vector_load %arg11[%swap3A_1799] {strides = array<i32>} : memref<256xi32, #tpu.memory_space<vmem>>, vector<16xi32>,
    tpu.vector_store %arg11[%swap3A_1799], %broadcast_in_dim3A_1 {strides = array<i32>} : memref<256xi32, #tpu.memory_space<vmem>>, vector<16xi32>,
    %swap3A_1801 = arith.constant 192 : index
    %swap3A_1802 = tpu.vector_load %arg11[%swap3A_1801] {strides = array<i32>} : memref<256xi32, #tpu.memory_space<vmem>>, vector<16xi32>,
    tpu.vector_store %arg11[%swap3A_1801], %broadcast_in_dim3A_1 {strides = array<i32>} : memref<256xi32, #tpu.memory_space<vmem>>, vector<16xi32>,
    %swap3A_1803 = arith.constant 208 : index
    %swap3A_1804 = tpu.vector_load %arg11[%swap3A_1803] {strides = array<i32>} : memref<256xi32, #tpu.memory_space<vmem>>, vector<16xi32>,
    tpu.vector_store %arg11[%swap3A_1803], %broadcast_in_dim3A_1 {strides = array<i32>} : memref<256xi32, #tpu.memory_space<vmem>>, vector<16xi32>,
    %swap3A_1805 = arith.constant 224 : index
    %swap3A_1806 = tpu.vector_load %arg11[%swap3A_1805] {strides = array<i32>} : memref<256xi32, #tpu.memory_space<vmem>>, vector<16xi32>,
    tpu.vector_store %arg11[%swap3A_1805], %broadcast_in_dim3A_1 {strides = array<i32>} : memref<256xi32, #tpu.memory_space<vmem>>, vector<16xi32>,
    %swap3A_1807 = arith.constant 240 : index
    %swap3A_1808 = tpu.vector_load %arg11[%swap3A_1807] {strides = array<i32>} : memref<256xi32, #tpu.memory_space<vmem>>, vector<16xi32>,
    tpu.vector_store %arg11[%swap3A_1807], %broadcast_in_dim3A_1 {strides = array<i32>} : memref<256xi32, #tpu.memory_space<vmem>>, vector<16xi32>,
    %scan3A_1809 = arith.constant 0 : i32
    %scan3A_1810 = arith.constant 0 : i32
    %scan3A_1811 = arith.constant 64 : i32
    %scan3A_1812 = arith.addi %scan3A_1810, %scan3A_1811 : i32
    %scan3A_1813 = arith.constant 1 : i32
    %scan3A_1814 = scf.for %scan3A_2385 = %scan3A_1810 to %scan3A_1812 step %scan3A_1813 iter_args(%scan3A_2386 = %scan3A_1809) -> (i32)  : i32 {
      %mul3A_2387 = arith.constant 16 : i32
      %mul3A_2388 = arith.muli %scan3A_2385, %mul3A_2387 : i32
      %get3A_2389 = arith.index_cast %mul3A_2388 : i32 to index
      %get3A_2390 = tpu.vector_load %arg5[%get3A_2389] {strides = array<i32>} : memref<1024xi32, #tpu.memory_space<vmem>>, vector<16xi32>,
      %shift_right_arithmetic3A_2391 = arith.constant 16 : i32
      %shift_right_arithmetic3A_2392 = vector.broadcast %shift_right_arithmetic3A_2391 : i32 to vector<16xi32>
      %shift_right_arithmetic3A_2393 = arith.shrsi %get3A_2390, %shift_right_arithmetic3A_2392 : vector<16xi32>
      %and3A_2394 = arith.constant 255 : i32
      %and3A_2395 = vector.broadcast %and3A_2394 : i32 to vector<16xi32>
      %and3A_2396 = arith.andi %shift_right_arithmetic3A_2393, %and3A_2395 : vector<16xi32>
      %broadcast_in_dim3A_2397 = arith.constant true
      %broadcast_in_dim3A_2398 = vector.broadcast %broadcast_in_dim3A_2397 : i1 to vector<16xi1>
      %unique3A, %unique3A_2399 = tpu.scan_count mask(%broadcast_in_dim3A_2398 : vector<16xi1>) value(%and3A_2396 : vector<16xi32>) : vector<16xi1>, vector<16xi32>
      tpu.vector_store_idx %arg11[%and3A_2396], %unique3A_2399 masked %unique3A {add = true} : memref<256xi32, #tpu.memory_space<vmem>>[vector<16xi32>], vector<16xi32>, vector<16xi1>
      %scan3A_2400 = arith.constant 0 : i32
      scf.yield %scan3A_2400 : i32
    }
    %scan3A_1815 = arith.constant 64 : i32
    %get3A_1816 = arith.constant 0 : index
    %get3A_1817 = tpu.vector_load %arg11[%get3A_1816] {strides = array<i32>} : memref<256xi32, #tpu.memory_space<vmem>>, vector<16xi32>,
    %broadcast_in_dim3A_1818 = arith.constant true
    %broadcast_in_dim3A_1819 = vector.broadcast %broadcast_in_dim3A_1818 : i1 to vector<16xi1>
    %masked_cumsum3A_1820 = tpu.scan <sum>, %get3A_1817 masked %broadcast_in_dim3A_1819 : vector<16xi32>, vector<16xi1> -> vector<16xi32>
    %sub3A_1821 = arith.subi %masked_cumsum3A_1820, %get3A_1817 : vector<16xi32>
    %add3A_1822 = arith.constant 0 : i32
    %add3A_1823 = vector.broadcast %add3A_1822 : i32 to vector<16xi32>
    %add3A_1824 = arith.addi %sub3A_1821, %add3A_1823 : vector<16xi32>
    %swap3A_1825 = arith.constant 0 : index
    %swap3A_1826 = tpu.vector_load %arg12[%swap3A_1825] {strides = array<i32>} : memref<256xi32, #tpu.memory_space<vmem>>, vector<16xi32>,
    tpu.vector_store %arg12[%swap3A_1825], %add3A_1824 {strides = array<i32>} : memref<256xi32, #tpu.memory_space<vmem>>, vector<16xi32>,
    %reduce_sum3A_1827 = arith.constant true
    %reduce_sum3A_1828 = vector.broadcast %reduce_sum3A_1827 : i1 to vector<16xi1>
    %reduce_sum3A_1829 = tpu.scan <sum>, %get3A_1817 masked %reduce_sum3A_1828 : vector<16xi32>, vector<16xi1> -> vector<16xi32>
    %reduce_sum3A_1830 = vector.extract %reduce_sum3A_1829[15] : i32 from vector<16xi32>
    %add3A_1831 = arith.constant 0 : i32
    %add3A_1832 = arith.addi %add3A_1831, %reduce_sum3A_1830 : i32
    %get3A_1833 = arith.constant 16 : index
    %get3A_1834 = tpu.vector_load %arg11[%get3A_1833] {strides = array<i32>} : memref<256xi32, #tpu.memory_space<vmem>>, vector<16xi32>,
    %broadcast_in_dim3A_1835 = arith.constant true
    %broadcast_in_dim3A_1836 = vector.broadcast %broadcast_in_dim3A_1835 : i1 to vector<16xi1>
    %masked_cumsum3A_1837 = tpu.scan <sum>, %get3A_1834 masked %broadcast_in_dim3A_1836 : vector<16xi32>, vector<16xi1> -> vector<16xi32>
    %sub3A_1838 = arith.subi %masked_cumsum3A_1837, %get3A_1834 : vector<16xi32>
    %add3A_1839 = vector.broadcast %add3A_1832 : i32 to vector<16xi32>
    %add3A_1840 = arith.addi %sub3A_1838, %add3A_1839 : vector<16xi32>
    %swap3A_1841 = arith.constant 16 : index
    %swap3A_1842 = tpu.vector_load %arg12[%swap3A_1841] {strides = array<i32>} : memref<256xi32, #tpu.memory_space<vmem>>, vector<16xi32>,
    tpu.vector_store %arg12[%swap3A_1841], %add3A_1840 {strides = array<i32>} : memref<256xi32, #tpu.memory_space<vmem>>, vector<16xi32>,
    %reduce_sum3A_1843 = arith.constant true
    %reduce_sum3A_1844 = vector.broadcast %reduce_sum3A_1843 : i1 to vector<16xi1>
    %reduce_sum3A_1845 = tpu.scan <sum>, %get3A_1834 masked %reduce_sum3A_1844 : vector<16xi32>, vector<16xi1> -> vector<16xi32>
    %reduce_sum3A_1846 = vector.extract %reduce_sum3A_1845[15] : i32 from vector<16xi32>
    %add3A_1847 = arith.addi %add3A_1832, %reduce_sum3A_1846 : i32
    %get3A_1848 = arith.constant 32 : index
    %get3A_1849 = tpu.vector_load %arg11[%get3A_1848] {strides = array<i32>} : memref<256xi32, #tpu.memory_space<vmem>>, vector<16xi32>,
    %broadcast_in_dim3A_1850 = arith.constant true
    %broadcast_in_dim3A_1851 = vector.broadcast %broadcast_in_dim3A_1850 : i1 to vector<16xi1>
    %masked_cumsum3A_1852 = tpu.scan <sum>, %get3A_1849 masked %broadcast_in_dim3A_1851 : vector<16xi32>, vector<16xi1> -> vector<16xi32>
    %sub3A_1853 = arith.subi %masked_cumsum3A_1852, %get3A_1849 : vector<16xi32>
    %add3A_1854 = vector.broadcast %add3A_1847 : i32 to vector<16xi32>
    %add3A_1855 = arith.addi %sub3A_1853, %add3A_1854 : vector<16xi32>
    %swap3A_1856 = arith.constant 32 : index
    %swap3A_1857 = tpu.vector_load %arg12[%swap3A_1856] {strides = array<i32>} : memref<256xi32, #tpu.memory_space<vmem>>, vector<16xi32>,
    tpu.vector_store %arg12[%swap3A_1856], %add3A_1855 {strides = array<i32>} : memref<256xi32, #tpu.memory_space<vmem>>, vector<16xi32>,
    %reduce_sum3A_1858 = arith.constant true
    %reduce_sum3A_1859 = vector.broadcast %reduce_sum3A_1858 : i1 to vector<16xi1>
    %reduce_sum3A_1860 = tpu.scan <sum>, %get3A_1849 masked %reduce_sum3A_1859 : vector<16xi32>, vector<16xi1> -> vector<16xi32>
    %reduce_sum3A_1861 = vector.extract %reduce_sum3A_1860[15] : i32 from vector<16xi32>
    %add3A_1862 = arith.addi %add3A_1847, %reduce_sum3A_1861 : i32
    %get3A_1863 = arith.constant 48 : index
    %get3A_1864 = tpu.vector_load %arg11[%get3A_1863] {strides = array<i32>} : memref<256xi32, #tpu.memory_space<vmem>>, vector<16xi32>,
    %broadcast_in_dim3A_1865 = arith.constant true
    %broadcast_in_dim3A_1866 = vector.broadcast %broadcast_in_dim3A_1865 : i1 to vector<16xi1>
    %masked_cumsum3A_1867 = tpu.scan <sum>, %get3A_1864 masked %broadcast_in_dim3A_1866 : vector<16xi32>, vector<16xi1> -> vector<16xi32>
    %sub3A_1868 = arith.subi %masked_cumsum3A_1867, %get3A_1864 : vector<16xi32>
    %add3A_1869 = vector.broadcast %add3A_1862 : i32 to vector<16xi32>
    %add3A_1870 = arith.addi %sub3A_1868, %add3A_1869 : vector<16xi32>
    %swap3A_1871 = arith.constant 48 : index
    %swap3A_1872 = tpu.vector_load %arg12[%swap3A_1871] {strides = array<i32>} : memref<256xi32, #tpu.memory_space<vmem>>, vector<16xi32>,
    tpu.vector_store %arg12[%swap3A_1871], %add3A_1870 {strides = array<i32>} : memref<256xi32, #tpu.memory_space<vmem>>, vector<16xi32>,
    %reduce_sum3A_1873 = arith.constant true
    %reduce_sum3A_1874 = vector.broadcast %reduce_sum3A_1873 : i1 to vector<16xi1>
    %reduce_sum3A_1875 = tpu.scan <sum>, %get3A_1864 masked %reduce_sum3A_1874 : vector<16xi32>, vector<16xi1> -> vector<16xi32>
    %reduce_sum3A_1876 = vector.extract %reduce_sum3A_1875[15] : i32 from vector<16xi32>
    %add3A_1877 = arith.addi %add3A_1862, %reduce_sum3A_1876 : i32
    %get3A_1878 = arith.constant 64 : index
    %get3A_1879 = tpu.vector_load %arg11[%get3A_1878] {strides = array<i32>} : memref<256xi32, #tpu.memory_space<vmem>>, vector<16xi32>,
    %broadcast_in_dim3A_1880 = arith.constant true
    %broadcast_in_dim3A_1881 = vector.broadcast %broadcast_in_dim3A_1880 : i1 to vector<16xi1>
    %masked_cumsum3A_1882 = tpu.scan <sum>, %get3A_1879 masked %broadcast_in_dim3A_1881 : vector<16xi32>, vector<16xi1> -> vector<16xi32>
    %sub3A_1883 = arith.subi %masked_cumsum3A_1882, %get3A_1879 : vector<16xi32>
    %add3A_1884 = vector.broadcast %add3A_1877 : i32 to vector<16xi32>
    %add3A_1885 = arith.addi %sub3A_1883, %add3A_1884 : vector<16xi32>
    %swap3A_1886 = arith.constant 64 : index
    %swap3A_1887 = tpu.vector_load %arg12[%swap3A_1886] {strides = array<i32>} : memref<256xi32, #tpu.memory_space<vmem>>, vector<16xi32>,
    tpu.vector_store %arg12[%swap3A_1886], %add3A_1885 {strides = array<i32>} : memref<256xi32, #tpu.memory_space<vmem>>, vector<16xi32>,
    %reduce_sum3A_1888 = arith.constant true
    %reduce_sum3A_1889 = vector.broadcast %reduce_sum3A_1888 : i1 to vector<16xi1>
    %reduce_sum3A_1890 = tpu.scan <sum>, %get3A_1879 masked %reduce_sum3A_1889 : vector<16xi32>, vector<16xi1> -> vector<16xi32>
    %reduce_sum3A_1891 = vector.extract %reduce_sum3A_1890[15] : i32 from vector<16xi32>
    %add3A_1892 = arith.addi %add3A_1877, %reduce_sum3A_1891 : i32
    %get3A_1893 = arith.constant 80 : index
    %get3A_1894 = tpu.vector_load %arg11[%get3A_1893] {strides = array<i32>} : memref<256xi32, #tpu.memory_space<vmem>>, vector<16xi32>,
    %broadcast_in_dim3A_1895 = arith.constant true
    %broadcast_in_dim3A_1896 = vector.broadcast %broadcast_in_dim3A_1895 : i1 to vector<16xi1>
    %masked_cumsum3A_1897 = tpu.scan <sum>, %get3A_1894 masked %broadcast_in_dim3A_1896 : vector<16xi32>, vector<16xi1> -> vector<16xi32>
    %sub3A_1898 = arith.subi %masked_cumsum3A_1897, %get3A_1894 : vector<16xi32>
    %add3A_1899 = vector.broadcast %add3A_1892 : i32 to vector<16xi32>
    %add3A_1900 = arith.addi %sub3A_1898, %add3A_1899 : vector<16xi32>
    %swap3A_1901 = arith.constant 80 : index
    %swap3A_1902 = tpu.vector_load %arg12[%swap3A_1901] {strides = array<i32>} : memref<256xi32, #tpu.memory_space<vmem>>, vector<16xi32>,
    tpu.vector_store %arg12[%swap3A_1901], %add3A_1900 {strides = array<i32>} : memref<256xi32, #tpu.memory_space<vmem>>, vector<16xi32>,
    %reduce_sum3A_1903 = arith.constant true
    %reduce_sum3A_1904 = vector.broadcast %reduce_sum3A_1903 : i1 to vector<16xi1>
    %reduce_sum3A_1905 = tpu.scan <sum>, %get3A_1894 masked %reduce_sum3A_1904 : vector<16xi32>, vector<16xi1> -> vector<16xi32>
    %reduce_sum3A_1906 = vector.extract %reduce_sum3A_1905[15] : i32 from vector<16xi32>
    %add3A_1907 = arith.addi %add3A_1892, %reduce_sum3A_1906 : i32
    %get3A_1908 = arith.constant 96 : index
    %get3A_1909 = tpu.vector_load %arg11[%get3A_1908] {strides = array<i32>} : memref<256xi32, #tpu.memory_space<vmem>>, vector<16xi32>,
    %broadcast_in_dim3A_1910 = arith.constant true
    %broadcast_in_dim3A_1911 = vector.broadcast %broadcast_in_dim3A_1910 : i1 to vector<16xi1>
    %masked_cumsum3A_1912 = tpu.scan <sum>, %get3A_1909 masked %broadcast_in_dim3A_1911 : vector<16xi32>, vector<16xi1> -> vector<16xi32>
    %sub3A_1913 = arith.subi %masked_cumsum3A_1912, %get3A_1909 : vector<16xi32>
    %add3A_1914 = vector.broadcast %add3A_1907 : i32 to vector<16xi32>
    %add3A_1915 = arith.addi %sub3A_1913, %add3A_1914 : vector<16xi32>
    %swap3A_1916 = arith.constant 96 : index
    %swap3A_1917 = tpu.vector_load %arg12[%swap3A_1916] {strides = array<i32>} : memref<256xi32, #tpu.memory_space<vmem>>, vector<16xi32>,
    tpu.vector_store %arg12[%swap3A_1916], %add3A_1915 {strides = array<i32>} : memref<256xi32, #tpu.memory_space<vmem>>, vector<16xi32>,
    %reduce_sum3A_1918 = arith.constant true
    %reduce_sum3A_1919 = vector.broadcast %reduce_sum3A_1918 : i1 to vector<16xi1>
    %reduce_sum3A_1920 = tpu.scan <sum>, %get3A_1909 masked %reduce_sum3A_1919 : vector<16xi32>, vector<16xi1> -> vector<16xi32>
    %reduce_sum3A_1921 = vector.extract %reduce_sum3A_1920[15] : i32 from vector<16xi32>
    %add3A_1922 = arith.addi %add3A_1907, %reduce_sum3A_1921 : i32
    %get3A_1923 = arith.constant 112 : index
    %get3A_1924 = tpu.vector_load %arg11[%get3A_1923] {strides = array<i32>} : memref<256xi32, #tpu.memory_space<vmem>>, vector<16xi32>,
    %broadcast_in_dim3A_1925 = arith.constant true
    %broadcast_in_dim3A_1926 = vector.broadcast %broadcast_in_dim3A_1925 : i1 to vector<16xi1>
    %masked_cumsum3A_1927 = tpu.scan <sum>, %get3A_1924 masked %broadcast_in_dim3A_1926 : vector<16xi32>, vector<16xi1> -> vector<16xi32>
    %sub3A_1928 = arith.subi %masked_cumsum3A_1927, %get3A_1924 : vector<16xi32>
    %add3A_1929 = vector.broadcast %add3A_1922 : i32 to vector<16xi32>
    %add3A_1930 = arith.addi %sub3A_1928, %add3A_1929 : vector<16xi32>
    %swap3A_1931 = arith.constant 112 : index
    %swap3A_1932 = tpu.vector_load %arg12[%swap3A_1931] {strides = array<i32>} : memref<256xi32, #tpu.memory_space<vmem>>, vector<16xi32>,
    tpu.vector_store %arg12[%swap3A_1931], %add3A_1930 {strides = array<i32>} : memref<256xi32, #tpu.memory_space<vmem>>, vector<16xi32>,
    %reduce_sum3A_1933 = arith.constant true
    %reduce_sum3A_1934 = vector.broadcast %reduce_sum3A_1933 : i1 to vector<16xi1>
    %reduce_sum3A_1935 = tpu.scan <sum>, %get3A_1924 masked %reduce_sum3A_1934 : vector<16xi32>, vector<16xi1> -> vector<16xi32>
    %reduce_sum3A_1936 = vector.extract %reduce_sum3A_1935[15] : i32 from vector<16xi32>
    %add3A_1937 = arith.addi %add3A_1922, %reduce_sum3A_1936 : i32
    %get3A_1938 = arith.constant 128 : index
    %get3A_1939 = tpu.vector_load %arg11[%get3A_1938] {strides = array<i32>} : memref<256xi32, #tpu.memory_space<vmem>>, vector<16xi32>,
    %broadcast_in_dim3A_1940 = arith.constant true
    %broadcast_in_dim3A_1941 = vector.broadcast %broadcast_in_dim3A_1940 : i1 to vector<16xi1>
    %masked_cumsum3A_1942 = tpu.scan <sum>, %get3A_1939 masked %broadcast_in_dim3A_1941 : vector<16xi32>, vector<16xi1> -> vector<16xi32>
    %sub3A_1943 = arith.subi %masked_cumsum3A_1942, %get3A_1939 : vector<16xi32>
    %add3A_1944 = vector.broadcast %add3A_1937 : i32 to vector<16xi32>
    %add3A_1945 = arith.addi %sub3A_1943, %add3A_1944 : vector<16xi32>
    %swap3A_1946 = arith.constant 128 : index
    %swap3A_1947 = tpu.vector_load %arg12[%swap3A_1946] {strides = array<i32>} : memref<256xi32, #tpu.memory_space<vmem>>, vector<16xi32>,
    tpu.vector_store %arg12[%swap3A_1946], %add3A_1945 {strides = array<i32>} : memref<256xi32, #tpu.memory_space<vmem>>, vector<16xi32>,
    %reduce_sum3A_1948 = arith.constant true
    %reduce_sum3A_1949 = vector.broadcast %reduce_sum3A_1948 : i1 to vector<16xi1>
    %reduce_sum3A_1950 = tpu.scan <sum>, %get3A_1939 masked %reduce_sum3A_1949 : vector<16xi32>, vector<16xi1> -> vector<16xi32>
    %reduce_sum3A_1951 = vector.extract %reduce_sum3A_1950[15] : i32 from vector<16xi32>
    %add3A_1952 = arith.addi %add3A_1937, %reduce_sum3A_1951 : i32
    %get3A_1953 = arith.constant 144 : index
    %get3A_1954 = tpu.vector_load %arg11[%get3A_1953] {strides = array<i32>} : memref<256xi32, #tpu.memory_space<vmem>>, vector<16xi32>,
    %broadcast_in_dim3A_1955 = arith.constant true
    %broadcast_in_dim3A_1956 = vector.broadcast %broadcast_in_dim3A_1955 : i1 to vector<16xi1>
    %masked_cumsum3A_1957 = tpu.scan <sum>, %get3A_1954 masked %broadcast_in_dim3A_1956 : vector<16xi32>, vector<16xi1> -> vector<16xi32>
    %sub3A_1958 = arith.subi %masked_cumsum3A_1957, %get3A_1954 : vector<16xi32>
    %add3A_1959 = vector.broadcast %add3A_1952 : i32 to vector<16xi32>
    %add3A_1960 = arith.addi %sub3A_1958, %add3A_1959 : vector<16xi32>
    %swap3A_1961 = arith.constant 144 : index
    %swap3A_1962 = tpu.vector_load %arg12[%swap3A_1961] {strides = array<i32>} : memref<256xi32, #tpu.memory_space<vmem>>, vector<16xi32>,
    tpu.vector_store %arg12[%swap3A_1961], %add3A_1960 {strides = array<i32>} : memref<256xi32, #tpu.memory_space<vmem>>, vector<16xi32>,
    %reduce_sum3A_1963 = arith.constant true
    %reduce_sum3A_1964 = vector.broadcast %reduce_sum3A_1963 : i1 to vector<16xi1>
    %reduce_sum3A_1965 = tpu.scan <sum>, %get3A_1954 masked %reduce_sum3A_1964 : vector<16xi32>, vector<16xi1> -> vector<16xi32>
    %reduce_sum3A_1966 = vector.extract %reduce_sum3A_1965[15] : i32 from vector<16xi32>
    %add3A_1967 = arith.addi %add3A_1952, %reduce_sum3A_1966 : i32
    %get3A_1968 = arith.constant 160 : index
    %get3A_1969 = tpu.vector_load %arg11[%get3A_1968] {strides = array<i32>} : memref<256xi32, #tpu.memory_space<vmem>>, vector<16xi32>,
    %broadcast_in_dim3A_1970 = arith.constant true
    %broadcast_in_dim3A_1971 = vector.broadcast %broadcast_in_dim3A_1970 : i1 to vector<16xi1>
    %masked_cumsum3A_1972 = tpu.scan <sum>, %get3A_1969 masked %broadcast_in_dim3A_1971 : vector<16xi32>, vector<16xi1> -> vector<16xi32>
    %sub3A_1973 = arith.subi %masked_cumsum3A_1972, %get3A_1969 : vector<16xi32>
    %add3A_1974 = vector.broadcast %add3A_1967 : i32 to vector<16xi32>
    %add3A_1975 = arith.addi %sub3A_1973, %add3A_1974 : vector<16xi32>
    %swap3A_1976 = arith.constant 160 : index
    %swap3A_1977 = tpu.vector_load %arg12[%swap3A_1976] {strides = array<i32>} : memref<256xi32, #tpu.memory_space<vmem>>, vector<16xi32>,
    tpu.vector_store %arg12[%swap3A_1976], %add3A_1975 {strides = array<i32>} : memref<256xi32, #tpu.memory_space<vmem>>, vector<16xi32>,
    %reduce_sum3A_1978 = arith.constant true
    %reduce_sum3A_1979 = vector.broadcast %reduce_sum3A_1978 : i1 to vector<16xi1>
    %reduce_sum3A_1980 = tpu.scan <sum>, %get3A_1969 masked %reduce_sum3A_1979 : vector<16xi32>, vector<16xi1> -> vector<16xi32>
    %reduce_sum3A_1981 = vector.extract %reduce_sum3A_1980[15] : i32 from vector<16xi32>
    %add3A_1982 = arith.addi %add3A_1967, %reduce_sum3A_1981 : i32
    %get3A_1983 = arith.constant 176 : index
    %get3A_1984 = tpu.vector_load %arg11[%get3A_1983] {strides = array<i32>} : memref<256xi32, #tpu.memory_space<vmem>>, vector<16xi32>,
    %broadcast_in_dim3A_1985 = arith.constant true
    %broadcast_in_dim3A_1986 = vector.broadcast %broadcast_in_dim3A_1985 : i1 to vector<16xi1>
    %masked_cumsum3A_1987 = tpu.scan <sum>, %get3A_1984 masked %broadcast_in_dim3A_1986 : vector<16xi32>, vector<16xi1> -> vector<16xi32>
    %sub3A_1988 = arith.subi %masked_cumsum3A_1987, %get3A_1984 : vector<16xi32>
    %add3A_1989 = vector.broadcast %add3A_1982 : i32 to vector<16xi32>
    %add3A_1990 = arith.addi %sub3A_1988, %add3A_1989 : vector<16xi32>
    %swap3A_1991 = arith.constant 176 : index
    %swap3A_1992 = tpu.vector_load %arg12[%swap3A_1991] {strides = array<i32>} : memref<256xi32, #tpu.memory_space<vmem>>, vector<16xi32>,
    tpu.vector_store %arg12[%swap3A_1991], %add3A_1990 {strides = array<i32>} : memref<256xi32, #tpu.memory_space<vmem>>, vector<16xi32>,
    %reduce_sum3A_1993 = arith.constant true
    %reduce_sum3A_1994 = vector.broadcast %reduce_sum3A_1993 : i1 to vector<16xi1>
    %reduce_sum3A_1995 = tpu.scan <sum>, %get3A_1984 masked %reduce_sum3A_1994 : vector<16xi32>, vector<16xi1> -> vector<16xi32>
    %reduce_sum3A_1996 = vector.extract %reduce_sum3A_1995[15] : i32 from vector<16xi32>
    %add3A_1997 = arith.addi %add3A_1982, %reduce_sum3A_1996 : i32
    %get3A_1998 = arith.constant 192 : index
    %get3A_1999 = tpu.vector_load %arg11[%get3A_1998] {strides = array<i32>} : memref<256xi32, #tpu.memory_space<vmem>>, vector<16xi32>,
    %broadcast_in_dim3A_2000 = arith.constant true
    %broadcast_in_dim3A_2001 = vector.broadcast %broadcast_in_dim3A_2000 : i1 to vector<16xi1>
    %masked_cumsum3A_2002 = tpu.scan <sum>, %get3A_1999 masked %broadcast_in_dim3A_2001 : vector<16xi32>, vector<16xi1> -> vector<16xi32>
    %sub3A_2003 = arith.subi %masked_cumsum3A_2002, %get3A_1999 : vector<16xi32>
    %add3A_2004 = vector.broadcast %add3A_1997 : i32 to vector<16xi32>
    %add3A_2005 = arith.addi %sub3A_2003, %add3A_2004 : vector<16xi32>
    %swap3A_2006 = arith.constant 192 : index
    %swap3A_2007 = tpu.vector_load %arg12[%swap3A_2006] {strides = array<i32>} : memref<256xi32, #tpu.memory_space<vmem>>, vector<16xi32>,
    tpu.vector_store %arg12[%swap3A_2006], %add3A_2005 {strides = array<i32>} : memref<256xi32, #tpu.memory_space<vmem>>, vector<16xi32>,
    %reduce_sum3A_2008 = arith.constant true
    %reduce_sum3A_2009 = vector.broadcast %reduce_sum3A_2008 : i1 to vector<16xi1>
    %reduce_sum3A_2010 = tpu.scan <sum>, %get3A_1999 masked %reduce_sum3A_2009 : vector<16xi32>, vector<16xi1> -> vector<16xi32>
    %reduce_sum3A_2011 = vector.extract %reduce_sum3A_2010[15] : i32 from vector<16xi32>
    %add3A_2012 = arith.addi %add3A_1997, %reduce_sum3A_2011 : i32
    %get3A_2013 = arith.constant 208 : index
    %get3A_2014 = tpu.vector_load %arg11[%get3A_2013] {strides = array<i32>} : memref<256xi32, #tpu.memory_space<vmem>>, vector<16xi32>,
    %broadcast_in_dim3A_2015 = arith.constant true
    %broadcast_in_dim3A_2016 = vector.broadcast %broadcast_in_dim3A_2015 : i1 to vector<16xi1>
    %masked_cumsum3A_2017 = tpu.scan <sum>, %get3A_2014 masked %broadcast_in_dim3A_2016 : vector<16xi32>, vector<16xi1> -> vector<16xi32>
    %sub3A_2018 = arith.subi %masked_cumsum3A_2017, %get3A_2014 : vector<16xi32>
    %add3A_2019 = vector.broadcast %add3A_2012 : i32 to vector<16xi32>
    %add3A_2020 = arith.addi %sub3A_2018, %add3A_2019 : vector<16xi32>
    %swap3A_2021 = arith.constant 208 : index
    %swap3A_2022 = tpu.vector_load %arg12[%swap3A_2021] {strides = array<i32>} : memref<256xi32, #tpu.memory_space<vmem>>, vector<16xi32>,
    tpu.vector_store %arg12[%swap3A_2021], %add3A_2020 {strides = array<i32>} : memref<256xi32, #tpu.memory_space<vmem>>, vector<16xi32>,
    %reduce_sum3A_2023 = arith.constant true
    %reduce_sum3A_2024 = vector.broadcast %reduce_sum3A_2023 : i1 to vector<16xi1>
    %reduce_sum3A_2025 = tpu.scan <sum>, %get3A_2014 masked %reduce_sum3A_2024 : vector<16xi32>, vector<16xi1> -> vector<16xi32>
    %reduce_sum3A_2026 = vector.extract %reduce_sum3A_2025[15] : i32 from vector<16xi32>
    %add3A_2027 = arith.addi %add3A_2012, %reduce_sum3A_2026 : i32
    %get3A_2028 = arith.constant 224 : index
    %get3A_2029 = tpu.vector_load %arg11[%get3A_2028] {strides = array<i32>} : memref<256xi32, #tpu.memory_space<vmem>>, vector<16xi32>,
    %broadcast_in_dim3A_2030 = arith.constant true
    %broadcast_in_dim3A_2031 = vector.broadcast %broadcast_in_dim3A_2030 : i1 to vector<16xi1>
    %masked_cumsum3A_2032 = tpu.scan <sum>, %get3A_2029 masked %broadcast_in_dim3A_2031 : vector<16xi32>, vector<16xi1> -> vector<16xi32>
    %sub3A_2033 = arith.subi %masked_cumsum3A_2032, %get3A_2029 : vector<16xi32>
    %add3A_2034 = vector.broadcast %add3A_2027 : i32 to vector<16xi32>
    %add3A_2035 = arith.addi %sub3A_2033, %add3A_2034 : vector<16xi32>
    %swap3A_2036 = arith.constant 224 : index
    %swap3A_2037 = tpu.vector_load %arg12[%swap3A_2036] {strides = array<i32>} : memref<256xi32, #tpu.memory_space<vmem>>, vector<16xi32>,
    tpu.vector_store %arg12[%swap3A_2036], %add3A_2035 {strides = array<i32>} : memref<256xi32, #tpu.memory_space<vmem>>, vector<16xi32>,
    %reduce_sum3A_2038 = arith.constant true
    %reduce_sum3A_2039 = vector.broadcast %reduce_sum3A_2038 : i1 to vector<16xi1>
    %reduce_sum3A_2040 = tpu.scan <sum>, %get3A_2029 masked %reduce_sum3A_2039 : vector<16xi32>, vector<16xi1> -> vector<16xi32>
    %reduce_sum3A_2041 = vector.extract %reduce_sum3A_2040[15] : i32 from vector<16xi32>
    %add3A_2042 = arith.addi %add3A_2027, %reduce_sum3A_2041 : i32
    %get3A_2043 = arith.constant 240 : index
    %get3A_2044 = tpu.vector_load %arg11[%get3A_2043] {strides = array<i32>} : memref<256xi32, #tpu.memory_space<vmem>>, vector<16xi32>,
    %broadcast_in_dim3A_2045 = arith.constant true
    %broadcast_in_dim3A_2046 = vector.broadcast %broadcast_in_dim3A_2045 : i1 to vector<16xi1>
    %masked_cumsum3A_2047 = tpu.scan <sum>, %get3A_2044 masked %broadcast_in_dim3A_2046 : vector<16xi32>, vector<16xi1> -> vector<16xi32>
    %sub3A_2048 = arith.subi %masked_cumsum3A_2047, %get3A_2044 : vector<16xi32>
    %add3A_2049 = vector.broadcast %add3A_2042 : i32 to vector<16xi32>
    %add3A_2050 = arith.addi %sub3A_2048, %add3A_2049 : vector<16xi32>
    %swap3A_2051 = arith.constant 240 : index
    %swap3A_2052 = tpu.vector_load %arg12[%swap3A_2051] {strides = array<i32>} : memref<256xi32, #tpu.memory_space<vmem>>, vector<16xi32>,
    tpu.vector_store %arg12[%swap3A_2051], %add3A_2050 {strides = array<i32>} : memref<256xi32, #tpu.memory_space<vmem>>, vector<16xi32>,
    %reduce_sum3A_2053 = arith.constant true
    %reduce_sum3A_2054 = vector.broadcast %reduce_sum3A_2053 : i1 to vector<16xi1>
    %reduce_sum3A_2055 = tpu.scan <sum>, %get3A_2044 masked %reduce_sum3A_2054 : vector<16xi32>, vector<16xi1> -> vector<16xi32>
    %reduce_sum3A_2056 = vector.extract %reduce_sum3A_2055[15] : i32 from vector<16xi32>
    %add3A_2057 = arith.addi %add3A_2042, %reduce_sum3A_2056 : i32
    %scan3A_2058 = arith.constant 0 : i32
    %scan3A_2059 = arith.constant 0 : i32
    %scan3A_2060 = arith.constant 64 : i32
    %scan3A_2061 = arith.addi %scan3A_2059, %scan3A_2060 : i32
    %scan3A_2062 = arith.constant 1 : i32
    %scan3A_2063 = scf.for %scan3A_2385 = %scan3A_2059 to %scan3A_2061 step %scan3A_2062 iter_args(%scan3A_2386 = %scan3A_2058) -> (i32)  : i32 {
      %mul3A_2387 = arith.constant 16 : i32
      %mul3A_2388 = arith.muli %scan3A_2385, %mul3A_2387 : i32
      %get3A_2389 = arith.index_cast %mul3A_2388 : i32 to index
      %get3A_2390 = tpu.vector_load %arg5[%get3A_2389] {strides = array<i32>} : memref<1024xi32, #tpu.memory_space<vmem>>, vector<16xi32>,
      %mul3A_2391 = arith.constant 16 : i32
      %mul3A_2392 = arith.muli %scan3A_2385, %mul3A_2391 : i32
      %get3A_2393 = arith.index_cast %mul3A_2392 : i32 to index
      %get3A_2394 = tpu.vector_load %arg6[%get3A_2393] {strides = array<i32>} : memref<1024xi32, #tpu.memory_space<vmem>>, vector<16xi32>,
      %shift_right_arithmetic3A_2395 = arith.constant 16 : i32
      %shift_right_arithmetic3A_2396 = vector.broadcast %shift_right_arithmetic3A_2395 : i32 to vector<16xi32>
      %shift_right_arithmetic3A_2397 = arith.shrsi %get3A_2390, %shift_right_arithmetic3A_2396 : vector<16xi32>
      %and3A_2398 = arith.constant 255 : i32
      %and3A_2399 = vector.broadcast %and3A_2398 : i32 to vector<16xi32>
      %and3A_2400 = arith.andi %shift_right_arithmetic3A_2397, %and3A_2399 : vector<16xi32>
      %broadcast_in_dim3A_2401 = arith.constant true
      %broadcast_in_dim3A_2402 = vector.broadcast %broadcast_in_dim3A_2401 : i1 to vector<16xi1>
      %unique3A, %unique3A_2403 = tpu.scan_count mask(%broadcast_in_dim3A_2402 : vector<16xi1>) value(%and3A_2400 : vector<16xi32>) : vector<16xi1>, vector<16xi32>
      %gather3A = tpu.vector_load_idx %arg12[%and3A_2400] : memref<256xi32, #tpu.memory_space<vmem>>[vector<16xi32>], vector<16xi32>,
      %add3A_2404 = arith.addi %gather3A, %unique3A_2403 : vector<16xi32>
      %sub3A_2405 = arith.constant 1 : i32
      %sub3A_2406 = vector.broadcast %sub3A_2405 : i32 to vector<16xi32>
      %sub3A_2407 = arith.subi %add3A_2404, %sub3A_2406 : vector<16xi32>
      tpu.vector_store_idx %arg7[%sub3A_2407], %get3A_2390 : memref<1024xi32, #tpu.memory_space<vmem>>[vector<16xi32>], vector<16xi32>,
      tpu.vector_store_idx %arg8[%sub3A_2407], %get3A_2394 : memref<1024xi32, #tpu.memory_space<vmem>>[vector<16xi32>], vector<16xi32>,
      %add3A_2408 = arith.constant 1 : i32
      %add3A_2409 = vector.broadcast %add3A_2408 : i32 to vector<16xi32>
      %add3A_2410 = arith.addi %sub3A_2407, %add3A_2409 : vector<16xi32>
      tpu.vector_store_idx %arg12[%and3A_2400], %add3A_2410 masked %unique3A : memref<256xi32, #tpu.memory_space<vmem>>[vector<16xi32>], vector<16xi32>, vector<16xi1>
      %scan3A_2411 = arith.constant 0 : i32
      scf.yield %scan3A_2411 : i32
    }
    %scan3A_2064 = arith.constant 64 : i32
    %swap3A_2065 = arith.constant 0 : index
    %swap3A_2066 = tpu.vector_load %arg11[%swap3A_2065] {strides = array<i32>} : memref<256xi32, #tpu.memory_space<vmem>>, vector<16xi32>,
    tpu.vector_store %arg11[%swap3A_2065], %broadcast_in_dim3A_1 {strides = array<i32>} : memref<256xi32, #tpu.memory_space<vmem>>, vector<16xi32>,
    %swap3A_2067 = arith.constant 16 : index
    %swap3A_2068 = tpu.vector_load %arg11[%swap3A_2067] {strides = array<i32>} : memref<256xi32, #tpu.memory_space<vmem>>, vector<16xi32>,
    tpu.vector_store %arg11[%swap3A_2067], %broadcast_in_dim3A_1 {strides = array<i32>} : memref<256xi32, #tpu.memory_space<vmem>>, vector<16xi32>,
    %swap3A_2069 = arith.constant 32 : index
    %swap3A_2070 = tpu.vector_load %arg11[%swap3A_2069] {strides = array<i32>} : memref<256xi32, #tpu.memory_space<vmem>>, vector<16xi32>,
    tpu.vector_store %arg11[%swap3A_2069], %broadcast_in_dim3A_1 {strides = array<i32>} : memref<256xi32, #tpu.memory_space<vmem>>, vector<16xi32>,
    %swap3A_2071 = arith.constant 48 : index
    %swap3A_2072 = tpu.vector_load %arg11[%swap3A_2071] {strides = array<i32>} : memref<256xi32, #tpu.memory_space<vmem>>, vector<16xi32>,
    tpu.vector_store %arg11[%swap3A_2071], %broadcast_in_dim3A_1 {strides = array<i32>} : memref<256xi32, #tpu.memory_space<vmem>>, vector<16xi32>,
    %swap3A_2073 = arith.constant 64 : index
    %swap3A_2074 = tpu.vector_load %arg11[%swap3A_2073] {strides = array<i32>} : memref<256xi32, #tpu.memory_space<vmem>>, vector<16xi32>,
    tpu.vector_store %arg11[%swap3A_2073], %broadcast_in_dim3A_1 {strides = array<i32>} : memref<256xi32, #tpu.memory_space<vmem>>, vector<16xi32>,
    %swap3A_2075 = arith.constant 80 : index
    %swap3A_2076 = tpu.vector_load %arg11[%swap3A_2075] {strides = array<i32>} : memref<256xi32, #tpu.memory_space<vmem>>, vector<16xi32>,
    tpu.vector_store %arg11[%swap3A_2075], %broadcast_in_dim3A_1 {strides = array<i32>} : memref<256xi32, #tpu.memory_space<vmem>>, vector<16xi32>,
    %swap3A_2077 = arith.constant 96 : index
    %swap3A_2078 = tpu.vector_load %arg11[%swap3A_2077] {strides = array<i32>} : memref<256xi32, #tpu.memory_space<vmem>>, vector<16xi32>,
    tpu.vector_store %arg11[%swap3A_2077], %broadcast_in_dim3A_1 {strides = array<i32>} : memref<256xi32, #tpu.memory_space<vmem>>, vector<16xi32>,
    %swap3A_2079 = arith.constant 112 : index
    %swap3A_2080 = tpu.vector_load %arg11[%swap3A_2079] {strides = array<i32>} : memref<256xi32, #tpu.memory_space<vmem>>, vector<16xi32>,
    tpu.vector_store %arg11[%swap3A_2079], %broadcast_in_dim3A_1 {strides = array<i32>} : memref<256xi32, #tpu.memory_space<vmem>>, vector<16xi32>,
    %swap3A_2081 = arith.constant 128 : index
    %swap3A_2082 = tpu.vector_load %arg11[%swap3A_2081] {strides = array<i32>} : memref<256xi32, #tpu.memory_space<vmem>>, vector<16xi32>,
    tpu.vector_store %arg11[%swap3A_2081], %broadcast_in_dim3A_1 {strides = array<i32>} : memref<256xi32, #tpu.memory_space<vmem>>, vector<16xi32>,
    %swap3A_2083 = arith.constant 144 : index
    %swap3A_2084 = tpu.vector_load %arg11[%swap3A_2083] {strides = array<i32>} : memref<256xi32, #tpu.memory_space<vmem>>, vector<16xi32>,
    tpu.vector_store %arg11[%swap3A_2083], %broadcast_in_dim3A_1 {strides = array<i32>} : memref<256xi32, #tpu.memory_space<vmem>>, vector<16xi32>,
    %swap3A_2085 = arith.constant 160 : index
    %swap3A_2086 = tpu.vector_load %arg11[%swap3A_2085] {strides = array<i32>} : memref<256xi32, #tpu.memory_space<vmem>>, vector<16xi32>,
    tpu.vector_store %arg11[%swap3A_2085], %broadcast_in_dim3A_1 {strides = array<i32>} : memref<256xi32, #tpu.memory_space<vmem>>, vector<16xi32>,
    %swap3A_2087 = arith.constant 176 : index
    %swap3A_2088 = tpu.vector_load %arg11[%swap3A_2087] {strides = array<i32>} : memref<256xi32, #tpu.memory_space<vmem>>, vector<16xi32>,
    tpu.vector_store %arg11[%swap3A_2087], %broadcast_in_dim3A_1 {strides = array<i32>} : memref<256xi32, #tpu.memory_space<vmem>>, vector<16xi32>,
    %swap3A_2089 = arith.constant 192 : index
    %swap3A_2090 = tpu.vector_load %arg11[%swap3A_2089] {strides = array<i32>} : memref<256xi32, #tpu.memory_space<vmem>>, vector<16xi32>,
    tpu.vector_store %arg11[%swap3A_2089], %broadcast_in_dim3A_1 {strides = array<i32>} : memref<256xi32, #tpu.memory_space<vmem>>, vector<16xi32>,
    %swap3A_2091 = arith.constant 208 : index
    %swap3A_2092 = tpu.vector_load %arg11[%swap3A_2091] {strides = array<i32>} : memref<256xi32, #tpu.memory_space<vmem>>, vector<16xi32>,
    tpu.vector_store %arg11[%swap3A_2091], %broadcast_in_dim3A_1 {strides = array<i32>} : memref<256xi32, #tpu.memory_space<vmem>>, vector<16xi32>,
    %swap3A_2093 = arith.constant 224 : index
    %swap3A_2094 = tpu.vector_load %arg11[%swap3A_2093] {strides = array<i32>} : memref<256xi32, #tpu.memory_space<vmem>>, vector<16xi32>,
    tpu.vector_store %arg11[%swap3A_2093], %broadcast_in_dim3A_1 {strides = array<i32>} : memref<256xi32, #tpu.memory_space<vmem>>, vector<16xi32>,
    %swap3A_2095 = arith.constant 240 : index
    %swap3A_2096 = tpu.vector_load %arg11[%swap3A_2095] {strides = array<i32>} : memref<256xi32, #tpu.memory_space<vmem>>, vector<16xi32>,
    tpu.vector_store %arg11[%swap3A_2095], %broadcast_in_dim3A_1 {strides = array<i32>} : memref<256xi32, #tpu.memory_space<vmem>>, vector<16xi32>,
    %scan3A_2097 = arith.constant 0 : i32
    %scan3A_2098 = arith.constant 0 : i32
    %scan3A_2099 = arith.constant 64 : i32
    %scan3A_2100 = arith.addi %scan3A_2098, %scan3A_2099 : i32
    %scan3A_2101 = arith.constant 1 : i32
    %scan3A_2102 = scf.for %scan3A_2385 = %scan3A_2098 to %scan3A_2100 step %scan3A_2101 iter_args(%scan3A_2386 = %scan3A_2097) -> (i32)  : i32 {
      %mul3A_2387 = arith.constant 16 : i32
      %mul3A_2388 = arith.muli %scan3A_2385, %mul3A_2387 : i32
      %get3A_2389 = arith.index_cast %mul3A_2388 : i32 to index
      %get3A_2390 = tpu.vector_load %arg7[%get3A_2389] {strides = array<i32>} : memref<1024xi32, #tpu.memory_space<vmem>>, vector<16xi32>,
      %shift_right_arithmetic3A_2391 = arith.constant 24 : i32
      %shift_right_arithmetic3A_2392 = vector.broadcast %shift_right_arithmetic3A_2391 : i32 to vector<16xi32>
      %shift_right_arithmetic3A_2393 = arith.shrsi %get3A_2390, %shift_right_arithmetic3A_2392 : vector<16xi32>
      %and3A_2394 = arith.constant 255 : i32
      %and3A_2395 = vector.broadcast %and3A_2394 : i32 to vector<16xi32>
      %and3A_2396 = arith.andi %shift_right_arithmetic3A_2393, %and3A_2395 : vector<16xi32>
      %broadcast_in_dim3A_2397 = arith.constant true
      %broadcast_in_dim3A_2398 = vector.broadcast %broadcast_in_dim3A_2397 : i1 to vector<16xi1>
      %unique3A, %unique3A_2399 = tpu.scan_count mask(%broadcast_in_dim3A_2398 : vector<16xi1>) value(%and3A_2396 : vector<16xi32>) : vector<16xi1>, vector<16xi32>
      tpu.vector_store_idx %arg11[%and3A_2396], %unique3A_2399 masked %unique3A {add = true} : memref<256xi32, #tpu.memory_space<vmem>>[vector<16xi32>], vector<16xi32>, vector<16xi1>
      %scan3A_2400 = arith.constant 0 : i32
      scf.yield %scan3A_2400 : i32
    }
    %scan3A_2103 = arith.constant 64 : i32
    %get3A_2104 = arith.constant 0 : index
    %get3A_2105 = tpu.vector_load %arg11[%get3A_2104] {strides = array<i32>} : memref<256xi32, #tpu.memory_space<vmem>>, vector<16xi32>,
    %broadcast_in_dim3A_2106 = arith.constant true
    %broadcast_in_dim3A_2107 = vector.broadcast %broadcast_in_dim3A_2106 : i1 to vector<16xi1>
    %masked_cumsum3A_2108 = tpu.scan <sum>, %get3A_2105 masked %broadcast_in_dim3A_2107 : vector<16xi32>, vector<16xi1> -> vector<16xi32>
    %sub3A_2109 = arith.subi %masked_cumsum3A_2108, %get3A_2105 : vector<16xi32>
    %add3A_2110 = arith.constant 0 : i32
    %add3A_2111 = vector.broadcast %add3A_2110 : i32 to vector<16xi32>
    %add3A_2112 = arith.addi %sub3A_2109, %add3A_2111 : vector<16xi32>
    %swap3A_2113 = arith.constant 0 : index
    %swap3A_2114 = tpu.vector_load %arg12[%swap3A_2113] {strides = array<i32>} : memref<256xi32, #tpu.memory_space<vmem>>, vector<16xi32>,
    tpu.vector_store %arg12[%swap3A_2113], %add3A_2112 {strides = array<i32>} : memref<256xi32, #tpu.memory_space<vmem>>, vector<16xi32>,
    %reduce_sum3A_2115 = arith.constant true
    %reduce_sum3A_2116 = vector.broadcast %reduce_sum3A_2115 : i1 to vector<16xi1>
    %reduce_sum3A_2117 = tpu.scan <sum>, %get3A_2105 masked %reduce_sum3A_2116 : vector<16xi32>, vector<16xi1> -> vector<16xi32>
    %reduce_sum3A_2118 = vector.extract %reduce_sum3A_2117[15] : i32 from vector<16xi32>
    %add3A_2119 = arith.constant 0 : i32
    %add3A_2120 = arith.addi %add3A_2119, %reduce_sum3A_2118 : i32
    %get3A_2121 = arith.constant 16 : index
    %get3A_2122 = tpu.vector_load %arg11[%get3A_2121] {strides = array<i32>} : memref<256xi32, #tpu.memory_space<vmem>>, vector<16xi32>,
    %broadcast_in_dim3A_2123 = arith.constant true
    %broadcast_in_dim3A_2124 = vector.broadcast %broadcast_in_dim3A_2123 : i1 to vector<16xi1>
    %masked_cumsum3A_2125 = tpu.scan <sum>, %get3A_2122 masked %broadcast_in_dim3A_2124 : vector<16xi32>, vector<16xi1> -> vector<16xi32>
    %sub3A_2126 = arith.subi %masked_cumsum3A_2125, %get3A_2122 : vector<16xi32>
    %add3A_2127 = vector.broadcast %add3A_2120 : i32 to vector<16xi32>
    %add3A_2128 = arith.addi %sub3A_2126, %add3A_2127 : vector<16xi32>
    %swap3A_2129 = arith.constant 16 : index
    %swap3A_2130 = tpu.vector_load %arg12[%swap3A_2129] {strides = array<i32>} : memref<256xi32, #tpu.memory_space<vmem>>, vector<16xi32>,
    tpu.vector_store %arg12[%swap3A_2129], %add3A_2128 {strides = array<i32>} : memref<256xi32, #tpu.memory_space<vmem>>, vector<16xi32>,
    %reduce_sum3A_2131 = arith.constant true
    %reduce_sum3A_2132 = vector.broadcast %reduce_sum3A_2131 : i1 to vector<16xi1>
    %reduce_sum3A_2133 = tpu.scan <sum>, %get3A_2122 masked %reduce_sum3A_2132 : vector<16xi32>, vector<16xi1> -> vector<16xi32>
    %reduce_sum3A_2134 = vector.extract %reduce_sum3A_2133[15] : i32 from vector<16xi32>
    %add3A_2135 = arith.addi %add3A_2120, %reduce_sum3A_2134 : i32
    %get3A_2136 = arith.constant 32 : index
    %get3A_2137 = tpu.vector_load %arg11[%get3A_2136] {strides = array<i32>} : memref<256xi32, #tpu.memory_space<vmem>>, vector<16xi32>,
    %broadcast_in_dim3A_2138 = arith.constant true
    %broadcast_in_dim3A_2139 = vector.broadcast %broadcast_in_dim3A_2138 : i1 to vector<16xi1>
    %masked_cumsum3A_2140 = tpu.scan <sum>, %get3A_2137 masked %broadcast_in_dim3A_2139 : vector<16xi32>, vector<16xi1> -> vector<16xi32>
    %sub3A_2141 = arith.subi %masked_cumsum3A_2140, %get3A_2137 : vector<16xi32>
    %add3A_2142 = vector.broadcast %add3A_2135 : i32 to vector<16xi32>
    %add3A_2143 = arith.addi %sub3A_2141, %add3A_2142 : vector<16xi32>
    %swap3A_2144 = arith.constant 32 : index
    %swap3A_2145 = tpu.vector_load %arg12[%swap3A_2144] {strides = array<i32>} : memref<256xi32, #tpu.memory_space<vmem>>, vector<16xi32>,
    tpu.vector_store %arg12[%swap3A_2144], %add3A_2143 {strides = array<i32>} : memref<256xi32, #tpu.memory_space<vmem>>, vector<16xi32>,
    %reduce_sum3A_2146 = arith.constant true
    %reduce_sum3A_2147 = vector.broadcast %reduce_sum3A_2146 : i1 to vector<16xi1>
    %reduce_sum3A_2148 = tpu.scan <sum>, %get3A_2137 masked %reduce_sum3A_2147 : vector<16xi32>, vector<16xi1> -> vector<16xi32>
    %reduce_sum3A_2149 = vector.extract %reduce_sum3A_2148[15] : i32 from vector<16xi32>
    %add3A_2150 = arith.addi %add3A_2135, %reduce_sum3A_2149 : i32
    %get3A_2151 = arith.constant 48 : index
    %get3A_2152 = tpu.vector_load %arg11[%get3A_2151] {strides = array<i32>} : memref<256xi32, #tpu.memory_space<vmem>>, vector<16xi32>,
    %broadcast_in_dim3A_2153 = arith.constant true
    %broadcast_in_dim3A_2154 = vector.broadcast %broadcast_in_dim3A_2153 : i1 to vector<16xi1>
    %masked_cumsum3A_2155 = tpu.scan <sum>, %get3A_2152 masked %broadcast_in_dim3A_2154 : vector<16xi32>, vector<16xi1> -> vector<16xi32>
    %sub3A_2156 = arith.subi %masked_cumsum3A_2155, %get3A_2152 : vector<16xi32>
    %add3A_2157 = vector.broadcast %add3A_2150 : i32 to vector<16xi32>
    %add3A_2158 = arith.addi %sub3A_2156, %add3A_2157 : vector<16xi32>
    %swap3A_2159 = arith.constant 48 : index
    %swap3A_2160 = tpu.vector_load %arg12[%swap3A_2159] {strides = array<i32>} : memref<256xi32, #tpu.memory_space<vmem>>, vector<16xi32>,
    tpu.vector_store %arg12[%swap3A_2159], %add3A_2158 {strides = array<i32>} : memref<256xi32, #tpu.memory_space<vmem>>, vector<16xi32>,
    %reduce_sum3A_2161 = arith.constant true
    %reduce_sum3A_2162 = vector.broadcast %reduce_sum3A_2161 : i1 to vector<16xi1>
    %reduce_sum3A_2163 = tpu.scan <sum>, %get3A_2152 masked %reduce_sum3A_2162 : vector<16xi32>, vector<16xi1> -> vector<16xi32>
    %reduce_sum3A_2164 = vector.extract %reduce_sum3A_2163[15] : i32 from vector<16xi32>
    %add3A_2165 = arith.addi %add3A_2150, %reduce_sum3A_2164 : i32
    %get3A_2166 = arith.constant 64 : index
    %get3A_2167 = tpu.vector_load %arg11[%get3A_2166] {strides = array<i32>} : memref<256xi32, #tpu.memory_space<vmem>>, vector<16xi32>,
    %broadcast_in_dim3A_2168 = arith.constant true
    %broadcast_in_dim3A_2169 = vector.broadcast %broadcast_in_dim3A_2168 : i1 to vector<16xi1>
    %masked_cumsum3A_2170 = tpu.scan <sum>, %get3A_2167 masked %broadcast_in_dim3A_2169 : vector<16xi32>, vector<16xi1> -> vector<16xi32>
    %sub3A_2171 = arith.subi %masked_cumsum3A_2170, %get3A_2167 : vector<16xi32>
    %add3A_2172 = vector.broadcast %add3A_2165 : i32 to vector<16xi32>
    %add3A_2173 = arith.addi %sub3A_2171, %add3A_2172 : vector<16xi32>
    %swap3A_2174 = arith.constant 64 : index
    %swap3A_2175 = tpu.vector_load %arg12[%swap3A_2174] {strides = array<i32>} : memref<256xi32, #tpu.memory_space<vmem>>, vector<16xi32>,
    tpu.vector_store %arg12[%swap3A_2174], %add3A_2173 {strides = array<i32>} : memref<256xi32, #tpu.memory_space<vmem>>, vector<16xi32>,
    %reduce_sum3A_2176 = arith.constant true
    %reduce_sum3A_2177 = vector.broadcast %reduce_sum3A_2176 : i1 to vector<16xi1>
    %reduce_sum3A_2178 = tpu.scan <sum>, %get3A_2167 masked %reduce_sum3A_2177 : vector<16xi32>, vector<16xi1> -> vector<16xi32>
    %reduce_sum3A_2179 = vector.extract %reduce_sum3A_2178[15] : i32 from vector<16xi32>
    %add3A_2180 = arith.addi %add3A_2165, %reduce_sum3A_2179 : i32
    %get3A_2181 = arith.constant 80 : index
    %get3A_2182 = tpu.vector_load %arg11[%get3A_2181] {strides = array<i32>} : memref<256xi32, #tpu.memory_space<vmem>>, vector<16xi32>,
    %broadcast_in_dim3A_2183 = arith.constant true
    %broadcast_in_dim3A_2184 = vector.broadcast %broadcast_in_dim3A_2183 : i1 to vector<16xi1>
    %masked_cumsum3A_2185 = tpu.scan <sum>, %get3A_2182 masked %broadcast_in_dim3A_2184 : vector<16xi32>, vector<16xi1> -> vector<16xi32>
    %sub3A_2186 = arith.subi %masked_cumsum3A_2185, %get3A_2182 : vector<16xi32>
    %add3A_2187 = vector.broadcast %add3A_2180 : i32 to vector<16xi32>
    %add3A_2188 = arith.addi %sub3A_2186, %add3A_2187 : vector<16xi32>
    %swap3A_2189 = arith.constant 80 : index
    %swap3A_2190 = tpu.vector_load %arg12[%swap3A_2189] {strides = array<i32>} : memref<256xi32, #tpu.memory_space<vmem>>, vector<16xi32>,
    tpu.vector_store %arg12[%swap3A_2189], %add3A_2188 {strides = array<i32>} : memref<256xi32, #tpu.memory_space<vmem>>, vector<16xi32>,
    %reduce_sum3A_2191 = arith.constant true
    %reduce_sum3A_2192 = vector.broadcast %reduce_sum3A_2191 : i1 to vector<16xi1>
    %reduce_sum3A_2193 = tpu.scan <sum>, %get3A_2182 masked %reduce_sum3A_2192 : vector<16xi32>, vector<16xi1> -> vector<16xi32>
    %reduce_sum3A_2194 = vector.extract %reduce_sum3A_2193[15] : i32 from vector<16xi32>
    %add3A_2195 = arith.addi %add3A_2180, %reduce_sum3A_2194 : i32
    %get3A_2196 = arith.constant 96 : index
    %get3A_2197 = tpu.vector_load %arg11[%get3A_2196] {strides = array<i32>} : memref<256xi32, #tpu.memory_space<vmem>>, vector<16xi32>,
    %broadcast_in_dim3A_2198 = arith.constant true
    %broadcast_in_dim3A_2199 = vector.broadcast %broadcast_in_dim3A_2198 : i1 to vector<16xi1>
    %masked_cumsum3A_2200 = tpu.scan <sum>, %get3A_2197 masked %broadcast_in_dim3A_2199 : vector<16xi32>, vector<16xi1> -> vector<16xi32>
    %sub3A_2201 = arith.subi %masked_cumsum3A_2200, %get3A_2197 : vector<16xi32>
    %add3A_2202 = vector.broadcast %add3A_2195 : i32 to vector<16xi32>
    %add3A_2203 = arith.addi %sub3A_2201, %add3A_2202 : vector<16xi32>
    %swap3A_2204 = arith.constant 96 : index
    %swap3A_2205 = tpu.vector_load %arg12[%swap3A_2204] {strides = array<i32>} : memref<256xi32, #tpu.memory_space<vmem>>, vector<16xi32>,
    tpu.vector_store %arg12[%swap3A_2204], %add3A_2203 {strides = array<i32>} : memref<256xi32, #tpu.memory_space<vmem>>, vector<16xi32>,
    %reduce_sum3A_2206 = arith.constant true
    %reduce_sum3A_2207 = vector.broadcast %reduce_sum3A_2206 : i1 to vector<16xi1>
    %reduce_sum3A_2208 = tpu.scan <sum>, %get3A_2197 masked %reduce_sum3A_2207 : vector<16xi32>, vector<16xi1> -> vector<16xi32>
    %reduce_sum3A_2209 = vector.extract %reduce_sum3A_2208[15] : i32 from vector<16xi32>
    %add3A_2210 = arith.addi %add3A_2195, %reduce_sum3A_2209 : i32
    %get3A_2211 = arith.constant 112 : index
    %get3A_2212 = tpu.vector_load %arg11[%get3A_2211] {strides = array<i32>} : memref<256xi32, #tpu.memory_space<vmem>>, vector<16xi32>,
    %broadcast_in_dim3A_2213 = arith.constant true
    %broadcast_in_dim3A_2214 = vector.broadcast %broadcast_in_dim3A_2213 : i1 to vector<16xi1>
    %masked_cumsum3A_2215 = tpu.scan <sum>, %get3A_2212 masked %broadcast_in_dim3A_2214 : vector<16xi32>, vector<16xi1> -> vector<16xi32>
    %sub3A_2216 = arith.subi %masked_cumsum3A_2215, %get3A_2212 : vector<16xi32>
    %add3A_2217 = vector.broadcast %add3A_2210 : i32 to vector<16xi32>
    %add3A_2218 = arith.addi %sub3A_2216, %add3A_2217 : vector<16xi32>
    %swap3A_2219 = arith.constant 112 : index
    %swap3A_2220 = tpu.vector_load %arg12[%swap3A_2219] {strides = array<i32>} : memref<256xi32, #tpu.memory_space<vmem>>, vector<16xi32>,
    tpu.vector_store %arg12[%swap3A_2219], %add3A_2218 {strides = array<i32>} : memref<256xi32, #tpu.memory_space<vmem>>, vector<16xi32>,
    %reduce_sum3A_2221 = arith.constant true
    %reduce_sum3A_2222 = vector.broadcast %reduce_sum3A_2221 : i1 to vector<16xi1>
    %reduce_sum3A_2223 = tpu.scan <sum>, %get3A_2212 masked %reduce_sum3A_2222 : vector<16xi32>, vector<16xi1> -> vector<16xi32>
    %reduce_sum3A_2224 = vector.extract %reduce_sum3A_2223[15] : i32 from vector<16xi32>
    %add3A_2225 = arith.addi %add3A_2210, %reduce_sum3A_2224 : i32
    %get3A_2226 = arith.constant 128 : index
    %get3A_2227 = tpu.vector_load %arg11[%get3A_2226] {strides = array<i32>} : memref<256xi32, #tpu.memory_space<vmem>>, vector<16xi32>,
    %broadcast_in_dim3A_2228 = arith.constant true
    %broadcast_in_dim3A_2229 = vector.broadcast %broadcast_in_dim3A_2228 : i1 to vector<16xi1>
    %masked_cumsum3A_2230 = tpu.scan <sum>, %get3A_2227 masked %broadcast_in_dim3A_2229 : vector<16xi32>, vector<16xi1> -> vector<16xi32>
    %sub3A_2231 = arith.subi %masked_cumsum3A_2230, %get3A_2227 : vector<16xi32>
    %add3A_2232 = vector.broadcast %add3A_2225 : i32 to vector<16xi32>
    %add3A_2233 = arith.addi %sub3A_2231, %add3A_2232 : vector<16xi32>
    %swap3A_2234 = arith.constant 128 : index
    %swap3A_2235 = tpu.vector_load %arg12[%swap3A_2234] {strides = array<i32>} : memref<256xi32, #tpu.memory_space<vmem>>, vector<16xi32>,
    tpu.vector_store %arg12[%swap3A_2234], %add3A_2233 {strides = array<i32>} : memref<256xi32, #tpu.memory_space<vmem>>, vector<16xi32>,
    %reduce_sum3A_2236 = arith.constant true
    %reduce_sum3A_2237 = vector.broadcast %reduce_sum3A_2236 : i1 to vector<16xi1>
    %reduce_sum3A_2238 = tpu.scan <sum>, %get3A_2227 masked %reduce_sum3A_2237 : vector<16xi32>, vector<16xi1> -> vector<16xi32>
    %reduce_sum3A_2239 = vector.extract %reduce_sum3A_2238[15] : i32 from vector<16xi32>
    %add3A_2240 = arith.addi %add3A_2225, %reduce_sum3A_2239 : i32
    %get3A_2241 = arith.constant 144 : index
    %get3A_2242 = tpu.vector_load %arg11[%get3A_2241] {strides = array<i32>} : memref<256xi32, #tpu.memory_space<vmem>>, vector<16xi32>,
    %broadcast_in_dim3A_2243 = arith.constant true
    %broadcast_in_dim3A_2244 = vector.broadcast %broadcast_in_dim3A_2243 : i1 to vector<16xi1>
    %masked_cumsum3A_2245 = tpu.scan <sum>, %get3A_2242 masked %broadcast_in_dim3A_2244 : vector<16xi32>, vector<16xi1> -> vector<16xi32>
    %sub3A_2246 = arith.subi %masked_cumsum3A_2245, %get3A_2242 : vector<16xi32>
    %add3A_2247 = vector.broadcast %add3A_2240 : i32 to vector<16xi32>
    %add3A_2248 = arith.addi %sub3A_2246, %add3A_2247 : vector<16xi32>
    %swap3A_2249 = arith.constant 144 : index
    %swap3A_2250 = tpu.vector_load %arg12[%swap3A_2249] {strides = array<i32>} : memref<256xi32, #tpu.memory_space<vmem>>, vector<16xi32>,
    tpu.vector_store %arg12[%swap3A_2249], %add3A_2248 {strides = array<i32>} : memref<256xi32, #tpu.memory_space<vmem>>, vector<16xi32>,
    %reduce_sum3A_2251 = arith.constant true
    %reduce_sum3A_2252 = vector.broadcast %reduce_sum3A_2251 : i1 to vector<16xi1>
    %reduce_sum3A_2253 = tpu.scan <sum>, %get3A_2242 masked %reduce_sum3A_2252 : vector<16xi32>, vector<16xi1> -> vector<16xi32>
    %reduce_sum3A_2254 = vector.extract %reduce_sum3A_2253[15] : i32 from vector<16xi32>
    %add3A_2255 = arith.addi %add3A_2240, %reduce_sum3A_2254 : i32
    %get3A_2256 = arith.constant 160 : index
    %get3A_2257 = tpu.vector_load %arg11[%get3A_2256] {strides = array<i32>} : memref<256xi32, #tpu.memory_space<vmem>>, vector<16xi32>,
    %broadcast_in_dim3A_2258 = arith.constant true
    %broadcast_in_dim3A_2259 = vector.broadcast %broadcast_in_dim3A_2258 : i1 to vector<16xi1>
    %masked_cumsum3A_2260 = tpu.scan <sum>, %get3A_2257 masked %broadcast_in_dim3A_2259 : vector<16xi32>, vector<16xi1> -> vector<16xi32>
    %sub3A_2261 = arith.subi %masked_cumsum3A_2260, %get3A_2257 : vector<16xi32>
    %add3A_2262 = vector.broadcast %add3A_2255 : i32 to vector<16xi32>
    %add3A_2263 = arith.addi %sub3A_2261, %add3A_2262 : vector<16xi32>
    %swap3A_2264 = arith.constant 160 : index
    %swap3A_2265 = tpu.vector_load %arg12[%swap3A_2264] {strides = array<i32>} : memref<256xi32, #tpu.memory_space<vmem>>, vector<16xi32>,
    tpu.vector_store %arg12[%swap3A_2264], %add3A_2263 {strides = array<i32>} : memref<256xi32, #tpu.memory_space<vmem>>, vector<16xi32>,
    %reduce_sum3A_2266 = arith.constant true
    %reduce_sum3A_2267 = vector.broadcast %reduce_sum3A_2266 : i1 to vector<16xi1>
    %reduce_sum3A_2268 = tpu.scan <sum>, %get3A_2257 masked %reduce_sum3A_2267 : vector<16xi32>, vector<16xi1> -> vector<16xi32>
    %reduce_sum3A_2269 = vector.extract %reduce_sum3A_2268[15] : i32 from vector<16xi32>
    %add3A_2270 = arith.addi %add3A_2255, %reduce_sum3A_2269 : i32
    %get3A_2271 = arith.constant 176 : index
    %get3A_2272 = tpu.vector_load %arg11[%get3A_2271] {strides = array<i32>} : memref<256xi32, #tpu.memory_space<vmem>>, vector<16xi32>,
    %broadcast_in_dim3A_2273 = arith.constant true
    %broadcast_in_dim3A_2274 = vector.broadcast %broadcast_in_dim3A_2273 : i1 to vector<16xi1>
    %masked_cumsum3A_2275 = tpu.scan <sum>, %get3A_2272 masked %broadcast_in_dim3A_2274 : vector<16xi32>, vector<16xi1> -> vector<16xi32>
    %sub3A_2276 = arith.subi %masked_cumsum3A_2275, %get3A_2272 : vector<16xi32>
    %add3A_2277 = vector.broadcast %add3A_2270 : i32 to vector<16xi32>
    %add3A_2278 = arith.addi %sub3A_2276, %add3A_2277 : vector<16xi32>
    %swap3A_2279 = arith.constant 176 : index
    %swap3A_2280 = tpu.vector_load %arg12[%swap3A_2279] {strides = array<i32>} : memref<256xi32, #tpu.memory_space<vmem>>, vector<16xi32>,
    tpu.vector_store %arg12[%swap3A_2279], %add3A_2278 {strides = array<i32>} : memref<256xi32, #tpu.memory_space<vmem>>, vector<16xi32>,
    %reduce_sum3A_2281 = arith.constant true
    %reduce_sum3A_2282 = vector.broadcast %reduce_sum3A_2281 : i1 to vector<16xi1>
    %reduce_sum3A_2283 = tpu.scan <sum>, %get3A_2272 masked %reduce_sum3A_2282 : vector<16xi32>, vector<16xi1> -> vector<16xi32>
    %reduce_sum3A_2284 = vector.extract %reduce_sum3A_2283[15] : i32 from vector<16xi32>
    %add3A_2285 = arith.addi %add3A_2270, %reduce_sum3A_2284 : i32
    %get3A_2286 = arith.constant 192 : index
    %get3A_2287 = tpu.vector_load %arg11[%get3A_2286] {strides = array<i32>} : memref<256xi32, #tpu.memory_space<vmem>>, vector<16xi32>,
    %broadcast_in_dim3A_2288 = arith.constant true
    %broadcast_in_dim3A_2289 = vector.broadcast %broadcast_in_dim3A_2288 : i1 to vector<16xi1>
    %masked_cumsum3A_2290 = tpu.scan <sum>, %get3A_2287 masked %broadcast_in_dim3A_2289 : vector<16xi32>, vector<16xi1> -> vector<16xi32>
    %sub3A_2291 = arith.subi %masked_cumsum3A_2290, %get3A_2287 : vector<16xi32>
    %add3A_2292 = vector.broadcast %add3A_2285 : i32 to vector<16xi32>
    %add3A_2293 = arith.addi %sub3A_2291, %add3A_2292 : vector<16xi32>
    %swap3A_2294 = arith.constant 192 : index
    %swap3A_2295 = tpu.vector_load %arg12[%swap3A_2294] {strides = array<i32>} : memref<256xi32, #tpu.memory_space<vmem>>, vector<16xi32>,
    tpu.vector_store %arg12[%swap3A_2294], %add3A_2293 {strides = array<i32>} : memref<256xi32, #tpu.memory_space<vmem>>, vector<16xi32>,
    %reduce_sum3A_2296 = arith.constant true
    %reduce_sum3A_2297 = vector.broadcast %reduce_sum3A_2296 : i1 to vector<16xi1>
    %reduce_sum3A_2298 = tpu.scan <sum>, %get3A_2287 masked %reduce_sum3A_2297 : vector<16xi32>, vector<16xi1> -> vector<16xi32>
    %reduce_sum3A_2299 = vector.extract %reduce_sum3A_2298[15] : i32 from vector<16xi32>
    %add3A_2300 = arith.addi %add3A_2285, %reduce_sum3A_2299 : i32
    %get3A_2301 = arith.constant 208 : index
    %get3A_2302 = tpu.vector_load %arg11[%get3A_2301] {strides = array<i32>} : memref<256xi32, #tpu.memory_space<vmem>>, vector<16xi32>,
    %broadcast_in_dim3A_2303 = arith.constant true
    %broadcast_in_dim3A_2304 = vector.broadcast %broadcast_in_dim3A_2303 : i1 to vector<16xi1>
    %masked_cumsum3A_2305 = tpu.scan <sum>, %get3A_2302 masked %broadcast_in_dim3A_2304 : vector<16xi32>, vector<16xi1> -> vector<16xi32>
    %sub3A_2306 = arith.subi %masked_cumsum3A_2305, %get3A_2302 : vector<16xi32>
    %add3A_2307 = vector.broadcast %add3A_2300 : i32 to vector<16xi32>
    %add3A_2308 = arith.addi %sub3A_2306, %add3A_2307 : vector<16xi32>
    %swap3A_2309 = arith.constant 208 : index
    %swap3A_2310 = tpu.vector_load %arg12[%swap3A_2309] {strides = array<i32>} : memref<256xi32, #tpu.memory_space<vmem>>, vector<16xi32>,
    tpu.vector_store %arg12[%swap3A_2309], %add3A_2308 {strides = array<i32>} : memref<256xi32, #tpu.memory_space<vmem>>, vector<16xi32>,
    %reduce_sum3A_2311 = arith.constant true
    %reduce_sum3A_2312 = vector.broadcast %reduce_sum3A_2311 : i1 to vector<16xi1>
    %reduce_sum3A_2313 = tpu.scan <sum>, %get3A_2302 masked %reduce_sum3A_2312 : vector<16xi32>, vector<16xi1> -> vector<16xi32>
    %reduce_sum3A_2314 = vector.extract %reduce_sum3A_2313[15] : i32 from vector<16xi32>
    %add3A_2315 = arith.addi %add3A_2300, %reduce_sum3A_2314 : i32
    %get3A_2316 = arith.constant 224 : index
    %get3A_2317 = tpu.vector_load %arg11[%get3A_2316] {strides = array<i32>} : memref<256xi32, #tpu.memory_space<vmem>>, vector<16xi32>,
    %broadcast_in_dim3A_2318 = arith.constant true
    %broadcast_in_dim3A_2319 = vector.broadcast %broadcast_in_dim3A_2318 : i1 to vector<16xi1>
    %masked_cumsum3A_2320 = tpu.scan <sum>, %get3A_2317 masked %broadcast_in_dim3A_2319 : vector<16xi32>, vector<16xi1> -> vector<16xi32>
    %sub3A_2321 = arith.subi %masked_cumsum3A_2320, %get3A_2317 : vector<16xi32>
    %add3A_2322 = vector.broadcast %add3A_2315 : i32 to vector<16xi32>
    %add3A_2323 = arith.addi %sub3A_2321, %add3A_2322 : vector<16xi32>
    %swap3A_2324 = arith.constant 224 : index
    %swap3A_2325 = tpu.vector_load %arg12[%swap3A_2324] {strides = array<i32>} : memref<256xi32, #tpu.memory_space<vmem>>, vector<16xi32>,
    tpu.vector_store %arg12[%swap3A_2324], %add3A_2323 {strides = array<i32>} : memref<256xi32, #tpu.memory_space<vmem>>, vector<16xi32>,
    %reduce_sum3A_2326 = arith.constant true
    %reduce_sum3A_2327 = vector.broadcast %reduce_sum3A_2326 : i1 to vector<16xi1>
    %reduce_sum3A_2328 = tpu.scan <sum>, %get3A_2317 masked %reduce_sum3A_2327 : vector<16xi32>, vector<16xi1> -> vector<16xi32>
    %reduce_sum3A_2329 = vector.extract %reduce_sum3A_2328[15] : i32 from vector<16xi32>
    %add3A_2330 = arith.addi %add3A_2315, %reduce_sum3A_2329 : i32
    %get3A_2331 = arith.constant 240 : index
    %get3A_2332 = tpu.vector_load %arg11[%get3A_2331] {strides = array<i32>} : memref<256xi32, #tpu.memory_space<vmem>>, vector<16xi32>,
    %broadcast_in_dim3A_2333 = arith.constant true
    %broadcast_in_dim3A_2334 = vector.broadcast %broadcast_in_dim3A_2333 : i1 to vector<16xi1>
    %masked_cumsum3A_2335 = tpu.scan <sum>, %get3A_2332 masked %broadcast_in_dim3A_2334 : vector<16xi32>, vector<16xi1> -> vector<16xi32>
    %sub3A_2336 = arith.subi %masked_cumsum3A_2335, %get3A_2332 : vector<16xi32>
    %add3A_2337 = vector.broadcast %add3A_2330 : i32 to vector<16xi32>
    %add3A_2338 = arith.addi %sub3A_2336, %add3A_2337 : vector<16xi32>
    %swap3A_2339 = arith.constant 240 : index
    %swap3A_2340 = tpu.vector_load %arg12[%swap3A_2339] {strides = array<i32>} : memref<256xi32, #tpu.memory_space<vmem>>, vector<16xi32>,
    tpu.vector_store %arg12[%swap3A_2339], %add3A_2338 {strides = array<i32>} : memref<256xi32, #tpu.memory_space<vmem>>, vector<16xi32>,
    %reduce_sum3A_2341 = arith.constant true
    %reduce_sum3A_2342 = vector.broadcast %reduce_sum3A_2341 : i1 to vector<16xi1>
    %reduce_sum3A_2343 = tpu.scan <sum>, %get3A_2332 masked %reduce_sum3A_2342 : vector<16xi32>, vector<16xi1> -> vector<16xi32>
    %reduce_sum3A_2344 = vector.extract %reduce_sum3A_2343[15] : i32 from vector<16xi32>
    %add3A_2345 = arith.addi %add3A_2330, %reduce_sum3A_2344 : i32
    %scan3A_2346 = arith.constant 0 : i32
    %scan3A_2347 = arith.constant 0 : i32
    %scan3A_2348 = arith.constant 64 : i32
    %scan3A_2349 = arith.addi %scan3A_2347, %scan3A_2348 : i32
    %scan3A_2350 = arith.constant 1 : i32
    %scan3A_2351 = scf.for %scan3A_2385 = %scan3A_2347 to %scan3A_2349 step %scan3A_2350 iter_args(%scan3A_2386 = %scan3A_2346) -> (i32)  : i32 {
      %mul3A_2387 = arith.constant 16 : i32
      %mul3A_2388 = arith.muli %scan3A_2385, %mul3A_2387 : i32
      %get3A_2389 = arith.index_cast %mul3A_2388 : i32 to index
      %get3A_2390 = tpu.vector_load %arg7[%get3A_2389] {strides = array<i32>} : memref<1024xi32, #tpu.memory_space<vmem>>, vector<16xi32>,
      %mul3A_2391 = arith.constant 16 : i32
      %mul3A_2392 = arith.muli %scan3A_2385, %mul3A_2391 : i32
      %get3A_2393 = arith.index_cast %mul3A_2392 : i32 to index
      %get3A_2394 = tpu.vector_load %arg8[%get3A_2393] {strides = array<i32>} : memref<1024xi32, #tpu.memory_space<vmem>>, vector<16xi32>,
      %shift_right_arithmetic3A_2395 = arith.constant 24 : i32
      %shift_right_arithmetic3A_2396 = vector.broadcast %shift_right_arithmetic3A_2395 : i32 to vector<16xi32>
      %shift_right_arithmetic3A_2397 = arith.shrsi %get3A_2390, %shift_right_arithmetic3A_2396 : vector<16xi32>
      %and3A_2398 = arith.constant 255 : i32
      %and3A_2399 = vector.broadcast %and3A_2398 : i32 to vector<16xi32>
      %and3A_2400 = arith.andi %shift_right_arithmetic3A_2397, %and3A_2399 : vector<16xi32>
      %broadcast_in_dim3A_2401 = arith.constant true
      %broadcast_in_dim3A_2402 = vector.broadcast %broadcast_in_dim3A_2401 : i1 to vector<16xi1>
      %unique3A, %unique3A_2403 = tpu.scan_count mask(%broadcast_in_dim3A_2402 : vector<16xi1>) value(%and3A_2400 : vector<16xi32>) : vector<16xi1>, vector<16xi32>
      %gather3A = tpu.vector_load_idx %arg12[%and3A_2400] : memref<256xi32, #tpu.memory_space<vmem>>[vector<16xi32>], vector<16xi32>,
      %add3A_2404 = arith.addi %gather3A, %unique3A_2403 : vector<16xi32>
      %sub3A_2405 = arith.constant 1 : i32
      %sub3A_2406 = vector.broadcast %sub3A_2405 : i32 to vector<16xi32>
      %sub3A_2407 = arith.subi %add3A_2404, %sub3A_2406 : vector<16xi32>
      tpu.vector_store_idx %arg5[%sub3A_2407], %get3A_2390 : memref<1024xi32, #tpu.memory_space<vmem>>[vector<16xi32>], vector<16xi32>,
      tpu.vector_store_idx %arg6[%sub3A_2407], %get3A_2394 : memref<1024xi32, #tpu.memory_space<vmem>>[vector<16xi32>], vector<16xi32>,
      %add3A_2408 = arith.constant 1 : i32
      %add3A_2409 = vector.broadcast %add3A_2408 : i32 to vector<16xi32>
      %add3A_2410 = arith.addi %sub3A_2407, %add3A_2409 : vector<16xi32>
      tpu.vector_store_idx %arg12[%and3A_2400], %add3A_2410 masked %unique3A : memref<256xi32, #tpu.memory_space<vmem>>[vector<16xi32>], vector<16xi32>, vector<16xi1>
      %scan3A_2411 = arith.constant 0 : i32
      scf.yield %scan3A_2411 : i32
    }
    %scan3A_2352 = arith.constant 64 : i32
    %scan3A_2353 = arith.constant 0 : i32
    %scan3A_2354 = arith.constant 0 : i32
    %scan3A_2355 = arith.constant 64 : i32
    %scan3A_2356 = arith.addi %scan3A_2354, %scan3A_2355 : i32
    %scan3A_2357 = arith.constant 1 : i32
    %scan3A_2358 = scf.for %scan3A_2385 = %scan3A_2354 to %scan3A_2356 step %scan3A_2357 iter_args(%scan3A_2386 = %scan3A_2353) -> (i32)  : i32 {
      %mul3A_2387 = arith.constant 16 : i32
      %mul3A_2388 = arith.muli %scan3A_2385, %mul3A_2387 : i32
      %get3A_2389 = arith.index_cast %mul3A_2388 : i32 to index
      %get3A_2390 = tpu.vector_load %arg6[%get3A_2389] {strides = array<i32>} : memref<1024xi32, #tpu.memory_space<vmem>>, vector<16xi32>,
      %mul3A_2391 = arith.constant 2 : i32
      %mul3A_2392 = vector.broadcast %mul3A_2391 : i32 to vector<16xi32>
      %mul3A_2393 = arith.muli %get3A_2390, %mul3A_2392 : vector<16xi32>
      %gather3A = tpu.vector_load_idx %arg9[%mul3A_2393] : memref<2048xf32, #tpu.memory_space<vmem>>[vector<16xi32>], vector<16xf32>,
      %add3A_2394 = arith.constant 1 : i32
      %add3A_2395 = vector.broadcast %add3A_2394 : i32 to vector<16xi32>
      %add3A_2396 = arith.addi %mul3A_2393, %add3A_2395 : vector<16xi32>
      %gather3A_2397 = tpu.vector_load_idx %arg9[%add3A_2396] : memref<2048xf32, #tpu.memory_space<vmem>>[vector<16xi32>], vector<16xf32>,
      %jit3A = arith.constant 16 : i32
      %div3A = arith.divsi %scan3A_2385, %jit3A : i32
      %sign3A = arith.constant 0 : i32
      %sign3A_2398 = arith.cmpi sgt, %scan3A_2385, %sign3A : i32
      %sign3A_2399 = arith.extui %sign3A_2398 : i1 to i32
      %sign3A_2400 = arith.constant 0 : i32
      %sign3A_2401 = arith.cmpi slt, %scan3A_2385, %sign3A_2400 : i32
      %sign3A_2402 = arith.extui %sign3A_2401 : i1 to i32
      %sign3A_2403 = arith.subi %sign3A_2399, %sign3A_2402 : i32
      %sign3A_2404 = arith.constant 0 : i32
      %sign3A_2405 = arith.cmpi sgt, %jit3A, %sign3A_2404 : i32
      %sign3A_2406 = arith.extui %sign3A_2405 : i1 to i32
      %sign3A_2407 = arith.constant 0 : i32
      %sign3A_2408 = arith.cmpi slt, %jit3A, %sign3A_2407 : i32
      %sign3A_2409 = arith.extui %sign3A_2408 : i1 to i32
      %sign3A_2410 = arith.subi %sign3A_2406, %sign3A_2409 : i32
      %ne3A = arith.cmpi ne, %sign3A_2403, %sign3A_2410 : i32
      %rem3A = arith.remsi %scan3A_2385, %jit3A : i32
      %ne3A_2411 = arith.constant 0 : i32
      %ne3A_2412 = arith.cmpi ne, %rem3A, %ne3A_2411 : i32
      %and3A_2413 = arith.andi %ne3A, %ne3A_2412 : i1
      %sub3A_2414 = arith.constant 1 : i32
      %sub3A_2415 = arith.subi %div3A, %sub3A_2414 : i32
      %select_n3A_2416 = arith.select %and3A_2413, %sub3A_2415, %div3A : i32
      %mul3A_2417 = arith.constant 516 : i32
      %mul3A_2418 = arith.muli %select_n3A_2416, %mul3A_2417 : i32
      %jit3A_2419 = arith.constant 16 : i32
      %eq3A = arith.constant 0 : i32
      %eq3A_2420 = arith.cmpi eq, %jit3A_2419, %eq3A : i32
      %jit3A_2421 = arith.constant 1 : i32
      %select_n3A_2422 = arith.select %eq3A_2420, %jit3A_2421, %jit3A_2419 : i32
      %rem3A_2423 = arith.remsi %scan3A_2385, %select_n3A_2422 : i32
      %ne3A_2424 = arith.constant 0 : i32
      %ne3A_2425 = arith.cmpi ne, %rem3A_2423, %ne3A_2424 : i32
      %lt3A_2426 = arith.constant 0 : i32
      %lt3A_2427 = arith.cmpi slt, %rem3A_2423, %lt3A_2426 : i32
      %lt3A_2428 = arith.constant 0 : i32
      %lt3A_2429 = arith.cmpi slt, %select_n3A_2422, %lt3A_2428 : i32
      %ne3A_2430 = arith.xori %lt3A_2427, %lt3A_2429 : i1
      %and3A_2431 = arith.andi %ne3A_2430, %ne3A_2425 : i1
      %add3A_2432 = arith.addi %rem3A_2423, %select_n3A_2422 : i32
      %select_n3A_2433 = arith.select %and3A_2431, %add3A_2432, %rem3A_2423 : i32
      %mul3A_2434 = arith.constant 16 : i32
      %mul3A_2435 = arith.muli %select_n3A_2433, %mul3A_2434 : i32
      %add3A_2436 = arith.constant 1 : i32
      %add3A_2437 = arith.addi %mul3A_2435, %add3A_2436 : i32
      %mul3A_2438 = arith.constant 2 : i32
      %mul3A_2439 = arith.muli %add3A_2437, %mul3A_2438 : i32
      %add3A_2440 = arith.addi %mul3A_2418, %mul3A_2439 : i32
      %mul3A_2441 = arith.constant 2 : i32
      %mul3A_2442 = vector.broadcast %mul3A_2441 : i32 to vector<16xi32>
      %mul3A_2443 = arith.muli %iota3A, %mul3A_2442 : vector<16xi32>
      %add3A_2444 = vector.broadcast %add3A_2440 : i32 to vector<16xi32>
      %add3A_2445 = arith.addi %add3A_2444, %mul3A_2443 : vector<16xi32>
      tpu.vector_store_idx %arg10[%add3A_2445], %gather3A : memref<2064xf32, #tpu.memory_space<vmem>>[vector<16xi32>], vector<16xf32>,
      %add3A_2446 = arith.constant 1 : i32
      %add3A_2447 = vector.broadcast %add3A_2446 : i32 to vector<16xi32>
      %add3A_2448 = arith.addi %add3A_2445, %add3A_2447 : vector<16xi32>
      tpu.vector_store_idx %arg10[%add3A_2448], %gather3A_2397 : memref<2064xf32, #tpu.memory_space<vmem>>[vector<16xi32>], vector<16xf32>,
      %scan3A_2449 = arith.constant 0 : i32
      scf.yield %scan3A_2449 : i32
    }
    %scan3A_2359 = arith.constant 64 : i32
    %shift_right_arithmetic3A_2360 = arith.constant 2 : i32
    %shift_right_arithmetic3A_2361 = vector.broadcast %shift_right_arithmetic3A_2360 : i32 to vector<16xi32>
    %shift_right_arithmetic3A_2362 = arith.shrsi %iota3A, %shift_right_arithmetic3A_2361 : vector<16xi32>
    %and3A_2363 = arith.constant 3 : i32
    %and3A_2364 = vector.broadcast %and3A_2363 : i32 to vector<16xi32>
    %and3A_2365 = arith.andi %iota3A, %and3A_2364 : vector<16xi32>
    %mul3A_2366 = arith.constant 516 : i32
    %mul3A_2367 = vector.broadcast %mul3A_2366 : i32 to vector<16xi32>
    %mul3A_2368 = arith.muli %shift_right_arithmetic3A_2362, %mul3A_2367 : vector<16xi32>
    %lt3A_2369 = arith.constant 2 : i32
    %lt3A_2370 = vector.broadcast %lt3A_2369 : i32 to vector<16xi32>
    %lt3A_2371 = arith.cmpi slt, %and3A_2365, %lt3A_2370 : vector<16xi32>
    %add3A_2372 = arith.constant 512 : i32
    %add3A_2373 = vector.broadcast %add3A_2372 : i32 to vector<16xi32>
    %add3A_2374 = arith.addi %add3A_2373, %and3A_2365 : vector<16xi32>
    %select_n3A_2375 = arith.select %lt3A_2371, %and3A_2365, %add3A_2374 : vector<16xi1>, vector<16xi32>
    %add3A_2376 = arith.addi %mul3A_2368, %select_n3A_2375 : vector<16xi32>
    %broadcast_in_dim3A_2377 = arith.constant 0.000000e+00 : f32
    %broadcast_in_dim3A_2378 = vector.broadcast %broadcast_in_dim3A_2377 : f32 to vector<16xf32>
    tpu.vector_store_idx %arg10[%add3A_2376], %broadcast_in_dim3A_2378 : memref<2064xf32, #tpu.memory_space<vmem>>[vector<16xi32>], vector<16xf32>,
    %mul3A_2379 = arith.constant 4 : i32
    %mul3A_2380 = arith.muli %add3A_1193, %mul3A_2379 : i32
    %mul3A_2381 = arith.constant 258 : i32
    %mul3A_2382 = arith.muli %mul3A_2380, %mul3A_2381 : i32
    %mul3A_2383 = arith.constant 2 : i32
    %mul3A_2384 = arith.muli %mul3A_2382, %mul3A_2383 : i32
    "tpu.region"() ({
      %run_scoped3A = tpu.sem_alloc : memref<!tpu.dma_semaphore, #tpu.memory_space<semaphore_mem>>
      %dma_start3A = tpu.memref_slice %arg4[%mul3A_2384] : memref<132096xf32, #tpu.memory_space<hbm>> -> memref<2064xf32, #tpu.memory_space<hbm>>
      %dma_start3A_2385 = tpu.memref_slice %arg4[%mul3A_2384] : memref<132096xf32, #tpu.memory_space<hbm>> -> memref<2064xf32, #tpu.memory_space<hbm>>
      tpu.enqueue_dma source(%arg10 : memref<2064xf32, #tpu.memory_space<vmem>>) target(%dma_start3A_2385 : memref<2064xf32, #tpu.memory_space<hbm>>) target_semaphore(%run_scoped3A : memref<!tpu.dma_semaphore, #tpu.memory_space<semaphore_mem>>)
      %dma_wait3A = tpu.memref_slice %arg4[%mul3A_2384] : memref<132096xf32, #tpu.memory_space<hbm>> -> memref<2064xf32, #tpu.memory_space<hbm>>
      %dma_wait3A_2386 = tpu.memref_slice %arg4[%mul3A_2384] : memref<132096xf32, #tpu.memory_space<hbm>> -> memref<2064xf32, #tpu.memory_space<hbm>>
      tpu.wait_dma2 semaphore(%run_scoped3A : memref<!tpu.dma_semaphore, #tpu.memory_space<semaphore_mem>>) src(%arg10 : memref<2064xf32, #tpu.memory_space<vmem>>) dst(%dma_wait3A_2386 : memref<2064xf32, #tpu.memory_space<hbm>>)
      tpu.yield
    }) : () -> ()
    return
  }
}

</mosaic_0001>

<sc_bundles>
// kernel: kernel.3.cloned.1.call-start
scs
__scs_entry_jumppad:
0x0: {  	(pc) =	sbr.rel $0x88, $3  }
0x1: {  	(tag) =	ssettag $0x0;
	lr =	simm.s32 $0x1  }
0x2: {  	[smem:$0x3FA0] =	sst lr;
	_ =	strace $0xD0000000  }
0x3: {  	_ = 	snop  }
0x4: {  	_ = 	snop  }
0x5: {  	_ = 	snop  }
0x6: {  	_ = 	snop  }
0x7: {  	_ = 	snop  }
__scs_overlays_trampoline_lowered:
0x8: {  	[smem:$0x3FAF] =	sst s0  }
0x9: {  	[smem:$0x3FB0] =	sst s1  }
0xa: {  	[smem:$0x3FB1] =	sst s2  }
0xb: {  	[smem:$0x3FB2] =	sst s3  }
0xc: {  	[smem:$0x3FB3] =	sst s4  }
0xd: {  	[smem:$0x3FB4] =	sst s5  }
0xe: {  	[smem:$0x3FB5] =	sst s6  }
0xf: {  	[smem:$0x3FB6] =	sst s7  }
0x10: {  	[smem:$0x3FB7] =	sst s8  }
0x11: {  	[smem:$0x3FB8] =	sst s9;
	s0 =	simm.s32 @!p0 $0x0  }
0x12: {  	s1 =	sld [smem:$0x3F9E];
	s0 =	simm.s32 @p0 $0x1  }
0x13: {  	[smem:$0x3FB9] =	sst s0;
	s0 =	simm.s32 @!p1 $0x0  }
0x14: {  	s2 =	sld [smem:$0x3F9D];
	s0 =	simm.s32 @p1 $0x1  }
0x15: {  	[smem:$0x3FBA] =	sst s0;
	s0 =	simm.s32 @!p2 $0x0  }
0x16: {  	s3 =	sld [smem:$0x3FDB];
	s0 =	simm.s32 @p2 $0x1  }
0x17: {  	s4 =	simm.s32 $0x1BF5;
	[smem:$0x3FBC] =	sst s0  }
0x18: {  	s0 =	sld [smem:$0x3F9F];
	_ =	swait.ge [sflag:s4], $0x0  }
0x19: {  	s7 =	sld [smem:$0x3FA0]  }
0x1a: {  	s8 =	sadd.s32 $0xFFFFE003, lr  }
0x1b: {  	s9 =	sadd.s32 $0xFFFFFEF7, lr;
	s5 =	simm.s32 $0xFFFFFFFF;
	p2 =	slt.u32 s8, $0xFFFFF086  }
0x1c: {  	p1 =	slt.u32 s9, $0xF7A;
	s5 =	simm.s32 @!p2 $0x0  }
0x1d: {  	s5 =	simm.s32 @p1 $0x1;
	p0 =	seq.s32 s7, s2  }
0x1e: {  	s7 =	smul.u32 @!p0 $0xF7A, s2;
	p2 =	seq.s32 @!p0 s5, $0x0  }
0x1f: {  	s9 =	smul.u32 $0xF7A, s1;
	s8 =	simm.s32 @!p0 $0x1BF5;
	p2 =	por !p2, p0  }
0x20: {  	[sflag:s8] =	ssyncset.s32 @!p0 $0xFFFFF086;
	s6 =	sadd.s32 @!p0 s3, s7;
	s7 =	simm.s32 @!p0 $0x108  }
0x21: {  	s3 =	sadd.s32 s3, s9;
	s6 =	sadd.s32 @!p0 $0x88, s6;
	s7 =	simm.s32 @p2 $0x1082  }
0x22: {  	[simem:s7], [sflag:s8] =	dma.local @!p0 [hbm:s6], $0xF7A  }
0x23: {  	s9 =	sor.u32 $0xD0000000, s2;
	s6 =	simm.s32 $0x108;
	_ =	swait.ge @!p0 [sflag:s8], $0x0  }
0x24: {  	s3 =	sadd.s32 $0x88, s3;
	s6 =	simm.s32 @!p1 $0x1082;
	[sflag:s4] =	ssyncset.s32 $0xFFFFF086  }
0x25: {  	[simem:s6], [sflag:s4] =	dma.local [hbm:s3], $0xF7A  }
0x26: {  	[smem:$0x3FA0] =	sst s1;
	(tag) =	ssettag s2;
	_ =	strace s9  }
0x27: {  	s1 =	sld [smem:$0x3FB0]  }
0x28: {  	s2 =	sld [smem:$0x3FB1]  }
0x29: {  	s4 =	sld [smem:$0x3FB3]  }
0x2a: {  	p0 =	seq.s32 s5, $0x0;
	s5 =	sld [smem:$0x3FB4]  }
0x2b: {  	s6 =	sld [smem:$0x3FB5]  }
0x2c: {  	s7 =	sld [smem:$0x3FB6]  }
0x2d: {  	s3 =	simm.s32 $0x108;
	s8 =	sld [smem:$0x3FB7]  }
0x2e: {  	s3 =	simm.s32 @!p0 $0x1082;
	s9 =	sld [smem:$0x3FB8]  }
0x2f: {  	lr =	sadd.s32 s0, s3;
	s0 =	sld [smem:$0x3FAF]  }
0x30: {  	s3 =	sld [smem:$0x3FB2]  }
0x31: {  	[smem:$0x3FBB] =	sst s10  }
0x32: {  	s10 =	sld [smem:$0x3FB9];
	_ =	sdelay $0x3  }
0x33: {  	p0 =	seq.s32 s10, $0x1;
	s10 =	sld [smem:$0x3FBB];
	_ =	sdelay $0x3  }
0x34: {  	[smem:$0x3FBB] =	sst s10  }
0x35: {  	s10 =	sld [smem:$0x3FBA];
	_ =	sdelay $0x3  }
0x36: {  	p1 =	seq.s32 s10, $0x1;
	s10 =	sld [smem:$0x3FBB];
	_ =	sdelay $0x3  }
0x37: {  	[smem:$0x3FBB] =	sst s10  }
0x38: {  	s10 =	sld [smem:$0x3FBC]  }
0x39: {  	_ = 	snop;
	(pc) =	sbr.ind lr, $3  }
0x3a: {  	_ = 	snop  }
0x3b: {  	_ = 	snop  }
0x3c: {  	p2 =	seq.s32 s10, $0x1;
	s10 =	sld [smem:$0x3FBB]  }
0x3d: {  	_ =	shalt  }
0x3e: {  	_ =	shalt  }
0x3f: {  	_ =	shalt  }
0x40: {  	_ =	shalt  }
0x41: {  	_ =	shalt  }
0x42: {  	_ =	shalt  }
0x43: {  	_ =	shalt  }
0x44: {  	_ =	shalt  }
0x45: {  	_ =	shalt  }
0x46: {  	_ =	shalt  }
0x47: {  	_ =	shalt  }
0x48: {  	_ =	shalt  }
0x49: {  	_ =	shalt  }
0x4a: {  	_ =	shalt  }
0x4b: {  	_ =	shalt  }
0x4c: {  	_ =	shalt  }
0x4d: {  	_ =	shalt  }
0x4e: {  	_ =	shalt  }
0x4f: {  	_ =	shalt  }
0x50: {  	_ =	shalt  }
0x51: {  	_ =	shalt  }
0x52: {  	_ =	shalt  }
0x53: {  	_ =	shalt  }
0x54: {  	_ =	shalt  }
0x55: {  	_ =	shalt  }
0x56: {  	_ =	shalt  }
0x57: {  	_ =	shalt  }
0x58: {  	_ =	shalt  }
0x59: {  	_ =	shalt  }
0x5a: {  	_ =	shalt  }
0x5b: {  	_ =	shalt  }
0x5c: {  	_ =	shalt  }
0x5d: {  	_ =	shalt  }
0x5e: {  	_ =	shalt  }
0x5f: {  	_ =	shalt  }
0x60: {  	_ =	shalt  }
0x61: {  	_ =	shalt  }
0x62: {  	_ =	shalt  }
0x63: {  	_ =	shalt  }
0x64: {  	_ =	shalt  }
0x65: {  	_ =	shalt  }
0x66: {  	_ =	shalt  }
0x67: {  	_ =	shalt  }
0x68: {  	_ =	shalt  }
0x69: {  	_ =	shalt  }
0x6a: {  	_ =	shalt  }
0x6b: {  	_ =	shalt  }
0x6c: {  	_ =	shalt  }
0x6d: {  	_ =	shalt  }
0x6e: {  	_ =	shalt  }
0x6f: {  	_ =	shalt  }
0x70: {  	_ =	shalt  }
0x71: {  	_ =	shalt  }
0x72: {  	_ =	shalt  }
0x73: {  	_ =	shalt  }
0x74: {  	_ =	shalt  }
0x75: {  	_ =	shalt  }
0x76: {  	_ =	shalt  }
0x77: {  	_ =	shalt  }
0x78: {  	_ =	shalt  }
0x79: {  	_ =	shalt  }
0x7a: {  	_ =	shalt  }
0x7b: {  	_ =	shalt  }
0x7c: {  	_ =	shalt  }
0x7d: {  	_ =	shalt  }
0x7e: {  	_ =	shalt  }
0x7f: {  	_ =	shalt  }
0x80: {  	_ =	shalt  }
0x81: {  	_ =	shalt  }
0x82: {  	_ =	shalt  }
0x83: {  	_ =	shalt  }
0x84: {  	_ =	shalt  }
0x85: {  	_ =	shalt  }
0x86: {  	_ =	shalt  }
0x87: {  	_ =	shalt  }
.Lfunc_end0:
.L_simem_size_0:
called_computation_lowered:
.L_overlay_start_0:
0x88: {  	s2 =	sld [smem:$0x3FD9]  }
0x89: {  	s3 =	sld [smem:$0x3FFE];
	_ =	sdelay $0x1  }
0x8a: {  	s1 =	srdreg.scid  }
0x8b: {  	s0 =	sand.u32 $0x1, s1  }
0x8c: {  	s17 =	sshll.u32 s0, $0xA;
	s2 =	sadd.s32 s3, s2  }
0x8d: {  	s2 =	sadd.s32 s2, s17  }
0x8e: {  	[smem:$0x3FC7] =	sst s2  }
0x8f: {  	_ = 	snop  }
0x90: {  	s2 =	sld [smem:$0x3FD0];
	(tm) =	ssettm $0x1  }
0x91: {  	s18 =	sld [smem:$0x3FFB];
	_ =	sdelay $0x3  }
0x92: {  	_ =	strace s18  }
0x93: {  	s3 =	sld [smem:$0x3FFC];
	_ =	sdelay $0x3  }
0x94: {  	_ =	strace s3  }
0x95: {  	s3 =	sld [smem:$0x3FFD];
	_ =	sdelay $0x3  }
0x96: {  	_ =	strace s3  }
0x97: {  	_ =	strace $0x8FFFFFFF  }
0x98: {  	s19 =	sld [smem:$0x3FDB];
	_ =	sdelay $0x1  }
0x99: {  	s4 =	simm.s32 $_scs_section_size  }
0x9a: {  	s5 =	simm.s32 $_size__tile_overlayer_lowered;
	s6 =	simm.s32 $_tile_overlayer_lowered  }
0x9b: {  	s22 =	simm.s32 $0x1BFF;
	s21 =	sshll.u32 s6, $0x1;
	s3 =	sadd.s32 s4, s19  }
0x9c: {  	s7 =	simm.s32 $0x0;
	s20 =	sshll.u32 s5, $0x1;
	s5 =	sadd.s32 s21, s3  }
0x9d: {  	[timem:s7], [sflag:s22] =	dma.local [hbm:s5], s20  }
0x9e: {  	_ =	swait.ge [sflag:s22], s20  }
0x9f: {  	s4 =	ssub.s32 $0x0, s20;
	[sflag:s22] =	ssyncset.done $0x0  }
0xa0: {  	[sflag:s22] =	ssyncadd.s32 s4;
	_ =	sdelay $0x1  }
0xa1: {  	s23 =	simm.s32 $0x1B8B  }
0xa2: {  	_ =	swait.ge [sflag:s23], $0x1  }
0xa3: {  	[sflag:s23] =	ssyncset.done $0x0  }
0xa4: {  	s25 =	simm.s32 $0x1B8E;
	s24 =	sld [smem:$0x3FFE];
	[sflag:s23] =	ssyncadd.s32 $0xFFFFFFFF  }
0xa5: {  	s26 =	simm.s32 $execute0_lowered;
	[smem:$0x3FD2] =	sst s25  }
0xa6: {  	s5 =	sshll.u32 s26, $0x1;
	_ =	strace $0x80000046;
	[dreg:$0x1] =	wrdreg $0xFFFFFFFF  }
0xa7: {  	s28 =	simm.s32 $_size_execute0_lowered;
	s3 =	sadd.s32 s3, s5;
	[dreg:$0x0] =	wrdreg $0x0  }
0xa8: {  	s5 =	sshll.u32 s28, $0x1;
	[dreg:$0x2] =	wrdreg s3  }
0xa9: {  	[dreg:$0x3] =	wrdreg s5  }
0xaa: {  	[dreg:$0x4] =	wrdreg $0xC0  }
0xab: {  	_ =	task [dreg:s7], $0x5FFFF  }
0xac: {  	[dreg:$0x1] =	wrdreg $0xFFFFFFFF  }
0xad: {  	[dreg:$0x0] =	wrdreg $0x60  }
0xae: {  	[dreg:$0x2] =	wrdreg s24  }
0xaf: {  	[dreg:$0x3] =	wrdreg s2  }
0xb0: {  	[dreg:$0x4] =	wrdreg $0x9  }
0xb1: {  	_ =	task.clear_ibuf [dreg:s7], $0x5FFFF;
	_ =	strace $0x90000046  }
0xb2: {  	s29 =	simm.s32 $0x9;
	_ =	strace $0x80000048  }
0xb3: {  	_ =	swait.ge [sflag:s29], $0x1  }
0xb4: {  	[sflag:s29] =	ssyncadd.s32 $0xFFFFFFFF  }
0xb5: {  	_ =	strace $0x90000048  }
0xb6: {  	_ =	sfence  }
0xb7: {  	s30 =	sld [smem:$0x0];
	_ =	sdelay $0x2  }
0xb8: {  	s31 =	sshll.u32 s1, $0xD;
	s1 =	sshrl.u32 s1, $0x2  }
0xb9: {  	s3 =	sand.u32 $0x4000, s31;
	s1 =	sadd.s32 s1, s30  }
0xba: {  	s0 =	sor.u32 s3, s0;
	s1 =	sshll.u32 s1, $0x11  }
0xbb: {  	s0 =	sor.u32 s1, s0  }
0xbc: {  	s0 =	sadd.s32 $0x8F2B, s0  }
0xbd: {  	[sflag:s0] =	ssyncadd.remote.s32 $0x1  }
0xbe: {  	_ =	sfence.sel $0xFFFF  }
0xbf: {  	[dreg:$0x0] =	wrdreg $0xFFFFFFFF;
	(pc) =	sbr.abs _section_cstart, $3  }
0xc0: {  	[dreg:$0x1] =	wrdreg $0xFFFFFFFF  }
0xc1: {  	_ =	task.clear_ibuf [dreg:s7], $0x2FFFF;
	_ =	strace $0x9FFFFFFF  }
0xc2: {  	(tm) =	ssettm $0x7FFFFFFF  }
0xc3: {  	_ =	shalt  }
tec
execute0_lowered:
.L_overlay_start_1:
0x0: {  	(tag) =	ssettag $0x1  }
0x1: {  	s6 =	rddreg [dreg:$0x0]  }
0x2: {  	s8 =	rddreg [dreg:$0x1];
	v0 =	vimm.s32 $0x100  }
0x3: {  	s0 =	rddreg [dreg:$0x2];
	s2 =	simm.s32 $0x0;
	s3 =	srdreg.scid;
	v0 =	vunpack.c.0.s8.s32 v0  }
0x4: {  	s1 =	stileid.u32;
	vm0 =	vcmask $0x700;
	s14 =	simm.s32 $0x2180;
	s15 =	simm.s32 $0x800  }
0x5: {  	vm15 =	vcmask $0xB08;
	s16 =	simm.s32 $0xC00;
	s17 =	simm.s32 $0x400;
	s18 =	simm.s32 $0x1800;
	v0 =	vnsel vm0, $0x80F, v0  }
0x6: {  	vm4 =	vcmask $0xF0C;
	s19 =	simm.s32 $0x0;
	[smem:$0x7FF] =	sst s2;
	s3 =	sand.u32 $0x1, s3;
	v0 =	vsel vm15, $0x202, v0  }
0x7: {  	vm5 =	vcmask $0x1310;
	s5 =	sshll.u32 s1, $0x1;
	s7 =	sadd.s32 $0x2000, s6;
	s29 =	sshrl.u32 s1, $0x1;
	v0 =	vsel vm4, $0x203, v0  }
0x8: {  	vm6 =	vcmask $0x1714;
	_ =	strace $0x80000047;
	s4 =	ssub.s32 $0x2, s3;
	s5 =	sor.u32 s3, s5;
	v0 =	vsel vm5, $0x204, v0  }
0x9: {  	vm7 =	vcmask $0x1B18;
	s10 =	sshll.u32 s29, $0xD;
	s11 =	sshll.u32 s29, $0xE;
	s9 =	sshrl.u32 s4, $0x1;
	v0 =	vsel vm6, $0x205, v0  }
0xa: {  	vm8 =	vcmask $0x1F1C;
	s30 =	sshll.u32 s5, $0x8;
	s12 =	sshllo.u32 s5, $0x1;
	s5 =	smul.u32 $0x204, s5;
	v0 =	vsel vm7, $0x406, v0  }
0xb: {  	vm9 =	vcmask $0x2320;
	s9 =	ssub.s32 s4, s9;
	s4 =	sand.u32 $0x300, s30;
	s13 =	sshll.u32 s12, $0x7;
	v0 =	vsel vm8, $0x407, v0  }
0xc: {  	vm10 =	vcmask $0x2724;
	s12 =	smul.u32 $0x102, s12;
	s31 =	sor.u32 s10, s4;
	s4 =	sor.u32 s11, s4;
	v0 =	vsel vm9, $0x408, v0  }
0xd: {  	vm11 =	vcmask $0x2B28;
	s13 =	sand.u32 $0x380, s13;
	s5 =	sadd.s32 s8, s5;
	s9 =	smax.u32 s9, $0x1;
	v0 =	vsel vm10, $0x409, v0  }
0xe: {  	vm12 =	vcmask $0x2F2C;
	s3 =	sshrl.u32 s31, $0x3;
	s4 =	sshrl.u32 s4, $0x3;
	s10 =	sor.u32 s10, s13;
	v0 =	vsel vm11, $0x60A, v0  }
0xf: {  	vm13 =	vcmask $0x3330;
	s11 =	sor.u32 s11, s13;
	s8 =	sadd.s32 s8, s12;
	s12 =	simm.s32 $0x1000;
	v0 =	vsel vm12, $0x60B, v0  }
0x10: {  	vm14 =	vcmask $0x3734;
	s13 =	simm.s32 $0x2080;
	s3 =	sadd.s32 s6, s3;
	s10 =	sshrl.u32 s10, $0x3;
	v1 =	vsel vm13, $0x60C, v0  }
0x11: {  	v3 =	vimm.f32 $0.0e+00;
	vm15 =	vcmask $0x3B38;
	s4 =	sadd.s32 s7, s4;
	s11 =	sshrl.u32 s11, $0x3;
	s6 =	sadd.s32 s6, s10;
	v2 =	vsel vm14, $0x60D, v1  }
0x12: {  	s7 =	sadd.s32 s7, s11;
	s10 =	simm.s32 $0x80;
	s11 =	simm.s32 $0x1;
	v0 =	vlaneseq.u32;
	v1 =	vimm.s32 $0x0;
	v2 =	vsel vm15, $0x80E, v2  }
.LBB2_1:
0x13: {  	[tilespmem:s2], [sflag:$0x1] =	stream.strided.gather [hbm4b:s3+s10], $0x400, s17, s10, $0x38;
	[tilespmem:$0x2280] =	vst v63  }
0x14: {  	_ =	swait.ge [sflag:s11], $0x400  }
0x15: {  	[sflag:s11] =	ssyncset.done $0x0  }
0x16: {  	[sflag:s11] =	ssyncadd.s32 $0xFFFFFC00  }
0x17: {  	[tilespmem:s12], [sflag:$0x1] =	stream.strided.gather [hbm4b:s4+s10], $0x800, s17, s10, $0x38;
	[tilespmem:$0x2280] =	vst v63  }
0x18: {  	_ =	swait.ge [sflag:s11], $0x800  }
0x19: {  	[sflag:s11] =	ssyncset.done $0x0  }
0x1a: {  	v4 =	vor.u32 s2, v0;
	[sflag:s11] =	ssyncadd.s32 $0xFFFFF800  }
0x1b: {  	s20 =	simm.s32 $0x10;
	s21 =	simm.s32 $0x400;
	[tilespmem:s17+$0x0] =	vst v4  }
.LBB2_2:
0x1c: {  	p0 =	sne.s32 s20, $0x3F0  }
.Ltmp0:
0x1d: {  	_ = 	snop;
	(pc) =	sbr.rel @p0 .LBB2_2-.Ltmp0, $3  }
0x1e: {  	_ =	sdelay $0x1  }
0x1f: {  	v4 =	vor.u32 s20, v0;
	s20 =	sadd.s32 $0x10, s20;
	s21 =	sadd.s32 $0x10, s21  }
0x20: {  	[tilespmem:s21+$0x0] =	vst v4  }
0x21: {  	[tilespmem:$0x2080] =	vst v1  }
0x22: {  	[tilespmem:$0x2090] =	vst v1  }
0x23: {  	[tilespmem:$0x20A0] =	vst v1  }
0x24: {  	[tilespmem:$0x20B0] =	vst v1  }
0x25: {  	[tilespmem:$0x20C0] =	vst v1  }
0x26: {  	[tilespmem:$0x20D0] =	vst v1  }
0x27: {  	[tilespmem:$0x20E0] =	vst v1  }
0x28: {  	[tilespmem:$0x20F0] =	vst v1  }
0x29: {  	[tilespmem:$0x2100] =	vst v1  }
0x2a: {  	[tilespmem:$0x2110] =	vst v1  }
0x2b: {  	[tilespmem:$0x2120] =	vst v1  }
0x2c: {  	[tilespmem:$0x2130] =	vst v1  }
0x2d: {  	[tilespmem:$0x2140] =	vst v1  }
0x2e: {  	[tilespmem:$0x2150] =	vst v1  }
0x2f: {  	[tilespmem:$0x2160] =	vst v1  }
0x30: {  	[tilespmem:$0x2170] =	vst v1;
	s21 =	simm.s32 $0x0;
	s20 =	simm.s32 $0x40  }
.LBB2_4:
0x31: {  	p0 =	sne.s32 s20, $0xFC0;
	v4 =	vld [tilespmem:s21+$0x0];
	_ =	sdelay $0x4  }
0x32: {  	v4 =	vand.u32 $0xFF, v4  }
0x33: {  	(xrf1) =	vunique.msk.u32 $0xffff, v4;
	_ =	sdelay $0xd  }
0x34: {  	_, v5, vm0 =	vpop (xrf1);
	_ =	sdelay $0x1  }
.Ltmp1:
0x35: {  	(pc) =	sbr.rel @p0 .LBB2_4-.Ltmp1, $2  }
0x36: {  	_ =	sdelay $0x2  }
0x37: {  	s21 =	sshra.s32 s20, $0x2;
	s20 =	sadd.s32 $0x40, s20;
	[tilespmem:v4+s13+$0x0] =	vst.idx.add.s32.msk vm0, v5  }
0x38: {  	v4 =	vld [tilespmem:s21+$0x0];
	_ =	sdelay $0x4  }
0x39: {  	v4 =	vand.u32 $0xFF, v4  }
0x3a: {  	(xrf1) =	vunique.msk.u32 $0xffff, v4;
	_ =	sdelay $0xd  }
0x3b: {  	_, v5, vm0 =	vpop (xrf1);
	_ =	sdelay $0x5  }
0x3c: {  	[tilespmem:v4+s13+$0x0] =	vst.idx.add.s32.msk vm0, v5  }
0x3d: {  	v4 =	vld [tilespmem:$0x2080]  }
0x3e: {  	v5 =	vld [tilespmem:$0x2090]  }
0x3f: {  	v6 =	vld [tilespmem:$0x20A0]  }
0x40: {  	v7 =	vld [tilespmem:$0x20B0]  }
0x41: {  	v8 =	vld [tilespmem:$0x20C0]  }
0x42: {  	v9 =	vld [tilespmem:$0x20D0];
	(xrf0) =	vadd.scan.msk.s32 $0xffff, v4  }
0x43: {  	v10 =	vld [tilespmem:$0x20E0];
	(xrf0) =	vadd.scan.msk.s32 $0xffff, v5  }
0x44: {  	v11 =	vld [tilespmem:$0x20F0];
	(xrf0) =	vadd.scan.msk.s32 $0xffff, v6  }
0x45: {  	v12 =	vld [tilespmem:$0x2100];
	(xrf0) =	vadd.scan.msk.s32 $0xffff, v7  }
0x46: {  	v13 =	vld [tilespmem:$0x2110];
	(xrf0) =	vadd.scan.msk.s32 $0xffff, v8  }
0x47: {  	v14 =	vld [tilespmem:$0x2120];
	(xrf0) =	vadd.scan.msk.s32 $0xffff, v9  }
0x48: {  	v16 =	vld [tilespmem:$0x2130];
	v15, _, _ =	vpop (xrf0);
	(xrf0) =	vadd.scan.msk.s32 $0xffff, v10  }
0x49: {  	v18 =	vld [tilespmem:$0x2140];
	(v2sf) =	vpush v15, $0xF;
	v17, _, _ =	vpop (xrf0);
	(xrf0) =	vadd.scan.msk.s32 $0xffff, v11  }
0x4a: {  	v20 =	vld [tilespmem:$0x2150];
	(v2sf) =	vpush v17, $0xF;
	v19, _, _ =	vpop (xrf0);
	(xrf0) =	vadd.scan.msk.s32 $0xffff, v12  }
0x4b: {  	v22 =	vld [tilespmem:$0x2160];
	(v2sf) =	vpush v19, $0xF;
	v21, _, _ =	vpop (xrf0);
	(xrf0) =	vadd.scan.msk.s32 $0xffff, v13  }
0x4c: {  	(v2sf) =	vpush v21, $0xF;
	v23, _, _ =	vpop (xrf0);
	(xrf0) =	vadd.scan.msk.s32 $0xffff, v14  }
0x4d: {  	(v2sf) =	vpush v23, $0xF;
	v24, _, _ =	vpop (xrf0);
	(xrf0) =	vadd.scan.msk.s32 $0xffff, v16  }
0x4e: {  	(v2sf) =	vpush v24, $0xF;
	v25, _, _ =	vpop (xrf0);
	(xrf0) =	vadd.scan.msk.s32 $0xffff, v18  }
0x4f: {  	(v2sf) =	vpush v25, $0xF;
	v26, _, _ =	vpop (xrf0);
	(xrf0) =	vadd.scan.msk.s32 $0xffff, v20  }
0x50: {  	(v2sf) =	vpush v26, $0xF;
	v27, _, _ =	vpop (xrf0);
	(xrf0) =	vadd.scan.msk.s32 $0xffff, v22  }
0x51: {  	v28, _, _ =	vpop (xrf0);
	(v2sf) =	vpush v27, $0xF  }
0x52: {  	v29, _, _ =	vpop (xrf0);
	(v2sf) =	vpush v28, $0xF  }
0x53: {  	v30, _, _ =	vpop (xrf0);
	(v2sf) =	vpush v29, $0xF  }
0x54: {  	v31, _, _ =	vpop (xrf0);
	(v2sf) =	vpush v30, $0xF  }
0x55: {  	v32, _, _ =	vpop (xrf0);
	(v2sf) =	vpush v31, $0xF  }
0x56: {  	(v2sf) =	vpush v32, $0xF;
	v33, _, _ =	vpop (xrf0)  }
0x57: {  	v34 =	vbroadcast v15, $0xF;
	(v2sf) =	vpush v33, $0xF  }
0x58: {  	s20 =	spop (v2sf)  }
0x59: {  	v4 =	vsub.s32 v15, v4;
	v5 =	vsub.s32 v34, v5;
	s25 =	spop (v2sf)  }
0x5a: {  	[tilespmem:$0x2180] =	vst v4;
	v4 =	vadd.s32 v17, v5;
	v5 =	vsub.s32 v19, v6;
	s20 =	sadd.s32 s20, s25;
	s26 =	spop (v2sf)  }
0x5b: {  	v6 =	vld [tilespmem:$0x2170];
	[tilespmem:$0x2190] =	vst v4;
	v4 =	vadd.s32 s20, v5;
	s20 =	sadd.s32 s20, s26;
	s28 =	spop (v2sf);
	v5 =	vsub.s32 v21, v7  }
0x5c: {  	[tilespmem:$0x21A0] =	vst v4;
	v4 =	vsub.s32 v23, v8;
	v5 =	vadd.s32 s20, v5;
	s20 =	sadd.s32 s20, s28;
	s29 =	spop (v2sf)  }
0x5d: {  	[tilespmem:$0x21B0] =	vst v5;
	v5 =	vsub.s32 v24, v9;
	v4 =	vadd.s32 s20, v4;
	s20 =	sadd.s32 s20, s29;
	s30 =	spop (v2sf)  }
0x5e: {  	[tilespmem:$0x21C0] =	vst v4;
	v4 =	vsub.s32 v25, v10;
	v5 =	vadd.s32 s20, v5;
	s20 =	sadd.s32 s20, s30;
	s31 =	spop (v2sf)  }
0x5f: {  	[tilespmem:$0x21D0] =	vst v5;
	v5 =	vsub.s32 v26, v11;
	v4 =	vadd.s32 s20, v4;
	s20 =	sadd.s32 s20, s31;
	s22 =	spop (v2sf)  }
0x60: {  	(xrf0) =	vadd.scan.msk.s32 $0xffff, v6;
	[tilespmem:$0x21E0] =	vst v4;
	v4 =	vsub.s32 v27, v12;
	v5 =	vadd.s32 s20, v5;
	s20 =	sadd.s32 s20, s22;
	s23 =	spop (v2sf)  }
0x61: {  	[tilespmem:$0x21F0] =	vst v5;
	v5 =	vsub.s32 v28, v13;
	v4 =	vadd.s32 s20, v4;
	s20 =	sadd.s32 s20, s23;
	s24 =	spop (v2sf)  }
0x62: {  	[tilespmem:$0x2200] =	vst v4;
	v4 =	vsub.s32 v29, v14;
	v5 =	vadd.s32 s20, v5;
	s20 =	sadd.s32 s20, s24;
	s25 =	spop (v2sf)  }
0x63: {  	[tilespmem:$0x2210] =	vst v5;
	v5 =	vsub.s32 v30, v16;
	v4 =	vadd.s32 s20, v4;
	s20 =	sadd.s32 s20, s25;
	s26 =	spop (v2sf)  }
0x64: {  	[tilespmem:$0x2220] =	vst v4;
	v4 =	vsub.s32 v31, v18;
	v5 =	vadd.s32 s20, v5;
	s20 =	sadd.s32 s20, s26;
	s28 =	spop (v2sf)  }
0x65: {  	[tilespmem:$0x2230] =	vst v5;
	v5 =	vsub.s32 v32, v20;
	v4 =	vadd.s32 s20, v4;
	s20 =	sadd.s32 s20, s28;
	s29 =	spop (v2sf)  }
0x66: {  	v7, _, _ =	vpop (xrf0);
	[tilespmem:$0x2240] =	vst v4;
	v4 =	vadd.s32 s20, v5;
	s20 =	sadd.s32 s20, s29;
	v5 =	vsub.s32 v33, v22;
	s30 =	spop (v2sf)  }
0x67: {  	[tilespmem:$0x2250] =	vst v4;
	v4 =	vadd.s32 s20, v5;
	s20 =	sadd.s32 s20, s30;
	v5 =	vsub.s32 v7, v6  }
0x68: {  	[tilespmem:$0x2260] =	vst v4;
	v4 =	vadd.s32 s20, v5  }
0x69: {  	s31 =	simm.s32 $0x0;
	[tilespmem:$0x2270] =	vst v4  }
0x6a: {  	v4 =	vld [tilespmem:s31+$0x0]  }
0x6b: {  	s20 =	simm.s32 $0x40;
	v5 =	vld [tilespmem:s31+$0x400]  }
.LBB2_6:
0x6c: {  	p0 =	sne.s32 s20, $0xFC0;
	_ =	sdelay $0x2  }
0x6d: {  	v6 =	vand.u32 $0xFF, v4  }
0x6e: {  	(xrf1) =	vunique.msk.u32 $0xffff, v6;
	_ =	sdelay $0x8  }
0x6f: {  	v7 =	vld.idx.msk [tilespmem:v6+s14+$0x0], $0xffff;
	_ =	sdelay $0x4  }
0x70: {  	_, v8, vm0 =	vpop (xrf1)  }
0x71: {  	v7 =	vadd.s32 v7, v8  }
0x72: {  	v8 =	vadd.s32 $0xFFFFFFFF, v7;
	_ =	sdelay $0x4  }
.Ltmp2:
0x73: {  	[tilespmem:v8+s15+$0x0] =	vst.idx.msk $0xffff, v4;
	(pc) =	sbr.rel @p0 .LBB2_6-.Ltmp2, $4  }
0x74: {  	[tilespmem:v8+s16+$0x0] =	vst.idx.msk $0xffff, v5  }
0x75: {  	s21 =	sshra.s32 s20, $0x2;
	[tilespmem:v6+s14+$0x0] =	vst.idx.msk vm0, v7  }
0x76: {  	v4 =	vld [tilespmem:s21+$0x0]  }
0x77: {  	s20 =	sadd.s32 $0x40, s20;
	v5 =	vld [tilespmem:s21+$0x400]  }
0x78: {  	_ =	sdelay $0x2  }
0x79: {  	v6 =	vand.u32 $0xFF, v4  }
0x7a: {  	(xrf1) =	vunique.msk.u32 $0xffff, v6;
	_ =	sdelay $0x9  }
0x7b: {  	v7 =	vld.idx.msk [tilespmem:v6+s14+$0x0], $0xffff;
	_ =	sdelay $0x3  }
0x7c: {  	_, v8, vm0 =	vpop (xrf1)  }
0x7d: {  	v7 =	vadd.s32 v7, v8  }
0x7e: {  	v8 =	vadd.s32 $0xFFFFFFFF, v7;
	_ =	sdelay $0x4  }
0x7f: {  	[tilespmem:v8+s15+$0x0] =	vst.idx.msk $0xffff, v4  }
0x80: {  	[tilespmem:v8+s16+$0x0] =	vst.idx.msk $0xffff, v5  }
0x81: {  	[tilespmem:v6+s14+$0x0] =	vst.idx.msk vm0, v7  }
0x82: {  	[tilespmem:$0x2080] =	vst v1  }
0x83: {  	[tilespmem:$0x2090] =	vst v1  }
0x84: {  	[tilespmem:$0x20A0] =	vst v1  }
0x85: {  	[tilespmem:$0x20B0] =	vst v1  }
0x86: {  	[tilespmem:$0x20C0] =	vst v1  }
0x87: {  	[tilespmem:$0x20D0] =	vst v1  }
0x88: {  	[tilespmem:$0x20E0] =	vst v1  }
0x89: {  	[tilespmem:$0x20F0] =	vst v1  }
0x8a: {  	[tilespmem:$0x2100] =	vst v1  }
0x8b: {  	[tilespmem:$0x2110] =	vst v1  }
0x8c: {  	[tilespmem:$0x2120] =	vst v1  }
0x8d: {  	[tilespmem:$0x2130] =	vst v1  }
0x8e: {  	[tilespmem:$0x2140] =	vst v1  }
0x8f: {  	[tilespmem:$0x2150] =	vst v1  }
0x90: {  	[tilespmem:$0x2160] =	vst v1  }
0x91: {  	s21 =	simm.s32 $0x0;
	s20 =	simm.s32 $0x40;
	[tilespmem:$0x2170] =	vst v1  }
.LBB2_8:
0x92: {  	p0 =	sne.s32 s20, $0xFC0;
	v4 =	vld [tilespmem:s21+$0x800];
	_ =	sdelay $0x4  }
0x93: {  	v4 =	vshrl.u32 v4, $0x8  }
0x94: {  	v4 =	vand.u32 $0xFF, v4  }
0x95: {  	(xrf1) =	vunique.msk.u32 $0xffff, v4;
	_ =	sdelay $0xd  }
0x96: {  	_, v5, vm0 =	vpop (xrf1);
	_ =	sdelay $0x1  }
.Ltmp3:
0x97: {  	(pc) =	sbr.rel @p0 .LBB2_8-.Ltmp3, $2  }
0x98: {  	_ =	sdelay $0x2  }
0x99: {  	s21 =	sshra.s32 s20, $0x2;
	s20 =	sadd.s32 $0x40, s20;
	[tilespmem:v4+s13+$0x0] =	vst.idx.add.s32.msk vm0, v5  }
0x9a: {  	v4 =	vld [tilespmem:s21+$0x800];
	_ =	sdelay $0x4  }
0x9b: {  	v4 =	vshrl.u32 v4, $0x8  }
0x9c: {  	v4 =	vand.u32 $0xFF, v4  }
0x9d: {  	(xrf1) =	vunique.msk.u32 $0xffff, v4;
	_ =	sdelay $0xd  }
0x9e: {  	_, v5, vm0 =	vpop (xrf1);
	_ =	sdelay $0x5  }
0x9f: {  	[tilespmem:v4+s13+$0x0] =	vst.idx.add.s32.msk vm0, v5  }
0xa0: {  	v4 =	vld [tilespmem:$0x2080]  }
0xa1: {  	v5 =	vld [tilespmem:$0x2090]  }
0xa2: {  	v6 =	vld [tilespmem:$0x20A0]  }
0xa3: {  	v7 =	vld [tilespmem:$0x20B0]  }
0xa4: {  	v8 =	vld [tilespmem:$0x20C0]  }
0xa5: {  	v9 =	vld [tilespmem:$0x20D0];
	(xrf0) =	vadd.scan.msk.s32 $0xffff, v4  }
0xa6: {  	v10 =	vld [tilespmem:$0x20E0];
	(xrf0) =	vadd.scan.msk.s32 $0xffff, v5  }
0xa7: {  	v11 =	vld [tilespmem:$0x20F0];
	(xrf0) =	vadd.scan.msk.s32 $0xffff, v6  }
0xa8: {  	v12 =	vld [tilespmem:$0x2100];
	(xrf0) =	vadd.scan.msk.s32 $0xffff, v7  }
0xa9: {  	v13 =	vld [tilespmem:$0x2110];
	(xrf0) =	vadd.scan.msk.s32 $0xffff, v8  }
0xaa: {  	v14 =	vld [tilespmem:$0x2120];
	(xrf0) =	vadd.scan.msk.s32 $0xffff, v9  }
0xab: {  	v16 =	vld [tilespmem:$0x2130];
	v15, _, _ =	vpop (xrf0);
	(xrf0) =	vadd.scan.msk.s32 $0xffff, v10  }
0xac: {  	v18 =	vld [tilespmem:$0x2140];
	(v2sf) =	vpush v15, $0xF;
	v17, _, _ =	vpop (xrf0);
	(xrf0) =	vadd.scan.msk.s32 $0xffff, v11  }
0xad: {  	v20 =	vld [tilespmem:$0x2150];
	(v2sf) =	vpush v17, $0xF;
	v19, _, _ =	vpop (xrf0);
	(xrf0) =	vadd.scan.msk.s32 $0xffff, v12  }
0xae: {  	v22 =	vld [tilespmem:$0x2160];
	(v2sf) =	vpush v19, $0xF;
	v21, _, _ =	vpop (xrf0);
	(xrf0) =	vadd.scan.msk.s32 $0xffff, v13  }
0xaf: {  	(v2sf) =	vpush v21, $0xF;
	v23, _, _ =	vpop (xrf0);
	(xrf0) =	vadd.scan.msk.s32 $0xffff, v14  }
0xb0: {  	(v2sf) =	vpush v23, $0xF;
	v24, _, _ =	vpop (xrf0);
	(xrf0) =	vadd.scan.msk.s32 $0xffff, v16  }
0xb1: {  	(v2sf) =	vpush v24, $0xF;
	v25, _, _ =	vpop (xrf0);
	(xrf0) =	vadd.scan.msk.s32 $0xffff, v18  }
0xb2: {  	(v2sf) =	vpush v25, $0xF;
	v26, _, _ =	vpop (xrf0);
	(xrf0) =	vadd.scan.msk.s32 $0xffff, v20  }
0xb3: {  	(v2sf) =	vpush v26, $0xF;
	v27, _, _ =	vpop (xrf0);
	(xrf0) =	vadd.scan.msk.s32 $0xffff, v22  }
0xb4: {  	v28, _, _ =	vpop (xrf0);
	(v2sf) =	vpush v27, $0xF  }
0xb5: {  	v29, _, _ =	vpop (xrf0);
	(v2sf) =	vpush v28, $0xF  }
0xb6: {  	v30, _, _ =	vpop (xrf0);
	(v2sf) =	vpush v29, $0xF  }
0xb7: {  	v31, _, _ =	vpop (xrf0);
	(v2sf) =	vpush v30, $0xF  }
0xb8: {  	v32, _, _ =	vpop (xrf0);
	(v2sf) =	vpush v31, $0xF  }
0xb9: {  	(v2sf) =	vpush v32, $0xF;
	v33, _, _ =	vpop (xrf0)  }
0xba: {  	v34 =	vbroadcast v15, $0xF;
	(v2sf) =	vpush v33, $0xF  }
0xbb: {  	s20 =	spop (v2sf)  }
0xbc: {  	v4 =	vsub.s32 v15, v4;
	v5 =	vsub.s32 v34, v5;
	s25 =	spop (v2sf)  }
0xbd: {  	[tilespmem:$0x2180] =	vst v4;
	v4 =	vadd.s32 v17, v5;
	v5 =	vsub.s32 v19, v6;
	s20 =	sadd.s32 s20, s25;
	s26 =	spop (v2sf)  }
0xbe: {  	v6 =	vld [tilespmem:$0x2170];
	[tilespmem:$0x2190] =	vst v4;
	v4 =	vadd.s32 s20, v5;
	s20 =	sadd.s32 s20, s26;
	s28 =	spop (v2sf);
	v5 =	vsub.s32 v21, v7  }
0xbf: {  	[tilespmem:$0x21A0] =	vst v4;
	v4 =	vsub.s32 v23, v8;
	v5 =	vadd.s32 s20, v5;
	s20 =	sadd.s32 s20, s28;
	s29 =	spop (v2sf)  }
0xc0: {  	[tilespmem:$0x21B0] =	vst v5;
	v5 =	vsub.s32 v24, v9;
	v4 =	vadd.s32 s20, v4;
	s20 =	sadd.s32 s20, s29;
	s30 =	spop (v2sf)  }
0xc1: {  	[tilespmem:$0x21C0] =	vst v4;
	v4 =	vsub.s32 v25, v10;
	v5 =	vadd.s32 s20, v5;
	s20 =	sadd.s32 s20, s30;
	s31 =	spop (v2sf)  }
0xc2: {  	[tilespmem:$0x21D0] =	vst v5;
	v5 =	vsub.s32 v26, v11;
	v4 =	vadd.s32 s20, v4;
	s20 =	sadd.s32 s20, s31;
	s22 =	spop (v2sf)  }
0xc3: {  	(xrf0) =	vadd.scan.msk.s32 $0xffff, v6;
	[tilespmem:$0x21E0] =	vst v4;
	v4 =	vsub.s32 v27, v12;
	v5 =	vadd.s32 s20, v5;
	s20 =	sadd.s32 s20, s22;
	s23 =	spop (v2sf)  }
0xc4: {  	[tilespmem:$0x21F0] =	vst v5;
	v5 =	vsub.s32 v28, v13;
	v4 =	vadd.s32 s20, v4;
	s20 =	sadd.s32 s20, s23;
	s24 =	spop (v2sf)  }
0xc5: {  	[tilespmem:$0x2200] =	vst v4;
	v4 =	vsub.s32 v29, v14;
	v5 =	vadd.s32 s20, v5;
	s20 =	sadd.s32 s20, s24;
	s25 =	spop (v2sf)  }
0xc6: {  	[tilespmem:$0x2210] =	vst v5;
	v5 =	vsub.s32 v30, v16;
	v4 =	vadd.s32 s20, v4;
	s20 =	sadd.s32 s20, s25;
	s26 =	spop (v2sf)  }
0xc7: {  	[tilespmem:$0x2220] =	vst v4;
	v4 =	vsub.s32 v31, v18;
	v5 =	vadd.s32 s20, v5;
	s20 =	sadd.s32 s20, s26;
	s28 =	spop (v2sf)  }
0xc8: {  	[tilespmem:$0x2230] =	vst v5;
	v5 =	vsub.s32 v32, v20;
	v4 =	vadd.s32 s20, v4;
	s20 =	sadd.s32 s20, s28;
	s29 =	spop (v2sf)  }
0xc9: {  	v7, _, _ =	vpop (xrf0);
	[tilespmem:$0x2240] =	vst v4;
	v4 =	vadd.s32 s20, v5;
	s20 =	sadd.s32 s20, s29;
	v5 =	vsub.s32 v33, v22;
	s30 =	spop (v2sf)  }
0xca: {  	[tilespmem:$0x2250] =	vst v4;
	v4 =	vadd.s32 s20, v5;
	s20 =	sadd.s32 s20, s30;
	v5 =	vsub.s32 v7, v6  }
0xcb: {  	[tilespmem:$0x2260] =	vst v4;
	v4 =	vadd.s32 s20, v5  }
0xcc: {  	s31 =	simm.s32 $0x0;
	[tilespmem:$0x2270] =	vst v4  }
0xcd: {  	v4 =	vld [tilespmem:s31+$0x800]  }
0xce: {  	s20 =	simm.s32 $0x40;
	v5 =	vld [tilespmem:s31+$0xC00]  }
.LBB2_10:
0xcf: {  	p0 =	sne.s32 s20, $0xFC0;
	_ =	sdelay $0x2  }
0xd0: {  	v6 =	vshrl.u32 v4, $0x8  }
0xd1: {  	v6 =	vand.u32 $0xFF, v6  }
0xd2: {  	(xrf1) =	vunique.msk.u32 $0xffff, v6;
	_ =	sdelay $0x8  }
0xd3: {  	v7 =	vld.idx.msk [tilespmem:v6+s14+$0x0], $0xffff;
	_ =	sdelay $0x4  }
0xd4: {  	_, v8, vm0 =	vpop (xrf1)  }
0xd5: {  	v7 =	vadd.s32 v7, v8  }
0xd6: {  	v8 =	vadd.s32 $0xFFFFFFFF, v7;
	_ =	sdelay $0x4  }
.Ltmp4:
0xd7: {  	[tilespmem:v8+s2+$0x0] =	vst.idx.msk $0xffff, v4;
	(pc) =	sbr.rel @p0 .LBB2_10-.Ltmp4, $4  }
0xd8: {  	[tilespmem:v8+s17+$0x0] =	vst.idx.msk $0xffff, v5  }
0xd9: {  	s21 =	sshra.s32 s20, $0x2;
	[tilespmem:v6+s14+$0x0] =	vst.idx.msk vm0, v7  }
0xda: {  	v4 =	vld [tilespmem:s21+$0x800]  }
0xdb: {  	s20 =	sadd.s32 $0x40, s20;
	v5 =	vld [tilespmem:s21+$0xC00]  }
0xdc: {  	_ =	sdelay $0x2  }
0xdd: {  	v6 =	vshrl.u32 v4, $0x8  }
0xde: {  	v6 =	vand.u32 $0xFF, v6  }
0xdf: {  	(xrf1) =	vunique.msk.u32 $0xffff, v6;
	_ =	sdelay $0x9  }
0xe0: {  	v7 =	vld.idx.msk [tilespmem:v6+s14+$0x0], $0xffff;
	_ =	sdelay $0x3  }
0xe1: {  	_, v8, vm0 =	vpop (xrf1)  }
0xe2: {  	v7 =	vadd.s32 v7, v8  }
0xe3: {  	v8 =	vadd.s32 $0xFFFFFFFF, v7;
	_ =	sdelay $0x4  }
0xe4: {  	[tilespmem:v8+s2+$0x0] =	vst.idx.msk $0xffff, v4  }
0xe5: {  	[tilespmem:v8+s17+$0x0] =	vst.idx.msk $0xffff, v5  }
0xe6: {  	[tilespmem:v6+s14+$0x0] =	vst.idx.msk vm0, v7  }
0xe7: {  	[tilespmem:$0x2080] =	vst v1  }
0xe8: {  	[tilespmem:$0x2090] =	vst v1  }
0xe9: {  	[tilespmem:$0x20A0] =	vst v1  }
0xea: {  	[tilespmem:$0x20B0] =	vst v1  }
0xeb: {  	[tilespmem:$0x20C0] =	vst v1  }
0xec: {  	[tilespmem:$0x20D0] =	vst v1  }
0xed: {  	[tilespmem:$0x20E0] =	vst v1  }
0xee: {  	[tilespmem:$0x20F0] =	vst v1  }
0xef: {  	[tilespmem:$0x2100] =	vst v1  }
0xf0: {  	[tilespmem:$0x2110] =	vst v1  }
0xf1: {  	[tilespmem:$0x2120] =	vst v1  }
0xf2: {  	[tilespmem:$0x2130] =	vst v1  }
0xf3: {  	[tilespmem:$0x2140] =	vst v1  }
0xf4: {  	[tilespmem:$0x2150] =	vst v1  }
0xf5: {  	[tilespmem:$0x2160] =	vst v1  }
0xf6: {  	s21 =	simm.s32 $0x0;
	s20 =	simm.s32 $0x40;
	[tilespmem:$0x2170] =	vst v1  }
.LBB2_12:
0xf7: {  	p0 =	sne.s32 s20, $0xFC0;
	v4 =	vld [tilespmem:s21+$0x0];
	_ =	sdelay $0x4  }
0xf8: {  	v4 =	vshrl.u32 v4, $0x10  }
0xf9: {  	v4 =	vand.u32 $0xFF, v4  }
0xfa: {  	(xrf1) =	vunique.msk.u32 $0xffff, v4;
	_ =	sdelay $0xd  }
0xfb: {  	_, v5, vm0 =	vpop (xrf1);
	_ =	sdelay $0x1  }
.Ltmp5:
0xfc: {  	(pc) =	sbr.rel @p0 .LBB2_12-.Ltmp5, $2  }
0xfd: {  	_ =	sdelay $0x2  }
0xfe: {  	s21 =	sshra.s32 s20, $0x2;
	s20 =	sadd.s32 $0x40, s20;
	[tilespmem:v4+s13+$0x0] =	vst.idx.add.s32.msk vm0, v5  }
0xff: {  	v4 =	vld [tilespmem:s21+$0x0];
	_ =	sdelay $0x4  }
0x100: {  	v4 =	vshrl.u32 v4, $0x10  }
0x101: {  	v4 =	vand.u32 $0xFF, v4  }
0x102: {  	(xrf1) =	vunique.msk.u32 $0xffff, v4;
	_ =	sdelay $0xd  }
0x103: {  	_, v5, vm0 =	vpop (xrf1);
	_ =	sdelay $0x5  }
0x104: {  	[tilespmem:v4+s13+$0x0] =	vst.idx.add.s32.msk vm0, v5  }
0x105: {  	v4 =	vld [tilespmem:$0x2080]  }
0x106: {  	v5 =	vld [tilespmem:$0x2090]  }
0x107: {  	v6 =	vld [tilespmem:$0x20A0]  }
0x108: {  	v7 =	vld [tilespmem:$0x20B0]  }
0x109: {  	v8 =	vld [tilespmem:$0x20C0]  }
0x10a: {  	v9 =	vld [tilespmem:$0x20D0];
	(xrf0) =	vadd.scan.msk.s32 $0xffff, v4  }
0x10b: {  	v10 =	vld [tilespmem:$0x20E0];
	(xrf0) =	vadd.scan.msk.s32 $0xffff, v5  }
0x10c: {  	v11 =	vld [tilespmem:$0x20F0];
	(xrf0) =	vadd.scan.msk.s32 $0xffff, v6  }
0x10d: {  	v12 =	vld [tilespmem:$0x2100];
	(xrf0) =	vadd.scan.msk.s32 $0xffff, v7  }
0x10e: {  	v13 =	vld [tilespmem:$0x2110];
	(xrf0) =	vadd.scan.msk.s32 $0xffff, v8  }
0x10f: {  	v14 =	vld [tilespmem:$0x2120];
	(xrf0) =	vadd.scan.msk.s32 $0xffff, v9  }
0x110: {  	v16 =	vld [tilespmem:$0x2130];
	v15, _, _ =	vpop (xrf0);
	(xrf0) =	vadd.scan.msk.s32 $0xffff, v10  }
0x111: {  	v18 =	vld [tilespmem:$0x2140];
	(v2sf) =	vpush v15, $0xF;
	v17, _, _ =	vpop (xrf0);
	(xrf0) =	vadd.scan.msk.s32 $0xffff, v11  }
0x112: {  	v20 =	vld [tilespmem:$0x2150];
	(v2sf) =	vpush v17, $0xF;
	v19, _, _ =	vpop (xrf0);
	(xrf0) =	vadd.scan.msk.s32 $0xffff, v12  }
0x113: {  	v22 =	vld [tilespmem:$0x2160];
	(v2sf) =	vpush v19, $0xF;
	v21, _, _ =	vpop (xrf0);
	(xrf0) =	vadd.scan.msk.s32 $0xffff, v13  }
0x114: {  	(v2sf) =	vpush v21, $0xF;
	v23, _, _ =	vpop (xrf0);
	(xrf0) =	vadd.scan.msk.s32 $0xffff, v14  }
0x115: {  	(v2sf) =	vpush v23, $0xF;
	v24, _, _ =	vpop (xrf0);
	(xrf0) =	vadd.scan.msk.s32 $0xffff, v16  }
0x116: {  	(v2sf) =	vpush v24, $0xF;
	v25, _, _ =	vpop (xrf0);
	(xrf0) =	vadd.scan.msk.s32 $0xffff, v18  }
0x117: {  	(v2sf) =	vpush v25, $0xF;
	v26, _, _ =	vpop (xrf0);
	(xrf0) =	vadd.scan.msk.s32 $0xffff, v20  }
0x118: {  	(v2sf) =	vpush v26, $0xF;
	v27, _, _ =	vpop (xrf0);
	(xrf0) =	vadd.scan.msk.s32 $0xffff, v22  }
0x119: {  	v28, _, _ =	vpop (xrf0);
	(v2sf) =	vpush v27, $0xF  }
0x11a: {  	v29, _, _ =	vpop (xrf0);
	(v2sf) =	vpush v28, $0xF  }
0x11b: {  	v30, _, _ =	vpop (xrf0);
	(v2sf) =	vpush v29, $0xF  }
0x11c: {  	v31, _, _ =	vpop (xrf0);
	(v2sf) =	vpush v30, $0xF  }
0x11d: {  	v32, _, _ =	vpop (xrf0);
	(v2sf) =	vpush v31, $0xF  }
0x11e: {  	(v2sf) =	vpush v32, $0xF;
	v33, _, _ =	vpop (xrf0)  }
0x11f: {  	v34 =	vbroadcast v15, $0xF;
	(v2sf) =	vpush v33, $0xF  }
0x120: {  	s20 =	spop (v2sf)  }
0x121: {  	v4 =	vsub.s32 v15, v4;
	v5 =	vsub.s32 v34, v5;
	s25 =	spop (v2sf)  }
0x122: {  	[tilespmem:$0x2180] =	vst v4;
	v4 =	vadd.s32 v17, v5;
	v5 =	vsub.s32 v19, v6;
	s20 =	sadd.s32 s20, s25;
	s26 =	spop (v2sf)  }
0x123: {  	v6 =	vld [tilespmem:$0x2170];
	[tilespmem:$0x2190] =	vst v4;
	v4 =	vadd.s32 s20, v5;
	s20 =	sadd.s32 s20, s26;
	s28 =	spop (v2sf);
	v5 =	vsub.s32 v21, v7  }
0x124: {  	[tilespmem:$0x21A0] =	vst v4;
	v4 =	vsub.s32 v23, v8;
	v5 =	vadd.s32 s20, v5;
	s20 =	sadd.s32 s20, s28;
	s29 =	spop (v2sf)  }
0x125: {  	[tilespmem:$0x21B0] =	vst v5;
	v5 =	vsub.s32 v24, v9;
	v4 =	vadd.s32 s20, v4;
	s20 =	sadd.s32 s20, s29;
	s30 =	spop (v2sf)  }
0x126: {  	[tilespmem:$0x21C0] =	vst v4;
	v4 =	vsub.s32 v25, v10;
	v5 =	vadd.s32 s20, v5;
	s20 =	sadd.s32 s20, s30;
	s31 =	spop (v2sf)  }
0x127: {  	[tilespmem:$0x21D0] =	vst v5;
	v5 =	vsub.s32 v26, v11;
	v4 =	vadd.s32 s20, v4;
	s20 =	sadd.s32 s20, s31;
	s22 =	spop (v2sf)  }
0x128: {  	(xrf0) =	vadd.scan.msk.s32 $0xffff, v6;
	[tilespmem:$0x21E0] =	vst v4;
	v4 =	vsub.s32 v27, v12;
	v5 =	vadd.s32 s20, v5;
	s20 =	sadd.s32 s20, s22;
	s23 =	spop (v2sf)  }
0x129: {  	[tilespmem:$0x21F0] =	vst v5;
	v5 =	vsub.s32 v28, v13;
	v4 =	vadd.s32 s20, v4;
	s20 =	sadd.s32 s20, s23;
	s24 =	spop (v2sf)  }
0x12a: {  	[tilespmem:$0x2200] =	vst v4;
	v4 =	vsub.s32 v29, v14;
	v5 =	vadd.s32 s20, v5;
	s20 =	sadd.s32 s20, s24;
	s25 =	spop (v2sf)  }
0x12b: {  	[tilespmem:$0x2210] =	vst v5;
	v5 =	vsub.s32 v30, v16;
	v4 =	vadd.s32 s20, v4;
	s20 =	sadd.s32 s20, s25;
	s26 =	spop (v2sf)  }
0x12c: {  	[tilespmem:$0x2220] =	vst v4;
	v4 =	vsub.s32 v31, v18;
	v5 =	vadd.s32 s20, v5;
	s20 =	sadd.s32 s20, s26;
	s28 =	spop (v2sf)  }
0x12d: {  	[tilespmem:$0x2230] =	vst v5;
	v5 =	vsub.s32 v32, v20;
	v4 =	vadd.s32 s20, v4;
	s20 =	sadd.s32 s20, s28;
	s29 =	spop (v2sf)  }
0x12e: {  	v7, _, _ =	vpop (xrf0);
	[tilespmem:$0x2240] =	vst v4;
	v4 =	vadd.s32 s20, v5;
	s20 =	sadd.s32 s20, s29;
	v5 =	vsub.s32 v33, v22;
	s30 =	spop (v2sf)  }
0x12f: {  	[tilespmem:$0x2250] =	vst v4;
	v4 =	vadd.s32 s20, v5;
	s20 =	sadd.s32 s20, s30;
	v5 =	vsub.s32 v7, v6  }
0x130: {  	[tilespmem:$0x2260] =	vst v4;
	v4 =	vadd.s32 s20, v5  }
0x131: {  	s31 =	simm.s32 $0x0;
	[tilespmem:$0x2270] =	vst v4  }
0x132: {  	v4 =	vld [tilespmem:s31+$0x0]  }
0x133: {  	s20 =	simm.s32 $0x40;
	v5 =	vld [tilespmem:s31+$0x400]  }
.LBB2_14:
0x134: {  	p0 =	sne.s32 s20, $0xFC0;
	_ =	sdelay $0x2  }
0x135: {  	v6 =	vshrl.u32 v4, $0x10  }
0x136: {  	v6 =	vand.u32 $0xFF, v6  }
0x137: {  	(xrf1) =	vunique.msk.u32 $0xffff, v6;
	_ =	sdelay $0x8  }
0x138: {  	v7 =	vld.idx.msk [tilespmem:v6+s14+$0x0], $0xffff;
	_ =	sdelay $0x4  }
0x139: {  	_, v8, vm0 =	vpop (xrf1)  }
0x13a: {  	v7 =	vadd.s32 v7, v8  }
0x13b: {  	v8 =	vadd.s32 $0xFFFFFFFF, v7;
	_ =	sdelay $0x4  }
.Ltmp6:
0x13c: {  	[tilespmem:v8+s15+$0x0] =	vst.idx.msk $0xffff, v4;
	(pc) =	sbr.rel @p0 .LBB2_14-.Ltmp6, $4  }
0x13d: {  	[tilespmem:v8+s16+$0x0] =	vst.idx.msk $0xffff, v5  }
0x13e: {  	s21 =	sshra.s32 s20, $0x2;
	[tilespmem:v6+s14+$0x0] =	vst.idx.msk vm0, v7  }
0x13f: {  	v4 =	vld [tilespmem:s21+$0x0]  }
0x140: {  	s20 =	sadd.s32 $0x40, s20;
	v5 =	vld [tilespmem:s21+$0x400]  }
0x141: {  	_ =	sdelay $0x2  }
0x142: {  	v6 =	vshrl.u32 v4, $0x10  }
0x143: {  	v6 =	vand.u32 $0xFF, v6  }
0x144: {  	(xrf1) =	vunique.msk.u32 $0xffff, v6;
	_ =	sdelay $0x9  }
0x145: {  	v7 =	vld.idx.msk [tilespmem:v6+s14+$0x0], $0xffff;
	_ =	sdelay $0x3  }
0x146: {  	_, v8, vm0 =	vpop (xrf1)  }
0x147: {  	v7 =	vadd.s32 v7, v8  }
0x148: {  	v8 =	vadd.s32 $0xFFFFFFFF, v7;
	_ =	sdelay $0x4  }
0x149: {  	[tilespmem:v8+s15+$0x0] =	vst.idx.msk $0xffff, v4  }
0x14a: {  	[tilespmem:v8+s16+$0x0] =	vst.idx.msk $0xffff, v5  }
0x14b: {  	[tilespmem:v6+s14+$0x0] =	vst.idx.msk vm0, v7  }
0x14c: {  	[tilespmem:$0x2080] =	vst v1  }
0x14d: {  	[tilespmem:$0x2090] =	vst v1  }
0x14e: {  	[tilespmem:$0x20A0] =	vst v1  }
0x14f: {  	[tilespmem:$0x20B0] =	vst v1  }
0x150: {  	[tilespmem:$0x20C0] =	vst v1  }
0x151: {  	[tilespmem:$0x20D0] =	vst v1  }
0x152: {  	[tilespmem:$0x20E0] =	vst v1  }
0x153: {  	[tilespmem:$0x20F0] =	vst v1  }
0x154: {  	[tilespmem:$0x2100] =	vst v1  }
0x155: {  	[tilespmem:$0x2110] =	vst v1  }
0x156: {  	[tilespmem:$0x2120] =	vst v1  }
0x157: {  	[tilespmem:$0x2130] =	vst v1  }
0x158: {  	[tilespmem:$0x2140] =	vst v1  }
0x159: {  	[tilespmem:$0x2150] =	vst v1  }
0x15a: {  	[tilespmem:$0x2160] =	vst v1  }
0x15b: {  	s21 =	simm.s32 $0x0;
	s20 =	simm.s32 $0x40;
	[tilespmem:$0x2170] =	vst v1  }
.LBB2_16:
0x15c: {  	p0 =	sne.s32 s20, $0xFC0;
	v4 =	vld [tilespmem:s21+$0x800];
	_ =	sdelay $0x4  }
0x15d: {  	v4 =	vshrl.u32 v4, $0x18  }
0x15e: {  	(xrf1) =	vunique.msk.u32 $0xffff, v4;
	_ =	sdelay $0xd  }
0x15f: {  	_, v5, vm0 =	vpop (xrf1);
	_ =	sdelay $0x1  }
.Ltmp7:
0x160: {  	(pc) =	sbr.rel @p0 .LBB2_16-.Ltmp7, $2  }
0x161: {  	_ =	sdelay $0x2  }
0x162: {  	s21 =	sshra.s32 s20, $0x2;
	s20 =	sadd.s32 $0x40, s20;
	[tilespmem:v4+s13+$0x0] =	vst.idx.add.s32.msk vm0, v5  }
0x163: {  	v4 =	vld [tilespmem:s21+$0x800];
	_ =	sdelay $0x4  }
0x164: {  	v4 =	vshrl.u32 v4, $0x18  }
0x165: {  	(xrf1) =	vunique.msk.u32 $0xffff, v4;
	_ =	sdelay $0xd  }
0x166: {  	_, v5, vm0 =	vpop (xrf1);
	_ =	sdelay $0x5  }
0x167: {  	[tilespmem:v4+s13+$0x0] =	vst.idx.add.s32.msk vm0, v5  }
0x168: {  	v4 =	vld [tilespmem:$0x2080]  }
0x169: {  	v5 =	vld [tilespmem:$0x2090]  }
0x16a: {  	v6 =	vld [tilespmem:$0x20A0]  }
0x16b: {  	v7 =	vld [tilespmem:$0x20B0]  }
0x16c: {  	v8 =	vld [tilespmem:$0x20C0]  }
0x16d: {  	v9 =	vld [tilespmem:$0x20D0];
	(xrf0) =	vadd.scan.msk.s32 $0xffff, v4  }
0x16e: {  	v10 =	vld [tilespmem:$0x20E0];
	(xrf0) =	vadd.scan.msk.s32 $0xffff, v5  }
0x16f: {  	v11 =	vld [tilespmem:$0x20F0];
	(xrf0) =	vadd.scan.msk.s32 $0xffff, v6  }
0x170: {  	v12 =	vld [tilespmem:$0x2100];
	(xrf0) =	vadd.scan.msk.s32 $0xffff, v7  }
0x171: {  	v13 =	vld [tilespmem:$0x2110];
	(xrf0) =	vadd.scan.msk.s32 $0xffff, v8  }
0x172: {  	v14 =	vld [tilespmem:$0x2120];
	(xrf0) =	vadd.scan.msk.s32 $0xffff, v9  }
0x173: {  	v16 =	vld [tilespmem:$0x2130];
	v15, _, _ =	vpop (xrf0);
	(xrf0) =	vadd.scan.msk.s32 $0xffff, v10  }
0x174: {  	v18 =	vld [tilespmem:$0x2140];
	(v2sf) =	vpush v15, $0xF;
	v17, _, _ =	vpop (xrf0);
	(xrf0) =	vadd.scan.msk.s32 $0xffff, v11  }
0x175: {  	v20 =	vld [tilespmem:$0x2150];
	(v2sf) =	vpush v17, $0xF;
	v19, _, _ =	vpop (xrf0);
	(xrf0) =	vadd.scan.msk.s32 $0xffff, v12  }
0x176: {  	v22 =	vld [tilespmem:$0x2160];
	(v2sf) =	vpush v19, $0xF;
	v21, _, _ =	vpop (xrf0);
	(xrf0) =	vadd.scan.msk.s32 $0xffff, v13  }
0x177: {  	(v2sf) =	vpush v21, $0xF;
	v23, _, _ =	vpop (xrf0);
	(xrf0) =	vadd.scan.msk.s32 $0xffff, v14  }
0x178: {  	(v2sf) =	vpush v23, $0xF;
	v24, _, _ =	vpop (xrf0);
	(xrf0) =	vadd.scan.msk.s32 $0xffff, v16  }
0x179: {  	(v2sf) =	vpush v24, $0xF;
	v25, _, _ =	vpop (xrf0);
	(xrf0) =	vadd.scan.msk.s32 $0xffff, v18  }
0x17a: {  	(v2sf) =	vpush v25, $0xF;
	v26, _, _ =	vpop (xrf0);
	(xrf0) =	vadd.scan.msk.s32 $0xffff, v20  }
0x17b: {  	(v2sf) =	vpush v26, $0xF;
	v27, _, _ =	vpop (xrf0);
	(xrf0) =	vadd.scan.msk.s32 $0xffff, v22  }
0x17c: {  	v28, _, _ =	vpop (xrf0);
	(v2sf) =	vpush v27, $0xF  }
0x17d: {  	v29, _, _ =	vpop (xrf0);
	(v2sf) =	vpush v28, $0xF  }
0x17e: {  	v30, _, _ =	vpop (xrf0);
	(v2sf) =	vpush v29, $0xF  }
0x17f: {  	v31, _, _ =	vpop (xrf0);
	(v2sf) =	vpush v30, $0xF  }
0x180: {  	v32, _, _ =	vpop (xrf0);
	(v2sf) =	vpush v31, $0xF  }
0x181: {  	(v2sf) =	vpush v32, $0xF;
	v33, _, _ =	vpop (xrf0)  }
0x182: {  	v34 =	vbroadcast v15, $0xF;
	(v2sf) =	vpush v33, $0xF  }
0x183: {  	s20 =	spop (v2sf)  }
0x184: {  	v4 =	vsub.s32 v15, v4;
	v5 =	vsub.s32 v34, v5;
	s25 =	spop (v2sf)  }
0x185: {  	[tilespmem:$0x2180] =	vst v4;
	v4 =	vadd.s32 v17, v5;
	v5 =	vsub.s32 v19, v6;
	s20 =	sadd.s32 s20, s25;
	s26 =	spop (v2sf)  }
0x186: {  	v6 =	vld [tilespmem:$0x2170];
	[tilespmem:$0x2190] =	vst v4;
	v4 =	vadd.s32 s20, v5;
	s20 =	sadd.s32 s20, s26;
	s28 =	spop (v2sf);
	v5 =	vsub.s32 v21, v7  }
0x187: {  	[tilespmem:$0x21A0] =	vst v4;
	v4 =	vsub.s32 v23, v8;
	v5 =	vadd.s32 s20, v5;
	s20 =	sadd.s32 s20, s28;
	s29 =	spop (v2sf)  }
0x188: {  	[tilespmem:$0x21B0] =	vst v5;
	v5 =	vsub.s32 v24, v9;
	v4 =	vadd.s32 s20, v4;
	s20 =	sadd.s32 s20, s29;
	s30 =	spop (v2sf)  }
0x189: {  	[tilespmem:$0x21C0] =	vst v4;
	v4 =	vsub.s32 v25, v10;
	v5 =	vadd.s32 s20, v5;
	s20 =	sadd.s32 s20, s30;
	s31 =	spop (v2sf)  }
0x18a: {  	[tilespmem:$0x21D0] =	vst v5;
	v5 =	vsub.s32 v26, v11;
	v4 =	vadd.s32 s20, v4;
	s20 =	sadd.s32 s20, s31;
	s22 =	spop (v2sf)  }
0x18b: {  	(xrf0) =	vadd.scan.msk.s32 $0xffff, v6;
	[tilespmem:$0x21E0] =	vst v4;
	v4 =	vsub.s32 v27, v12;
	v5 =	vadd.s32 s20, v5;
	s20 =	sadd.s32 s20, s22;
	s23 =	spop (v2sf)  }
0x18c: {  	[tilespmem:$0x21F0] =	vst v5;
	v5 =	vsub.s32 v28, v13;
	v4 =	vadd.s32 s20, v4;
	s20 =	sadd.s32 s20, s23;
	s24 =	spop (v2sf)  }
0x18d: {  	[tilespmem:$0x2200] =	vst v4;
	v4 =	vsub.s32 v29, v14;
	v5 =	vadd.s32 s20, v5;
	s20 =	sadd.s32 s20, s24;
	s25 =	spop (v2sf)  }
0x18e: {  	[tilespmem:$0x2210] =	vst v5;
	v5 =	vsub.s32 v30, v16;
	v4 =	vadd.s32 s20, v4;
	s20 =	sadd.s32 s20, s25;
	s26 =	spop (v2sf)  }
0x18f: {  	[tilespmem:$0x2220] =	vst v4;
	v4 =	vsub.s32 v31, v18;
	v5 =	vadd.s32 s20, v5;
	s20 =	sadd.s32 s20, s26;
	s28 =	spop (v2sf)  }
0x190: {  	[tilespmem:$0x2230] =	vst v5;
	v5 =	vsub.s32 v32, v20;
	v4 =	vadd.s32 s20, v4;
	s20 =	sadd.s32 s20, s28;
	s29 =	spop (v2sf)  }
0x191: {  	v7, _, _ =	vpop (xrf0);
	[tilespmem:$0x2240] =	vst v4;
	v4 =	vadd.s32 s20, v5;
	s20 =	sadd.s32 s20, s29;
	v5 =	vsub.s32 v33, v22;
	s30 =	spop (v2sf)  }
0x192: {  	[tilespmem:$0x2250] =	vst v4;
	v4 =	vadd.s32 s20, v5;
	s20 =	sadd.s32 s20, s30;
	v5 =	vsub.s32 v7, v6  }
0x193: {  	[tilespmem:$0x2260] =	vst v4;
	v4 =	vadd.s32 s20, v5  }
0x194: {  	s31 =	simm.s32 $0x0;
	[tilespmem:$0x2270] =	vst v4  }
0x195: {  	v4 =	vld [tilespmem:s31+$0x800]  }
0x196: {  	s21 =	simm.s32 $0x40;
	s20 =	simm.s32 $0x0;
	v5 =	vld [tilespmem:s31+$0xC00]  }
.LBB2_18:
0x197: {  	p0 =	sne.s32 s21, $0xFC0;
	_ =	sdelay $0x2  }
0x198: {  	v6 =	vshrl.u32 v4, $0x18  }
0x199: {  	(xrf1) =	vunique.msk.u32 $0xffff, v6;
	_ =	sdelay $0x8  }
0x19a: {  	v7 =	vld.idx.msk [tilespmem:v6+s14+$0x0], $0xffff;
	_ =	sdelay $0x4  }
0x19b: {  	_, v8, vm0 =	vpop (xrf1)  }
0x19c: {  	v7 =	vadd.s32 v7, v8  }
0x19d: {  	v8 =	vadd.s32 $0xFFFFFFFF, v7;
	_ =	sdelay $0x4  }
.Ltmp8:
0x19e: {  	s22 =	simm.s32 $0x400;
	[tilespmem:v8+s20+$0x0] =	vst.idx.msk $0xffff, v4;
	(pc) =	sbr.rel @p0 .LBB2_18-.Ltmp8, $4  }
0x19f: {  	[tilespmem:v8+s22+$0x0] =	vst.idx.msk $0xffff, v5  }
0x1a0: {  	s23 =	sshra.s32 s21, $0x2;
	[tilespmem:v6+s14+$0x0] =	vst.idx.msk vm0, v7  }
0x1a1: {  	v4 =	vld [tilespmem:s23+$0x800]  }
0x1a2: {  	s21 =	sadd.s32 $0x40, s21;
	v5 =	vld [tilespmem:s23+$0xC00]  }
0x1a3: {  	_ =	sdelay $0x2  }
0x1a4: {  	v6 =	vshrl.u32 v4, $0x18  }
0x1a5: {  	(xrf1) =	vunique.msk.u32 $0xffff, v6;
	_ =	sdelay $0x9  }
0x1a6: {  	v7 =	vld.idx.msk [tilespmem:v6+s14+$0x0], $0xffff;
	_ =	sdelay $0x3  }
0x1a7: {  	_, v8, vm0 =	vpop (xrf1)  }
0x1a8: {  	v7 =	vadd.s32 v7, v8  }
0x1a9: {  	v8 =	vadd.s32 $0xFFFFFFFF, v7;
	_ =	sdelay $0x4  }
0x1aa: {  	[tilespmem:v8+s20+$0x0] =	vst.idx.msk $0xffff, v4  }
0x1ab: {  	[tilespmem:v8+s22+$0x0] =	vst.idx.msk $0xffff, v5  }
0x1ac: {  	[tilespmem:v6+s14+$0x0] =	vst.idx.msk vm0, v7  }
0x1ad: {  	v4 =	vld [tilespmem:s22+$0x0];
	_ =	sdelay $0x4  }
0x1ae: {  	s21 =	simm.s32 $0x0;
	v5 =	vshll.u32 v4, $0x1  }
0x1af: {  	s21 =	smul.u32 $0x204, s21;
	v6 =	vor.u32 $0x1, v5  }
0x1b0: {  	s31 =	sand.u32 $0x1E0, s20  }
0x1b1: {  	s21 =	sadd.s32 s31, s21;
	v4 =	vmul.u32 $0x2, v0  }
0x1b2: {  	s21 =	sor.u32 $0x2, s21  }
0x1b3: {  	v8 =	vadd.s32 s21, v4;
	v7 =	vld.idx.msk [tilespmem:v5+s12+$0x0], $0xffff;
	v5 =	vor.u32 $0x1, v4  }
0x1b4: {  	v6 =	vld.idx.msk [tilespmem:v6+s12+$0x0], $0xffff;
	v9 =	vadd.s32 s21, v5;
	_ =	sdelay $0x3  }
0x1b5: {  	[tilespmem:v8+s18+$0x0] =	vst.idx.msk $0xffff, v7  }
0x1b6: {  	s22 =	simm.s32 $0x410;
	[tilespmem:v9+s18+$0x0] =	vst.idx.msk $0xffff, v6  }
0x1b7: {  	s23 =	simm.s32 $0x2;
	s21 =	simm.s32 $0x1;
	v6 =	vld [tilespmem:s22+$0x0]  }
.LBB2_20:
0x1b8: {  	p0 =	sne.s32 s23, $0x3F;
	_ =	sdelay $0x3  }
0x1b9: {  	v6 =	vshll.u32 v6, $0x1  }
0x1ba: {  	s24 =	sshrl.u32 s21, $0x4;
	s21 =	smov.u32 s23;
	v7 =	vor.u32 $0x1, v6  }
0x1bb: {  	s20 =	sadd.s32 $0x20, s20;
	s24 =	smul.u32 $0x204, s24  }
0x1bc: {  	s25 =	sand.u32 $0x1E0, s20  }
0x1bd: {  	s24 =	sadd.s32 s25, s24  }
0x1be: {  	s24 =	sor.u32 $0x2, s24;
	v6 =	vld.idx.msk [tilespmem:v6+s12+$0x0], $0xffff  }
0x1bf: {  	v8 =	vadd.s32 s24, v4;
	v7 =	vld.idx.msk [tilespmem:v7+s12+$0x0], $0xffff  }
0x1c0: {  	v9 =	vadd.s32 s24, v5;
	_ =	sdelay $0x1  }
.Ltmp9:
0x1c1: {  	(pc) =	sbr.rel @p0 .LBB2_20-.Ltmp9, $4  }
0x1c2: {  	_ = 	snop  }
0x1c3: {  	[tilespmem:v8+s18+$0x0] =	vst.idx.msk $0xffff, v6  }
0x1c4: {  	s22 =	sadd.s32 $0x10, s22;
	[tilespmem:v9+s18+$0x0] =	vst.idx.msk $0xffff, v7  }
0x1c5: {  	s23 =	sadd.s32 $0x1, s23;
	v6 =	vld [tilespmem:s22+$0x0]  }
0x1c6: {  	_ =	sdelay $0x3  }
0x1c7: {  	s21 =	sshrl.u32 s21, $0x4;
	v6 =	vshll.u32 v6, $0x1  }
0x1c8: {  	s20 =	sadd.s32 $0x20, s20;
	s21 =	smul.u32 $0x204, s21;
	v7 =	vor.u32 $0x1, v6  }
0x1c9: {  	s20 =	sand.u32 $0x1E0, s20  }
0x1ca: {  	s20 =	sadd.s32 s20, s21  }
0x1cb: {  	s20 =	sor.u32 $0x2, s20  }
0x1cc: {  	v8 =	vadd.s32 s20, v4;
	v6 =	vld.idx.msk [tilespmem:v6+s12+$0x0], $0xffff  }
0x1cd: {  	v9 =	vadd.s32 s20, v5;
	v7 =	vld.idx.msk [tilespmem:v7+s12+$0x0], $0xffff;
	_ =	sdelay $0x3  }
0x1ce: {  	[tilespmem:v8+s18+$0x0] =	vst.idx.msk $0xffff, v6  }
0x1cf: {  	[tilespmem:v9+s18+$0x0] =	vst.idx.msk $0xffff, v7  }
0x1d0: {  	s31 =	simm.s32 $0x0;
	[tilespmem:v2+s18+$0x0] =	vst.idx.msk $0xffff, v3  }
0x1d1: {  	[hbm4b:s5+s31] =	stream.linear.scatter [tilespmem:s18], [sflag:$0x1], $0x810, $0x38;
	[tilespmem:$0x2280] =	vst v63  }
0x1d2: {  	_ =	swait.ge [sflag:s11], $0x810  }
0x1d3: {  	[sflag:s11] =	ssyncset.done $0x0  }
0x1d4: {  	s20 =	simm.s32 $0x400;
	[sflag:s11] =	ssyncadd.s32 $0xFFFFF7F0  }
0x1d5: {  	[tilespmem:s31], [sflag:$0x1] =	stream.strided.gather [hbm4b:s6+s10], $0x400, s20, s10, $0x38;
	[tilespmem:$0x2280] =	vst v63  }
0x1d6: {  	_ =	swait.ge [sflag:s11], $0x400  }
0x1d7: {  	[sflag:s11] =	ssyncset.done $0x0  }
0x1d8: {  	[sflag:s11] =	ssyncadd.s32 $0xFFFFFC00  }
0x1d9: {  	[tilespmem:s12], [sflag:$0x1] =	stream.strided.gather [hbm4b:s7+s10], $0x800, s20, s10, $0x38;
	[tilespmem:$0x2280] =	vst v63  }
0x1da: {  	_ =	swait.ge [sflag:s11], $0x800  }
0x1db: {  	[sflag:s11] =	ssyncset.done $0x0  }
0x1dc: {  	v6 =	vor.u32 s31, v0;
	[sflag:s11] =	ssyncadd.s32 $0xFFFFF800  }
0x1dd: {  	s21 =	simm.s32 $0x10;
	[tilespmem:s20+$0x0] =	vst v6  }
.LBB2_22:
0x1de: {  	p0 =	sne.s32 s21, $0x3F0  }
.Ltmp10:
0x1df: {  	_ = 	snop;
	(pc) =	sbr.rel @p0 .LBB2_22-.Ltmp10, $3  }
0x1e0: {  	_ =	sdelay $0x1  }
0x1e1: {  	v6 =	vor.u32 s21, v0;
	s21 =	sadd.s32 $0x10, s21;
	s20 =	sadd.s32 $0x10, s20  }
0x1e2: {  	[tilespmem:s20+$0x0] =	vst v6  }
0x1e3: {  	[tilespmem:$0x2080] =	vst v1  }
0x1e4: {  	[tilespmem:$0x2090] =	vst v1  }
0x1e5: {  	[tilespmem:$0x20A0] =	vst v1  }
0x1e6: {  	[tilespmem:$0x20B0] =	vst v1  }
0x1e7: {  	[tilespmem:$0x20C0] =	vst v1  }
0x1e8: {  	[tilespmem:$0x20D0] =	vst v1  }
0x1e9: {  	[tilespmem:$0x20E0] =	vst v1  }
0x1ea: {  	[tilespmem:$0x20F0] =	vst v1  }
0x1eb: {  	[tilespmem:$0x2100] =	vst v1  }
0x1ec: {  	[tilespmem:$0x2110] =	vst v1  }
0x1ed: {  	[tilespmem:$0x2120] =	vst v1  }
0x1ee: {  	[tilespmem:$0x2130] =	vst v1  }
0x1ef: {  	[tilespmem:$0x2140] =	vst v1  }
0x1f0: {  	[tilespmem:$0x2150] =	vst v1  }
0x1f1: {  	[tilespmem:$0x2160] =	vst v1  }
0x1f2: {  	[tilespmem:$0x2170] =	vst v1;
	s21 =	simm.s32 $0x0;
	s20 =	simm.s32 $0x40  }
.LBB2_24:
0x1f3: {  	p0 =	sne.s32 s20, $0xFC0;
	v6 =	vld [tilespmem:s21+$0x0];
	_ =	sdelay $0x4  }
0x1f4: {  	v6 =	vand.u32 $0xFF, v6  }
0x1f5: {  	(xrf1) =	vunique.msk.u32 $0xffff, v6;
	_ =	sdelay $0xd  }
0x1f6: {  	_, v7, vm0 =	vpop (xrf1);
	_ =	sdelay $0x1  }
.Ltmp11:
0x1f7: {  	(pc) =	sbr.rel @p0 .LBB2_24-.Ltmp11, $2  }
0x1f8: {  	_ =	sdelay $0x2  }
0x1f9: {  	s21 =	sshra.s32 s20, $0x2;
	s20 =	sadd.s32 $0x40, s20;
	[tilespmem:v6+s13+$0x0] =	vst.idx.add.s32.msk vm0, v7  }
0x1fa: {  	v6 =	vld [tilespmem:s21+$0x0];
	_ =	sdelay $0x4  }
0x1fb: {  	v6 =	vand.u32 $0xFF, v6  }
0x1fc: {  	(xrf1) =	vunique.msk.u32 $0xffff, v6;
	_ =	sdelay $0xd  }
0x1fd: {  	_, v7, vm0 =	vpop (xrf1);
	_ =	sdelay $0x5  }
0x1fe: {  	[tilespmem:v6+s13+$0x0] =	vst.idx.add.s32.msk vm0, v7  }
0x1ff: {  	v6 =	vld [tilespmem:$0x2080]  }
0x200: {  	v7 =	vld [tilespmem:$0x2090]  }
0x201: {  	v8 =	vld [tilespmem:$0x20A0]  }
0x202: {  	v9 =	vld [tilespmem:$0x20B0]  }
0x203: {  	v10 =	vld [tilespmem:$0x20C0]  }
0x204: {  	v11 =	vld [tilespmem:$0x20D0];
	(xrf0) =	vadd.scan.msk.s32 $0xffff, v6  }
0x205: {  	v12 =	vld [tilespmem:$0x20E0];
	(xrf0) =	vadd.scan.msk.s32 $0xffff, v7  }
0x206: {  	v13 =	vld [tilespmem:$0x20F0];
	(xrf0) =	vadd.scan.msk.s32 $0xffff, v8  }
0x207: {  	v14 =	vld [tilespmem:$0x2100];
	(xrf0) =	vadd.scan.msk.s32 $0xffff, v9  }
0x208: {  	v15 =	vld [tilespmem:$0x2110];
	(xrf0) =	vadd.scan.msk.s32 $0xffff, v10  }
0x209: {  	v16 =	vld [tilespmem:$0x2120];
	(xrf0) =	vadd.scan.msk.s32 $0xffff, v11  }
0x20a: {  	v18 =	vld [tilespmem:$0x2130];
	v17, _, _ =	vpop (xrf0);
	(xrf0) =	vadd.scan.msk.s32 $0xffff, v12  }
0x20b: {  	v20 =	vld [tilespmem:$0x2140];
	(v2sf) =	vpush v17, $0xF;
	v19, _, _ =	vpop (xrf0);
	(xrf0) =	vadd.scan.msk.s32 $0xffff, v13  }
0x20c: {  	v22 =	vld [tilespmem:$0x2150];
	(v2sf) =	vpush v19, $0xF;
	v21, _, _ =	vpop (xrf0);
	(xrf0) =	vadd.scan.msk.s32 $0xffff, v14  }
0x20d: {  	v24 =	vld [tilespmem:$0x2160];
	(v2sf) =	vpush v21, $0xF;
	v23, _, _ =	vpop (xrf0);
	(xrf0) =	vadd.scan.msk.s32 $0xffff, v15  }
0x20e: {  	(v2sf) =	vpush v23, $0xF;
	v25, _, _ =	vpop (xrf0);
	(xrf0) =	vadd.scan.msk.s32 $0xffff, v16  }
0x20f: {  	(v2sf) =	vpush v25, $0xF;
	v26, _, _ =	vpop (xrf0);
	(xrf0) =	vadd.scan.msk.s32 $0xffff, v18  }
0x210: {  	(v2sf) =	vpush v26, $0xF;
	v27, _, _ =	vpop (xrf0);
	(xrf0) =	vadd.scan.msk.s32 $0xffff, v20  }
0x211: {  	(v2sf) =	vpush v27, $0xF;
	v28, _, _ =	vpop (xrf0);
	(xrf0) =	vadd.scan.msk.s32 $0xffff, v22  }
0x212: {  	(v2sf) =	vpush v28, $0xF;
	v29, _, _ =	vpop (xrf0);
	(xrf0) =	vadd.scan.msk.s32 $0xffff, v24  }
0x213: {  	v30, _, _ =	vpop (xrf0);
	(v2sf) =	vpush v29, $0xF  }
0x214: {  	v31, _, _ =	vpop (xrf0);
	(v2sf) =	vpush v30, $0xF  }
0x215: {  	v32, _, _ =	vpop (xrf0);
	(v2sf) =	vpush v31, $0xF  }
0x216: {  	v33, _, _ =	vpop (xrf0);
	(v2sf) =	vpush v32, $0xF  }
0x217: {  	v34, _, _ =	vpop (xrf0);
	(v2sf) =	vpush v33, $0xF  }
0x218: {  	(v2sf) =	vpush v34, $0xF;
	v35, _, _ =	vpop (xrf0)  }
0x219: {  	v36 =	vbroadcast v17, $0xF;
	(v2sf) =	vpush v35, $0xF  }
0x21a: {  	s20 =	spop (v2sf)  }
0x21b: {  	v6 =	vsub.s32 v17, v6;
	v7 =	vsub.s32 v36, v7;
	s25 =	spop (v2sf)  }
0x21c: {  	[tilespmem:$0x2180] =	vst v6;
	v6 =	vadd.s32 v19, v7;
	v7 =	vsub.s32 v21, v8;
	s20 =	sadd.s32 s20, s25;
	s26 =	spop (v2sf)  }
0x21d: {  	v8 =	vld [tilespmem:$0x2170];
	[tilespmem:$0x2190] =	vst v6;
	v6 =	vadd.s32 s20, v7;
	s20 =	sadd.s32 s20, s26;
	s28 =	spop (v2sf);
	v7 =	vsub.s32 v23, v9  }
0x21e: {  	[tilespmem:$0x21A0] =	vst v6;
	v6 =	vsub.s32 v25, v10;
	v7 =	vadd.s32 s20, v7;
	s20 =	sadd.s32 s20, s28;
	s29 =	spop (v2sf)  }
0x21f: {  	[tilespmem:$0x21B0] =	vst v7;
	v7 =	vsub.s32 v26, v11;
	v6 =	vadd.s32 s20, v6;
	s20 =	sadd.s32 s20, s29;
	s30 =	spop (v2sf)  }
0x220: {  	[tilespmem:$0x21C0] =	vst v6;
	v6 =	vsub.s32 v27, v12;
	v7 =	vadd.s32 s20, v7;
	s20 =	sadd.s32 s20, s30;
	s31 =	spop (v2sf)  }
0x221: {  	[tilespmem:$0x21D0] =	vst v7;
	v7 =	vsub.s32 v28, v13;
	v6 =	vadd.s32 s20, v6;
	s20 =	sadd.s32 s20, s31;
	s22 =	spop (v2sf)  }
0x222: {  	(xrf0) =	vadd.scan.msk.s32 $0xffff, v8;
	[tilespmem:$0x21E0] =	vst v6;
	v6 =	vsub.s32 v29, v14;
	v7 =	vadd.s32 s20, v7;
	s20 =	sadd.s32 s20, s22;
	s23 =	spop (v2sf)  }
0x223: {  	[tilespmem:$0x21F0] =	vst v7;
	v7 =	vsub.s32 v30, v15;
	v6 =	vadd.s32 s20, v6;
	s20 =	sadd.s32 s20, s23;
	s24 =	spop (v2sf)  }
0x224: {  	[tilespmem:$0x2200] =	vst v6;
	v6 =	vsub.s32 v31, v16;
	v7 =	vadd.s32 s20, v7;
	s20 =	sadd.s32 s20, s24;
	s25 =	spop (v2sf)  }
0x225: {  	[tilespmem:$0x2210] =	vst v7;
	v7 =	vsub.s32 v32, v18;
	v6 =	vadd.s32 s20, v6;
	s20 =	sadd.s32 s20, s25;
	s26 =	spop (v2sf)  }
0x226: {  	[tilespmem:$0x2220] =	vst v6;
	v6 =	vsub.s32 v33, v20;
	v7 =	vadd.s32 s20, v7;
	s20 =	sadd.s32 s20, s26;
	s28 =	spop (v2sf)  }
0x227: {  	[tilespmem:$0x2230] =	vst v7;
	v7 =	vsub.s32 v34, v22;
	v6 =	vadd.s32 s20, v6;
	s20 =	sadd.s32 s20, s28;
	s29 =	spop (v2sf)  }
0x228: {  	v63, _, _ =	vpop (xrf0);
	[tilespmem:$0x2240] =	vst v6;
	v6 =	vadd.s32 s20, v7;
	s20 =	sadd.s32 s20, s29;
	v7 =	vsub.s32 v35, v24;
	s30 =	spop (v2sf)  }
0x229: {  	[tilespmem:$0x2250] =	vst v6;
	v6 =	vadd.s32 s20, v7;
	s20 =	sadd.s32 s20, s30;
	v7 =	vsub.s32 v63, v8  }
0x22a: {  	[tilespmem:$0x2260] =	vst v6;
	v6 =	vadd.s32 s20, v7  }
0x22b: {  	s31 =	simm.s32 $0x0;
	[tilespmem:$0x2270] =	vst v6  }
0x22c: {  	v6 =	vld [tilespmem:s31+$0x0]  }
0x22d: {  	s20 =	simm.s32 $0x40;
	v7 =	vld [tilespmem:s31+$0x400]  }
.LBB2_26:
0x22e: {  	p0 =	sne.s32 s20, $0xFC0;
	_ =	sdelay $0x2  }
0x22f: {  	v8 =	vand.u32 $0xFF, v6  }
0x230: {  	(xrf1) =	vunique.msk.u32 $0xffff, v8;
	_ =	sdelay $0x8  }
0x231: {  	v9 =	vld.idx.msk [tilespmem:v8+s14+$0x0], $0xffff;
	_ =	sdelay $0x4  }
0x232: {  	_, v10, vm0 =	vpop (xrf1)  }
0x233: {  	v9 =	vadd.s32 v9, v10  }
0x234: {  	v10 =	vadd.s32 $0xFFFFFFFF, v9;
	_ =	sdelay $0x4  }
.Ltmp12:
0x235: {  	[tilespmem:v10+s15+$0x0] =	vst.idx.msk $0xffff, v6;
	(pc) =	sbr.rel @p0 .LBB2_26-.Ltmp12, $4  }
0x236: {  	[tilespmem:v10+s16+$0x0] =	vst.idx.msk $0xffff, v7  }
0x237: {  	s21 =	sshra.s32 s20, $0x2;
	[tilespmem:v8+s14+$0x0] =	vst.idx.msk vm0, v9  }
0x238: {  	v6 =	vld [tilespmem:s21+$0x0]  }
0x239: {  	s20 =	sadd.s32 $0x40, s20;
	v7 =	vld [tilespmem:s21+$0x400]  }
0x23a: {  	_ =	sdelay $0x2  }
0x23b: {  	v8 =	vand.u32 $0xFF, v6  }
0x23c: {  	(xrf1) =	vunique.msk.u32 $0xffff, v8;
	_ =	sdelay $0x9  }
0x23d: {  	v9 =	vld.idx.msk [tilespmem:v8+s14+$0x0], $0xffff;
	_ =	sdelay $0x3  }
0x23e: {  	_, v10, vm0 =	vpop (xrf1)  }
0x23f: {  	v9 =	vadd.s32 v9, v10  }
0x240: {  	v10 =	vadd.s32 $0xFFFFFFFF, v9;
	_ =	sdelay $0x4  }
0x241: {  	[tilespmem:v10+s15+$0x0] =	vst.idx.msk $0xffff, v6  }
0x242: {  	[tilespmem:v10+s16+$0x0] =	vst.idx.msk $0xffff, v7  }
0x243: {  	[tilespmem:v8+s14+$0x0] =	vst.idx.msk vm0, v9  }
0x244: {  	[tilespmem:$0x2080] =	vst v1  }
0x245: {  	[tilespmem:$0x2090] =	vst v1  }
0x246: {  	[tilespmem:$0x20A0] =	vst v1  }
0x247: {  	[tilespmem:$0x20B0] =	vst v1  }
0x248: {  	[tilespmem:$0x20C0] =	vst v1  }
0x249: {  	[tilespmem:$0x20D0] =	vst v1  }
0x24a: {  	[tilespmem:$0x20E0] =	vst v1  }
0x24b: {  	[tilespmem:$0x20F0] =	vst v1  }
0x24c: {  	[tilespmem:$0x2100] =	vst v1  }
0x24d: {  	[tilespmem:$0x2110] =	vst v1  }
0x24e: {  	[tilespmem:$0x2120] =	vst v1  }
0x24f: {  	[tilespmem:$0x2130] =	vst v1  }
0x250: {  	[tilespmem:$0x2140] =	vst v1  }
0x251: {  	[tilespmem:$0x2150] =	vst v1  }
0x252: {  	[tilespmem:$0x2160] =	vst v1  }
0x253: {  	s21 =	simm.s32 $0x0;
	s20 =	simm.s32 $0x40;
	[tilespmem:$0x2170] =	vst v1  }
.LBB2_28:
0x254: {  	p0 =	sne.s32 s20, $0xFC0;
	v6 =	vld [tilespmem:s21+$0x800];
	_ =	sdelay $0x4  }
0x255: {  	v6 =	vshrl.u32 v6, $0x8  }
0x256: {  	v6 =	vand.u32 $0xFF, v6  }
0x257: {  	(xrf1) =	vunique.msk.u32 $0xffff, v6;
	_ =	sdelay $0xd  }
0x258: {  	_, v7, vm0 =	vpop (xrf1);
	_ =	sdelay $0x1  }
.Ltmp13:
0x259: {  	(pc) =	sbr.rel @p0 .LBB2_28-.Ltmp13, $2  }
0x25a: {  	_ =	sdelay $0x2  }
0x25b: {  	s21 =	sshra.s32 s20, $0x2;
	s20 =	sadd.s32 $0x40, s20;
	[tilespmem:v6+s13+$0x0] =	vst.idx.add.s32.msk vm0, v7  }
0x25c: {  	v6 =	vld [tilespmem:s21+$0x800];
	_ =	sdelay $0x4  }
0x25d: {  	v6 =	vshrl.u32 v6, $0x8  }
0x25e: {  	v6 =	vand.u32 $0xFF, v6  }
0x25f: {  	(xrf1) =	vunique.msk.u32 $0xffff, v6;
	_ =	sdelay $0xd  }
0x260: {  	_, v7, vm0 =	vpop (xrf1);
	_ =	sdelay $0x5  }
0x261: {  	[tilespmem:v6+s13+$0x0] =	vst.idx.add.s32.msk vm0, v7  }
0x262: {  	v6 =	vld [tilespmem:$0x2080]  }
0x263: {  	v7 =	vld [tilespmem:$0x2090]  }
0x264: {  	v8 =	vld [tilespmem:$0x20A0]  }
0x265: {  	v9 =	vld [tilespmem:$0x20B0]  }
0x266: {  	v10 =	vld [tilespmem:$0x20C0]  }
0x267: {  	v11 =	vld [tilespmem:$0x20D0];
	(xrf0) =	vadd.scan.msk.s32 $0xffff, v6  }
0x268: {  	v12 =	vld [tilespmem:$0x20E0];
	(xrf0) =	vadd.scan.msk.s32 $0xffff, v7  }
0x269: {  	v13 =	vld [tilespmem:$0x20F0];
	(xrf0) =	vadd.scan.msk.s32 $0xffff, v8  }
0x26a: {  	v14 =	vld [tilespmem:$0x2100];
	(xrf0) =	vadd.scan.msk.s32 $0xffff, v9  }
0x26b: {  	v15 =	vld [tilespmem:$0x2110];
	(xrf0) =	vadd.scan.msk.s32 $0xffff, v10  }
0x26c: {  	v16 =	vld [tilespmem:$0x2120];
	(xrf0) =	vadd.scan.msk.s32 $0xffff, v11  }
0x26d: {  	v18 =	vld [tilespmem:$0x2130];
	v17, _, _ =	vpop (xrf0);
	(xrf0) =	vadd.scan.msk.s32 $0xffff, v12  }
0x26e: {  	v20 =	vld [tilespmem:$0x2140];
	(v2sf) =	vpush v17, $0xF;
	v19, _, _ =	vpop (xrf0);
	(xrf0) =	vadd.scan.msk.s32 $0xffff, v13  }
0x26f: {  	v22 =	vld [tilespmem:$0x2150];
	(v2sf) =	vpush v19, $0xF;
	v21, _, _ =	vpop (xrf0);
	(xrf0) =	vadd.scan.msk.s32 $0xffff, v14  }
0x270: {  	v24 =	vld [tilespmem:$0x2160];
	(v2sf) =	vpush v21, $0xF;
	v23, _, _ =	vpop (xrf0);
	(xrf0) =	vadd.scan.msk.s32 $0xffff, v15  }
0x271: {  	(v2sf) =	vpush v23, $0xF;
	v25, _, _ =	vpop (xrf0);
	(xrf0) =	vadd.scan.msk.s32 $0xffff, v16  }
0x272: {  	(v2sf) =	vpush v25, $0xF;
	v26, _, _ =	vpop (xrf0);
	(xrf0) =	vadd.scan.msk.s32 $0xffff, v18  }
0x273: {  	(v2sf) =	vpush v26, $0xF;
	v27, _, _ =	vpop (xrf0);
	(xrf0) =	vadd.scan.msk.s32 $0xffff, v20  }
0x274: {  	(v2sf) =	vpush v27, $0xF;
	v28, _, _ =	vpop (xrf0);
	(xrf0) =	vadd.scan.msk.s32 $0xffff, v22  }
0x275: {  	(v2sf) =	vpush v28, $0xF;
	v29, _, _ =	vpop (xrf0);
	(xrf0) =	vadd.scan.msk.s32 $0xffff, v24  }
0x276: {  	v30, _, _ =	vpop (xrf0);
	(v2sf) =	vpush v29, $0xF  }
0x277: {  	v31, _, _ =	vpop (xrf0);
	(v2sf) =	vpush v30, $0xF  }
0x278: {  	v32, _, _ =	vpop (xrf0);
	(v2sf) =	vpush v31, $0xF  }
0x279: {  	v33, _, _ =	vpop (xrf0);
	(v2sf) =	vpush v32, $0xF  }
0x27a: {  	v34, _, _ =	vpop (xrf0);
	(v2sf) =	vpush v33, $0xF  }
0x27b: {  	(v2sf) =	vpush v34, $0xF;
	v35, _, _ =	vpop (xrf0)  }
0x27c: {  	v36 =	vbroadcast v17, $0xF;
	(v2sf) =	vpush v35, $0xF  }
0x27d: {  	s20 =	spop (v2sf)  }
0x27e: {  	v6 =	vsub.s32 v17, v6;
	v7 =	vsub.s32 v36, v7;
	s25 =	spop (v2sf)  }
0x27f: {  	[tilespmem:$0x2180] =	vst v6;
	v6 =	vadd.s32 v19, v7;
	v7 =	vsub.s32 v21, v8;
	s20 =	sadd.s32 s20, s25;
	s26 =	spop (v2sf)  }
0x280: {  	v8 =	vld [tilespmem:$0x2170];
	[tilespmem:$0x2190] =	vst v6;
	v6 =	vadd.s32 s20, v7;
	s20 =	sadd.s32 s20, s26;
	s28 =	spop (v2sf);
	v7 =	vsub.s32 v23, v9  }
0x281: {  	[tilespmem:$0x21A0] =	vst v6;
	v6 =	vsub.s32 v25, v10;
	v7 =	vadd.s32 s20, v7;
	s20 =	sadd.s32 s20, s28;
	s29 =	spop (v2sf)  }
0x282: {  	[tilespmem:$0x21B0] =	vst v7;
	v7 =	vsub.s32 v26, v11;
	v6 =	vadd.s32 s20, v6;
	s20 =	sadd.s32 s20, s29;
	s30 =	spop (v2sf)  }
0x283: {  	[tilespmem:$0x21C0] =	vst v6;
	v6 =	vsub.s32 v27, v12;
	v7 =	vadd.s32 s20, v7;
	s20 =	sadd.s32 s20, s30;
	s31 =	spop (v2sf)  }
0x284: {  	[tilespmem:$0x21D0] =	vst v7;
	v7 =	vsub.s32 v28, v13;
	v6 =	vadd.s32 s20, v6;
	s20 =	sadd.s32 s20, s31;
	s22 =	spop (v2sf)  }
0x285: {  	(xrf0) =	vadd.scan.msk.s32 $0xffff, v8;
	[tilespmem:$0x21E0] =	vst v6;
	v6 =	vsub.s32 v29, v14;
	v7 =	vadd.s32 s20, v7;
	s20 =	sadd.s32 s20, s22;
	s23 =	spop (v2sf)  }
0x286: {  	[tilespmem:$0x21F0] =	vst v7;
	v7 =	vsub.s32 v30, v15;
	v6 =	vadd.s32 s20, v6;
	s20 =	sadd.s32 s20, s23;
	s24 =	spop (v2sf)  }
0x287: {  	[tilespmem:$0x2200] =	vst v6;
	v6 =	vsub.s32 v31, v16;
	v7 =	vadd.s32 s20, v7;
	s20 =	sadd.s32 s20, s24;
	s25 =	spop (v2sf)  }
0x288: {  	[tilespmem:$0x2210] =	vst v7;
	v7 =	vsub.s32 v32, v18;
	v6 =	vadd.s32 s20, v6;
	s20 =	sadd.s32 s20, s25;
	s26 =	spop (v2sf)  }
0x289: {  	[tilespmem:$0x2220] =	vst v6;
	v6 =	vsub.s32 v33, v20;
	v7 =	vadd.s32 s20, v7;
	s20 =	sadd.s32 s20, s26;
	s28 =	spop (v2sf)  }
0x28a: {  	[tilespmem:$0x2230] =	vst v7;
	v7 =	vsub.s32 v34, v22;
	v6 =	vadd.s32 s20, v6;
	s20 =	sadd.s32 s20, s28;
	s29 =	spop (v2sf)  }
0x28b: {  	v63, _, _ =	vpop (xrf0);
	[tilespmem:$0x2240] =	vst v6;
	v6 =	vadd.s32 s20, v7;
	s20 =	sadd.s32 s20, s29;
	v7 =	vsub.s32 v35, v24;
	s30 =	spop (v2sf)  }
0x28c: {  	[tilespmem:$0x2250] =	vst v6;
	v6 =	vadd.s32 s20, v7;
	s20 =	sadd.s32 s20, s30;
	v7 =	vsub.s32 v63, v8  }
0x28d: {  	[tilespmem:$0x2260] =	vst v6;
	v6 =	vadd.s32 s20, v7  }
0x28e: {  	s31 =	simm.s32 $0x0;
	[tilespmem:$0x2270] =	vst v6  }
0x28f: {  	v6 =	vld [tilespmem:s31+$0x800]  }
0x290: {  	s20 =	simm.s32 $0x40;
	v7 =	vld [tilespmem:s31+$0xC00]  }
.LBB2_30:
0x291: {  	p0 =	sne.s32 s20, $0xFC0;
	_ =	sdelay $0x2  }
0x292: {  	v8 =	vshrl.u32 v6, $0x8  }
0x293: {  	v8 =	vand.u32 $0xFF, v8  }
0x294: {  	(xrf1) =	vunique.msk.u32 $0xffff, v8;
	_ =	sdelay $0x8  }
0x295: {  	v9 =	vld.idx.msk [tilespmem:v8+s14+$0x0], $0xffff;
	_ =	sdelay $0x4  }
0x296: {  	_, v10, vm0 =	vpop (xrf1)  }
0x297: {  	v9 =	vadd.s32 v9, v10  }
0x298: {  	v10 =	vadd.s32 $0xFFFFFFFF, v9;
	_ =	sdelay $0x4  }
.Ltmp14:
0x299: {  	[tilespmem:v10+s2+$0x0] =	vst.idx.msk $0xffff, v6;
	(pc) =	sbr.rel @p0 .LBB2_30-.Ltmp14, $4  }
0x29a: {  	[tilespmem:v10+s17+$0x0] =	vst.idx.msk $0xffff, v7  }
0x29b: {  	s21 =	sshra.s32 s20, $0x2;
	[tilespmem:v8+s14+$0x0] =	vst.idx.msk vm0, v9  }
0x29c: {  	v6 =	vld [tilespmem:s21+$0x800]  }
0x29d: {  	s20 =	sadd.s32 $0x40, s20;
	v7 =	vld [tilespmem:s21+$0xC00]  }
0x29e: {  	_ =	sdelay $0x2  }
0x29f: {  	v8 =	vshrl.u32 v6, $0x8  }
0x2a0: {  	v8 =	vand.u32 $0xFF, v8  }
0x2a1: {  	(xrf1) =	vunique.msk.u32 $0xffff, v8;
	_ =	sdelay $0x9  }
0x2a2: {  	v9 =	vld.idx.msk [tilespmem:v8+s14+$0x0], $0xffff;
	_ =	sdelay $0x3  }
0x2a3: {  	_, v10, vm0 =	vpop (xrf1)  }
0x2a4: {  	v9 =	vadd.s32 v9, v10  }
0x2a5: {  	v10 =	vadd.s32 $0xFFFFFFFF, v9;
	_ =	sdelay $0x4  }
0x2a6: {  	[tilespmem:v10+s2+$0x0] =	vst.idx.msk $0xffff, v6  }
0x2a7: {  	[tilespmem:v10+s17+$0x0] =	vst.idx.msk $0xffff, v7  }
0x2a8: {  	[tilespmem:v8+s14+$0x0] =	vst.idx.msk vm0, v9  }
0x2a9: {  	[tilespmem:$0x2080] =	vst v1  }
0x2aa: {  	[tilespmem:$0x2090] =	vst v1  }
0x2ab: {  	[tilespmem:$0x20A0] =	vst v1  }
0x2ac: {  	[tilespmem:$0x20B0] =	vst v1  }
0x2ad: {  	[tilespmem:$0x20C0] =	vst v1  }
0x2ae: {  	[tilespmem:$0x20D0] =	vst v1  }
0x2af: {  	[tilespmem:$0x20E0] =	vst v1  }
0x2b0: {  	[tilespmem:$0x20F0] =	vst v1  }
0x2b1: {  	[tilespmem:$0x2100] =	vst v1  }
0x2b2: {  	[tilespmem:$0x2110] =	vst v1  }
0x2b3: {  	[tilespmem:$0x2120] =	vst v1  }
0x2b4: {  	[tilespmem:$0x2130] =	vst v1  }
0x2b5: {  	[tilespmem:$0x2140] =	vst v1  }
0x2b6: {  	[tilespmem:$0x2150] =	vst v1  }
0x2b7: {  	[tilespmem:$0x2160] =	vst v1  }
0x2b8: {  	s21 =	simm.s32 $0x0;
	s20 =	simm.s32 $0x40;
	[tilespmem:$0x2170] =	vst v1  }
.LBB2_32:
0x2b9: {  	p0 =	sne.s32 s20, $0xFC0;
	v6 =	vld [tilespmem:s21+$0x0];
	_ =	sdelay $0x4  }
0x2ba: {  	v6 =	vshrl.u32 v6, $0x10  }
0x2bb: {  	v6 =	vand.u32 $0xFF, v6  }
0x2bc: {  	(xrf1) =	vunique.msk.u32 $0xffff, v6;
	_ =	sdelay $0xd  }
0x2bd: {  	_, v7, vm0 =	vpop (xrf1);
	_ =	sdelay $0x1  }
.Ltmp15:
0x2be: {  	(pc) =	sbr.rel @p0 .LBB2_32-.Ltmp15, $2  }
0x2bf: {  	_ =	sdelay $0x2  }
0x2c0: {  	s21 =	sshra.s32 s20, $0x2;
	s20 =	sadd.s32 $0x40, s20;
	[tilespmem:v6+s13+$0x0] =	vst.idx.add.s32.msk vm0, v7  }
0x2c1: {  	v6 =	vld [tilespmem:s21+$0x0];
	_ =	sdelay $0x4  }
0x2c2: {  	v6 =	vshrl.u32 v6, $0x10  }
0x2c3: {  	v6 =	vand.u32 $0xFF, v6  }
0x2c4: {  	(xrf1) =	vunique.msk.u32 $0xffff, v6;
	_ =	sdelay $0xd  }
0x2c5: {  	_, v7, vm0 =	vpop (xrf1);
	_ =	sdelay $0x5  }
0x2c6: {  	[tilespmem:v6+s13+$0x0] =	vst.idx.add.s32.msk vm0, v7  }
0x2c7: {  	v6 =	vld [tilespmem:$0x2080]  }
0x2c8: {  	v7 =	vld [tilespmem:$0x2090]  }
0x2c9: {  	v8 =	vld [tilespmem:$0x20A0]  }
0x2ca: {  	v9 =	vld [tilespmem:$0x20B0]  }
0x2cb: {  	v10 =	vld [tilespmem:$0x20C0]  }
0x2cc: {  	v11 =	vld [tilespmem:$0x20D0];
	(xrf0) =	vadd.scan.msk.s32 $0xffff, v6  }
0x2cd: {  	v12 =	vld [tilespmem:$0x20E0];
	(xrf0) =	vadd.scan.msk.s32 $0xffff, v7  }
0x2ce: {  	v13 =	vld [tilespmem:$0x20F0];
	(xrf0) =	vadd.scan.msk.s32 $0xffff, v8  }
0x2cf: {  	v14 =	vld [tilespmem:$0x2100];
	(xrf0) =	vadd.scan.msk.s32 $0xffff, v9  }
0x2d0: {  	v15 =	vld [tilespmem:$0x2110];
	(xrf0) =	vadd.scan.msk.s32 $0xffff, v10  }
0x2d1: {  	v16 =	vld [tilespmem:$0x2120];
	(xrf0) =	vadd.scan.msk.s32 $0xffff, v11  }
0x2d2: {  	v18 =	vld [tilespmem:$0x2130];
	v17, _, _ =	vpop (xrf0);
	(xrf0) =	vadd.scan.msk.s32 $0xffff, v12  }
0x2d3: {  	v20 =	vld [tilespmem:$0x2140];
	(v2sf) =	vpush v17, $0xF;
	v19, _, _ =	vpop (xrf0);
	(xrf0) =	vadd.scan.msk.s32 $0xffff, v13  }
0x2d4: {  	v22 =	vld [tilespmem:$0x2150];
	(v2sf) =	vpush v19, $0xF;
	v21, _, _ =	vpop (xrf0);
	(xrf0) =	vadd.scan.msk.s32 $0xffff, v14  }
0x2d5: {  	v24 =	vld [tilespmem:$0x2160];
	(v2sf) =	vpush v21, $0xF;
	v23, _, _ =	vpop (xrf0);
	(xrf0) =	vadd.scan.msk.s32 $0xffff, v15  }
0x2d6: {  	(v2sf) =	vpush v23, $0xF;
	v25, _, _ =	vpop (xrf0);
	(xrf0) =	vadd.scan.msk.s32 $0xffff, v16  }
0x2d7: {  	(v2sf) =	vpush v25, $0xF;
	v26, _, _ =	vpop (xrf0);
	(xrf0) =	vadd.scan.msk.s32 $0xffff, v18  }
0x2d8: {  	(v2sf) =	vpush v26, $0xF;
	v27, _, _ =	vpop (xrf0);
	(xrf0) =	vadd.scan.msk.s32 $0xffff, v20  }
0x2d9: {  	(v2sf) =	vpush v27, $0xF;
	v28, _, _ =	vpop (xrf0);
	(xrf0) =	vadd.scan.msk.s32 $0xffff, v22  }
0x2da: {  	(v2sf) =	vpush v28, $0xF;
	v29, _, _ =	vpop (xrf0);
	(xrf0) =	vadd.scan.msk.s32 $0xffff, v24  }
0x2db: {  	v30, _, _ =	vpop (xrf0);
	(v2sf) =	vpush v29, $0xF  }
0x2dc: {  	v31, _, _ =	vpop (xrf0);
	(v2sf) =	vpush v30, $0xF  }
0x2dd: {  	v32, _, _ =	vpop (xrf0);
	(v2sf) =	vpush v31, $0xF  }
0x2de: {  	v33, _, _ =	vpop (xrf0);
	(v2sf) =	vpush v32, $0xF  }
0x2df: {  	v34, _, _ =	vpop (xrf0);
	(v2sf) =	vpush v33, $0xF  }
0x2e0: {  	(v2sf) =	vpush v34, $0xF;
	v35, _, _ =	vpop (xrf0)  }
0x2e1: {  	v36 =	vbroadcast v17, $0xF;
	(v2sf) =	vpush v35, $0xF  }
0x2e2: {  	s20 =	spop (v2sf)  }
0x2e3: {  	v6 =	vsub.s32 v17, v6;
	v7 =	vsub.s32 v36, v7;
	s25 =	spop (v2sf)  }
0x2e4: {  	[tilespmem:$0x2180] =	vst v6;
	v6 =	vadd.s32 v19, v7;
	v7 =	vsub.s32 v21, v8;
	s20 =	sadd.s32 s20, s25;
	s26 =	spop (v2sf)  }
0x2e5: {  	v8 =	vld [tilespmem:$0x2170];
	[tilespmem:$0x2190] =	vst v6;
	v6 =	vadd.s32 s20, v7;
	s20 =	sadd.s32 s20, s26;
	s28 =	spop (v2sf);
	v7 =	vsub.s32 v23, v9  }
0x2e6: {  	[tilespmem:$0x21A0] =	vst v6;
	v6 =	vsub.s32 v25, v10;
	v7 =	vadd.s32 s20, v7;
	s20 =	sadd.s32 s20, s28;
	s29 =	spop (v2sf)  }
0x2e7: {  	[tilespmem:$0x21B0] =	vst v7;
	v7 =	vsub.s32 v26, v11;
	v6 =	vadd.s32 s20, v6;
	s20 =	sadd.s32 s20, s29;
	s30 =	spop (v2sf)  }
0x2e8: {  	[tilespmem:$0x21C0] =	vst v6;
	v6 =	vsub.s32 v27, v12;
	v7 =	vadd.s32 s20, v7;
	s20 =	sadd.s32 s20, s30;
	s31 =	spop (v2sf)  }
0x2e9: {  	[tilespmem:$0x21D0] =	vst v7;
	v7 =	vsub.s32 v28, v13;
	v6 =	vadd.s32 s20, v6;
	s20 =	sadd.s32 s20, s31;
	s22 =	spop (v2sf)  }
0x2ea: {  	(xrf0) =	vadd.scan.msk.s32 $0xffff, v8;
	[tilespmem:$0x21E0] =	vst v6;
	v6 =	vsub.s32 v29, v14;
	v7 =	vadd.s32 s20, v7;
	s20 =	sadd.s32 s20, s22;
	s23 =	spop (v2sf)  }
0x2eb: {  	[tilespmem:$0x21F0] =	vst v7;
	v7 =	vsub.s32 v30, v15;
	v6 =	vadd.s32 s20, v6;
	s20 =	sadd.s32 s20, s23;
	s24 =	spop (v2sf)  }
0x2ec: {  	[tilespmem:$0x2200] =	vst v6;
	v6 =	vsub.s32 v31, v16;
	v7 =	vadd.s32 s20, v7;
	s20 =	sadd.s32 s20, s24;
	s25 =	spop (v2sf)  }
0x2ed: {  	[tilespmem:$0x2210] =	vst v7;
	v7 =	vsub.s32 v32, v18;
	v6 =	vadd.s32 s20, v6;
	s20 =	sadd.s32 s20, s25;
	s26 =	spop (v2sf)  }
0x2ee: {  	[tilespmem:$0x2220] =	vst v6;
	v6 =	vsub.s32 v33, v20;
	v7 =	vadd.s32 s20, v7;
	s20 =	sadd.s32 s20, s26;
	s28 =	spop (v2sf)  }
0x2ef: {  	[tilespmem:$0x2230] =	vst v7;
	v7 =	vsub.s32 v34, v22;
	v6 =	vadd.s32 s20, v6;
	s20 =	sadd.s32 s20, s28;
	s29 =	spop (v2sf)  }
0x2f0: {  	v63, _, _ =	vpop (xrf0);
	[tilespmem:$0x2240] =	vst v6;
	v6 =	vadd.s32 s20, v7;
	s20 =	sadd.s32 s20, s29;
	v7 =	vsub.s32 v35, v24;
	s30 =	spop (v2sf)  }
0x2f1: {  	[tilespmem:$0x2250] =	vst v6;
	v6 =	vadd.s32 s20, v7;
	s20 =	sadd.s32 s20, s30;
	v7 =	vsub.s32 v63, v8  }
0x2f2: {  	[tilespmem:$0x2260] =	vst v6;
	v6 =	vadd.s32 s20, v7  }
0x2f3: {  	s31 =	simm.s32 $0x0;
	[tilespmem:$0x2270] =	vst v6  }
0x2f4: {  	v6 =	vld [tilespmem:s31+$0x0]  }
0x2f5: {  	s20 =	simm.s32 $0x40;
	v7 =	vld [tilespmem:s31+$0x400]  }
.LBB2_34:
0x2f6: {  	p0 =	sne.s32 s20, $0xFC0;
	_ =	sdelay $0x2  }
0x2f7: {  	v8 =	vshrl.u32 v6, $0x10  }
0x2f8: {  	v8 =	vand.u32 $0xFF, v8  }
0x2f9: {  	(xrf1) =	vunique.msk.u32 $0xffff, v8;
	_ =	sdelay $0x8  }
0x2fa: {  	v9 =	vld.idx.msk [tilespmem:v8+s14+$0x0], $0xffff;
	_ =	sdelay $0x4  }
0x2fb: {  	_, v10, vm0 =	vpop (xrf1)  }
0x2fc: {  	v9 =	vadd.s32 v9, v10  }
0x2fd: {  	v10 =	vadd.s32 $0xFFFFFFFF, v9;
	_ =	sdelay $0x4  }
.Ltmp16:
0x2fe: {  	[tilespmem:v10+s15+$0x0] =	vst.idx.msk $0xffff, v6;
	(pc) =	sbr.rel @p0 .LBB2_34-.Ltmp16, $4  }
0x2ff: {  	[tilespmem:v10+s16+$0x0] =	vst.idx.msk $0xffff, v7  }
0x300: {  	s21 =	sshra.s32 s20, $0x2;
	[tilespmem:v8+s14+$0x0] =	vst.idx.msk vm0, v9  }
0x301: {  	v6 =	vld [tilespmem:s21+$0x0]  }
0x302: {  	s20 =	sadd.s32 $0x40, s20;
	v7 =	vld [tilespmem:s21+$0x400]  }
0x303: {  	_ =	sdelay $0x2  }
0x304: {  	v8 =	vshrl.u32 v6, $0x10  }
0x305: {  	v8 =	vand.u32 $0xFF, v8  }
0x306: {  	(xrf1) =	vunique.msk.u32 $0xffff, v8;
	_ =	sdelay $0x9  }
0x307: {  	v9 =	vld.idx.msk [tilespmem:v8+s14+$0x0], $0xffff;
	_ =	sdelay $0x3  }
0x308: {  	_, v10, vm0 =	vpop (xrf1)  }
0x309: {  	v9 =	vadd.s32 v9, v10  }
0x30a: {  	v10 =	vadd.s32 $0xFFFFFFFF, v9;
	_ =	sdelay $0x4  }
0x30b: {  	[tilespmem:v10+s15+$0x0] =	vst.idx.msk $0xffff, v6  }
0x30c: {  	[tilespmem:v10+s16+$0x0] =	vst.idx.msk $0xffff, v7  }
0x30d: {  	[tilespmem:v8+s14+$0x0] =	vst.idx.msk vm0, v9  }
0x30e: {  	[tilespmem:$0x2080] =	vst v1  }
0x30f: {  	[tilespmem:$0x2090] =	vst v1  }
0x310: {  	[tilespmem:$0x20A0] =	vst v1  }
0x311: {  	[tilespmem:$0x20B0] =	vst v1  }
0x312: {  	[tilespmem:$0x20C0] =	vst v1  }
0x313: {  	[tilespmem:$0x20D0] =	vst v1  }
0x314: {  	[tilespmem:$0x20E0] =	vst v1  }
0x315: {  	[tilespmem:$0x20F0] =	vst v1  }
0x316: {  	[tilespmem:$0x2100] =	vst v1  }
0x317: {  	[tilespmem:$0x2110] =	vst v1  }
0x318: {  	[tilespmem:$0x2120] =	vst v1  }
0x319: {  	[tilespmem:$0x2130] =	vst v1  }
0x31a: {  	[tilespmem:$0x2140] =	vst v1  }
0x31b: {  	[tilespmem:$0x2150] =	vst v1  }
0x31c: {  	[tilespmem:$0x2160] =	vst v1  }
0x31d: {  	s21 =	simm.s32 $0x0;
	s20 =	simm.s32 $0x40;
	[tilespmem:$0x2170] =	vst v1  }
.LBB2_36:
0x31e: {  	p0 =	sne.s32 s20, $0xFC0;
	v6 =	vld [tilespmem:s21+$0x800];
	_ =	sdelay $0x4  }
0x31f: {  	v6 =	vshrl.u32 v6, $0x18  }
0x320: {  	(xrf1) =	vunique.msk.u32 $0xffff, v6;
	_ =	sdelay $0xd  }
0x321: {  	_, v7, vm0 =	vpop (xrf1);
	_ =	sdelay $0x1  }
.Ltmp17:
0x322: {  	(pc) =	sbr.rel @p0 .LBB2_36-.Ltmp17, $2  }
0x323: {  	_ =	sdelay $0x2  }
0x324: {  	s21 =	sshra.s32 s20, $0x2;
	s20 =	sadd.s32 $0x40, s20;
	[tilespmem:v6+s13+$0x0] =	vst.idx.add.s32.msk vm0, v7  }
0x325: {  	v6 =	vld [tilespmem:s21+$0x800];
	_ =	sdelay $0x4  }
0x326: {  	v6 =	vshrl.u32 v6, $0x18  }
0x327: {  	(xrf1) =	vunique.msk.u32 $0xffff, v6;
	_ =	sdelay $0xd  }
0x328: {  	_, v7, vm0 =	vpop (xrf1);
	_ =	sdelay $0x5  }
0x329: {  	[tilespmem:v6+s13+$0x0] =	vst.idx.add.s32.msk vm0, v7  }
0x32a: {  	v6 =	vld [tilespmem:$0x2080]  }
0x32b: {  	v7 =	vld [tilespmem:$0x2090]  }
0x32c: {  	v8 =	vld [tilespmem:$0x20A0]  }
0x32d: {  	v9 =	vld [tilespmem:$0x20B0]  }
0x32e: {  	v10 =	vld [tilespmem:$0x20C0]  }
0x32f: {  	v11 =	vld [tilespmem:$0x20D0];
	(xrf0) =	vadd.scan.msk.s32 $0xffff, v6  }
0x330: {  	v12 =	vld [tilespmem:$0x20E0];
	(xrf0) =	vadd.scan.msk.s32 $0xffff, v7  }
0x331: {  	v13 =	vld [tilespmem:$0x20F0];
	(xrf0) =	vadd.scan.msk.s32 $0xffff, v8  }
0x332: {  	v14 =	vld [tilespmem:$0x2100];
	(xrf0) =	vadd.scan.msk.s32 $0xffff, v9  }
0x333: {  	v15 =	vld [tilespmem:$0x2110];
	(xrf0) =	vadd.scan.msk.s32 $0xffff, v10  }
0x334: {  	v16 =	vld [tilespmem:$0x2120];
	(xrf0) =	vadd.scan.msk.s32 $0xffff, v11  }
0x335: {  	v18 =	vld [tilespmem:$0x2130];
	v17, _, _ =	vpop (xrf0);
	(xrf0) =	vadd.scan.msk.s32 $0xffff, v12  }
0x336: {  	v20 =	vld [tilespmem:$0x2140];
	(v2sf) =	vpush v17, $0xF;
	v19, _, _ =	vpop (xrf0);
	(xrf0) =	vadd.scan.msk.s32 $0xffff, v13  }
0x337: {  	v22 =	vld [tilespmem:$0x2150];
	(v2sf) =	vpush v19, $0xF;
	v21, _, _ =	vpop (xrf0);
	(xrf0) =	vadd.scan.msk.s32 $0xffff, v14  }
0x338: {  	v24 =	vld [tilespmem:$0x2160];
	(v2sf) =	vpush v21, $0xF;
	v23, _, _ =	vpop (xrf0);
	(xrf0) =	vadd.scan.msk.s32 $0xffff, v15  }
0x339: {  	(v2sf) =	vpush v23, $0xF;
	v25, _, _ =	vpop (xrf0);
	(xrf0) =	vadd.scan.msk.s32 $0xffff, v16  }
0x33a: {  	(v2sf) =	vpush v25, $0xF;
	v26, _, _ =	vpop (xrf0);
	(xrf0) =	vadd.scan.msk.s32 $0xffff, v18  }
0x33b: {  	(v2sf) =	vpush v26, $0xF;
	v27, _, _ =	vpop (xrf0);
	(xrf0) =	vadd.scan.msk.s32 $0xffff, v20  }
0x33c: {  	(v2sf) =	vpush v27, $0xF;
	v28, _, _ =	vpop (xrf0);
	(xrf0) =	vadd.scan.msk.s32 $0xffff, v22  }
0x33d: {  	(v2sf) =	vpush v28, $0xF;
	v29, _, _ =	vpop (xrf0);
	(xrf0) =	vadd.scan.msk.s32 $0xffff, v24  }
0x33e: {  	v30, _, _ =	vpop (xrf0);
	(v2sf) =	vpush v29, $0xF  }
0x33f: {  	v31, _, _ =	vpop (xrf0);
	(v2sf) =	vpush v30, $0xF  }
0x340: {  	v32, _, _ =	vpop (xrf0);
	(v2sf) =	vpush v31, $0xF  }
0x341: {  	v33, _, _ =	vpop (xrf0);
	(v2sf) =	vpush v32, $0xF  }
0x342: {  	v34, _, _ =	vpop (xrf0);
	(v2sf) =	vpush v33, $0xF  }
0x343: {  	(v2sf) =	vpush v34, $0xF;
	v35, _, _ =	vpop (xrf0)  }
0x344: {  	v36 =	vbroadcast v17, $0xF;
	(v2sf) =	vpush v35, $0xF  }
0x345: {  	s20 =	spop (v2sf)  }
0x346: {  	v6 =	vsub.s32 v17, v6;
	v7 =	vsub.s32 v36, v7;
	s25 =	spop (v2sf)  }
0x347: {  	[tilespmem:$0x2180] =	vst v6;
	v6 =	vadd.s32 v19, v7;
	v7 =	vsub.s32 v21, v8;
	s20 =	sadd.s32 s20, s25;
	s26 =	spop (v2sf)  }
0x348: {  	v8 =	vld [tilespmem:$0x2170];
	[tilespmem:$0x2190] =	vst v6;
	v6 =	vadd.s32 s20, v7;
	s20 =	sadd.s32 s20, s26;
	s28 =	spop (v2sf);
	v7 =	vsub.s32 v23, v9  }
0x349: {  	[tilespmem:$0x21A0] =	vst v6;
	v6 =	vsub.s32 v25, v10;
	v7 =	vadd.s32 s20, v7;
	s20 =	sadd.s32 s20, s28;
	s29 =	spop (v2sf)  }
0x34a: {  	[tilespmem:$0x21B0] =	vst v7;
	v7 =	vsub.s32 v26, v11;
	v6 =	vadd.s32 s20, v6;
	s20 =	sadd.s32 s20, s29;
	s30 =	spop (v2sf)  }
0x34b: {  	[tilespmem:$0x21C0] =	vst v6;
	v6 =	vsub.s32 v27, v12;
	v7 =	vadd.s32 s20, v7;
	s20 =	sadd.s32 s20, s30;
	s31 =	spop (v2sf)  }
0x34c: {  	[tilespmem:$0x21D0] =	vst v7;
	v7 =	vsub.s32 v28, v13;
	v6 =	vadd.s32 s20, v6;
	s20 =	sadd.s32 s20, s31;
	s22 =	spop (v2sf)  }
0x34d: {  	(xrf0) =	vadd.scan.msk.s32 $0xffff, v8;
	[tilespmem:$0x21E0] =	vst v6;
	v6 =	vsub.s32 v29, v14;
	v7 =	vadd.s32 s20, v7;
	s20 =	sadd.s32 s20, s22;
	s23 =	spop (v2sf)  }
0x34e: {  	[tilespmem:$0x21F0] =	vst v7;
	v7 =	vsub.s32 v30, v15;
	v6 =	vadd.s32 s20, v6;
	s20 =	sadd.s32 s20, s23;
	s24 =	spop (v2sf)  }
0x34f: {  	[tilespmem:$0x2200] =	vst v6;
	v6 =	vsub.s32 v31, v16;
	v7 =	vadd.s32 s20, v7;
	s20 =	sadd.s32 s20, s24;
	s25 =	spop (v2sf)  }
0x350: {  	[tilespmem:$0x2210] =	vst v7;
	v7 =	vsub.s32 v32, v18;
	v6 =	vadd.s32 s20, v6;
	s20 =	sadd.s32 s20, s25;
	s26 =	spop (v2sf)  }
0x351: {  	[tilespmem:$0x2220] =	vst v6;
	v6 =	vsub.s32 v33, v20;
	v7 =	vadd.s32 s20, v7;
	s20 =	sadd.s32 s20, s26;
	s28 =	spop (v2sf)  }
0x352: {  	[tilespmem:$0x2230] =	vst v7;
	v7 =	vsub.s32 v34, v22;
	v6 =	vadd.s32 s20, v6;
	s20 =	sadd.s32 s20, s28;
	s29 =	spop (v2sf)  }
0x353: {  	v63, _, _ =	vpop (xrf0);
	[tilespmem:$0x2240] =	vst v6;
	v6 =	vadd.s32 s20, v7;
	s20 =	sadd.s32 s20, s29;
	v7 =	vsub.s32 v35, v24;
	s30 =	spop (v2sf)  }
0x354: {  	[tilespmem:$0x2250] =	vst v6;
	v6 =	vadd.s32 s20, v7;
	s20 =	sadd.s32 s20, s30;
	v7 =	vsub.s32 v63, v8  }
0x355: {  	[tilespmem:$0x2260] =	vst v6;
	v6 =	vadd.s32 s20, v7  }
0x356: {  	s31 =	simm.s32 $0x0;
	[tilespmem:$0x2270] =	vst v6  }
0x357: {  	v6 =	vld [tilespmem:s31+$0x800]  }
0x358: {  	s21 =	simm.s32 $0x40;
	s20 =	simm.s32 $0x0;
	v7 =	vld [tilespmem:s31+$0xC00]  }
.LBB2_38:
0x359: {  	p0 =	sne.s32 s21, $0xFC0;
	_ =	sdelay $0x2  }
0x35a: {  	v8 =	vshrl.u32 v6, $0x18  }
0x35b: {  	(xrf1) =	vunique.msk.u32 $0xffff, v8;
	_ =	sdelay $0x8  }
0x35c: {  	v9 =	vld.idx.msk [tilespmem:v8+s14+$0x0], $0xffff;
	_ =	sdelay $0x4  }
0x35d: {  	_, v10, vm0 =	vpop (xrf1)  }
0x35e: {  	v9 =	vadd.s32 v9, v10  }
0x35f: {  	v10 =	vadd.s32 $0xFFFFFFFF, v9;
	_ =	sdelay $0x4  }
.Ltmp18:
0x360: {  	s22 =	simm.s32 $0x400;
	[tilespmem:v10+s20+$0x0] =	vst.idx.msk $0xffff, v6;
	(pc) =	sbr.rel @p0 .LBB2_38-.Ltmp18, $4  }
0x361: {  	[tilespmem:v10+s22+$0x0] =	vst.idx.msk $0xffff, v7  }
0x362: {  	s23 =	sshra.s32 s21, $0x2;
	[tilespmem:v8+s14+$0x0] =	vst.idx.msk vm0, v9  }
0x363: {  	v6 =	vld [tilespmem:s23+$0x800]  }
0x364: {  	s21 =	sadd.s32 $0x40, s21;
	v7 =	vld [tilespmem:s23+$0xC00]  }
0x365: {  	_ =	sdelay $0x2  }
0x366: {  	v8 =	vshrl.u32 v6, $0x18  }
0x367: {  	(xrf1) =	vunique.msk.u32 $0xffff, v8;
	_ =	sdelay $0x9  }
0x368: {  	v9 =	vld.idx.msk [tilespmem:v8+s14+$0x0], $0xffff;
	_ =	sdelay $0x3  }
0x369: {  	_, v10, vm0 =	vpop (xrf1)  }
0x36a: {  	v9 =	vadd.s32 v9, v10  }
0x36b: {  	v10 =	vadd.s32 $0xFFFFFFFF, v9;
	_ =	sdelay $0x4  }
0x36c: {  	[tilespmem:v10+s20+$0x0] =	vst.idx.msk $0xffff, v6  }
0x36d: {  	[tilespmem:v10+s22+$0x0] =	vst.idx.msk $0xffff, v7  }
0x36e: {  	[tilespmem:v8+s14+$0x0] =	vst.idx.msk vm0, v9  }
0x36f: {  	v6 =	vld [tilespmem:s22+$0x0];
	_ =	sdelay $0x4  }
0x370: {  	s21 =	simm.s32 $0x0;
	v6 =	vshll.u32 v6, $0x1  }
0x371: {  	s21 =	smul.u32 $0x204, s21;
	v7 =	vor.u32 $0x1, v6  }
0x372: {  	s31 =	sand.u32 $0x1E0, s20  }
0x373: {  	s21 =	sadd.s32 s31, s21  }
0x374: {  	s21 =	sor.u32 $0x2, s21  }
0x375: {  	v8 =	vadd.s32 s21, v4;
	v6 =	vld.idx.msk [tilespmem:v6+s12+$0x0], $0xffff  }
0x376: {  	v63 =	vadd.s32 s21, v5;
	v7 =	vld.idx.msk [tilespmem:v7+s12+$0x0], $0xffff;
	_ =	sdelay $0x3  }
0x377: {  	[tilespmem:v8+s18+$0x0] =	vst.idx.msk $0xffff, v6  }
0x378: {  	s22 =	simm.s32 $0x410;
	[tilespmem:v63+s18+$0x0] =	vst.idx.msk $0xffff, v7  }
0x379: {  	s23 =	simm.s32 $0x2;
	s21 =	simm.s32 $0x1;
	v6 =	vld [tilespmem:s22+$0x0]  }
.LBB2_40:
0x37a: {  	p0 =	sne.s32 s23, $0x3F;
	_ =	sdelay $0x3  }
0x37b: {  	v6 =	vshll.u32 v6, $0x1  }
0x37c: {  	s24 =	sshrl.u32 s21, $0x4;
	s21 =	smov.u32 s23;
	v7 =	vor.u32 $0x1, v6  }
0x37d: {  	s20 =	sadd.s32 $0x20, s20;
	s24 =	smul.u32 $0x204, s24  }
0x37e: {  	s25 =	sand.u32 $0x1E0, s20  }
0x37f: {  	s24 =	sadd.s32 s25, s24  }
0x380: {  	s24 =	sor.u32 $0x2, s24;
	v6 =	vld.idx.msk [tilespmem:v6+s12+$0x0], $0xffff  }
0x381: {  	v8 =	vadd.s32 s24, v4;
	v7 =	vld.idx.msk [tilespmem:v7+s12+$0x0], $0xffff  }
0x382: {  	v9 =	vadd.s32 s24, v5;
	_ =	sdelay $0x1  }
.Ltmp19:
0x383: {  	(pc) =	sbr.rel @p0 .LBB2_40-.Ltmp19, $4  }
0x384: {  	_ = 	snop  }
0x385: {  	[tilespmem:v8+s18+$0x0] =	vst.idx.msk $0xffff, v6  }
0x386: {  	s22 =	sadd.s32 $0x10, s22;
	[tilespmem:v9+s18+$0x0] =	vst.idx.msk $0xffff, v7  }
0x387: {  	s23 =	sadd.s32 $0x1, s23;
	v6 =	vld [tilespmem:s22+$0x0]  }
0x388: {  	_ =	sdelay $0x3  }
0x389: {  	s21 =	sshrl.u32 s21, $0x4;
	v6 =	vshll.u32 v6, $0x1  }
0x38a: {  	s20 =	sadd.s32 $0x20, s20;
	s21 =	smul.u32 $0x204, s21;
	v7 =	vor.u32 $0x1, v6  }
0x38b: {  	s20 =	sand.u32 $0x1E0, s20  }
0x38c: {  	s20 =	sadd.s32 s20, s21  }
0x38d: {  	s20 =	sor.u32 $0x2, s20  }
0x38e: {  	v4 =	vadd.s32 s20, v4;
	v6 =	vld.idx.msk [tilespmem:v6+s12+$0x0], $0xffff  }
0x38f: {  	v5 =	vadd.s32 s20, v5;
	v7 =	vld.idx.msk [tilespmem:v7+s12+$0x0], $0xffff;
	_ =	sdelay $0x3  }
0x390: {  	s19 =	sadd.s32 $0x1, s19;
	[tilespmem:v4+s18+$0x0] =	vst.idx.msk $0xffff, v6  }
0x391: {  	p0 =	sne.s32 s19, s9;
	[tilespmem:v5+s18+$0x0] =	vst.idx.msk $0xffff, v7  }
.Ltmp20:
0x392: {  	[tilespmem:v2+s18+$0x0] =	vst.idx.msk $0xffff, v3;
	(pc) =	sbr.rel @p0 .LBB2_1-.Ltmp20, $4  }
0x393: {  	[hbm4b:s8+s2] =	stream.linear.scatter [tilespmem:s18], [sflag:$0x1], $0x810, $0x38;
	[tilespmem:$0x2280] =	vst v63  }
0x394: {  	_ =	swait.ge [sflag:s11], $0x810  }
0x395: {  	[sflag:s11] =	ssyncset.done $0x0  }
0x396: {  	[sflag:s11] =	ssyncadd.s32 $0xFFFFF7F0  }
0x397: {  	_ =	sfence.sel $0x180000  }
0x398: {  	[bflag:$0x0] =	sbarrier.arrive $0xFFFF  }
0x399: {  	p0 =	sne.s32 s1, $0x0;
	_ =	strace $0x90000047  }
0x39a: {  	s0 =	sadd.s32 @!p0 $0x100000, s0;
	[bflag:$0x2] =	sbarrier.arrive $0xFFFF  }
0x39b: {  	[sflag:s0] =	ssyncadd.tile.s32 @!p0 $0x1;
	_ =	shalt  }
.Lfunc_end2:
_tile_overlayer_lowered:
.L_overlay_start_2:
0x39c: {  	(tag) =	ssettag $0x2  }
0x39d: {  	s0 =	rddreg [dreg:$0x0];
	s2 =	stileid.u32  }
0x39e: {  	s1 =	rddreg [dreg:$0x1];
	p0 =	sne.s32 s2, $0x0  }
0x39f: {  	s3 =	rddreg [dreg:$0x2];
	[bflag:$0x3] =	sbarrier.arrive $0xFFFF;
	s2 =	simm.s32 @!p0 $0x1C01  }
0x3a0: {  	[timem:s3], [sflag:s2] =	dma.local @!p0 [hbm:s0], s1  }
0x3a1: {  	s0 =	simm.s32 @!p0 $0x1  }
0x3a2: {  	_ =	swait.ge @!p0 [sflag:s0], s1  }
0x3a3: {  	s1 =	ssub.s32 @!p0 $0x0, s1;
	[sflag:s0] =	ssyncset.done @!p0 $0x0  }
0x3a4: {  	[sflag:s0] =	ssyncadd.s32 @!p0 s1  }
0x3a5: {  	[bflag:$0x3] =	sbarrier.arrive $0xFFFF  }
0x3a6: {  	_ =	shalt  }

</sc_bundles>
